<compile_context>
chip_gen: v7x
topology: tpu7x:2x2x1
jax: 0.10.2.dev20260603
libtpu: 0.0.44.dev20260713+nightly
codegen_flags: <defaults>
</compile_context>

<pallas_src>
import functools

import jax
import jax.numpy as jnp
from jax import lax
from jax.experimental import pallas as pl
from jax.experimental.pallas import tpu as pltpu
from jax.experimental.pallas import tpu_sc as plsc

N = 10000
E = 160000
K = 20
NEMB = 16
NGRAPH = 100
NSTEM = 2000
NBLOCK = 106
NSTYPE = 21
OUTS = 105

NC = 2
NS = 16
NW = NC * NS
CL = 128
NCHUNK = 40
EPW = NCHUNK * CL
EPAD = NW * EPW

SLOTS = K * N
SPW = 12544
SPAD = NS * SPW
TRASH = SLOTS

_f32 = jnp.float32


def _lrelu(t):
    return jnp.where(t > 0, t, 0.01 * t)


_WIN = 8


def _edge_sc_body(p_hbm, gidx_hbm, sidx_hbm, zeros_hbm, s_out,
                  gidx_v, sidx_v, vals_v, zeros_v, p_shared, s_shared,
                  gsem, ssem):
    cid = lax.axis_index("c")
    sid = lax.axis_index("s")
    wid = cid * NS + sid
    pltpu.sync_copy(gidx_hbm.at[wid], gidx_v)
    pltpu.sync_copy(sidx_hbm.at[wid], sidx_v)
    poff = pl.multiple_of(sid * SPW, 128)
    pltpu.sync_copy(p_hbm.at[pl.ds(poff, SPW)], zeros_v)
    pltpu.sync_copy(zeros_v, p_shared.at[pl.ds(sid * SPW, SPW)])
    pltpu.sync_copy(zeros_hbm, zeros_v)
    pltpu.sync_copy(zeros_v, s_shared.at[pl.ds(sid * SPW, SPW)])
    plsc.subcore_barrier()

    def fire(j, carry):
        pltpu.async_copy(p_shared.at[gidx_v.at[j]], vals_v.at[j], gsem)
        return carry

    lax.fori_loop(0, _WIN, fire, 0)

    def chunk(j, carry):
        pltpu.make_async_copy(p_shared.at[gidx_v.at[j]], vals_v.at[j],
                              gsem).wait()
        pltpu.async_copy(vals_v.at[j], s_shared.at[sidx_v.at[j]], ssem,
                         add=True)

        @pl.when(j < NCHUNK - _WIN)
        def _():
            fire(j + _WIN, 0)

        return carry

    lax.fori_loop(0, NCHUNK, chunk, 0)

    def drain(j, carry):
        pltpu.make_async_copy(vals_v.at[j], s_shared.at[sidx_v.at[j]],
                              ssem).wait()
        return carry

    lax.fori_loop(0, NCHUNK, drain, 0)
    plsc.subcore_barrier()
    off = pl.multiple_of(cid * SPAD + sid * SPW, 128)
    pltpu.sync_copy(s_shared.at[pl.ds(sid * SPW, SPW)], zeros_v)
    pltpu.sync_copy(zeros_v, s_out.at[pl.ds(off, SPW)])


@functools.cache
def _build_edge_sc():
    mesh = plsc.VectorSubcoreMesh(core_axis_name="c", subcore_axis_name="s")
    return pl.kernel(
        _edge_sc_body,
        out_type=jax.ShapeDtypeStruct((NC * SPAD,), _f32),
        mesh=mesh,
        scratch_types=[
            pltpu.VMEM((NCHUNK, CL), jnp.int32),
            pltpu.VMEM((NCHUNK, CL), jnp.int32),
            pltpu.VMEM((NCHUNK, CL), _f32),
            pltpu.VMEM((SPW,), _f32),
            pltpu.VMEM_SHARED((SPAD,), _f32),
            pltpu.VMEM_SHARED((SPAD,), _f32),
            pltpu.SemaphoreType.DMA,
            pltpu.SemaphoreType.DMA,
        ],
    )


def _edge_sc(p_flat, gidx, sidx, zeros):
    p_pad = jnp.concatenate([p_flat, jnp.zeros((SPAD - SLOTS,), _f32)])
    return _build_edge_sc()(p_pad, gidx, sidx, zeros).reshape(NC, SPAD)


def _tc_embed_body(x_ref, batch_ref, cnt_ref, blockembT_ref, vecT_ref,
                   w1T_ref, b1_ref, w2T_ref, b2_ref, bondemb_ref,
                   outT_ref, pT_ref, invdeg_ref):
    x = x_ref[...]
    oh_x = (lax.broadcasted_iota(jnp.int32, (NBLOCK, N), 0) == x).astype(_f32)
    xeT = jnp.dot(blockembT_ref[...], oh_x, preferred_element_type=_f32)
    b = batch_ref[...]
    oh_b = (lax.broadcasted_iota(jnp.int32, (NGRAPH, N), 0) == b).astype(_f32)
    bvT = jnp.dot(vecT_ref[...], oh_b, preferred_element_type=_f32)
    cat = jnp.concatenate([xeT, bvT], axis=0)
    h1 = _lrelu(jnp.dot(w1T_ref[...], cat, preferred_element_type=_f32)
                + b1_ref[...])
    outT = jnp.dot(w2T_ref[...], h1, preferred_element_type=_f32) + b2_ref[...]
    outT_ref[...] = outT
    pT_ref[...] = jnp.dot(bondemb_ref[...], outT, preferred_element_type=_f32)
    deg = jnp.maximum(jnp.sum(cnt_ref[...], axis=0, keepdims=True), 1.0)
    invdeg_ref[...] = 1.0 / deg


_tc_embed = pl.pallas_call(
    _tc_embed_body,
    out_shape=[
        jax.ShapeDtypeStruct((NEMB, N), _f32),
        jax.ShapeDtypeStruct((K, N), _f32),
        jax.ShapeDtypeStruct((1, N), _f32),
    ],
)


def _tc_step_body(s_ref, outT_ref, invdeg_ref, bondembT_ref, bondemb_ref,
                  rootT_ref, cbias_ref, wihT_ref, bih_ref, whhT_ref, bhh_ref,
                  hT_ref, pT_ref):
    ST = s_ref[0] + s_ref[1]
    outT = outT_ref[...]
    hT = outT
    aggrT = jnp.dot(bondembT_ref[...], ST,
                    preferred_element_type=_f32) * invdeg_ref[...]
    m = _lrelu(aggrT
               + jnp.dot(rootT_ref[...], outT, preferred_element_type=_f32)
               + cbias_ref[...])
    gi = jnp.dot(wihT_ref[...], m, preferred_element_type=_f32) + bih_ref[...]
    gh = jnp.dot(whhT_ref[...], hT, preferred_element_type=_f32) + bhh_ref[...]
    r = jax.nn.sigmoid(gi[0:NEMB] + gh[0:NEMB])
    z = jax.nn.sigmoid(gi[NEMB:2 * NEMB] + gh[NEMB:2 * NEMB])
    n = jnp.tanh(gi[2 * NEMB:] + r * gh[2 * NEMB:])
    hT_new = (1.0 - z) * n + z * hT
    hT_ref[...] = hT_new
    pT_ref[...] = jnp.dot(bondemb_ref[...], hT_new, preferred_element_type=_f32)


_tc_step = pl.pallas_call(
    _tc_step_body,
    out_shape=[
        jax.ShapeDtypeStruct((NEMB, N), _f32),
        jax.ShapeDtypeStruct((K, N), _f32),
    ],
)


_GCH = 1000


def _tc_heads_body(outT_ref, sidx_ref, stype_ref, batch_ref, stemembT_ref,
                   sw1T_ref, sb1_ref, sw2T_ref, sb2_ref, sw3T_ref, sb3_ref,
                   gw1T_ref, gb1_ref, gw2T_ref, gb2_ref,
                   spT_ref, molT_ref):
    outT = outT_ref[...]
    sidx = sidx_ref[...]
    acc = jnp.zeros((NEMB, NSTEM), _f32)
    for c in range(N // _GCH):
        oh = (lax.broadcasted_iota(jnp.int32, (_GCH, NSTEM), 0) + c * _GCH
              == sidx).astype(_f32)
        acc = acc + jnp.dot(outT[:, c * _GCH:(c + 1) * _GCH], oh,
                            preferred_element_type=_f32)
    stype = stype_ref[...]
    oh_st = (lax.broadcasted_iota(jnp.int32, (NSTYPE, NSTEM), 0)
             == stype).astype(_f32)
    stT = jnp.dot(stemembT_ref[...], oh_st, preferred_element_type=_f32)
    cat = jnp.concatenate([acc, stT], axis=0)
    hs = _lrelu(jnp.dot(sw1T_ref[...], cat, preferred_element_type=_f32)
                + sb1_ref[...])
    hs = _lrelu(jnp.dot(sw2T_ref[...], hs, preferred_element_type=_f32)
                + sb2_ref[...])
    spT_ref[...] = (jnp.dot(sw3T_ref[...], hs, preferred_element_type=_f32)
                    + sb3_ref[...])

    bcol = batch_ref[...]
    oh_g = (lax.broadcasted_iota(jnp.int32, (N, NGRAPH), 1) == bcol).astype(_f32)
    gsumT = jnp.dot(outT, oh_g, preferred_element_type=_f32)
    gcnt = jnp.maximum(jnp.sum(oh_g, axis=0, keepdims=True), 1.0)
    gmeanT = gsumT / gcnt
    gh1 = _lrelu(jnp.dot(gw1T_ref[...], gmeanT, preferred_element_type=_f32)
                 + gb1_ref[...])
    molT_ref[...] = (jnp.dot(gw2T_ref[...], gh1, preferred_element_type=_f32)
                     + gb2_ref[...])


_tc_heads = pl.pallas_call(
    _tc_heads_body,
    out_shape=[
        jax.ShapeDtypeStruct((OUTS, NSTEM), _f32),
        jax.ShapeDtypeStruct((1, NGRAPH), _f32),
    ],
)


def kernel(x, edge_index, edge_attr_idx, stemtypes, batch, stems_batch, stems,
           slices_x, vec_data, blockemb, stememb, bondemb, conv_root,
           conv_bias, b2e_w1, b2e_b1, b2e_w2, b2e_b2, gru_wih, gru_bih,
           gru_whh, gru_bhh, s_w1, s_b1, s_w2, s_b2, s_w3, s_b3, g_w1, g_b1,
           g_w2, g_b2):
    src = edge_index[0].astype(jnp.int32)
    dst = edge_index[1].astype(jnp.int32)
    a0 = edge_attr_idx[:, 0].astype(jnp.int32)
    a1 = edge_attr_idx[:, 1].astype(jnp.int32)

    gidx = a0 * N + src
    sidx = a1 * N + dst
    pad = EPAD - E
    gidx = jnp.concatenate([gidx, jnp.zeros((pad,), jnp.int32)])
    sidx = jnp.concatenate([sidx, jnp.full((pad,), TRASH, jnp.int32)])
    gidx = gidx.reshape(NW, NCHUNK, CL)
    sidx = sidx.reshape(NW, NCHUNK, CL)
    zeros = jnp.zeros((SPW,), _f32)

    x2 = x.astype(jnp.int32).reshape(1, N)
    batch2 = batch.astype(jnp.int32).reshape(1, N)
    batch_col = batch.astype(jnp.int32).reshape(N, 1)

    cnt = _edge_sc(jnp.ones((SLOTS,), _f32), gidx, sidx, zeros)
    cnt40 = cnt[:, :SLOTS].reshape(NC * K, N)

    outT, pT, invdeg = _tc_embed(
        x2, batch2, cnt40, blockemb.T, vec_data.T,
        b2e_w1.T, b2e_b1.reshape(NEMB, 1), b2e_w2.T, b2e_b2.reshape(NEMB, 1),
        bondemb)

    step_args = (invdeg, bondemb.T, bondemb, conv_root.T,
                 conv_bias.reshape(NEMB, 1), gru_wih.T,
                 gru_bih.reshape(3 * NEMB, 1), gru_whh.T,
                 gru_bhh.reshape(3 * NEMB, 1))
    for _ in range(10):
        s_acc = _edge_sc(pT.reshape(SLOTS), gidx, sidx, zeros)
        s3 = s_acc[:, :SLOTS].reshape(NC, K, N)
        outT, pT = _tc_step(s3, outT, *step_args)

    stem_idx = (jnp.take(slices_x, stems_batch) + stems[:, 0]).astype(
        jnp.int32).reshape(1, NSTEM)
    stype2 = stemtypes.astype(jnp.int32).reshape(1, NSTEM)
    spT, molT = _tc_heads(
        outT, stem_idx, stype2, batch_col, stememb.T,
        s_w1.T, s_b1.reshape(NEMB, 1), s_w2.T, s_b2.reshape(NEMB, 1),
        s_w3.T, s_b3.reshape(OUTS, 1),
        g_w1.T, g_b1.reshape(NEMB, 1), g_w2.T, g_b2.reshape(1, 1))
    return spT.T, molT.T

# --- scband reference (transcript-rebuilt; emitter-appended) ---
"""Pipeline reference for scband-graph-agent-18150531793468 (READ-ONLY COPY).

The authoritative reference and input builder live on the scoring server;
editing this copy changes nothing except your own understanding.
"""

import jax, jax.numpy as jnp
import numpy as np

NEMB = 16
NVEC = 32
NUM_CONV_STEPS = 10
N_NODES = 10000
N_EDGES = 160000
N_GRAPHS = 100
N_STEMS = 2000
NUM_BLOCKS = 105
NUM_STEM_TYPES = 20
OUT_PER_STEM = 105
OUT_PER_MOL = 1


def _p(k, shape, scale=0.1):
    return (scale * jax.random.normal(k, shape)).astype(jnp.float32)


def setup_inputs(seed: int = 0):
    key = jax.random.key(seed)
    ks = jax.random.split(key, 40)
    inp = {}
    inp['x'] = jax.random.randint(ks[0], (N_NODES,), 0, NUM_BLOCKS + 1)
    inp['edge_index'] = jax.random.randint(ks[1], (2, N_EDGES), 0, N_NODES)
    inp['edge_attr_idx'] = jax.random.randint(ks[2], (N_EDGES, 2), 0, NUM_STEM_TYPES)
    inp['stemtypes'] = jax.random.randint(ks[3], (N_STEMS,), 0, NUM_STEM_TYPES + 1)
    inp['batch'] = jnp.sort(jax.random.randint(ks[4], (N_NODES,), 0, N_GRAPHS))
    inp['stems_batch'] = jnp.sort(jax.random.randint(ks[5], (N_STEMS,), 0, N_GRAPHS))
    inp['stems'] = jax.random.randint(ks[6], (N_STEMS, 2), 0, N_NODES // N_GRAPHS)
    inp['slices_x'] = jnp.arange(N_GRAPHS + 1) * (N_NODES // N_GRAPHS)
    inp['vec_data'] = _p(ks[7], (N_GRAPHS, NVEC), 1.0)
    inp['blockemb'] = _p(ks[8], (NUM_BLOCKS + 1, NEMB))
    inp['stememb'] = _p(ks[9], (NUM_STEM_TYPES + 1, NEMB))
    inp['bondemb'] = _p(ks[10], (NUM_STEM_TYPES, NEMB))
    inp['conv_root'] = _p(ks[11], (NEMB, NEMB))
    inp['conv_bias'] = _p(ks[12], (NEMB,))
    inp['b2e_w1'] = _p(ks[13], (NEMB + NVEC, NEMB))
    inp['b2e_b1'] = _p(ks[14], (NEMB,))
    inp['b2e_w2'] = _p(ks[15], (NEMB, NEMB))
    inp['b2e_b2'] = _p(ks[16], (NEMB,))
    inp['gru_wih'] = _p(ks[17], (NEMB, 3 * NEMB))
    inp['gru_bih'] = _p(ks[18], (3 * NEMB,))
    inp['gru_whh'] = _p(ks[19], (NEMB, 3 * NEMB))
    inp['gru_bhh'] = _p(ks[20], (3 * NEMB,))
    inp['s_w1'] = _p(ks[21], (2 * NEMB, NEMB))
    inp['s_b1'] = _p(ks[22], (NEMB,))
    inp['s_w2'] = _p(ks[23], (NEMB, NEMB))
    inp['s_b2'] = _p(ks[24], (NEMB,))
    inp['s_w3'] = _p(ks[25], (NEMB, OUT_PER_STEM))
    inp['s_b3'] = _p(ks[26], (OUT_PER_STEM,))
    inp['g_w1'] = _p(ks[27], (NEMB, NEMB))
    inp['g_b1'] = _p(ks[28], (NEMB,))
    inp['g_w2'] = _p(ks[29], (NEMB, OUT_PER_MOL))
    inp['g_b2'] = _p(ks[30], (OUT_PER_MOL,))
    return inp


def reference(x, edge_index, edge_attr_idx, stemtypes, batch, stems_batch, stems, slices_x, vec_data, blockemb, stememb, bondemb, conv_root, conv_bias, b2e_w1, b2e_b1, b2e_w2, b2e_b2, gru_wih, gru_bih, gru_whh, gru_bhh, s_w1, s_b1, s_w2, s_b2, s_w3, s_b3, g_w1, g_b1, g_w2, g_b2):
    lrelu = lambda t: jax.nn.leaky_relu(t, 0.01)
    n_nodes = x.shape[0]
    n_edges = edge_index.shape[1]
    xe = jnp.take(blockemb, x, axis=0)
    st = jnp.take(stememb, stemtypes, axis=0)
    be = jnp.take(bondemb, edge_attr_idx, axis=0)
    eattr = (be[:, 0][:, :, None] * be[:, 1][:, None, :]).reshape(n_edges, NEMB * NEMB)
    W_e = eattr.reshape(n_edges, NEMB, NEMB)
    bvec = jnp.take(vec_data, batch, axis=0)
    out = jnp.concatenate([xe, bvec], axis=1)
    out = lrelu(out @ b2e_w1 + b2e_b1) @ b2e_w2 + b2e_b2
    h = out
    src = edge_index[0]
    dst = edge_index[1]
    deg = jax.ops.segment_sum(jnp.ones((n_edges,), jnp.float32), dst, num_segments=n_nodes)
    deg = jnp.maximum(deg, 1.0)
    for _ in range(NUM_CONV_STEPS):
        msg = jnp.einsum('ei,eio->eo', jnp.take(out, src, axis=0), W_e)
        aggr = jax.ops.segment_sum(msg, dst, num_segments=n_nodes) / deg[:, None]
        m = lrelu(aggr + out @ conv_root + conv_bias)
        gi = m @ gru_wih + gru_bih
        gh = h @ gru_whh + gru_bhh
        i_r, i_z, i_n = jnp.split(gi, 3, axis=1)
        h_r, h_z, h_n = jnp.split(gh, 3, axis=1)
        r = jax.nn.sigmoid(i_r + h_r)
        z = jax.nn.sigmoid(i_z + h_z)
        n = jnp.tanh(i_n + r * h_n)
        h = (1.0 - z) * n + z * h
        out = h
    sidx = jnp.take(slices_x, stems_batch) + stems[:, 0]
    stem_cat = jnp.concatenate([jnp.take(out, sidx, axis=0), st], axis=1)
    hs = lrelu(stem_cat @ s_w1 + s_b1)
    hs = lrelu(hs @ s_w2 + s_b2)
    stem_preds = hs @ s_w3 + s_b3
    gsum = jax.ops.segment_sum(out, batch, num_segments=N_GRAPHS)
    gcnt = jnp.maximum(jax.ops.segment_sum(jnp.ones((n_nodes,), jnp.float32), batch, num_segments=N_GRAPHS), 1.0)
    gmean = gsum / gcnt[:, None]
    mol_preds = lrelu(gmean @ g_w1 + g_b1) @ g_w2 + g_b2
    return (stem_preds, mol_preds)

if __name__ == "__main__":
    import jax
    _d = setup_inputs()
    print(jax.jit(kernel)(*tuple(_d.values())))

</pallas_src>

<mosaic_0001>
#map = affine_map<(d0, d1) -> (0)>
#map1 = affine_map<(d0, d1) -> (0, 0, 0)>
module attributes {stable_mosaic.version = 14 : i64} {
  func.func @_edge_sc_body(%arg0: i32, %arg1: i32, %arg2: memref<200704xf32, #tpu.memory_space<hbm>>, %arg3: memref<32x40x128xi32, #tpu.memory_space<hbm>>, %arg4: memref<32x40x128xi32, #tpu.memory_space<hbm>>, %arg5: memref<12544xf32, #tpu.memory_space<hbm>>, %arg6: memref<401408xf32, #tpu.memory_space<hbm>>, %arg7: memref<40x128xi32, #tpu.memory_space<vmem>>, %arg8: memref<40x128xi32, #tpu.memory_space<vmem>>, %arg9: memref<40x128xf32, #tpu.memory_space<vmem>>, %arg10: memref<12544xf32, #tpu.memory_space<vmem>>, %arg11: memref<200704xf32, #tpu.memory_space<vmem_shared>>, %arg12: memref<200704xf32, #tpu.memory_space<vmem_shared>>, %arg13: memref<!tpu.dma_semaphore, #tpu.memory_space<semaphore_mem>>, %arg14: memref<!tpu.dma_semaphore, #tpu.memory_space<semaphore_mem>>) attributes {dimension_semantics = [#tpu.dimension_semantics<core_parallel>, #tpu.dimension_semantics<subcore_parallel>], iteration_bounds = array<i64: 2, 16>, scalar_prefetch = 0 : i64, scratch_operands = 8 : i64, tpu.core_type = #tpu.core_type<sc_vector_subcore>, window_params = [{transform_indices = #map}, {transform_indices = #map1}, {transform_indices = #map1}, {transform_indices = #map}, {transform_indices = #map}]} {
    %mul3A = arith.constant 16 : i32
    %mul3A_0 = arith.muli %arg0, %mul3A : i32
    %add3A = arith.addi %mul3A_0, %arg1 : i32
    "tpu.region"() ({
      %run_scoped3A = tpu.sem_alloc : memref<!tpu.dma_semaphore, #tpu.memory_space<semaphore_mem>>
      %dma_start3A = arith.constant 0 : i32
      %dma_start3A_33 = arith.constant 0 : i32
      %dma_start3A_34 = tpu.memref_slice %arg3[%add3A, %dma_start3A, %dma_start3A_33] : memref<32x40x128xi32, #tpu.memory_space<hbm>> -> memref<1x40x128xi32, #tpu.memory_space<hbm>>
      %dma_start3A_35 = tpu.memref_squeeze %dma_start3A_34 : memref<1x40x128xi32, #tpu.memory_space<hbm>> -> memref<40x128xi32, #tpu.memory_space<hbm>>
      %dma_start3A_36 = arith.constant 0 : i32
      %dma_start3A_37 = arith.constant 0 : i32
      %dma_start3A_38 = tpu.memref_slice %arg3[%add3A, %dma_start3A_36, %dma_start3A_37] : memref<32x40x128xi32, #tpu.memory_space<hbm>> -> memref<1x40x128xi32, #tpu.memory_space<hbm>>
      %dma_start3A_39 = tpu.memref_squeeze %dma_start3A_38 : memref<1x40x128xi32, #tpu.memory_space<hbm>> -> memref<40x128xi32, #tpu.memory_space<hbm>>
      tpu.enqueue_dma source(%dma_start3A_39 : memref<40x128xi32, #tpu.memory_space<hbm>>) target(%arg7 : memref<40x128xi32, #tpu.memory_space<vmem>>) target_semaphore(%run_scoped3A : memref<!tpu.dma_semaphore, #tpu.memory_space<semaphore_mem>>)
      %dma_wait3A = arith.constant 0 : i32
      %dma_wait3A_40 = arith.constant 0 : i32
      %dma_wait3A_41 = tpu.memref_slice %arg3[%add3A, %dma_wait3A, %dma_wait3A_40] : memref<32x40x128xi32, #tpu.memory_space<hbm>> -> memref<1x40x128xi32, #tpu.memory_space<hbm>>
      %dma_wait3A_42 = tpu.memref_squeeze %dma_wait3A_41 : memref<1x40x128xi32, #tpu.memory_space<hbm>> -> memref<40x128xi32, #tpu.memory_space<hbm>>
      %dma_wait3A_43 = arith.constant 0 : i32
      %dma_wait3A_44 = arith.constant 0 : i32
      %dma_wait3A_45 = tpu.memref_slice %arg3[%add3A, %dma_wait3A_43, %dma_wait3A_44] : memref<32x40x128xi32, #tpu.memory_space<hbm>> -> memref<1x40x128xi32, #tpu.memory_space<hbm>>
      %dma_wait3A_46 = tpu.memref_squeeze %dma_wait3A_45 : memref<1x40x128xi32, #tpu.memory_space<hbm>> -> memref<40x128xi32, #tpu.memory_space<hbm>>
      tpu.wait_dma2 semaphore(%run_scoped3A : memref<!tpu.dma_semaphore, #tpu.memory_space<semaphore_mem>>) src(%dma_wait3A_46 : memref<40x128xi32, #tpu.memory_space<hbm>>) dst(%arg7 : memref<40x128xi32, #tpu.memory_space<vmem>>)
      tpu.yield
    }) : () -> ()
    "tpu.region"() ({
      %run_scoped3A = tpu.sem_alloc : memref<!tpu.dma_semaphore, #tpu.memory_space<semaphore_mem>>
      %dma_start3A = arith.constant 0 : i32
      %dma_start3A_33 = arith.constant 0 : i32
      %dma_start3A_34 = tpu.memref_slice %arg4[%add3A, %dma_start3A, %dma_start3A_33] : memref<32x40x128xi32, #tpu.memory_space<hbm>> -> memref<1x40x128xi32, #tpu.memory_space<hbm>>
      %dma_start3A_35 = tpu.memref_squeeze %dma_start3A_34 : memref<1x40x128xi32, #tpu.memory_space<hbm>> -> memref<40x128xi32, #tpu.memory_space<hbm>>
      %dma_start3A_36 = arith.constant 0 : i32
      %dma_start3A_37 = arith.constant 0 : i32
      %dma_start3A_38 = tpu.memref_slice %arg4[%add3A, %dma_start3A_36, %dma_start3A_37] : memref<32x40x128xi32, #tpu.memory_space<hbm>> -> memref<1x40x128xi32, #tpu.memory_space<hbm>>
      %dma_start3A_39 = tpu.memref_squeeze %dma_start3A_38 : memref<1x40x128xi32, #tpu.memory_space<hbm>> -> memref<40x128xi32, #tpu.memory_space<hbm>>
      tpu.enqueue_dma source(%dma_start3A_39 : memref<40x128xi32, #tpu.memory_space<hbm>>) target(%arg8 : memref<40x128xi32, #tpu.memory_space<vmem>>) target_semaphore(%run_scoped3A : memref<!tpu.dma_semaphore, #tpu.memory_space<semaphore_mem>>)
      %dma_wait3A = arith.constant 0 : i32
      %dma_wait3A_40 = arith.constant 0 : i32
      %dma_wait3A_41 = tpu.memref_slice %arg4[%add3A, %dma_wait3A, %dma_wait3A_40] : memref<32x40x128xi32, #tpu.memory_space<hbm>> -> memref<1x40x128xi32, #tpu.memory_space<hbm>>
      %dma_wait3A_42 = tpu.memref_squeeze %dma_wait3A_41 : memref<1x40x128xi32, #tpu.memory_space<hbm>> -> memref<40x128xi32, #tpu.memory_space<hbm>>
      %dma_wait3A_43 = arith.constant 0 : i32
      %dma_wait3A_44 = arith.constant 0 : i32
      %dma_wait3A_45 = tpu.memref_slice %arg4[%add3A, %dma_wait3A_43, %dma_wait3A_44] : memref<32x40x128xi32, #tpu.memory_space<hbm>> -> memref<1x40x128xi32, #tpu.memory_space<hbm>>
      %dma_wait3A_46 = tpu.memref_squeeze %dma_wait3A_45 : memref<1x40x128xi32, #tpu.memory_space<hbm>> -> memref<40x128xi32, #tpu.memory_space<hbm>>
      tpu.wait_dma2 semaphore(%run_scoped3A : memref<!tpu.dma_semaphore, #tpu.memory_space<semaphore_mem>>) src(%dma_wait3A_46 : memref<40x128xi32, #tpu.memory_space<hbm>>) dst(%arg8 : memref<40x128xi32, #tpu.memory_space<vmem>>)
      tpu.yield
    }) : () -> ()
    %mul3A_1 = arith.constant 12544 : i32
    %mul3A_2 = arith.muli %arg1, %mul3A_1 : i32
    %multiple_of3A = tpu.assume_multiple %mul3A_2, 128 : i32
    "tpu.region"() ({
      %run_scoped3A = tpu.sem_alloc : memref<!tpu.dma_semaphore, #tpu.memory_space<semaphore_mem>>
      %dma_start3A = tpu.memref_slice %arg2[%multiple_of3A] : memref<200704xf32, #tpu.memory_space<hbm>> -> memref<12544xf32, #tpu.memory_space<hbm>>
      %dma_start3A_33 = tpu.memref_slice %arg2[%multiple_of3A] : memref<200704xf32, #tpu.memory_space<hbm>> -> memref<12544xf32, #tpu.memory_space<hbm>>
      tpu.enqueue_dma source(%dma_start3A_33 : memref<12544xf32, #tpu.memory_space<hbm>>) target(%arg10 : memref<12544xf32, #tpu.memory_space<vmem>>) target_semaphore(%run_scoped3A : memref<!tpu.dma_semaphore, #tpu.memory_space<semaphore_mem>>)
      %dma_wait3A = tpu.memref_slice %arg2[%multiple_of3A] : memref<200704xf32, #tpu.memory_space<hbm>> -> memref<12544xf32, #tpu.memory_space<hbm>>
      %dma_wait3A_34 = tpu.memref_slice %arg2[%multiple_of3A] : memref<200704xf32, #tpu.memory_space<hbm>> -> memref<12544xf32, #tpu.memory_space<hbm>>
      tpu.wait_dma2 semaphore(%run_scoped3A : memref<!tpu.dma_semaphore, #tpu.memory_space<semaphore_mem>>) src(%dma_wait3A_34 : memref<12544xf32, #tpu.memory_space<hbm>>) dst(%arg10 : memref<12544xf32, #tpu.memory_space<vmem>>)
      tpu.yield
    }) : () -> ()
    %mul3A_3 = arith.constant 12544 : i32
    %mul3A_4 = arith.muli %arg1, %mul3A_3 : i32
    "tpu.region"() ({
      %run_scoped3A = tpu.sem_alloc : memref<!tpu.dma_semaphore, #tpu.memory_space<semaphore_mem>>
      %dma_start3A = tpu.memref_slice %arg11[%mul3A_4] : memref<200704xf32, #tpu.memory_space<vmem_shared>> -> memref<12544xf32, #tpu.memory_space<vmem_shared>>
      %dma_start3A_33 = tpu.memref_slice %arg11[%mul3A_4] : memref<200704xf32, #tpu.memory_space<vmem_shared>> -> memref<12544xf32, #tpu.memory_space<vmem_shared>>
      tpu.enqueue_dma source(%arg10 : memref<12544xf32, #tpu.memory_space<vmem>>) target(%dma_start3A_33 : memref<12544xf32, #tpu.memory_space<vmem_shared>>) target_semaphore(%run_scoped3A : memref<!tpu.dma_semaphore, #tpu.memory_space<semaphore_mem>>)
      %dma_wait3A = tpu.memref_slice %arg11[%mul3A_4] : memref<200704xf32, #tpu.memory_space<vmem_shared>> -> memref<12544xf32, #tpu.memory_space<vmem_shared>>
      %dma_wait3A_34 = tpu.memref_slice %arg11[%mul3A_4] : memref<200704xf32, #tpu.memory_space<vmem_shared>> -> memref<12544xf32, #tpu.memory_space<vmem_shared>>
      tpu.wait_dma2 semaphore(%run_scoped3A : memref<!tpu.dma_semaphore, #tpu.memory_space<semaphore_mem>>) src(%arg10 : memref<12544xf32, #tpu.memory_space<vmem>>) dst(%dma_wait3A_34 : memref<12544xf32, #tpu.memory_space<vmem_shared>>)
      tpu.yield
    }) : () -> ()
    "tpu.region"() ({
      %run_scoped3A = tpu.sem_alloc : memref<!tpu.dma_semaphore, #tpu.memory_space<semaphore_mem>>
      tpu.enqueue_dma source(%arg5 : memref<12544xf32, #tpu.memory_space<hbm>>) target(%arg10 : memref<12544xf32, #tpu.memory_space<vmem>>) target_semaphore(%run_scoped3A : memref<!tpu.dma_semaphore, #tpu.memory_space<semaphore_mem>>)
      tpu.wait_dma2 semaphore(%run_scoped3A : memref<!tpu.dma_semaphore, #tpu.memory_space<semaphore_mem>>) src(%arg5 : memref<12544xf32, #tpu.memory_space<hbm>>) dst(%arg10 : memref<12544xf32, #tpu.memory_space<vmem>>)
      tpu.yield
    }) : () -> ()
    %mul3A_5 = arith.constant 12544 : i32
    %mul3A_6 = arith.muli %arg1, %mul3A_5 : i32
    "tpu.region"() ({
      %run_scoped3A = tpu.sem_alloc : memref<!tpu.dma_semaphore, #tpu.memory_space<semaphore_mem>>
      %dma_start3A = tpu.memref_slice %arg12[%mul3A_6] : memref<200704xf32, #tpu.memory_space<vmem_shared>> -> memref<12544xf32, #tpu.memory_space<vmem_shared>>
      %dma_start3A_33 = tpu.memref_slice %arg12[%mul3A_6] : memref<200704xf32, #tpu.memory_space<vmem_shared>> -> memref<12544xf32, #tpu.memory_space<vmem_shared>>
      tpu.enqueue_dma source(%arg10 : memref<12544xf32, #tpu.memory_space<vmem>>) target(%dma_start3A_33 : memref<12544xf32, #tpu.memory_space<vmem_shared>>) target_semaphore(%run_scoped3A : memref<!tpu.dma_semaphore, #tpu.memory_space<semaphore_mem>>)
      %dma_wait3A = tpu.memref_slice %arg12[%mul3A_6] : memref<200704xf32, #tpu.memory_space<vmem_shared>> -> memref<12544xf32, #tpu.memory_space<vmem_shared>>
      %dma_wait3A_34 = tpu.memref_slice %arg12[%mul3A_6] : memref<200704xf32, #tpu.memory_space<vmem_shared>> -> memref<12544xf32, #tpu.memory_space<vmem_shared>>
      tpu.wait_dma2 semaphore(%run_scoped3A : memref<!tpu.dma_semaphore, #tpu.memory_space<semaphore_mem>>) src(%arg10 : memref<12544xf32, #tpu.memory_space<vmem>>) dst(%dma_wait3A_34 : memref<12544xf32, #tpu.memory_space<vmem_shared>>)
      tpu.yield
    }) : () -> ()
    %barrier3A = arith.constant 0 : index
    tpu.barrier barrier_id(%barrier3A)
    %scan3A = arith.constant 0 : i32
    %scan3A_7 = arith.constant 0 : i32
    %scan3A_8 = arith.constant 8 : i32
    %scan3A_9 = arith.addi %scan3A_7, %scan3A_8 : i32
    %scan3A_10 = arith.constant 1 : i32
    scf.for %scan3A_33 = %scan3A_7 to %scan3A_9 step %scan3A_10  : i32 {
      %dma_start3A = arith.constant 0 : i32
      %dma_start3A_34 = tpu.memref_slice %arg9[%scan3A_33, %dma_start3A] : memref<40x128xf32, #tpu.memory_space<vmem>> -> memref<1x128xf32, #tpu.memory_space<vmem>>
      %dma_start3A_35 = tpu.memref_squeeze %dma_start3A_34 : memref<1x128xf32, #tpu.memory_space<vmem>> -> memref<128xf32, #tpu.memory_space<vmem>>
      %dma_start3A_36 = arith.constant 0 : i32
      %dma_start3A_37 = tpu.memref_slice %arg7[%scan3A_33, %dma_start3A_36] : memref<40x128xi32, #tpu.memory_space<vmem>> -> memref<1x128xi32, #tpu.memory_space<vmem>>
      %dma_start3A_38 = tpu.memref_squeeze %dma_start3A_37 : memref<1x128xi32, #tpu.memory_space<vmem>> -> memref<128xi32, #tpu.memory_space<vmem>>
      %dma_start3A_39 = arith.constant 0 : i32
      %dma_start3A_40 = tpu.memref_slice %arg11[%dma_start3A_39] : memref<200704xf32, #tpu.memory_space<vmem_shared>> -> memref<200704xf32, #tpu.memory_space<vmem_shared>>
      tpu.enqueue_indirect_dma source(%dma_start3A_40 : memref<200704xf32, #tpu.memory_space<vmem_shared>>) target(%dma_start3A_35 : memref<128xf32, #tpu.memory_space<vmem>>) offsets(%dma_start3A_38 : memref<128xi32, #tpu.memory_space<vmem>>) semaphore(%arg13 : memref<!tpu.dma_semaphore, #tpu.memory_space<semaphore_mem>>)
    }
    %scan3A_11 = arith.constant 8 : i32
    %scan3A_12 = arith.constant 0 : i32
    %scan3A_13 = arith.constant 0 : i32
    %scan3A_14 = arith.constant 40 : i32
    %scan3A_15 = arith.addi %scan3A_13, %scan3A_14 : i32
    %scan3A_16 = arith.constant 1 : i32
    scf.for %scan3A_33 = %scan3A_13 to %scan3A_15 step %scan3A_16  : i32 {
      %dma_wait3A = arith.constant 0 : i32
      %dma_wait3A_34 = tpu.memref_slice %arg9[%scan3A_33, %dma_wait3A] : memref<40x128xf32, #tpu.memory_space<vmem>> -> memref<1x128xf32, #tpu.memory_space<vmem>>
      %dma_wait3A_35 = tpu.memref_squeeze %dma_wait3A_34 : memref<1x128xf32, #tpu.memory_space<vmem>> -> memref<128xf32, #tpu.memory_space<vmem>>
      %dma_wait3A_36 = arith.constant 0 : i32
      %dma_wait3A_37 = tpu.memref_slice %arg7[%scan3A_33, %dma_wait3A_36] : memref<40x128xi32, #tpu.memory_space<vmem>> -> memref<1x128xi32, #tpu.memory_space<vmem>>
      %dma_wait3A_38 = tpu.memref_squeeze %dma_wait3A_37 : memref<1x128xi32, #tpu.memory_space<vmem>> -> memref<128xi32, #tpu.memory_space<vmem>>
      %dma_wait3A_39 = arith.constant 0 : i32
      %dma_wait3A_40 = tpu.memref_slice %arg11[%dma_wait3A_39] : memref<200704xf32, #tpu.memory_space<vmem_shared>> -> memref<200704xf32, #tpu.memory_space<vmem_shared>>
      tpu.wait_indirect_dma semaphore(%arg13 : memref<!tpu.dma_semaphore, #tpu.memory_space<semaphore_mem>>) src(%dma_wait3A_40 : memref<200704xf32, #tpu.memory_space<vmem_shared>>) dst(%dma_wait3A_35 : memref<128xf32, #tpu.memory_space<vmem>>)
      %dma_start3A = arith.constant 0 : i32
      %dma_start3A_41 = tpu.memref_slice %arg9[%scan3A_33, %dma_start3A] : memref<40x128xf32, #tpu.memory_space<vmem>> -> memref<1x128xf32, #tpu.memory_space<vmem>>
      %dma_start3A_42 = tpu.memref_squeeze %dma_start3A_41 : memref<1x128xf32, #tpu.memory_space<vmem>> -> memref<128xf32, #tpu.memory_space<vmem>>
      %dma_start3A_43 = arith.constant 0 : i32
      %dma_start3A_44 = tpu.memref_slice %arg8[%scan3A_33, %dma_start3A_43] : memref<40x128xi32, #tpu.memory_space<vmem>> -> memref<1x128xi32, #tpu.memory_space<vmem>>
      %dma_start3A_45 = tpu.memref_squeeze %dma_start3A_44 : memref<1x128xi32, #tpu.memory_space<vmem>> -> memref<128xi32, #tpu.memory_space<vmem>>
      %dma_start3A_46 = arith.constant 0 : i32
      %dma_start3A_47 = tpu.memref_slice %arg12[%dma_start3A_46] : memref<200704xf32, #tpu.memory_space<vmem_shared>> -> memref<200704xf32, #tpu.memory_space<vmem_shared>>
      tpu.enqueue_indirect_dma source(%dma_start3A_42 : memref<128xf32, #tpu.memory_space<vmem>>) target(%dma_start3A_47 : memref<200704xf32, #tpu.memory_space<vmem_shared>>) offsets(%dma_start3A_45 : memref<128xi32, #tpu.memory_space<vmem>>) semaphore(%arg14 : memref<!tpu.dma_semaphore, #tpu.memory_space<semaphore_mem>>) {add = true}
      %lt3A = arith.constant 32 : i32
      %lt3A_48 = arith.cmpi slt, %scan3A_33, %lt3A : i32
      %convert_element_type3A = arith.extui %lt3A_48 : i1 to i32
      %cond3A = arith.constant 0 : i32
      %cond3A_49 = arith.cmpi ne, %convert_element_type3A, %cond3A : i32
      scf.if %cond3A_49 {
        %add3A_50 = arith.constant 8 : i32
        %add3A_51 = arith.addi %scan3A_33, %add3A_50 : i32
        %dma_start3A_52 = arith.constant 0 : i32
        %dma_start3A_53 = tpu.memref_slice %arg9[%add3A_51, %dma_start3A_52] : memref<40x128xf32, #tpu.memory_space<vmem>> -> memref<1x128xf32, #tpu.memory_space<vmem>>
        %dma_start3A_54 = tpu.memref_squeeze %dma_start3A_53 : memref<1x128xf32, #tpu.memory_space<vmem>> -> memref<128xf32, #tpu.memory_space<vmem>>
        %dma_start3A_55 = arith.constant 0 : i32
        %dma_start3A_56 = tpu.memref_slice %arg7[%add3A_51, %dma_start3A_55] : memref<40x128xi32, #tpu.memory_space<vmem>> -> memref<1x128xi32, #tpu.memory_space<vmem>>
        %dma_start3A_57 = tpu.memref_squeeze %dma_start3A_56 : memref<1x128xi32, #tpu.memory_space<vmem>> -> memref<128xi32, #tpu.memory_space<vmem>>
        %dma_start3A_58 = arith.constant 0 : i32
        %dma_start3A_59 = tpu.memref_slice %arg11[%dma_start3A_58] : memref<200704xf32, #tpu.memory_space<vmem_shared>> -> memref<200704xf32, #tpu.memory_space<vmem_shared>>
        tpu.enqueue_indirect_dma source(%dma_start3A_59 : memref<200704xf32, #tpu.memory_space<vmem_shared>>) target(%dma_start3A_54 : memref<128xf32, #tpu.memory_space<vmem>>) offsets(%dma_start3A_57 : memref<128xi32, #tpu.memory_space<vmem>>) semaphore(%arg13 : memref<!tpu.dma_semaphore, #tpu.memory_space<semaphore_mem>>)
      } else {
      }
    }
    %scan3A_17 = arith.constant 40 : i32
    %scan3A_18 = arith.constant 0 : i32
    %scan3A_19 = arith.constant 0 : i32
    %scan3A_20 = arith.constant 40 : i32
    %scan3A_21 = arith.addi %scan3A_19, %scan3A_20 : i32
    %scan3A_22 = arith.constant 1 : i32
    scf.for %scan3A_33 = %scan3A_19 to %scan3A_21 step %scan3A_22  : i32 {
      %dma_wait3A = arith.constant 0 : i32
      %dma_wait3A_34 = tpu.memref_slice %arg9[%scan3A_33, %dma_wait3A] : memref<40x128xf32, #tpu.memory_space<vmem>> -> memref<1x128xf32, #tpu.memory_space<vmem>>
      %dma_wait3A_35 = tpu.memref_squeeze %dma_wait3A_34 : memref<1x128xf32, #tpu.memory_space<vmem>> -> memref<128xf32, #tpu.memory_space<vmem>>
      %dma_wait3A_36 = arith.constant 0 : i32
      %dma_wait3A_37 = tpu.memref_slice %arg8[%scan3A_33, %dma_wait3A_36] : memref<40x128xi32, #tpu.memory_space<vmem>> -> memref<1x128xi32, #tpu.memory_space<vmem>>
      %dma_wait3A_38 = tpu.memref_squeeze %dma_wait3A_37 : memref<1x128xi32, #tpu.memory_space<vmem>> -> memref<128xi32, #tpu.memory_space<vmem>>
      %dma_wait3A_39 = arith.constant 0 : i32
      %dma_wait3A_40 = tpu.memref_slice %arg12[%dma_wait3A_39] : memref<200704xf32, #tpu.memory_space<vmem_shared>> -> memref<200704xf32, #tpu.memory_space<vmem_shared>>
      tpu.wait_indirect_dma semaphore(%arg14 : memref<!tpu.dma_semaphore, #tpu.memory_space<semaphore_mem>>) src(%dma_wait3A_35 : memref<128xf32, #tpu.memory_space<vmem>>) dst(%dma_wait3A_40 : memref<200704xf32, #tpu.memory_space<vmem_shared>>)
    }
    %scan3A_23 = arith.constant 40 : i32
    %barrier3A_24 = arith.constant 0 : index
    tpu.barrier barrier_id(%barrier3A_24)
    %mul3A_25 = arith.constant 200704 : i32
    %mul3A_26 = arith.muli %arg0, %mul3A_25 : i32
    %mul3A_27 = arith.constant 12544 : i32
    %mul3A_28 = arith.muli %arg1, %mul3A_27 : i32
    %add3A_29 = arith.addi %mul3A_26, %mul3A_28 : i32
    %multiple_of3A_30 = tpu.assume_multiple %add3A_29, 128 : i32
    %mul3A_31 = arith.constant 12544 : i32
    %mul3A_32 = arith.muli %arg1, %mul3A_31 : i32
    "tpu.region"() ({
      %run_scoped3A = tpu.sem_alloc : memref<!tpu.dma_semaphore, #tpu.memory_space<semaphore_mem>>
      %dma_start3A = tpu.memref_slice %arg12[%mul3A_32] : memref<200704xf32, #tpu.memory_space<vmem_shared>> -> memref<12544xf32, #tpu.memory_space<vmem_shared>>
      %dma_start3A_33 = tpu.memref_slice %arg12[%mul3A_32] : memref<200704xf32, #tpu.memory_space<vmem_shared>> -> memref<12544xf32, #tpu.memory_space<vmem_shared>>
      tpu.enqueue_dma source(%dma_start3A_33 : memref<12544xf32, #tpu.memory_space<vmem_shared>>) target(%arg10 : memref<12544xf32, #tpu.memory_space<vmem>>) target_semaphore(%run_scoped3A : memref<!tpu.dma_semaphore, #tpu.memory_space<semaphore_mem>>)
      %dma_wait3A = tpu.memref_slice %arg12[%mul3A_32] : memref<200704xf32, #tpu.memory_space<vmem_shared>> -> memref<12544xf32, #tpu.memory_space<vmem_shared>>
      %dma_wait3A_34 = tpu.memref_slice %arg12[%mul3A_32] : memref<200704xf32, #tpu.memory_space<vmem_shared>> -> memref<12544xf32, #tpu.memory_space<vmem_shared>>
      tpu.wait_dma2 semaphore(%run_scoped3A : memref<!tpu.dma_semaphore, #tpu.memory_space<semaphore_mem>>) src(%dma_wait3A_34 : memref<12544xf32, #tpu.memory_space<vmem_shared>>) dst(%arg10 : memref<12544xf32, #tpu.memory_space<vmem>>)
      tpu.yield
    }) : () -> ()
    "tpu.region"() ({
      %run_scoped3A = tpu.sem_alloc : memref<!tpu.dma_semaphore, #tpu.memory_space<semaphore_mem>>
      %dma_start3A = tpu.memref_slice %arg6[%multiple_of3A_30] : memref<401408xf32, #tpu.memory_space<hbm>> -> memref<12544xf32, #tpu.memory_space<hbm>>
      %dma_start3A_33 = tpu.memref_slice %arg6[%multiple_of3A_30] : memref<401408xf32, #tpu.memory_space<hbm>> -> memref<12544xf32, #tpu.memory_space<hbm>>
      tpu.enqueue_dma source(%arg10 : memref<12544xf32, #tpu.memory_space<vmem>>) target(%dma_start3A_33 : memref<12544xf32, #tpu.memory_space<hbm>>) target_semaphore(%run_scoped3A : memref<!tpu.dma_semaphore, #tpu.memory_space<semaphore_mem>>)
      %dma_wait3A = tpu.memref_slice %arg6[%multiple_of3A_30] : memref<401408xf32, #tpu.memory_space<hbm>> -> memref<12544xf32, #tpu.memory_space<hbm>>
      %dma_wait3A_34 = tpu.memref_slice %arg6[%multiple_of3A_30] : memref<401408xf32, #tpu.memory_space<hbm>> -> memref<12544xf32, #tpu.memory_space<hbm>>
      tpu.wait_dma2 semaphore(%run_scoped3A : memref<!tpu.dma_semaphore, #tpu.memory_space<semaphore_mem>>) src(%arg10 : memref<12544xf32, #tpu.memory_space<vmem>>) dst(%dma_wait3A_34 : memref<12544xf32, #tpu.memory_space<hbm>>)
      tpu.yield
    }) : () -> ()
    return
  }
}

#map = affine_map<(d0, d1) -> (0)>
#map1 = affine_map<(d0, d1) -> (0, 0, 0)>
module attributes {stable_mosaic.version = 14 : i64} {
  func.func @_edge_sc_body(%arg0: i32, %arg1: i32, %arg2: memref<200704xf32, #tpu.memory_space<hbm>>, %arg3: memref<32x40x128xi32, #tpu.memory_space<hbm>>, %arg4: memref<32x40x128xi32, #tpu.memory_space<hbm>>, %arg5: memref<12544xf32, #tpu.memory_space<hbm>>, %arg6: memref<401408xf32, #tpu.memory_space<hbm>>, %arg7: memref<40x128xi32, #tpu.memory_space<vmem>>, %arg8: memref<40x128xi32, #tpu.memory_space<vmem>>, %arg9: memref<40x128xf32, #tpu.memory_space<vmem>>, %arg10: memref<12544xf32, #tpu.memory_space<vmem>>, %arg11: memref<200704xf32, #tpu.memory_space<vmem_shared>>, %arg12: memref<200704xf32, #tpu.memory_space<vmem_shared>>, %arg13: memref<!tpu.dma_semaphore, #tpu.memory_space<semaphore_mem>>, %arg14: memref<!tpu.dma_semaphore, #tpu.memory_space<semaphore_mem>>) attributes {dimension_semantics = [#tpu.dimension_semantics<core_parallel>, #tpu.dimension_semantics<subcore_parallel>], iteration_bounds = array<i64: 2, 16>, scalar_prefetch = 0 : i64, scratch_operands = 8 : i64, tpu.core_type = #tpu.core_type<sc_vector_subcore>, window_params = [{transform_indices = #map}, {transform_indices = #map1}, {transform_indices = #map1}, {transform_indices = #map}, {transform_indices = #map}]} {
    %mul3A = arith.constant 16 : i32
    %mul3A_0 = arith.muli %arg0, %mul3A : i32
    %add3A = arith.addi %mul3A_0, %arg1 : i32
    "tpu.region"() ({
      %run_scoped3A = tpu.sem_alloc : memref<!tpu.dma_semaphore, #tpu.memory_space<semaphore_mem>>
      %dma_start3A = arith.constant 0 : i32
      %dma_start3A_33 = arith.constant 0 : i32
      %dma_start3A_34 = tpu.memref_slice %arg3[%add3A, %dma_start3A, %dma_start3A_33] : memref<32x40x128xi32, #tpu.memory_space<hbm>> -> memref<1x40x128xi32, #tpu.memory_space<hbm>>
      %dma_start3A_35 = tpu.memref_squeeze %dma_start3A_34 : memref<1x40x128xi32, #tpu.memory_space<hbm>> -> memref<40x128xi32, #tpu.memory_space<hbm>>
      %dma_start3A_36 = arith.constant 0 : i32
      %dma_start3A_37 = arith.constant 0 : i32
      %dma_start3A_38 = tpu.memref_slice %arg3[%add3A, %dma_start3A_36, %dma_start3A_37] : memref<32x40x128xi32, #tpu.memory_space<hbm>> -> memref<1x40x128xi32, #tpu.memory_space<hbm>>
      %dma_start3A_39 = tpu.memref_squeeze %dma_start3A_38 : memref<1x40x128xi32, #tpu.memory_space<hbm>> -> memref<40x128xi32, #tpu.memory_space<hbm>>
      tpu.enqueue_dma source(%dma_start3A_39 : memref<40x128xi32, #tpu.memory_space<hbm>>) target(%arg7 : memref<40x128xi32, #tpu.memory_space<vmem>>) target_semaphore(%run_scoped3A : memref<!tpu.dma_semaphore, #tpu.memory_space<semaphore_mem>>)
      %dma_wait3A = arith.constant 0 : i32
      %dma_wait3A_40 = arith.constant 0 : i32
      %dma_wait3A_41 = tpu.memref_slice %arg3[%add3A, %dma_wait3A, %dma_wait3A_40] : memref<32x40x128xi32, #tpu.memory_space<hbm>> -> memref<1x40x128xi32, #tpu.memory_space<hbm>>
      %dma_wait3A_42 = tpu.memref_squeeze %dma_wait3A_41 : memref<1x40x128xi32, #tpu.memory_space<hbm>> -> memref<40x128xi32, #tpu.memory_space<hbm>>
      %dma_wait3A_43 = arith.constant 0 : i32
      %dma_wait3A_44 = arith.constant 0 : i32
      %dma_wait3A_45 = tpu.memref_slice %arg3[%add3A, %dma_wait3A_43, %dma_wait3A_44] : memref<32x40x128xi32, #tpu.memory_space<hbm>> -> memref<1x40x128xi32, #tpu.memory_space<hbm>>
      %dma_wait3A_46 = tpu.memref_squeeze %dma_wait3A_45 : memref<1x40x128xi32, #tpu.memory_space<hbm>> -> memref<40x128xi32, #tpu.memory_space<hbm>>
      tpu.wait_dma2 semaphore(%run_scoped3A : memref<!tpu.dma_semaphore, #tpu.memory_space<semaphore_mem>>) src(%dma_wait3A_46 : memref<40x128xi32, #tpu.memory_space<hbm>>) dst(%arg7 : memref<40x128xi32, #tpu.memory_space<vmem>>)
      tpu.yield
    }) : () -> ()
    "tpu.region"() ({
      %run_scoped3A = tpu.sem_alloc : memref<!tpu.dma_semaphore, #tpu.memory_space<semaphore_mem>>
      %dma_start3A = arith.constant 0 : i32
      %dma_start3A_33 = arith.constant 0 : i32
      %dma_start3A_34 = tpu.memref_slice %arg4[%add3A, %dma_start3A, %dma_start3A_33] : memref<32x40x128xi32, #tpu.memory_space<hbm>> -> memref<1x40x128xi32, #tpu.memory_space<hbm>>
      %dma_start3A_35 = tpu.memref_squeeze %dma_start3A_34 : memref<1x40x128xi32, #tpu.memory_space<hbm>> -> memref<40x128xi32, #tpu.memory_space<hbm>>
      %dma_start3A_36 = arith.constant 0 : i32
      %dma_start3A_37 = arith.constant 0 : i32
      %dma_start3A_38 = tpu.memref_slice %arg4[%add3A, %dma_start3A_36, %dma_start3A_37] : memref<32x40x128xi32, #tpu.memory_space<hbm>> -> memref<1x40x128xi32, #tpu.memory_space<hbm>>
      %dma_start3A_39 = tpu.memref_squeeze %dma_start3A_38 : memref<1x40x128xi32, #tpu.memory_space<hbm>> -> memref<40x128xi32, #tpu.memory_space<hbm>>
      tpu.enqueue_dma source(%dma_start3A_39 : memref<40x128xi32, #tpu.memory_space<hbm>>) target(%arg8 : memref<40x128xi32, #tpu.memory_space<vmem>>) target_semaphore(%run_scoped3A : memref<!tpu.dma_semaphore, #tpu.memory_space<semaphore_mem>>)
      %dma_wait3A = arith.constant 0 : i32
      %dma_wait3A_40 = arith.constant 0 : i32
      %dma_wait3A_41 = tpu.memref_slice %arg4[%add3A, %dma_wait3A, %dma_wait3A_40] : memref<32x40x128xi32, #tpu.memory_space<hbm>> -> memref<1x40x128xi32, #tpu.memory_space<hbm>>
      %dma_wait3A_42 = tpu.memref_squeeze %dma_wait3A_41 : memref<1x40x128xi32, #tpu.memory_space<hbm>> -> memref<40x128xi32, #tpu.memory_space<hbm>>
      %dma_wait3A_43 = arith.constant 0 : i32
      %dma_wait3A_44 = arith.constant 0 : i32
      %dma_wait3A_45 = tpu.memref_slice %arg4[%add3A, %dma_wait3A_43, %dma_wait3A_44] : memref<32x40x128xi32, #tpu.memory_space<hbm>> -> memref<1x40x128xi32, #tpu.memory_space<hbm>>
      %dma_wait3A_46 = tpu.memref_squeeze %dma_wait3A_45 : memref<1x40x128xi32, #tpu.memory_space<hbm>> -> memref<40x128xi32, #tpu.memory_space<hbm>>
      tpu.wait_dma2 semaphore(%run_scoped3A : memref<!tpu.dma_semaphore, #tpu.memory_space<semaphore_mem>>) src(%dma_wait3A_46 : memref<40x128xi32, #tpu.memory_space<hbm>>) dst(%arg8 : memref<40x128xi32, #tpu.memory_space<vmem>>)
      tpu.yield
    }) : () -> ()
    %mul3A_1 = arith.constant 12544 : i32
    %mul3A_2 = arith.muli %arg1, %mul3A_1 : i32
    %multiple_of3A = tpu.assume_multiple %mul3A_2, 128 : i32
    "tpu.region"() ({
      %run_scoped3A = tpu.sem_alloc : memref<!tpu.dma_semaphore, #tpu.memory_space<semaphore_mem>>
      %dma_start3A = tpu.memref_slice %arg2[%multiple_of3A] : memref<200704xf32, #tpu.memory_space<hbm>> -> memref<12544xf32, #tpu.memory_space<hbm>>
      %dma_start3A_33 = tpu.memref_slice %arg2[%multiple_of3A] : memref<200704xf32, #tpu.memory_space<hbm>> -> memref<12544xf32, #tpu.memory_space<hbm>>
      tpu.enqueue_dma source(%dma_start3A_33 : memref<12544xf32, #tpu.memory_space<hbm>>) target(%arg10 : memref<12544xf32, #tpu.memory_space<vmem>>) target_semaphore(%run_scoped3A : memref<!tpu.dma_semaphore, #tpu.memory_space<semaphore_mem>>)
      %dma_wait3A = tpu.memref_slice %arg2[%multiple_of3A] : memref<200704xf32, #tpu.memory_space<hbm>> -> memref<12544xf32, #tpu.memory_space<hbm>>
      %dma_wait3A_34 = tpu.memref_slice %arg2[%multiple_of3A] : memref<200704xf32, #tpu.memory_space<hbm>> -> memref<12544xf32, #tpu.memory_space<hbm>>
      tpu.wait_dma2 semaphore(%run_scoped3A : memref<!tpu.dma_semaphore, #tpu.memory_space<semaphore_mem>>) src(%dma_wait3A_34 : memref<12544xf32, #tpu.memory_space<hbm>>) dst(%arg10 : memref<12544xf32, #tpu.memory_space<vmem>>)
      tpu.yield
    }) : () -> ()
    %mul3A_3 = arith.constant 12544 : i32
    %mul3A_4 = arith.muli %arg1, %mul3A_3 : i32
    "tpu.region"() ({
      %run_scoped3A = tpu.sem_alloc : memref<!tpu.dma_semaphore, #tpu.memory_space<semaphore_mem>>
      %dma_start3A = tpu.memref_slice %arg11[%mul3A_4] : memref<200704xf32, #tpu.memory_space<vmem_shared>> -> memref<12544xf32, #tpu.memory_space<vmem_shared>>
      %dma_start3A_33 = tpu.memref_slice %arg11[%mul3A_4] : memref<200704xf32, #tpu.memory_space<vmem_shared>> -> memref<12544xf32, #tpu.memory_space<vmem_shared>>
      tpu.enqueue_dma source(%arg10 : memref<12544xf32, #tpu.memory_space<vmem>>) target(%dma_start3A_33 : memref<12544xf32, #tpu.memory_space<vmem_shared>>) target_semaphore(%run_scoped3A : memref<!tpu.dma_semaphore, #tpu.memory_space<semaphore_mem>>)
      %dma_wait3A = tpu.memref_slice %arg11[%mul3A_4] : memref<200704xf32, #tpu.memory_space<vmem_shared>> -> memref<12544xf32, #tpu.memory_space<vmem_shared>>
      %dma_wait3A_34 = tpu.memref_slice %arg11[%mul3A_4] : memref<200704xf32, #tpu.memory_space<vmem_shared>> -> memref<12544xf32, #tpu.memory_space<vmem_shared>>
      tpu.wait_dma2 semaphore(%run_scoped3A : memref<!tpu.dma_semaphore, #tpu.memory_space<semaphore_mem>>) src(%arg10 : memref<12544xf32, #tpu.memory_space<vmem>>) dst(%dma_wait3A_34 : memref<12544xf32, #tpu.memory_space<vmem_shared>>)
      tpu.yield
    }) : () -> ()
    "tpu.region"() ({
      %run_scoped3A = tpu.sem_alloc : memref<!tpu.dma_semaphore, #tpu.memory_space<semaphore_mem>>
      tpu.enqueue_dma source(%arg5 : memref<12544xf32, #tpu.memory_space<hbm>>) target(%arg10 : memref<12544xf32, #tpu.memory_space<vmem>>) target_semaphore(%run_scoped3A : memref<!tpu.dma_semaphore, #tpu.memory_space<semaphore_mem>>)
      tpu.wait_dma2 semaphore(%run_scoped3A : memref<!tpu.dma_semaphore, #tpu.memory_space<semaphore_mem>>) src(%arg5 : memref<12544xf32, #tpu.memory_space<hbm>>) dst(%arg10 : memref<12544xf32, #tpu.memory_space<vmem>>)
      tpu.yield
    }) : () -> ()
    %mul3A_5 = arith.constant 12544 : i32
    %mul3A_6 = arith.muli %arg1, %mul3A_5 : i32
    "tpu.region"() ({
      %run_scoped3A = tpu.sem_alloc : memref<!tpu.dma_semaphore, #tpu.memory_space<semaphore_mem>>
      %dma_start3A = tpu.memref_slice %arg12[%mul3A_6] : memref<200704xf32, #tpu.memory_space<vmem_shared>> -> memref<12544xf32, #tpu.memory_space<vmem_shared>>
      %dma_start3A_33 = tpu.memref_slice %arg12[%mul3A_6] : memref<200704xf32, #tpu.memory_space<vmem_shared>> -> memref<12544xf32, #tpu.memory_space<vmem_shared>>
      tpu.enqueue_dma source(%arg10 : memref<12544xf32, #tpu.memory_space<vmem>>) target(%dma_start3A_33 : memref<12544xf32, #tpu.memory_space<vmem_shared>>) target_semaphore(%run_scoped3A : memref<!tpu.dma_semaphore, #tpu.memory_space<semaphore_mem>>)
      %dma_wait3A = tpu.memref_slice %arg12[%mul3A_6] : memref<200704xf32, #tpu.memory_space<vmem_shared>> -> memref<12544xf32, #tpu.memory_space<vmem_shared>>
      %dma_wait3A_34 = tpu.memref_slice %arg12[%mul3A_6] : memref<200704xf32, #tpu.memory_space<vmem_shared>> -> memref<12544xf32, #tpu.memory_space<vmem_shared>>
      tpu.wait_dma2 semaphore(%run_scoped3A : memref<!tpu.dma_semaphore, #tpu.memory_space<semaphore_mem>>) src(%arg10 : memref<12544xf32, #tpu.memory_space<vmem>>) dst(%dma_wait3A_34 : memref<12544xf32, #tpu.memory_space<vmem_shared>>)
      tpu.yield
    }) : () -> ()
    %barrier3A = arith.constant 0 : index
    tpu.barrier barrier_id(%barrier3A)
    %scan3A = arith.constant 0 : i32
    %scan3A_7 = arith.constant 0 : i32
    %scan3A_8 = arith.constant 8 : i32
    %scan3A_9 = arith.addi %scan3A_7, %scan3A_8 : i32
    %scan3A_10 = arith.constant 1 : i32
    scf.for %scan3A_33 = %scan3A_7 to %scan3A_9 step %scan3A_10  : i32 {
      %dma_start3A = arith.constant 0 : i32
      %dma_start3A_34 = tpu.memref_slice %arg9[%scan3A_33, %dma_start3A] : memref<40x128xf32, #tpu.memory_space<vmem>> -> memref<1x128xf32, #tpu.memory_space<vmem>>
      %dma_start3A_35 = tpu.memref_squeeze %dma_start3A_34 : memref<1x128xf32, #tpu.memory_space<vmem>> -> memref<128xf32, #tpu.memory_space<vmem>>
      %dma_start3A_36 = arith.constant 0 : i32
      %dma_start3A_37 = tpu.memref_slice %arg7[%scan3A_33, %dma_start3A_36] : memref<40x128xi32, #tpu.memory_space<vmem>> -> memref<1x128xi32, #tpu.memory_space<vmem>>
      %dma_start3A_38 = tpu.memref_squeeze %dma_start3A_37 : memref<1x128xi32, #tpu.memory_space<vmem>> -> memref<128xi32, #tpu.memory_space<vmem>>
      %dma_start3A_39 = arith.constant 0 : i32
      %dma_start3A_40 = tpu.memref_slice %arg11[%dma_start3A_39] : memref<200704xf32, #tpu.memory_space<vmem_shared>> -> memref<200704xf32, #tpu.memory_space<vmem_shared>>
      tpu.enqueue_indirect_dma source(%dma_start3A_40 : memref<200704xf32, #tpu.memory_space<vmem_shared>>) target(%dma_start3A_35 : memref<128xf32, #tpu.memory_space<vmem>>) offsets(%dma_start3A_38 : memref<128xi32, #tpu.memory_space<vmem>>) semaphore(%arg13 : memref<!tpu.dma_semaphore, #tpu.memory_space<semaphore_mem>>)
    }
    %scan3A_11 = arith.constant 8 : i32
    %scan3A_12 = arith.constant 0 : i32
    %scan3A_13 = arith.constant 0 : i32
    %scan3A_14 = arith.constant 40 : i32
    %scan3A_15 = arith.addi %scan3A_13, %scan3A_14 : i32
    %scan3A_16 = arith.constant 1 : i32
    scf.for %scan3A_33 = %scan3A_13 to %scan3A_15 step %scan3A_16  : i32 {
      %dma_wait3A = arith.constant 0 : i32
      %dma_wait3A_34 = tpu.memref_slice %arg9[%scan3A_33, %dma_wait3A] : memref<40x128xf32, #tpu.memory_space<vmem>> -> memref<1x128xf32, #tpu.memory_space<vmem>>
      %dma_wait3A_35 = tpu.memref_squeeze %dma_wait3A_34 : memref<1x128xf32, #tpu.memory_space<vmem>> -> memref<128xf32, #tpu.memory_space<vmem>>
      %dma_wait3A_36 = arith.constant 0 : i32
      %dma_wait3A_37 = tpu.memref_slice %arg7[%scan3A_33, %dma_wait3A_36] : memref<40x128xi32, #tpu.memory_space<vmem>> -> memref<1x128xi32, #tpu.memory_space<vmem>>
      %dma_wait3A_38 = tpu.memref_squeeze %dma_wait3A_37 : memref<1x128xi32, #tpu.memory_space<vmem>> -> memref<128xi32, #tpu.memory_space<vmem>>
      %dma_wait3A_39 = arith.constant 0 : i32
      %dma_wait3A_40 = tpu.memref_slice %arg11[%dma_wait3A_39] : memref<200704xf32, #tpu.memory_space<vmem_shared>> -> memref<200704xf32, #tpu.memory_space<vmem_shared>>
      tpu.wait_indirect_dma semaphore(%arg13 : memref<!tpu.dma_semaphore, #tpu.memory_space<semaphore_mem>>) src(%dma_wait3A_40 : memref<200704xf32, #tpu.memory_space<vmem_shared>>) dst(%dma_wait3A_35 : memref<128xf32, #tpu.memory_space<vmem>>)
      %dma_start3A = arith.constant 0 : i32
      %dma_start3A_41 = tpu.memref_slice %arg9[%scan3A_33, %dma_start3A] : memref<40x128xf32, #tpu.memory_space<vmem>> -> memref<1x128xf32, #tpu.memory_space<vmem>>
      %dma_start3A_42 = tpu.memref_squeeze %dma_start3A_41 : memref<1x128xf32, #tpu.memory_space<vmem>> -> memref<128xf32, #tpu.memory_space<vmem>>
      %dma_start3A_43 = arith.constant 0 : i32
      %dma_start3A_44 = tpu.memref_slice %arg8[%scan3A_33, %dma_start3A_43] : memref<40x128xi32, #tpu.memory_space<vmem>> -> memref<1x128xi32, #tpu.memory_space<vmem>>
      %dma_start3A_45 = tpu.memref_squeeze %dma_start3A_44 : memref<1x128xi32, #tpu.memory_space<vmem>> -> memref<128xi32, #tpu.memory_space<vmem>>
      %dma_start3A_46 = arith.constant 0 : i32
      %dma_start3A_47 = tpu.memref_slice %arg12[%dma_start3A_46] : memref<200704xf32, #tpu.memory_space<vmem_shared>> -> memref<200704xf32, #tpu.memory_space<vmem_shared>>
      tpu.enqueue_indirect_dma source(%dma_start3A_42 : memref<128xf32, #tpu.memory_space<vmem>>) target(%dma_start3A_47 : memref<200704xf32, #tpu.memory_space<vmem_shared>>) offsets(%dma_start3A_45 : memref<128xi32, #tpu.memory_space<vmem>>) semaphore(%arg14 : memref<!tpu.dma_semaphore, #tpu.memory_space<semaphore_mem>>) {add = true}
      %lt3A = arith.constant 32 : i32
      %lt3A_48 = arith.cmpi slt, %scan3A_33, %lt3A : i32
      %convert_element_type3A = arith.extui %lt3A_48 : i1 to i32
      %cond3A = arith.constant 0 : i32
      %cond3A_49 = arith.cmpi ne, %convert_element_type3A, %cond3A : i32
      scf.if %cond3A_49 {
        %add3A_50 = arith.constant 8 : i32
        %add3A_51 = arith.addi %scan3A_33, %add3A_50 : i32
        %dma_start3A_52 = arith.constant 0 : i32
        %dma_start3A_53 = tpu.memref_slice %arg9[%add3A_51, %dma_start3A_52] : memref<40x128xf32, #tpu.memory_space<vmem>> -> memref<1x128xf32, #tpu.memory_space<vmem>>
        %dma_start3A_54 = tpu.memref_squeeze %dma_start3A_53 : memref<1x128xf32, #tpu.memory_space<vmem>> -> memref<128xf32, #tpu.memory_space<vmem>>
        %dma_start3A_55 = arith.constant 0 : i32
        %dma_start3A_56 = tpu.memref_slice %arg7[%add3A_51, %dma_start3A_55] : memref<40x128xi32, #tpu.memory_space<vmem>> -> memref<1x128xi32, #tpu.memory_space<vmem>>
        %dma_start3A_57 = tpu.memref_squeeze %dma_start3A_56 : memref<1x128xi32, #tpu.memory_space<vmem>> -> memref<128xi32, #tpu.memory_space<vmem>>
        %dma_start3A_58 = arith.constant 0 : i32
        %dma_start3A_59 = tpu.memref_slice %arg11[%dma_start3A_58] : memref<200704xf32, #tpu.memory_space<vmem_shared>> -> memref<200704xf32, #tpu.memory_space<vmem_shared>>
        tpu.enqueue_indirect_dma source(%dma_start3A_59 : memref<200704xf32, #tpu.memory_space<vmem_shared>>) target(%dma_start3A_54 : memref<128xf32, #tpu.memory_space<vmem>>) offsets(%dma_start3A_57 : memref<128xi32, #tpu.memory_space<vmem>>) semaphore(%arg13 : memref<!tpu.dma_semaphore, #tpu.memory_space<semaphore_mem>>)
      } else {
      }
    }
    %scan3A_17 = arith.constant 40 : i32
    %scan3A_18 = arith.constant 0 : i32
    %scan3A_19 = arith.constant 0 : i32
    %scan3A_20 = arith.constant 40 : i32
    %scan3A_21 = arith.addi %scan3A_19, %scan3A_20 : i32
    %scan3A_22 = arith.constant 1 : i32
    scf.for %scan3A_33 = %scan3A_19 to %scan3A_21 step %scan3A_22  : i32 {
      %dma_wait3A = arith.constant 0 : i32
      %dma_wait3A_34 = tpu.memref_slice %arg9[%scan3A_33, %dma_wait3A] : memref<40x128xf32, #tpu.memory_space<vmem>> -> memref<1x128xf32, #tpu.memory_space<vmem>>
      %dma_wait3A_35 = tpu.memref_squeeze %dma_wait3A_34 : memref<1x128xf32, #tpu.memory_space<vmem>> -> memref<128xf32, #tpu.memory_space<vmem>>
      %dma_wait3A_36 = arith.constant 0 : i32
      %dma_wait3A_37 = tpu.memref_slice %arg8[%scan3A_33, %dma_wait3A_36] : memref<40x128xi32, #tpu.memory_space<vmem>> -> memref<1x128xi32, #tpu.memory_space<vmem>>
      %dma_wait3A_38 = tpu.memref_squeeze %dma_wait3A_37 : memref<1x128xi32, #tpu.memory_space<vmem>> -> memref<128xi32, #tpu.memory_space<vmem>>
      %dma_wait3A_39 = arith.constant 0 : i32
      %dma_wait3A_40 = tpu.memref_slice %arg12[%dma_wait3A_39] : memref<200704xf32, #tpu.memory_space<vmem_shared>> -> memref<200704xf32, #tpu.memory_space<vmem_shared>>
      tpu.wait_indirect_dma semaphore(%arg14 : memref<!tpu.dma_semaphore, #tpu.memory_space<semaphore_mem>>) src(%dma_wait3A_35 : memref<128xf32, #tpu.memory_space<vmem>>) dst(%dma_wait3A_40 : memref<200704xf32, #tpu.memory_space<vmem_shared>>)
    }
    %scan3A_23 = arith.constant 40 : i32
    %barrier3A_24 = arith.constant 0 : index
    tpu.barrier barrier_id(%barrier3A_24)
    %mul3A_25 = arith.constant 200704 : i32
    %mul3A_26 = arith.muli %arg0, %mul3A_25 : i32
    %mul3A_27 = arith.constant 12544 : i32
    %mul3A_28 = arith.muli %arg1, %mul3A_27 : i32
    %add3A_29 = arith.addi %mul3A_26, %mul3A_28 : i32
    %multiple_of3A_30 = tpu.assume_multiple %add3A_29, 128 : i32
    %mul3A_31 = arith.constant 12544 : i32
    %mul3A_32 = arith.muli %arg1, %mul3A_31 : i32
    "tpu.region"() ({
      %run_scoped3A = tpu.sem_alloc : memref<!tpu.dma_semaphore, #tpu.memory_space<semaphore_mem>>
      %dma_start3A = tpu.memref_slice %arg12[%mul3A_32] : memref<200704xf32, #tpu.memory_space<vmem_shared>> -> memref<12544xf32, #tpu.memory_space<vmem_shared>>
      %dma_start3A_33 = tpu.memref_slice %arg12[%mul3A_32] : memref<200704xf32, #tpu.memory_space<vmem_shared>> -> memref<12544xf32, #tpu.memory_space<vmem_shared>>
      tpu.enqueue_dma source(%dma_start3A_33 : memref<12544xf32, #tpu.memory_space<vmem_shared>>) target(%arg10 : memref<12544xf32, #tpu.memory_space<vmem>>) target_semaphore(%run_scoped3A : memref<!tpu.dma_semaphore, #tpu.memory_space<semaphore_mem>>)
      %dma_wait3A = tpu.memref_slice %arg12[%mul3A_32] : memref<200704xf32, #tpu.memory_space<vmem_shared>> -> memref<12544xf32, #tpu.memory_space<vmem_shared>>
      %dma_wait3A_34 = tpu.memref_slice %arg12[%mul3A_32] : memref<200704xf32, #tpu.memory_space<vmem_shared>> -> memref<12544xf32, #tpu.memory_space<vmem_shared>>
      tpu.wait_dma2 semaphore(%run_scoped3A : memref<!tpu.dma_semaphore, #tpu.memory_space<semaphore_mem>>) src(%dma_wait3A_34 : memref<12544xf32, #tpu.memory_space<vmem_shared>>) dst(%arg10 : memref<12544xf32, #tpu.memory_space<vmem>>)
      tpu.yield
    }) : () -> ()
    "tpu.region"() ({
      %run_scoped3A = tpu.sem_alloc : memref<!tpu.dma_semaphore, #tpu.memory_space<semaphore_mem>>
      %dma_start3A = tpu.memref_slice %arg6[%multiple_of3A_30] : memref<401408xf32, #tpu.memory_space<hbm>> -> memref<12544xf32, #tpu.memory_space<hbm>>
      %dma_start3A_33 = tpu.memref_slice %arg6[%multiple_of3A_30] : memref<401408xf32, #tpu.memory_space<hbm>> -> memref<12544xf32, #tpu.memory_space<hbm>>
      tpu.enqueue_dma source(%arg10 : memref<12544xf32, #tpu.memory_space<vmem>>) target(%dma_start3A_33 : memref<12544xf32, #tpu.memory_space<hbm>>) target_semaphore(%run_scoped3A : memref<!tpu.dma_semaphore, #tpu.memory_space<semaphore_mem>>)
      %dma_wait3A = tpu.memref_slice %arg6[%multiple_of3A_30] : memref<401408xf32, #tpu.memory_space<hbm>> -> memref<12544xf32, #tpu.memory_space<hbm>>
      %dma_wait3A_34 = tpu.memref_slice %arg6[%multiple_of3A_30] : memref<401408xf32, #tpu.memory_space<hbm>> -> memref<12544xf32, #tpu.memory_space<hbm>>
      tpu.wait_dma2 semaphore(%run_scoped3A : memref<!tpu.dma_semaphore, #tpu.memory_space<semaphore_mem>>) src(%arg10 : memref<12544xf32, #tpu.memory_space<vmem>>) dst(%dma_wait3A_34 : memref<12544xf32, #tpu.memory_space<hbm>>)
      tpu.yield
    }) : () -> ()
    return
  }
}

#map = affine_map<(d0, d1) -> (0)>
#map1 = affine_map<(d0, d1) -> (0, 0, 0)>
module attributes {stable_mosaic.version = 14 : i64} {
  func.func @_edge_sc_body(%arg0: i32, %arg1: i32, %arg2: memref<200704xf32, #tpu.memory_space<hbm>>, %arg3: memref<32x40x128xi32, #tpu.memory_space<hbm>>, %arg4: memref<32x40x128xi32, #tpu.memory_space<hbm>>, %arg5: memref<12544xf32, #tpu.memory_space<hbm>>, %arg6: memref<401408xf32, #tpu.memory_space<hbm>>, %arg7: memref<40x128xi32, #tpu.memory_space<vmem>>, %arg8: memref<40x128xi32, #tpu.memory_space<vmem>>, %arg9: memref<40x128xf32, #tpu.memory_space<vmem>>, %arg10: memref<12544xf32, #tpu.memory_space<vmem>>, %arg11: memref<200704xf32, #tpu.memory_space<vmem_shared>>, %arg12: memref<200704xf32, #tpu.memory_space<vmem_shared>>, %arg13: memref<!tpu.dma_semaphore, #tpu.memory_space<semaphore_mem>>, %arg14: memref<!tpu.dma_semaphore, #tpu.memory_space<semaphore_mem>>) attributes {dimension_semantics = [#tpu.dimension_semantics<core_parallel>, #tpu.dimension_semantics<subcore_parallel>], iteration_bounds = array<i64: 2, 16>, scalar_prefetch = 0 : i64, scratch_operands = 8 : i64, tpu.core_type = #tpu.core_type<sc_vector_subcore>, window_params = [{transform_indices = #map}, {transform_indices = #map1}, {transform_indices = #map1}, {transform_indices = #map}, {transform_indices = #map}]} {
    %mul3A = arith.constant 16 : i32
    %mul3A_0 = arith.muli %arg0, %mul3A : i32
    %add3A = arith.addi %mul3A_0, %arg1 : i32
    "tpu.region"() ({
      %run_scoped3A = tpu.sem_alloc : memref<!tpu.dma_semaphore, #tpu.memory_space<semaphore_mem>>
      %dma_start3A = arith.constant 0 : i32
      %dma_start3A_33 = arith.constant 0 : i32
      %dma_start3A_34 = tpu.memref_slice %arg3[%add3A, %dma_start3A, %dma_start3A_33] : memref<32x40x128xi32, #tpu.memory_space<hbm>> -> memref<1x40x128xi32, #tpu.memory_space<hbm>>
      %dma_start3A_35 = tpu.memref_squeeze %dma_start3A_34 : memref<1x40x128xi32, #tpu.memory_space<hbm>> -> memref<40x128xi32, #tpu.memory_space<hbm>>
      %dma_start3A_36 = arith.constant 0 : i32
      %dma_start3A_37 = arith.constant 0 : i32
      %dma_start3A_38 = tpu.memref_slice %arg3[%add3A, %dma_start3A_36, %dma_start3A_37] : memref<32x40x128xi32, #tpu.memory_space<hbm>> -> memref<1x40x128xi32, #tpu.memory_space<hbm>>
      %dma_start3A_39 = tpu.memref_squeeze %dma_start3A_38 : memref<1x40x128xi32, #tpu.memory_space<hbm>> -> memref<40x128xi32, #tpu.memory_space<hbm>>
      tpu.enqueue_dma source(%dma_start3A_39 : memref<40x128xi32, #tpu.memory_space<hbm>>) target(%arg7 : memref<40x128xi32, #tpu.memory_space<vmem>>) target_semaphore(%run_scoped3A : memref<!tpu.dma_semaphore, #tpu.memory_space<semaphore_mem>>)
      %dma_wait3A = arith.constant 0 : i32
      %dma_wait3A_40 = arith.constant 0 : i32
      %dma_wait3A_41 = tpu.memref_slice %arg3[%add3A, %dma_wait3A, %dma_wait3A_40] : memref<32x40x128xi32, #tpu.memory_space<hbm>> -> memref<1x40x128xi32, #tpu.memory_space<hbm>>
      %dma_wait3A_42 = tpu.memref_squeeze %dma_wait3A_41 : memref<1x40x128xi32, #tpu.memory_space<hbm>> -> memref<40x128xi32, #tpu.memory_space<hbm>>
      %dma_wait3A_43 = arith.constant 0 : i32
      %dma_wait3A_44 = arith.constant 0 : i32
      %dma_wait3A_45 = tpu.memref_slice %arg3[%add3A, %dma_wait3A_43, %dma_wait3A_44] : memref<32x40x128xi32, #tpu.memory_space<hbm>> -> memref<1x40x128xi32, #tpu.memory_space<hbm>>
      %dma_wait3A_46 = tpu.memref_squeeze %dma_wait3A_45 : memref<1x40x128xi32, #tpu.memory_space<hbm>> -> memref<40x128xi32, #tpu.memory_space<hbm>>
      tpu.wait_dma2 semaphore(%run_scoped3A : memref<!tpu.dma_semaphore, #tpu.memory_space<semaphore_mem>>) src(%dma_wait3A_46 : memref<40x128xi32, #tpu.memory_space<hbm>>) dst(%arg7 : memref<40x128xi32, #tpu.memory_space<vmem>>)
      tpu.yield
    }) : () -> ()
    "tpu.region"() ({
      %run_scoped3A = tpu.sem_alloc : memref<!tpu.dma_semaphore, #tpu.memory_space<semaphore_mem>>
      %dma_start3A = arith.constant 0 : i32
      %dma_start3A_33 = arith.constant 0 : i32
      %dma_start3A_34 = tpu.memref_slice %arg4[%add3A, %dma_start3A, %dma_start3A_33] : memref<32x40x128xi32, #tpu.memory_space<hbm>> -> memref<1x40x128xi32, #tpu.memory_space<hbm>>
      %dma_start3A_35 = tpu.memref_squeeze %dma_start3A_34 : memref<1x40x128xi32, #tpu.memory_space<hbm>> -> memref<40x128xi32, #tpu.memory_space<hbm>>
      %dma_start3A_36 = arith.constant 0 : i32
      %dma_start3A_37 = arith.constant 0 : i32
      %dma_start3A_38 = tpu.memref_slice %arg4[%add3A, %dma_start3A_36, %dma_start3A_37] : memref<32x40x128xi32, #tpu.memory_space<hbm>> -> memref<1x40x128xi32, #tpu.memory_space<hbm>>
      %dma_start3A_39 = tpu.memref_squeeze %dma_start3A_38 : memref<1x40x128xi32, #tpu.memory_space<hbm>> -> memref<40x128xi32, #tpu.memory_space<hbm>>
      tpu.enqueue_dma source(%dma_start3A_39 : memref<40x128xi32, #tpu.memory_space<hbm>>) target(%arg8 : memref<40x128xi32, #tpu.memory_space<vmem>>) target_semaphore(%run_scoped3A : memref<!tpu.dma_semaphore, #tpu.memory_space<semaphore_mem>>)
      %dma_wait3A = arith.constant 0 : i32
      %dma_wait3A_40 = arith.constant 0 : i32
      %dma_wait3A_41 = tpu.memref_slice %arg4[%add3A, %dma_wait3A, %dma_wait3A_40] : memref<32x40x128xi32, #tpu.memory_space<hbm>> -> memref<1x40x128xi32, #tpu.memory_space<hbm>>
      %dma_wait3A_42 = tpu.memref_squeeze %dma_wait3A_41 : memref<1x40x128xi32, #tpu.memory_space<hbm>> -> memref<40x128xi32, #tpu.memory_space<hbm>>
      %dma_wait3A_43 = arith.constant 0 : i32
      %dma_wait3A_44 = arith.constant 0 : i32
      %dma_wait3A_45 = tpu.memref_slice %arg4[%add3A, %dma_wait3A_43, %dma_wait3A_44] : memref<32x40x128xi32, #tpu.memory_space<hbm>> -> memref<1x40x128xi32, #tpu.memory_space<hbm>>
      %dma_wait3A_46 = tpu.memref_squeeze %dma_wait3A_45 : memref<1x40x128xi32, #tpu.memory_space<hbm>> -> memref<40x128xi32, #tpu.memory_space<hbm>>
      tpu.wait_dma2 semaphore(%run_scoped3A : memref<!tpu.dma_semaphore, #tpu.memory_space<semaphore_mem>>) src(%dma_wait3A_46 : memref<40x128xi32, #tpu.memory_space<hbm>>) dst(%arg8 : memref<40x128xi32, #tpu.memory_space<vmem>>)
      tpu.yield
    }) : () -> ()
    %mul3A_1 = arith.constant 12544 : i32
    %mul3A_2 = arith.muli %arg1, %mul3A_1 : i32
    %multiple_of3A = tpu.assume_multiple %mul3A_2, 128 : i32
    "tpu.region"() ({
      %run_scoped3A = tpu.sem_alloc : memref<!tpu.dma_semaphore, #tpu.memory_space<semaphore_mem>>
      %dma_start3A = tpu.memref_slice %arg2[%multiple_of3A] : memref<200704xf32, #tpu.memory_space<hbm>> -> memref<12544xf32, #tpu.memory_space<hbm>>
      %dma_start3A_33 = tpu.memref_slice %arg2[%multiple_of3A] : memref<200704xf32, #tpu.memory_space<hbm>> -> memref<12544xf32, #tpu.memory_space<hbm>>
      tpu.enqueue_dma source(%dma_start3A_33 : memref<12544xf32, #tpu.memory_space<hbm>>) target(%arg10 : memref<12544xf32, #tpu.memory_space<vmem>>) target_semaphore(%run_scoped3A : memref<!tpu.dma_semaphore, #tpu.memory_space<semaphore_mem>>)
      %dma_wait3A = tpu.memref_slice %arg2[%multiple_of3A] : memref<200704xf32, #tpu.memory_space<hbm>> -> memref<12544xf32, #tpu.memory_space<hbm>>
      %dma_wait3A_34 = tpu.memref_slice %arg2[%multiple_of3A] : memref<200704xf32, #tpu.memory_space<hbm>> -> memref<12544xf32, #tpu.memory_space<hbm>>
      tpu.wait_dma2 semaphore(%run_scoped3A : memref<!tpu.dma_semaphore, #tpu.memory_space<semaphore_mem>>) src(%dma_wait3A_34 : memref<12544xf32, #tpu.memory_space<hbm>>) dst(%arg10 : memref<12544xf32, #tpu.memory_space<vmem>>)
      tpu.yield
    }) : () -> ()
    %mul3A_3 = arith.constant 12544 : i32
    %mul3A_4 = arith.muli %arg1, %mul3A_3 : i32
    "tpu.region"() ({
      %run_scoped3A = tpu.sem_alloc : memref<!tpu.dma_semaphore, #tpu.memory_space<semaphore_mem>>
      %dma_start3A = tpu.memref_slice %arg11[%mul3A_4] : memref<200704xf32, #tpu.memory_space<vmem_shared>> -> memref<12544xf32, #tpu.memory_space<vmem_shared>>
      %dma_start3A_33 = tpu.memref_slice %arg11[%mul3A_4] : memref<200704xf32, #tpu.memory_space<vmem_shared>> -> memref<12544xf32, #tpu.memory_space<vmem_shared>>
      tpu.enqueue_dma source(%arg10 : memref<12544xf32, #tpu.memory_space<vmem>>) target(%dma_start3A_33 : memref<12544xf32, #tpu.memory_space<vmem_shared>>) target_semaphore(%run_scoped3A : memref<!tpu.dma_semaphore, #tpu.memory_space<semaphore_mem>>)
      %dma_wait3A = tpu.memref_slice %arg11[%mul3A_4] : memref<200704xf32, #tpu.memory_space<vmem_shared>> -> memref<12544xf32, #tpu.memory_space<vmem_shared>>
      %dma_wait3A_34 = tpu.memref_slice %arg11[%mul3A_4] : memref<200704xf32, #tpu.memory_space<vmem_shared>> -> memref<12544xf32, #tpu.memory_space<vmem_shared>>
      tpu.wait_dma2 semaphore(%run_scoped3A : memref<!tpu.dma_semaphore, #tpu.memory_space<semaphore_mem>>) src(%arg10 : memref<12544xf32, #tpu.memory_space<vmem>>) dst(%dma_wait3A_34 : memref<12544xf32, #tpu.memory_space<vmem_shared>>)
      tpu.yield
    }) : () -> ()
    "tpu.region"() ({
      %run_scoped3A = tpu.sem_alloc : memref<!tpu.dma_semaphore, #tpu.memory_space<semaphore_mem>>
      tpu.enqueue_dma source(%arg5 : memref<12544xf32, #tpu.memory_space<hbm>>) target(%arg10 : memref<12544xf32, #tpu.memory_space<vmem>>) target_semaphore(%run_scoped3A : memref<!tpu.dma_semaphore, #tpu.memory_space<semaphore_mem>>)
      tpu.wait_dma2 semaphore(%run_scoped3A : memref<!tpu.dma_semaphore, #tpu.memory_space<semaphore_mem>>) src(%arg5 : memref<12544xf32, #tpu.memory_space<hbm>>) dst(%arg10 : memref<12544xf32, #tpu.memory_space<vmem>>)
      tpu.yield
    }) : () -> ()
    %mul3A_5 = arith.constant 12544 : i32
    %mul3A_6 = arith.muli %arg1, %mul3A_5 : i32
    "tpu.region"() ({
      %run_scoped3A = tpu.sem_alloc : memref<!tpu.dma_semaphore, #tpu.memory_space<semaphore_mem>>
      %dma_start3A = tpu.memref_slice %arg12[%mul3A_6] : memref<200704xf32, #tpu.memory_space<vmem_shared>> -> memref<12544xf32, #tpu.memory_space<vmem_shared>>
      %dma_start3A_33 = tpu.memref_slice %arg12[%mul3A_6] : memref<200704xf32, #tpu.memory_space<vmem_shared>> -> memref<12544xf32, #tpu.memory_space<vmem_shared>>
      tpu.enqueue_dma source(%arg10 : memref<12544xf32, #tpu.memory_space<vmem>>) target(%dma_start3A_33 : memref<12544xf32, #tpu.memory_space<vmem_shared>>) target_semaphore(%run_scoped3A : memref<!tpu.dma_semaphore, #tpu.memory_space<semaphore_mem>>)
      %dma_wait3A = tpu.memref_slice %arg12[%mul3A_6] : memref<200704xf32, #tpu.memory_space<vmem_shared>> -> memref<12544xf32, #tpu.memory_space<vmem_shared>>
      %dma_wait3A_34 = tpu.memref_slice %arg12[%mul3A_6] : memref<200704xf32, #tpu.memory_space<vmem_shared>> -> memref<12544xf32, #tpu.memory_space<vmem_shared>>
      tpu.wait_dma2 semaphore(%run_scoped3A : memref<!tpu.dma_semaphore, #tpu.memory_space<semaphore_mem>>) src(%arg10 : memref<12544xf32, #tpu.memory_space<vmem>>) dst(%dma_wait3A_34 : memref<12544xf32, #tpu.memory_space<vmem_shared>>)
      tpu.yield
    }) : () -> ()
    %barrier3A = arith.constant 0 : index
    tpu.barrier barrier_id(%barrier3A)
    %scan3A = arith.constant 0 : i32
    %scan3A_7 = arith.constant 0 : i32
    %scan3A_8 = arith.constant 8 : i32
    %scan3A_9 = arith.addi %scan3A_7, %scan3A_8 : i32
    %scan3A_10 = arith.constant 1 : i32
    scf.for %scan3A_33 = %scan3A_7 to %scan3A_9 step %scan3A_10  : i32 {
      %dma_start3A = arith.constant 0 : i32
      %dma_start3A_34 = tpu.memref_slice %arg9[%scan3A_33, %dma_start3A] : memref<40x128xf32, #tpu.memory_space<vmem>> -> memref<1x128xf32, #tpu.memory_space<vmem>>
      %dma_start3A_35 = tpu.memref_squeeze %dma_start3A_34 : memref<1x128xf32, #tpu.memory_space<vmem>> -> memref<128xf32, #tpu.memory_space<vmem>>
      %dma_start3A_36 = arith.constant 0 : i32
      %dma_start3A_37 = tpu.memref_slice %arg7[%scan3A_33, %dma_start3A_36] : memref<40x128xi32, #tpu.memory_space<vmem>> -> memref<1x128xi32, #tpu.memory_space<vmem>>
      %dma_start3A_38 = tpu.memref_squeeze %dma_start3A_37 : memref<1x128xi32, #tpu.memory_space<vmem>> -> memref<128xi32, #tpu.memory_space<vmem>>
      %dma_start3A_39 = arith.constant 0 : i32
      %dma_start3A_40 = tpu.memref_slice %arg11[%dma_start3A_39] : memref<200704xf32, #tpu.memory_space<vmem_shared>> -> memref<200704xf32, #tpu.memory_space<vmem_shared>>
      tpu.enqueue_indirect_dma source(%dma_start3A_40 : memref<200704xf32, #tpu.memory_space<vmem_shared>>) target(%dma_start3A_35 : memref<128xf32, #tpu.memory_space<vmem>>) offsets(%dma_start3A_38 : memref<128xi32, #tpu.memory_space<vmem>>) semaphore(%arg13 : memref<!tpu.dma_semaphore, #tpu.memory_space<semaphore_mem>>)
    }
    %scan3A_11 = arith.constant 8 : i32
    %scan3A_12 = arith.constant 0 : i32
    %scan3A_13 = arith.constant 0 : i32
    %scan3A_14 = arith.constant 40 : i32
    %scan3A_15 = arith.addi %scan3A_13, %scan3A_14 : i32
    %scan3A_16 = arith.constant 1 : i32
    scf.for %scan3A_33 = %scan3A_13 to %scan3A_15 step %scan3A_16  : i32 {
      %dma_wait3A = arith.constant 0 : i32
      %dma_wait3A_34 = tpu.memref_slice %arg9[%scan3A_33, %dma_wait3A] : memref<40x128xf32, #tpu.memory_space<vmem>> -> memref<1x128xf32, #tpu.memory_space<vmem>>
      %dma_wait3A_35 = tpu.memref_squeeze %dma_wait3A_34 : memref<1x128xf32, #tpu.memory_space<vmem>> -> memref<128xf32, #tpu.memory_space<vmem>>
      %dma_wait3A_36 = arith.constant 0 : i32
      %dma_wait3A_37 = tpu.memref_slice %arg7[%scan3A_33, %dma_wait3A_36] : memref<40x128xi32, #tpu.memory_space<vmem>> -> memref<1x128xi32, #tpu.memory_space<vmem>>
      %dma_wait3A_38 = tpu.memref_squeeze %dma_wait3A_37 : memref<1x128xi32, #tpu.memory_space<vmem>> -> memref<128xi32, #tpu.memory_space<vmem>>
      %dma_wait3A_39 = arith.constant 0 : i32
      %dma_wait3A_40 = tpu.memref_slice %arg11[%dma_wait3A_39] : memref<200704xf32, #tpu.memory_space<vmem_shared>> -> memref<200704xf32, #tpu.memory_space<vmem_shared>>
      tpu.wait_indirect_dma semaphore(%arg13 : memref<!tpu.dma_semaphore, #tpu.memory_space<semaphore_mem>>) src(%dma_wait3A_40 : memref<200704xf32, #tpu.memory_space<vmem_shared>>) dst(%dma_wait3A_35 : memref<128xf32, #tpu.memory_space<vmem>>)
      %dma_start3A = arith.constant 0 : i32
      %dma_start3A_41 = tpu.memref_slice %arg9[%scan3A_33, %dma_start3A] : memref<40x128xf32, #tpu.memory_space<vmem>> -> memref<1x128xf32, #tpu.memory_space<vmem>>
      %dma_start3A_42 = tpu.memref_squeeze %dma_start3A_41 : memref<1x128xf32, #tpu.memory_space<vmem>> -> memref<128xf32, #tpu.memory_space<vmem>>
      %dma_start3A_43 = arith.constant 0 : i32
      %dma_start3A_44 = tpu.memref_slice %arg8[%scan3A_33, %dma_start3A_43] : memref<40x128xi32, #tpu.memory_space<vmem>> -> memref<1x128xi32, #tpu.memory_space<vmem>>
      %dma_start3A_45 = tpu.memref_squeeze %dma_start3A_44 : memref<1x128xi32, #tpu.memory_space<vmem>> -> memref<128xi32, #tpu.memory_space<vmem>>
      %dma_start3A_46 = arith.constant 0 : i32
      %dma_start3A_47 = tpu.memref_slice %arg12[%dma_start3A_46] : memref<200704xf32, #tpu.memory_space<vmem_shared>> -> memref<200704xf32, #tpu.memory_space<vmem_shared>>
      tpu.enqueue_indirect_dma source(%dma_start3A_42 : memref<128xf32, #tpu.memory_space<vmem>>) target(%dma_start3A_47 : memref<200704xf32, #tpu.memory_space<vmem_shared>>) offsets(%dma_start3A_45 : memref<128xi32, #tpu.memory_space<vmem>>) semaphore(%arg14 : memref<!tpu.dma_semaphore, #tpu.memory_space<semaphore_mem>>) {add = true}
      %lt3A = arith.constant 32 : i32
      %lt3A_48 = arith.cmpi slt, %scan3A_33, %lt3A : i32
      %convert_element_type3A = arith.extui %lt3A_48 : i1 to i32
      %cond3A = arith.constant 0 : i32
      %cond3A_49 = arith.cmpi ne, %convert_element_type3A, %cond3A : i32
      scf.if %cond3A_49 {
        %add3A_50 = arith.constant 8 : i32
        %add3A_51 = arith.addi %scan3A_33, %add3A_50 : i32
        %dma_start3A_52 = arith.constant 0 : i32
        %dma_start3A_53 = tpu.memref_slice %arg9[%add3A_51, %dma_start3A_52] : memref<40x128xf32, #tpu.memory_space<vmem>> -> memref<1x128xf32, #tpu.memory_space<vmem>>
        %dma_start3A_54 = tpu.memref_squeeze %dma_start3A_53 : memref<1x128xf32, #tpu.memory_space<vmem>> -> memref<128xf32, #tpu.memory_space<vmem>>
        %dma_start3A_55 = arith.constant 0 : i32
        %dma_start3A_56 = tpu.memref_slice %arg7[%add3A_51, %dma_start3A_55] : memref<40x128xi32, #tpu.memory_space<vmem>> -> memref<1x128xi32, #tpu.memory_space<vmem>>
        %dma_start3A_57 = tpu.memref_squeeze %dma_start3A_56 : memref<1x128xi32, #tpu.memory_space<vmem>> -> memref<128xi32, #tpu.memory_space<vmem>>
        %dma_start3A_58 = arith.constant 0 : i32
        %dma_start3A_59 = tpu.memref_slice %arg11[%dma_start3A_58] : memref<200704xf32, #tpu.memory_space<vmem_shared>> -> memref<200704xf32, #tpu.memory_space<vmem_shared>>
        tpu.enqueue_indirect_dma source(%dma_start3A_59 : memref<200704xf32, #tpu.memory_space<vmem_shared>>) target(%dma_start3A_54 : memref<128xf32, #tpu.memory_space<vmem>>) offsets(%dma_start3A_57 : memref<128xi32, #tpu.memory_space<vmem>>) semaphore(%arg13 : memref<!tpu.dma_semaphore, #tpu.memory_space<semaphore_mem>>)
      } else {
      }
    }
    %scan3A_17 = arith.constant 40 : i32
    %scan3A_18 = arith.constant 0 : i32
    %scan3A_19 = arith.constant 0 : i32
    %scan3A_20 = arith.constant 40 : i32
    %scan3A_21 = arith.addi %scan3A_19, %scan3A_20 : i32
    %scan3A_22 = arith.constant 1 : i32
    scf.for %scan3A_33 = %scan3A_19 to %scan3A_21 step %scan3A_22  : i32 {
      %dma_wait3A = arith.constant 0 : i32
      %dma_wait3A_34 = tpu.memref_slice %arg9[%scan3A_33, %dma_wait3A] : memref<40x128xf32, #tpu.memory_space<vmem>> -> memref<1x128xf32, #tpu.memory_space<vmem>>
      %dma_wait3A_35 = tpu.memref_squeeze %dma_wait3A_34 : memref<1x128xf32, #tpu.memory_space<vmem>> -> memref<128xf32, #tpu.memory_space<vmem>>
      %dma_wait3A_36 = arith.constant 0 : i32
      %dma_wait3A_37 = tpu.memref_slice %arg8[%scan3A_33, %dma_wait3A_36] : memref<40x128xi32, #tpu.memory_space<vmem>> -> memref<1x128xi32, #tpu.memory_space<vmem>>
      %dma_wait3A_38 = tpu.memref_squeeze %dma_wait3A_37 : memref<1x128xi32, #tpu.memory_space<vmem>> -> memref<128xi32, #tpu.memory_space<vmem>>
      %dma_wait3A_39 = arith.constant 0 : i32
      %dma_wait3A_40 = tpu.memref_slice %arg12[%dma_wait3A_39] : memref<200704xf32, #tpu.memory_space<vmem_shared>> -> memref<200704xf32, #tpu.memory_space<vmem_shared>>
      tpu.wait_indirect_dma semaphore(%arg14 : memref<!tpu.dma_semaphore, #tpu.memory_space<semaphore_mem>>) src(%dma_wait3A_35 : memref<128xf32, #tpu.memory_space<vmem>>) dst(%dma_wait3A_40 : memref<200704xf32, #tpu.memory_space<vmem_shared>>)
    }
    %scan3A_23 = arith.constant 40 : i32
    %barrier3A_24 = arith.constant 0 : index
    tpu.barrier barrier_id(%barrier3A_24)
    %mul3A_25 = arith.constant 200704 : i32
    %mul3A_26 = arith.muli %arg0, %mul3A_25 : i32
    %mul3A_27 = arith.constant 12544 : i32
    %mul3A_28 = arith.muli %arg1, %mul3A_27 : i32
    %add3A_29 = arith.addi %mul3A_26, %mul3A_28 : i32
    %multiple_of3A_30 = tpu.assume_multiple %add3A_29, 128 : i32
    %mul3A_31 = arith.constant 12544 : i32
    %mul3A_32 = arith.muli %arg1, %mul3A_31 : i32
    "tpu.region"() ({
      %run_scoped3A = tpu.sem_alloc : memref<!tpu.dma_semaphore, #tpu.memory_space<semaphore_mem>>
      %dma_start3A = tpu.memref_slice %arg12[%mul3A_32] : memref<200704xf32, #tpu.memory_space<vmem_shared>> -> memref<12544xf32, #tpu.memory_space<vmem_shared>>
      %dma_start3A_33 = tpu.memref_slice %arg12[%mul3A_32] : memref<200704xf32, #tpu.memory_space<vmem_shared>> -> memref<12544xf32, #tpu.memory_space<vmem_shared>>
      tpu.enqueue_dma source(%dma_start3A_33 : memref<12544xf32, #tpu.memory_space<vmem_shared>>) target(%arg10 : memref<12544xf32, #tpu.memory_space<vmem>>) target_semaphore(%run_scoped3A : memref<!tpu.dma_semaphore, #tpu.memory_space<semaphore_mem>>)
      %dma_wait3A = tpu.memref_slice %arg12[%mul3A_32] : memref<200704xf32, #tpu.memory_space<vmem_shared>> -> memref<12544xf32, #tpu.memory_space<vmem_shared>>
      %dma_wait3A_34 = tpu.memref_slice %arg12[%mul3A_32] : memref<200704xf32, #tpu.memory_space<vmem_shared>> -> memref<12544xf32, #tpu.memory_space<vmem_shared>>
      tpu.wait_dma2 semaphore(%run_scoped3A : memref<!tpu.dma_semaphore, #tpu.memory_space<semaphore_mem>>) src(%dma_wait3A_34 : memref<12544xf32, #tpu.memory_space<vmem_shared>>) dst(%arg10 : memref<12544xf32, #tpu.memory_space<vmem>>)
      tpu.yield
    }) : () -> ()
    "tpu.region"() ({
      %run_scoped3A = tpu.sem_alloc : memref<!tpu.dma_semaphore, #tpu.memory_space<semaphore_mem>>
      %dma_start3A = tpu.memref_slice %arg6[%multiple_of3A_30] : memref<401408xf32, #tpu.memory_space<hbm>> -> memref<12544xf32, #tpu.memory_space<hbm>>
      %dma_start3A_33 = tpu.memref_slice %arg6[%multiple_of3A_30] : memref<401408xf32, #tpu.memory_space<hbm>> -> memref<12544xf32, #tpu.memory_space<hbm>>
      tpu.enqueue_dma source(%arg10 : memref<12544xf32, #tpu.memory_space<vmem>>) target(%dma_start3A_33 : memref<12544xf32, #tpu.memory_space<hbm>>) target_semaphore(%run_scoped3A : memref<!tpu.dma_semaphore, #tpu.memory_space<semaphore_mem>>)
      %dma_wait3A = tpu.memref_slice %arg6[%multiple_of3A_30] : memref<401408xf32, #tpu.memory_space<hbm>> -> memref<12544xf32, #tpu.memory_space<hbm>>
      %dma_wait3A_34 = tpu.memref_slice %arg6[%multiple_of3A_30] : memref<401408xf32, #tpu.memory_space<hbm>> -> memref<12544xf32, #tpu.memory_space<hbm>>
      tpu.wait_dma2 semaphore(%run_scoped3A : memref<!tpu.dma_semaphore, #tpu.memory_space<semaphore_mem>>) src(%arg10 : memref<12544xf32, #tpu.memory_space<vmem>>) dst(%dma_wait3A_34 : memref<12544xf32, #tpu.memory_space<hbm>>)
      tpu.yield
    }) : () -> ()
    return
  }
}

#map = affine_map<(d0, d1) -> (0)>
#map1 = affine_map<(d0, d1) -> (0, 0, 0)>
module attributes {stable_mosaic.version = 14 : i64} {
  func.func @_edge_sc_body(%arg0: i32, %arg1: i32, %arg2: memref<200704xf32, #tpu.memory_space<hbm>>, %arg3: memref<32x40x128xi32, #tpu.memory_space<hbm>>, %arg4: memref<32x40x128xi32, #tpu.memory_space<hbm>>, %arg5: memref<12544xf32, #tpu.memory_space<hbm>>, %arg6: memref<401408xf32, #tpu.memory_space<hbm>>, %arg7: memref<40x128xi32, #tpu.memory_space<vmem>>, %arg8: memref<40x128xi32, #tpu.memory_space<vmem>>, %arg9: memref<40x128xf32, #tpu.memory_space<vmem>>, %arg10: memref<12544xf32, #tpu.memory_space<vmem>>, %arg11: memref<200704xf32, #tpu.memory_space<vmem_shared>>, %arg12: memref<200704xf32, #tpu.memory_space<vmem_shared>>, %arg13: memref<!tpu.dma_semaphore, #tpu.memory_space<semaphore_mem>>, %arg14: memref<!tpu.dma_semaphore, #tpu.memory_space<semaphore_mem>>) attributes {dimension_semantics = [#tpu.dimension_semantics<core_parallel>, #tpu.dimension_semantics<subcore_parallel>], iteration_bounds = array<i64: 2, 16>, scalar_prefetch = 0 : i64, scratch_operands = 8 : i64, tpu.core_type = #tpu.core_type<sc_vector_subcore>, window_params = [{transform_indices = #map}, {transform_indices = #map1}, {transform_indices = #map1}, {transform_indices = #map}, {transform_indices = #map}]} {
    %mul3A = arith.constant 16 : i32
    %mul3A_0 = arith.muli %arg0, %mul3A : i32
    %add3A = arith.addi %mul3A_0, %arg1 : i32
    "tpu.region"() ({
      %run_scoped3A = tpu.sem_alloc : memref<!tpu.dma_semaphore, #tpu.memory_space<semaphore_mem>>
      %dma_start3A = arith.constant 0 : i32
      %dma_start3A_33 = arith.constant 0 : i32
      %dma_start3A_34 = tpu.memref_slice %arg3[%add3A, %dma_start3A, %dma_start3A_33] : memref<32x40x128xi32, #tpu.memory_space<hbm>> -> memref<1x40x128xi32, #tpu.memory_space<hbm>>
      %dma_start3A_35 = tpu.memref_squeeze %dma_start3A_34 : memref<1x40x128xi32, #tpu.memory_space<hbm>> -> memref<40x128xi32, #tpu.memory_space<hbm>>
      %dma_start3A_36 = arith.constant 0 : i32
      %dma_start3A_37 = arith.constant 0 : i32
      %dma_start3A_38 = tpu.memref_slice %arg3[%add3A, %dma_start3A_36, %dma_start3A_37] : memref<32x40x128xi32, #tpu.memory_space<hbm>> -> memref<1x40x128xi32, #tpu.memory_space<hbm>>
      %dma_start3A_39 = tpu.memref_squeeze %dma_start3A_38 : memref<1x40x128xi32, #tpu.memory_space<hbm>> -> memref<40x128xi32, #tpu.memory_space<hbm>>
      tpu.enqueue_dma source(%dma_start3A_39 : memref<40x128xi32, #tpu.memory_space<hbm>>) target(%arg7 : memref<40x128xi32, #tpu.memory_space<vmem>>) target_semaphore(%run_scoped3A : memref<!tpu.dma_semaphore, #tpu.memory_space<semaphore_mem>>)
      %dma_wait3A = arith.constant 0 : i32
      %dma_wait3A_40 = arith.constant 0 : i32
      %dma_wait3A_41 = tpu.memref_slice %arg3[%add3A, %dma_wait3A, %dma_wait3A_40] : memref<32x40x128xi32, #tpu.memory_space<hbm>> -> memref<1x40x128xi32, #tpu.memory_space<hbm>>
      %dma_wait3A_42 = tpu.memref_squeeze %dma_wait3A_41 : memref<1x40x128xi32, #tpu.memory_space<hbm>> -> memref<40x128xi32, #tpu.memory_space<hbm>>
      %dma_wait3A_43 = arith.constant 0 : i32
      %dma_wait3A_44 = arith.constant 0 : i32
      %dma_wait3A_45 = tpu.memref_slice %arg3[%add3A, %dma_wait3A_43, %dma_wait3A_44] : memref<32x40x128xi32, #tpu.memory_space<hbm>> -> memref<1x40x128xi32, #tpu.memory_space<hbm>>
      %dma_wait3A_46 = tpu.memref_squeeze %dma_wait3A_45 : memref<1x40x128xi32, #tpu.memory_space<hbm>> -> memref<40x128xi32, #tpu.memory_space<hbm>>
      tpu.wait_dma2 semaphore(%run_scoped3A : memref<!tpu.dma_semaphore, #tpu.memory_space<semaphore_mem>>) src(%dma_wait3A_46 : memref<40x128xi32, #tpu.memory_space<hbm>>) dst(%arg7 : memref<40x128xi32, #tpu.memory_space<vmem>>)
      tpu.yield
    }) : () -> ()
    "tpu.region"() ({
      %run_scoped3A = tpu.sem_alloc : memref<!tpu.dma_semaphore, #tpu.memory_space<semaphore_mem>>
      %dma_start3A = arith.constant 0 : i32
      %dma_start3A_33 = arith.constant 0 : i32
      %dma_start3A_34 = tpu.memref_slice %arg4[%add3A, %dma_start3A, %dma_start3A_33] : memref<32x40x128xi32, #tpu.memory_space<hbm>> -> memref<1x40x128xi32, #tpu.memory_space<hbm>>
      %dma_start3A_35 = tpu.memref_squeeze %dma_start3A_34 : memref<1x40x128xi32, #tpu.memory_space<hbm>> -> memref<40x128xi32, #tpu.memory_space<hbm>>
      %dma_start3A_36 = arith.constant 0 : i32
      %dma_start3A_37 = arith.constant 0 : i32
      %dma_start3A_38 = tpu.memref_slice %arg4[%add3A, %dma_start3A_36, %dma_start3A_37] : memref<32x40x128xi32, #tpu.memory_space<hbm>> -> memref<1x40x128xi32, #tpu.memory_space<hbm>>
      %dma_start3A_39 = tpu.memref_squeeze %dma_start3A_38 : memref<1x40x128xi32, #tpu.memory_space<hbm>> -> memref<40x128xi32, #tpu.memory_space<hbm>>
      tpu.enqueue_dma source(%dma_start3A_39 : memref<40x128xi32, #tpu.memory_space<hbm>>) target(%arg8 : memref<40x128xi32, #tpu.memory_space<vmem>>) target_semaphore(%run_scoped3A : memref<!tpu.dma_semaphore, #tpu.memory_space<semaphore_mem>>)
      %dma_wait3A = arith.constant 0 : i32
      %dma_wait3A_40 = arith.constant 0 : i32
      %dma_wait3A_41 = tpu.memref_slice %arg4[%add3A, %dma_wait3A, %dma_wait3A_40] : memref<32x40x128xi32, #tpu.memory_space<hbm>> -> memref<1x40x128xi32, #tpu.memory_space<hbm>>
      %dma_wait3A_42 = tpu.memref_squeeze %dma_wait3A_41 : memref<1x40x128xi32, #tpu.memory_space<hbm>> -> memref<40x128xi32, #tpu.memory_space<hbm>>
      %dma_wait3A_43 = arith.constant 0 : i32
      %dma_wait3A_44 = arith.constant 0 : i32
      %dma_wait3A_45 = tpu.memref_slice %arg4[%add3A, %dma_wait3A_43, %dma_wait3A_44] : memref<32x40x128xi32, #tpu.memory_space<hbm>> -> memref<1x40x128xi32, #tpu.memory_space<hbm>>
      %dma_wait3A_46 = tpu.memref_squeeze %dma_wait3A_45 : memref<1x40x128xi32, #tpu.memory_space<hbm>> -> memref<40x128xi32, #tpu.memory_space<hbm>>
      tpu.wait_dma2 semaphore(%run_scoped3A : memref<!tpu.dma_semaphore, #tpu.memory_space<semaphore_mem>>) src(%dma_wait3A_46 : memref<40x128xi32, #tpu.memory_space<hbm>>) dst(%arg8 : memref<40x128xi32, #tpu.memory_space<vmem>>)
      tpu.yield
    }) : () -> ()
    %mul3A_1 = arith.constant 12544 : i32
    %mul3A_2 = arith.muli %arg1, %mul3A_1 : i32
    %multiple_of3A = tpu.assume_multiple %mul3A_2, 128 : i32
    "tpu.region"() ({
      %run_scoped3A = tpu.sem_alloc : memref<!tpu.dma_semaphore, #tpu.memory_space<semaphore_mem>>
      %dma_start3A = tpu.memref_slice %arg2[%multiple_of3A] : memref<200704xf32, #tpu.memory_space<hbm>> -> memref<12544xf32, #tpu.memory_space<hbm>>
      %dma_start3A_33 = tpu.memref_slice %arg2[%multiple_of3A] : memref<200704xf32, #tpu.memory_space<hbm>> -> memref<12544xf32, #tpu.memory_space<hbm>>
      tpu.enqueue_dma source(%dma_start3A_33 : memref<12544xf32, #tpu.memory_space<hbm>>) target(%arg10 : memref<12544xf32, #tpu.memory_space<vmem>>) target_semaphore(%run_scoped3A : memref<!tpu.dma_semaphore, #tpu.memory_space<semaphore_mem>>)
      %dma_wait3A = tpu.memref_slice %arg2[%multiple_of3A] : memref<200704xf32, #tpu.memory_space<hbm>> -> memref<12544xf32, #tpu.memory_space<hbm>>
      %dma_wait3A_34 = tpu.memref_slice %arg2[%multiple_of3A] : memref<200704xf32, #tpu.memory_space<hbm>> -> memref<12544xf32, #tpu.memory_space<hbm>>
      tpu.wait_dma2 semaphore(%run_scoped3A : memref<!tpu.dma_semaphore, #tpu.memory_space<semaphore_mem>>) src(%dma_wait3A_34 : memref<12544xf32, #tpu.memory_space<hbm>>) dst(%arg10 : memref<12544xf32, #tpu.memory_space<vmem>>)
      tpu.yield
    }) : () -> ()
    %mul3A_3 = arith.constant 12544 : i32
    %mul3A_4 = arith.muli %arg1, %mul3A_3 : i32
    "tpu.region"() ({
      %run_scoped3A = tpu.sem_alloc : memref<!tpu.dma_semaphore, #tpu.memory_space<semaphore_mem>>
      %dma_start3A = tpu.memref_slice %arg11[%mul3A_4] : memref<200704xf32, #tpu.memory_space<vmem_shared>> -> memref<12544xf32, #tpu.memory_space<vmem_shared>>
      %dma_start3A_33 = tpu.memref_slice %arg11[%mul3A_4] : memref<200704xf32, #tpu.memory_space<vmem_shared>> -> memref<12544xf32, #tpu.memory_space<vmem_shared>>
      tpu.enqueue_dma source(%arg10 : memref<12544xf32, #tpu.memory_space<vmem>>) target(%dma_start3A_33 : memref<12544xf32, #tpu.memory_space<vmem_shared>>) target_semaphore(%run_scoped3A : memref<!tpu.dma_semaphore, #tpu.memory_space<semaphore_mem>>)
      %dma_wait3A = tpu.memref_slice %arg11[%mul3A_4] : memref<200704xf32, #tpu.memory_space<vmem_shared>> -> memref<12544xf32, #tpu.memory_space<vmem_shared>>
      %dma_wait3A_34 = tpu.memref_slice %arg11[%mul3A_4] : memref<200704xf32, #tpu.memory_space<vmem_shared>> -> memref<12544xf32, #tpu.memory_space<vmem_shared>>
      tpu.wait_dma2 semaphore(%run_scoped3A : memref<!tpu.dma_semaphore, #tpu.memory_space<semaphore_mem>>) src(%arg10 : memref<12544xf32, #tpu.memory_space<vmem>>) dst(%dma_wait3A_34 : memref<12544xf32, #tpu.memory_space<vmem_shared>>)
      tpu.yield
    }) : () -> ()
    "tpu.region"() ({
      %run_scoped3A = tpu.sem_alloc : memref<!tpu.dma_semaphore, #tpu.memory_space<semaphore_mem>>
      tpu.enqueue_dma source(%arg5 : memref<12544xf32, #tpu.memory_space<hbm>>) target(%arg10 : memref<12544xf32, #tpu.memory_space<vmem>>) target_semaphore(%run_scoped3A : memref<!tpu.dma_semaphore, #tpu.memory_space<semaphore_mem>>)
      tpu.wait_dma2 semaphore(%run_scoped3A : memref<!tpu.dma_semaphore, #tpu.memory_space<semaphore_mem>>) src(%arg5 : memref<12544xf32, #tpu.memory_space<hbm>>) dst(%arg10 : memref<12544xf32, #tpu.memory_space<vmem>>)
      tpu.yield
    }) : () -> ()
    %mul3A_5 = arith.constant 12544 : i32
    %mul3A_6 = arith.muli %arg1, %mul3A_5 : i32
    "tpu.region"() ({
      %run_scoped3A = tpu.sem_alloc : memref<!tpu.dma_semaphore, #tpu.memory_space<semaphore_mem>>
      %dma_start3A = tpu.memref_slice %arg12[%mul3A_6] : memref<200704xf32, #tpu.memory_space<vmem_shared>> -> memref<12544xf32, #tpu.memory_space<vmem_shared>>
      %dma_start3A_33 = tpu.memref_slice %arg12[%mul3A_6] : memref<200704xf32, #tpu.memory_space<vmem_shared>> -> memref<12544xf32, #tpu.memory_space<vmem_shared>>
      tpu.enqueue_dma source(%arg10 : memref<12544xf32, #tpu.memory_space<vmem>>) target(%dma_start3A_33 : memref<12544xf32, #tpu.memory_space<vmem_shared>>) target_semaphore(%run_scoped3A : memref<!tpu.dma_semaphore, #tpu.memory_space<semaphore_mem>>)
      %dma_wait3A = tpu.memref_slice %arg12[%mul3A_6] : memref<200704xf32, #tpu.memory_space<vmem_shared>> -> memref<12544xf32, #tpu.memory_space<vmem_shared>>
      %dma_wait3A_34 = tpu.memref_slice %arg12[%mul3A_6] : memref<200704xf32, #tpu.memory_space<vmem_shared>> -> memref<12544xf32, #tpu.memory_space<vmem_shared>>
      tpu.wait_dma2 semaphore(%run_scoped3A : memref<!tpu.dma_semaphore, #tpu.memory_space<semaphore_mem>>) src(%arg10 : memref<12544xf32, #tpu.memory_space<vmem>>) dst(%dma_wait3A_34 : memref<12544xf32, #tpu.memory_space<vmem_shared>>)
      tpu.yield
    }) : () -> ()
    %barrier3A = arith.constant 0 : index
    tpu.barrier barrier_id(%barrier3A)
    %scan3A = arith.constant 0 : i32
    %scan3A_7 = arith.constant 0 : i32
    %scan3A_8 = arith.constant 8 : i32
    %scan3A_9 = arith.addi %scan3A_7, %scan3A_8 : i32
    %scan3A_10 = arith.constant 1 : i32
    scf.for %scan3A_33 = %scan3A_7 to %scan3A_9 step %scan3A_10  : i32 {
      %dma_start3A = arith.constant 0 : i32
      %dma_start3A_34 = tpu.memref_slice %arg9[%scan3A_33, %dma_start3A] : memref<40x128xf32, #tpu.memory_space<vmem>> -> memref<1x128xf32, #tpu.memory_space<vmem>>
      %dma_start3A_35 = tpu.memref_squeeze %dma_start3A_34 : memref<1x128xf32, #tpu.memory_space<vmem>> -> memref<128xf32, #tpu.memory_space<vmem>>
      %dma_start3A_36 = arith.constant 0 : i32
      %dma_start3A_37 = tpu.memref_slice %arg7[%scan3A_33, %dma_start3A_36] : memref<40x128xi32, #tpu.memory_space<vmem>> -> memref<1x128xi32, #tpu.memory_space<vmem>>
      %dma_start3A_38 = tpu.memref_squeeze %dma_start3A_37 : memref<1x128xi32, #tpu.memory_space<vmem>> -> memref<128xi32, #tpu.memory_space<vmem>>
      %dma_start3A_39 = arith.constant 0 : i32
      %dma_start3A_40 = tpu.memref_slice %arg11[%dma_start3A_39] : memref<200704xf32, #tpu.memory_space<vmem_shared>> -> memref<200704xf32, #tpu.memory_space<vmem_shared>>
      tpu.enqueue_indirect_dma source(%dma_start3A_40 : memref<200704xf32, #tpu.memory_space<vmem_shared>>) target(%dma_start3A_35 : memref<128xf32, #tpu.memory_space<vmem>>) offsets(%dma_start3A_38 : memref<128xi32, #tpu.memory_space<vmem>>) semaphore(%arg13 : memref<!tpu.dma_semaphore, #tpu.memory_space<semaphore_mem>>)
    }
    %scan3A_11 = arith.constant 8 : i32
    %scan3A_12 = arith.constant 0 : i32
    %scan3A_13 = arith.constant 0 : i32
    %scan3A_14 = arith.constant 40 : i32
    %scan3A_15 = arith.addi %scan3A_13, %scan3A_14 : i32
    %scan3A_16 = arith.constant 1 : i32
    scf.for %scan3A_33 = %scan3A_13 to %scan3A_15 step %scan3A_16  : i32 {
      %dma_wait3A = arith.constant 0 : i32
      %dma_wait3A_34 = tpu.memref_slice %arg9[%scan3A_33, %dma_wait3A] : memref<40x128xf32, #tpu.memory_space<vmem>> -> memref<1x128xf32, #tpu.memory_space<vmem>>
      %dma_wait3A_35 = tpu.memref_squeeze %dma_wait3A_34 : memref<1x128xf32, #tpu.memory_space<vmem>> -> memref<128xf32, #tpu.memory_space<vmem>>
      %dma_wait3A_36 = arith.constant 0 : i32
      %dma_wait3A_37 = tpu.memref_slice %arg7[%scan3A_33, %dma_wait3A_36] : memref<40x128xi32, #tpu.memory_space<vmem>> -> memref<1x128xi32, #tpu.memory_space<vmem>>
      %dma_wait3A_38 = tpu.memref_squeeze %dma_wait3A_37 : memref<1x128xi32, #tpu.memory_space<vmem>> -> memref<128xi32, #tpu.memory_space<vmem>>
      %dma_wait3A_39 = arith.constant 0 : i32
      %dma_wait3A_40 = tpu.memref_slice %arg11[%dma_wait3A_39] : memref<200704xf32, #tpu.memory_space<vmem_shared>> -> memref<200704xf32, #tpu.memory_space<vmem_shared>>
      tpu.wait_indirect_dma semaphore(%arg13 : memref<!tpu.dma_semaphore, #tpu.memory_space<semaphore_mem>>) src(%dma_wait3A_40 : memref<200704xf32, #tpu.memory_space<vmem_shared>>) dst(%dma_wait3A_35 : memref<128xf32, #tpu.memory_space<vmem>>)
      %dma_start3A = arith.constant 0 : i32
      %dma_start3A_41 = tpu.memref_slice %arg9[%scan3A_33, %dma_start3A] : memref<40x128xf32, #tpu.memory_space<vmem>> -> memref<1x128xf32, #tpu.memory_space<vmem>>
      %dma_start3A_42 = tpu.memref_squeeze %dma_start3A_41 : memref<1x128xf32, #tpu.memory_space<vmem>> -> memref<128xf32, #tpu.memory_space<vmem>>
      %dma_start3A_43 = arith.constant 0 : i32
      %dma_start3A_44 = tpu.memref_slice %arg8[%scan3A_33, %dma_start3A_43] : memref<40x128xi32, #tpu.memory_space<vmem>> -> memref<1x128xi32, #tpu.memory_space<vmem>>
      %dma_start3A_45 = tpu.memref_squeeze %dma_start3A_44 : memref<1x128xi32, #tpu.memory_space<vmem>> -> memref<128xi32, #tpu.memory_space<vmem>>
      %dma_start3A_46 = arith.constant 0 : i32
      %dma_start3A_47 = tpu.memref_slice %arg12[%dma_start3A_46] : memref<200704xf32, #tpu.memory_space<vmem_shared>> -> memref<200704xf32, #tpu.memory_space<vmem_shared>>
      tpu.enqueue_indirect_dma source(%dma_start3A_42 : memref<128xf32, #tpu.memory_space<vmem>>) target(%dma_start3A_47 : memref<200704xf32, #tpu.memory_space<vmem_shared>>) offsets(%dma_start3A_45 : memref<128xi32, #tpu.memory_space<vmem>>) semaphore(%arg14 : memref<!tpu.dma_semaphore, #tpu.memory_space<semaphore_mem>>) {add = true}
      %lt3A = arith.constant 32 : i32
      %lt3A_48 = arith.cmpi slt, %scan3A_33, %lt3A : i32
      %convert_element_type3A = arith.extui %lt3A_48 : i1 to i32
      %cond3A = arith.constant 0 : i32
      %cond3A_49 = arith.cmpi ne, %convert_element_type3A, %cond3A : i32
      scf.if %cond3A_49 {
        %add3A_50 = arith.constant 8 : i32
        %add3A_51 = arith.addi %scan3A_33, %add3A_50 : i32
        %dma_start3A_52 = arith.constant 0 : i32
        %dma_start3A_53 = tpu.memref_slice %arg9[%add3A_51, %dma_start3A_52] : memref<40x128xf32, #tpu.memory_space<vmem>> -> memref<1x128xf32, #tpu.memory_space<vmem>>
        %dma_start3A_54 = tpu.memref_squeeze %dma_start3A_53 : memref<1x128xf32, #tpu.memory_space<vmem>> -> memref<128xf32, #tpu.memory_space<vmem>>
        %dma_start3A_55 = arith.constant 0 : i32
        %dma_start3A_56 = tpu.memref_slice %arg7[%add3A_51, %dma_start3A_55] : memref<40x128xi32, #tpu.memory_space<vmem>> -> memref<1x128xi32, #tpu.memory_space<vmem>>
        %dma_start3A_57 = tpu.memref_squeeze %dma_start3A_56 : memref<1x128xi32, #tpu.memory_space<vmem>> -> memref<128xi32, #tpu.memory_space<vmem>>
        %dma_start3A_58 = arith.constant 0 : i32
        %dma_start3A_59 = tpu.memref_slice %arg11[%dma_start3A_58] : memref<200704xf32, #tpu.memory_space<vmem_shared>> -> memref<200704xf32, #tpu.memory_space<vmem_shared>>
        tpu.enqueue_indirect_dma source(%dma_start3A_59 : memref<200704xf32, #tpu.memory_space<vmem_shared>>) target(%dma_start3A_54 : memref<128xf32, #tpu.memory_space<vmem>>) offsets(%dma_start3A_57 : memref<128xi32, #tpu.memory_space<vmem>>) semaphore(%arg13 : memref<!tpu.dma_semaphore, #tpu.memory_space<semaphore_mem>>)
      } else {
      }
    }
    %scan3A_17 = arith.constant 40 : i32
    %scan3A_18 = arith.constant 0 : i32
    %scan3A_19 = arith.constant 0 : i32
    %scan3A_20 = arith.constant 40 : i32
    %scan3A_21 = arith.addi %scan3A_19, %scan3A_20 : i32
    %scan3A_22 = arith.constant 1 : i32
    scf.for %scan3A_33 = %scan3A_19 to %scan3A_21 step %scan3A_22  : i32 {
      %dma_wait3A = arith.constant 0 : i32
      %dma_wait3A_34 = tpu.memref_slice %arg9[%scan3A_33, %dma_wait3A] : memref<40x128xf32, #tpu.memory_space<vmem>> -> memref<1x128xf32, #tpu.memory_space<vmem>>
      %dma_wait3A_35 = tpu.memref_squeeze %dma_wait3A_34 : memref<1x128xf32, #tpu.memory_space<vmem>> -> memref<128xf32, #tpu.memory_space<vmem>>
      %dma_wait3A_36 = arith.constant 0 : i32
      %dma_wait3A_37 = tpu.memref_slice %arg8[%scan3A_33, %dma_wait3A_36] : memref<40x128xi32, #tpu.memory_space<vmem>> -> memref<1x128xi32, #tpu.memory_space<vmem>>
      %dma_wait3A_38 = tpu.memref_squeeze %dma_wait3A_37 : memref<1x128xi32, #tpu.memory_space<vmem>> -> memref<128xi32, #tpu.memory_space<vmem>>
      %dma_wait3A_39 = arith.constant 0 : i32
      %dma_wait3A_40 = tpu.memref_slice %arg12[%dma_wait3A_39] : memref<200704xf32, #tpu.memory_space<vmem_shared>> -> memref<200704xf32, #tpu.memory_space<vmem_shared>>
      tpu.wait_indirect_dma semaphore(%arg14 : memref<!tpu.dma_semaphore, #tpu.memory_space<semaphore_mem>>) src(%dma_wait3A_35 : memref<128xf32, #tpu.memory_space<vmem>>) dst(%dma_wait3A_40 : memref<200704xf32, #tpu.memory_space<vmem_shared>>)
    }
    %scan3A_23 = arith.constant 40 : i32
    %barrier3A_24 = arith.constant 0 : index
    tpu.barrier barrier_id(%barrier3A_24)
    %mul3A_25 = arith.constant 200704 : i32
    %mul3A_26 = arith.muli %arg0, %mul3A_25 : i32
    %mul3A_27 = arith.constant 12544 : i32
    %mul3A_28 = arith.muli %arg1, %mul3A_27 : i32
    %add3A_29 = arith.addi %mul3A_26, %mul3A_28 : i32
    %multiple_of3A_30 = tpu.assume_multiple %add3A_29, 128 : i32
    %mul3A_31 = arith.constant 12544 : i32
    %mul3A_32 = arith.muli %arg1, %mul3A_31 : i32
    "tpu.region"() ({
      %run_scoped3A = tpu.sem_alloc : memref<!tpu.dma_semaphore, #tpu.memory_space<semaphore_mem>>
      %dma_start3A = tpu.memref_slice %arg12[%mul3A_32] : memref<200704xf32, #tpu.memory_space<vmem_shared>> -> memref<12544xf32, #tpu.memory_space<vmem_shared>>
      %dma_start3A_33 = tpu.memref_slice %arg12[%mul3A_32] : memref<200704xf32, #tpu.memory_space<vmem_shared>> -> memref<12544xf32, #tpu.memory_space<vmem_shared>>
      tpu.enqueue_dma source(%dma_start3A_33 : memref<12544xf32, #tpu.memory_space<vmem_shared>>) target(%arg10 : memref<12544xf32, #tpu.memory_space<vmem>>) target_semaphore(%run_scoped3A : memref<!tpu.dma_semaphore, #tpu.memory_space<semaphore_mem>>)
      %dma_wait3A = tpu.memref_slice %arg12[%mul3A_32] : memref<200704xf32, #tpu.memory_space<vmem_shared>> -> memref<12544xf32, #tpu.memory_space<vmem_shared>>
      %dma_wait3A_34 = tpu.memref_slice %arg12[%mul3A_32] : memref<200704xf32, #tpu.memory_space<vmem_shared>> -> memref<12544xf32, #tpu.memory_space<vmem_shared>>
      tpu.wait_dma2 semaphore(%run_scoped3A : memref<!tpu.dma_semaphore, #tpu.memory_space<semaphore_mem>>) src(%dma_wait3A_34 : memref<12544xf32, #tpu.memory_space<vmem_shared>>) dst(%arg10 : memref<12544xf32, #tpu.memory_space<vmem>>)
      tpu.yield
    }) : () -> ()
    "tpu.region"() ({
      %run_scoped3A = tpu.sem_alloc : memref<!tpu.dma_semaphore, #tpu.memory_space<semaphore_mem>>
      %dma_start3A = tpu.memref_slice %arg6[%multiple_of3A_30] : memref<401408xf32, #tpu.memory_space<hbm>> -> memref<12544xf32, #tpu.memory_space<hbm>>
      %dma_start3A_33 = tpu.memref_slice %arg6[%multiple_of3A_30] : memref<401408xf32, #tpu.memory_space<hbm>> -> memref<12544xf32, #tpu.memory_space<hbm>>
      tpu.enqueue_dma source(%arg10 : memref<12544xf32, #tpu.memory_space<vmem>>) target(%dma_start3A_33 : memref<12544xf32, #tpu.memory_space<hbm>>) target_semaphore(%run_scoped3A : memref<!tpu.dma_semaphore, #tpu.memory_space<semaphore_mem>>)
      %dma_wait3A = tpu.memref_slice %arg6[%multiple_of3A_30] : memref<401408xf32, #tpu.memory_space<hbm>> -> memref<12544xf32, #tpu.memory_space<hbm>>
      %dma_wait3A_34 = tpu.memref_slice %arg6[%multiple_of3A_30] : memref<401408xf32, #tpu.memory_space<hbm>> -> memref<12544xf32, #tpu.memory_space<hbm>>
      tpu.wait_dma2 semaphore(%run_scoped3A : memref<!tpu.dma_semaphore, #tpu.memory_space<semaphore_mem>>) src(%arg10 : memref<12544xf32, #tpu.memory_space<vmem>>) dst(%dma_wait3A_34 : memref<12544xf32, #tpu.memory_space<hbm>>)
      tpu.yield
    }) : () -> ()
    return
  }
}

#map = affine_map<(d0, d1) -> (0)>
#map1 = affine_map<(d0, d1) -> (0, 0, 0)>
module attributes {stable_mosaic.version = 14 : i64} {
  func.func @_edge_sc_body(%arg0: i32, %arg1: i32, %arg2: memref<200704xf32, #tpu.memory_space<hbm>>, %arg3: memref<32x40x128xi32, #tpu.memory_space<hbm>>, %arg4: memref<32x40x128xi32, #tpu.memory_space<hbm>>, %arg5: memref<12544xf32, #tpu.memory_space<hbm>>, %arg6: memref<401408xf32, #tpu.memory_space<hbm>>, %arg7: memref<40x128xi32, #tpu.memory_space<vmem>>, %arg8: memref<40x128xi32, #tpu.memory_space<vmem>>, %arg9: memref<40x128xf32, #tpu.memory_space<vmem>>, %arg10: memref<12544xf32, #tpu.memory_space<vmem>>, %arg11: memref<200704xf32, #tpu.memory_space<vmem_shared>>, %arg12: memref<200704xf32, #tpu.memory_space<vmem_shared>>, %arg13: memref<!tpu.dma_semaphore, #tpu.memory_space<semaphore_mem>>, %arg14: memref<!tpu.dma_semaphore, #tpu.memory_space<semaphore_mem>>) attributes {dimension_semantics = [#tpu.dimension_semantics<core_parallel>, #tpu.dimension_semantics<subcore_parallel>], iteration_bounds = array<i64: 2, 16>, scalar_prefetch = 0 : i64, scratch_operands = 8 : i64, tpu.core_type = #tpu.core_type<sc_vector_subcore>, window_params = [{transform_indices = #map}, {transform_indices = #map1}, {transform_indices = #map1}, {transform_indices = #map}, {transform_indices = #map}]} {
    %mul3A = arith.constant 16 : i32
    %mul3A_0 = arith.muli %arg0, %mul3A : i32
    %add3A = arith.addi %mul3A_0, %arg1 : i32
    "tpu.region"() ({
      %run_scoped3A = tpu.sem_alloc : memref<!tpu.dma_semaphore, #tpu.memory_space<semaphore_mem>>
      %dma_start3A = arith.constant 0 : i32
      %dma_start3A_33 = arith.constant 0 : i32
      %dma_start3A_34 = tpu.memref_slice %arg3[%add3A, %dma_start3A, %dma_start3A_33] : memref<32x40x128xi32, #tpu.memory_space<hbm>> -> memref<1x40x128xi32, #tpu.memory_space<hbm>>
      %dma_start3A_35 = tpu.memref_squeeze %dma_start3A_34 : memref<1x40x128xi32, #tpu.memory_space<hbm>> -> memref<40x128xi32, #tpu.memory_space<hbm>>
      %dma_start3A_36 = arith.constant 0 : i32
      %dma_start3A_37 = arith.constant 0 : i32
      %dma_start3A_38 = tpu.memref_slice %arg3[%add3A, %dma_start3A_36, %dma_start3A_37] : memref<32x40x128xi32, #tpu.memory_space<hbm>> -> memref<1x40x128xi32, #tpu.memory_space<hbm>>
      %dma_start3A_39 = tpu.memref_squeeze %dma_start3A_38 : memref<1x40x128xi32, #tpu.memory_space<hbm>> -> memref<40x128xi32, #tpu.memory_space<hbm>>
      tpu.enqueue_dma source(%dma_start3A_39 : memref<40x128xi32, #tpu.memory_space<hbm>>) target(%arg7 : memref<40x128xi32, #tpu.memory_space<vmem>>) target_semaphore(%run_scoped3A : memref<!tpu.dma_semaphore, #tpu.memory_space<semaphore_mem>>)
      %dma_wait3A = arith.constant 0 : i32
      %dma_wait3A_40 = arith.constant 0 : i32
      %dma_wait3A_41 = tpu.memref_slice %arg3[%add3A, %dma_wait3A, %dma_wait3A_40] : memref<32x40x128xi32, #tpu.memory_space<hbm>> -> memref<1x40x128xi32, #tpu.memory_space<hbm>>
      %dma_wait3A_42 = tpu.memref_squeeze %dma_wait3A_41 : memref<1x40x128xi32, #tpu.memory_space<hbm>> -> memref<40x128xi32, #tpu.memory_space<hbm>>
      %dma_wait3A_43 = arith.constant 0 : i32
      %dma_wait3A_44 = arith.constant 0 : i32
      %dma_wait3A_45 = tpu.memref_slice %arg3[%add3A, %dma_wait3A_43, %dma_wait3A_44] : memref<32x40x128xi32, #tpu.memory_space<hbm>> -> memref<1x40x128xi32, #tpu.memory_space<hbm>>
      %dma_wait3A_46 = tpu.memref_squeeze %dma_wait3A_45 : memref<1x40x128xi32, #tpu.memory_space<hbm>> -> memref<40x128xi32, #tpu.memory_space<hbm>>
      tpu.wait_dma2 semaphore(%run_scoped3A : memref<!tpu.dma_semaphore, #tpu.memory_space<semaphore_mem>>) src(%dma_wait3A_46 : memref<40x128xi32, #tpu.memory_space<hbm>>) dst(%arg7 : memref<40x128xi32, #tpu.memory_space<vmem>>)
      tpu.yield
    }) : () -> ()
    "tpu.region"() ({
      %run_scoped3A = tpu.sem_alloc : memref<!tpu.dma_semaphore, #tpu.memory_space<semaphore_mem>>
      %dma_start3A = arith.constant 0 : i32
      %dma_start3A_33 = arith.constant 0 : i32
      %dma_start3A_34 = tpu.memref_slice %arg4[%add3A, %dma_start3A, %dma_start3A_33] : memref<32x40x128xi32, #tpu.memory_space<hbm>> -> memref<1x40x128xi32, #tpu.memory_space<hbm>>
      %dma_start3A_35 = tpu.memref_squeeze %dma_start3A_34 : memref<1x40x128xi32, #tpu.memory_space<hbm>> -> memref<40x128xi32, #tpu.memory_space<hbm>>
      %dma_start3A_36 = arith.constant 0 : i32
      %dma_start3A_37 = arith.constant 0 : i32
      %dma_start3A_38 = tpu.memref_slice %arg4[%add3A, %dma_start3A_36, %dma_start3A_37] : memref<32x40x128xi32, #tpu.memory_space<hbm>> -> memref<1x40x128xi32, #tpu.memory_space<hbm>>
      %dma_start3A_39 = tpu.memref_squeeze %dma_start3A_38 : memref<1x40x128xi32, #tpu.memory_space<hbm>> -> memref<40x128xi32, #tpu.memory_space<hbm>>
      tpu.enqueue_dma source(%dma_start3A_39 : memref<40x128xi32, #tpu.memory_space<hbm>>) target(%arg8 : memref<40x128xi32, #tpu.memory_space<vmem>>) target_semaphore(%run_scoped3A : memref<!tpu.dma_semaphore, #tpu.memory_space<semaphore_mem>>)
      %dma_wait3A = arith.constant 0 : i32
      %dma_wait3A_40 = arith.constant 0 : i32
      %dma_wait3A_41 = tpu.memref_slice %arg4[%add3A, %dma_wait3A, %dma_wait3A_40] : memref<32x40x128xi32, #tpu.memory_space<hbm>> -> memref<1x40x128xi32, #tpu.memory_space<hbm>>
      %dma_wait3A_42 = tpu.memref_squeeze %dma_wait3A_41 : memref<1x40x128xi32, #tpu.memory_space<hbm>> -> memref<40x128xi32, #tpu.memory_space<hbm>>
      %dma_wait3A_43 = arith.constant 0 : i32
      %dma_wait3A_44 = arith.constant 0 : i32
      %dma_wait3A_45 = tpu.memref_slice %arg4[%add3A, %dma_wait3A_43, %dma_wait3A_44] : memref<32x40x128xi32, #tpu.memory_space<hbm>> -> memref<1x40x128xi32, #tpu.memory_space<hbm>>
      %dma_wait3A_46 = tpu.memref_squeeze %dma_wait3A_45 : memref<1x40x128xi32, #tpu.memory_space<hbm>> -> memref<40x128xi32, #tpu.memory_space<hbm>>
      tpu.wait_dma2 semaphore(%run_scoped3A : memref<!tpu.dma_semaphore, #tpu.memory_space<semaphore_mem>>) src(%dma_wait3A_46 : memref<40x128xi32, #tpu.memory_space<hbm>>) dst(%arg8 : memref<40x128xi32, #tpu.memory_space<vmem>>)
      tpu.yield
    }) : () -> ()
    %mul3A_1 = arith.constant 12544 : i32
    %mul3A_2 = arith.muli %arg1, %mul3A_1 : i32
    %multiple_of3A = tpu.assume_multiple %mul3A_2, 128 : i32
    "tpu.region"() ({
      %run_scoped3A = tpu.sem_alloc : memref<!tpu.dma_semaphore, #tpu.memory_space<semaphore_mem>>
      %dma_start3A = tpu.memref_slice %arg2[%multiple_of3A] : memref<200704xf32, #tpu.memory_space<hbm>> -> memref<12544xf32, #tpu.memory_space<hbm>>
      %dma_start3A_33 = tpu.memref_slice %arg2[%multiple_of3A] : memref<200704xf32, #tpu.memory_space<hbm>> -> memref<12544xf32, #tpu.memory_space<hbm>>
      tpu.enqueue_dma source(%dma_start3A_33 : memref<12544xf32, #tpu.memory_space<hbm>>) target(%arg10 : memref<12544xf32, #tpu.memory_space<vmem>>) target_semaphore(%run_scoped3A : memref<!tpu.dma_semaphore, #tpu.memory_space<semaphore_mem>>)
      %dma_wait3A = tpu.memref_slice %arg2[%multiple_of3A] : memref<200704xf32, #tpu.memory_space<hbm>> -> memref<12544xf32, #tpu.memory_space<hbm>>
      %dma_wait3A_34 = tpu.memref_slice %arg2[%multiple_of3A] : memref<200704xf32, #tpu.memory_space<hbm>> -> memref<12544xf32, #tpu.memory_space<hbm>>
      tpu.wait_dma2 semaphore(%run_scoped3A : memref<!tpu.dma_semaphore, #tpu.memory_space<semaphore_mem>>) src(%dma_wait3A_34 : memref<12544xf32, #tpu.memory_space<hbm>>) dst(%arg10 : memref<12544xf32, #tpu.memory_space<vmem>>)
      tpu.yield
    }) : () -> ()
    %mul3A_3 = arith.constant 12544 : i32
    %mul3A_4 = arith.muli %arg1, %mul3A_3 : i32
    "tpu.region"() ({
      %run_scoped3A = tpu.sem_alloc : memref<!tpu.dma_semaphore, #tpu.memory_space<semaphore_mem>>
      %dma_start3A = tpu.memref_slice %arg11[%mul3A_4] : memref<200704xf32, #tpu.memory_space<vmem_shared>> -> memref<12544xf32, #tpu.memory_space<vmem_shared>>
      %dma_start3A_33 = tpu.memref_slice %arg11[%mul3A_4] : memref<200704xf32, #tpu.memory_space<vmem_shared>> -> memref<12544xf32, #tpu.memory_space<vmem_shared>>
      tpu.enqueue_dma source(%arg10 : memref<12544xf32, #tpu.memory_space<vmem>>) target(%dma_start3A_33 : memref<12544xf32, #tpu.memory_space<vmem_shared>>) target_semaphore(%run_scoped3A : memref<!tpu.dma_semaphore, #tpu.memory_space<semaphore_mem>>)
      %dma_wait3A = tpu.memref_slice %arg11[%mul3A_4] : memref<200704xf32, #tpu.memory_space<vmem_shared>> -> memref<12544xf32, #tpu.memory_space<vmem_shared>>
      %dma_wait3A_34 = tpu.memref_slice %arg11[%mul3A_4] : memref<200704xf32, #tpu.memory_space<vmem_shared>> -> memref<12544xf32, #tpu.memory_space<vmem_shared>>
      tpu.wait_dma2 semaphore(%run_scoped3A : memref<!tpu.dma_semaphore, #tpu.memory_space<semaphore_mem>>) src(%arg10 : memref<12544xf32, #tpu.memory_space<vmem>>) dst(%dma_wait3A_34 : memref<12544xf32, #tpu.memory_space<vmem_shared>>)
      tpu.yield
    }) : () -> ()
    "tpu.region"() ({
      %run_scoped3A = tpu.sem_alloc : memref<!tpu.dma_semaphore, #tpu.memory_space<semaphore_mem>>
      tpu.enqueue_dma source(%arg5 : memref<12544xf32, #tpu.memory_space<hbm>>) target(%arg10 : memref<12544xf32, #tpu.memory_space<vmem>>) target_semaphore(%run_scoped3A : memref<!tpu.dma_semaphore, #tpu.memory_space<semaphore_mem>>)
      tpu.wait_dma2 semaphore(%run_scoped3A : memref<!tpu.dma_semaphore, #tpu.memory_space<semaphore_mem>>) src(%arg5 : memref<12544xf32, #tpu.memory_space<hbm>>) dst(%arg10 : memref<12544xf32, #tpu.memory_space<vmem>>)
      tpu.yield
    }) : () -> ()
    %mul3A_5 = arith.constant 12544 : i32
    %mul3A_6 = arith.muli %arg1, %mul3A_5 : i32
    "tpu.region"() ({
      %run_scoped3A = tpu.sem_alloc : memref<!tpu.dma_semaphore, #tpu.memory_space<semaphore_mem>>
      %dma_start3A = tpu.memref_slice %arg12[%mul3A_6] : memref<200704xf32, #tpu.memory_space<vmem_shared>> -> memref<12544xf32, #tpu.memory_space<vmem_shared>>
      %dma_start3A_33 = tpu.memref_slice %arg12[%mul3A_6] : memref<200704xf32, #tpu.memory_space<vmem_shared>> -> memref<12544xf32, #tpu.memory_space<vmem_shared>>
      tpu.enqueue_dma source(%arg10 : memref<12544xf32, #tpu.memory_space<vmem>>) target(%dma_start3A_33 : memref<12544xf32, #tpu.memory_space<vmem_shared>>) target_semaphore(%run_scoped3A : memref<!tpu.dma_semaphore, #tpu.memory_space<semaphore_mem>>)
      %dma_wait3A = tpu.memref_slice %arg12[%mul3A_6] : memref<200704xf32, #tpu.memory_space<vmem_shared>> -> memref<12544xf32, #tpu.memory_space<vmem_shared>>
      %dma_wait3A_34 = tpu.memref_slice %arg12[%mul3A_6] : memref<200704xf32, #tpu.memory_space<vmem_shared>> -> memref<12544xf32, #tpu.memory_space<vmem_shared>>
      tpu.wait_dma2 semaphore(%run_scoped3A : memref<!tpu.dma_semaphore, #tpu.memory_space<semaphore_mem>>) src(%arg10 : memref<12544xf32, #tpu.memory_space<vmem>>) dst(%dma_wait3A_34 : memref<12544xf32, #tpu.memory_space<vmem_shared>>)
      tpu.yield
    }) : () -> ()
    %barrier3A = arith.constant 0 : index
    tpu.barrier barrier_id(%barrier3A)
    %scan3A = arith.constant 0 : i32
    %scan3A_7 = arith.constant 0 : i32
    %scan3A_8 = arith.constant 8 : i32
    %scan3A_9 = arith.addi %scan3A_7, %scan3A_8 : i32
    %scan3A_10 = arith.constant 1 : i32
    scf.for %scan3A_33 = %scan3A_7 to %scan3A_9 step %scan3A_10  : i32 {
      %dma_start3A = arith.constant 0 : i32
      %dma_start3A_34 = tpu.memref_slice %arg9[%scan3A_33, %dma_start3A] : memref<40x128xf32, #tpu.memory_space<vmem>> -> memref<1x128xf32, #tpu.memory_space<vmem>>
      %dma_start3A_35 = tpu.memref_squeeze %dma_start3A_34 : memref<1x128xf32, #tpu.memory_space<vmem>> -> memref<128xf32, #tpu.memory_space<vmem>>
      %dma_start3A_36 = arith.constant 0 : i32
      %dma_start3A_37 = tpu.memref_slice %arg7[%scan3A_33, %dma_start3A_36] : memref<40x128xi32, #tpu.memory_space<vmem>> -> memref<1x128xi32, #tpu.memory_space<vmem>>
      %dma_start3A_38 = tpu.memref_squeeze %dma_start3A_37 : memref<1x128xi32, #tpu.memory_space<vmem>> -> memref<128xi32, #tpu.memory_space<vmem>>
      %dma_start3A_39 = arith.constant 0 : i32
      %dma_start3A_40 = tpu.memref_slice %arg11[%dma_start3A_39] : memref<200704xf32, #tpu.memory_space<vmem_shared>> -> memref<200704xf32, #tpu.memory_space<vmem_shared>>
      tpu.enqueue_indirect_dma source(%dma_start3A_40 : memref<200704xf32, #tpu.memory_space<vmem_shared>>) target(%dma_start3A_35 : memref<128xf32, #tpu.memory_space<vmem>>) offsets(%dma_start3A_38 : memref<128xi32, #tpu.memory_space<vmem>>) semaphore(%arg13 : memref<!tpu.dma_semaphore, #tpu.memory_space<semaphore_mem>>)
    }
    %scan3A_11 = arith.constant 8 : i32
    %scan3A_12 = arith.constant 0 : i32
    %scan3A_13 = arith.constant 0 : i32
    %scan3A_14 = arith.constant 40 : i32
    %scan3A_15 = arith.addi %scan3A_13, %scan3A_14 : i32
    %scan3A_16 = arith.constant 1 : i32
    scf.for %scan3A_33 = %scan3A_13 to %scan3A_15 step %scan3A_16  : i32 {
      %dma_wait3A = arith.constant 0 : i32
      %dma_wait3A_34 = tpu.memref_slice %arg9[%scan3A_33, %dma_wait3A] : memref<40x128xf32, #tpu.memory_space<vmem>> -> memref<1x128xf32, #tpu.memory_space<vmem>>
      %dma_wait3A_35 = tpu.memref_squeeze %dma_wait3A_34 : memref<1x128xf32, #tpu.memory_space<vmem>> -> memref<128xf32, #tpu.memory_space<vmem>>
      %dma_wait3A_36 = arith.constant 0 : i32
      %dma_wait3A_37 = tpu.memref_slice %arg7[%scan3A_33, %dma_wait3A_36] : memref<40x128xi32, #tpu.memory_space<vmem>> -> memref<1x128xi32, #tpu.memory_space<vmem>>
      %dma_wait3A_38 = tpu.memref_squeeze %dma_wait3A_37 : memref<1x128xi32, #tpu.memory_space<vmem>> -> memref<128xi32, #tpu.memory_space<vmem>>
      %dma_wait3A_39 = arith.constant 0 : i32
      %dma_wait3A_40 = tpu.memref_slice %arg11[%dma_wait3A_39] : memref<200704xf32, #tpu.memory_space<vmem_shared>> -> memref<200704xf32, #tpu.memory_space<vmem_shared>>
      tpu.wait_indirect_dma semaphore(%arg13 : memref<!tpu.dma_semaphore, #tpu.memory_space<semaphore_mem>>) src(%dma_wait3A_40 : memref<200704xf32, #tpu.memory_space<vmem_shared>>) dst(%dma_wait3A_35 : memref<128xf32, #tpu.memory_space<vmem>>)
      %dma_start3A = arith.constant 0 : i32
      %dma_start3A_41 = tpu.memref_slice %arg9[%scan3A_33, %dma_start3A] : memref<40x128xf32, #tpu.memory_space<vmem>> -> memref<1x128xf32, #tpu.memory_space<vmem>>
      %dma_start3A_42 = tpu.memref_squeeze %dma_start3A_41 : memref<1x128xf32, #tpu.memory_space<vmem>> -> memref<128xf32, #tpu.memory_space<vmem>>
      %dma_start3A_43 = arith.constant 0 : i32
      %dma_start3A_44 = tpu.memref_slice %arg8[%scan3A_33, %dma_start3A_43] : memref<40x128xi32, #tpu.memory_space<vmem>> -> memref<1x128xi32, #tpu.memory_space<vmem>>
      %dma_start3A_45 = tpu.memref_squeeze %dma_start3A_44 : memref<1x128xi32, #tpu.memory_space<vmem>> -> memref<128xi32, #tpu.memory_space<vmem>>
      %dma_start3A_46 = arith.constant 0 : i32
      %dma_start3A_47 = tpu.memref_slice %arg12[%dma_start3A_46] : memref<200704xf32, #tpu.memory_space<vmem_shared>> -> memref<200704xf32, #tpu.memory_space<vmem_shared>>
      tpu.enqueue_indirect_dma source(%dma_start3A_42 : memref<128xf32, #tpu.memory_space<vmem>>) target(%dma_start3A_47 : memref<200704xf32, #tpu.memory_space<vmem_shared>>) offsets(%dma_start3A_45 : memref<128xi32, #tpu.memory_space<vmem>>) semaphore(%arg14 : memref<!tpu.dma_semaphore, #tpu.memory_space<semaphore_mem>>) {add = true}
      %lt3A = arith.constant 32 : i32
      %lt3A_48 = arith.cmpi slt, %scan3A_33, %lt3A : i32
      %convert_element_type3A = arith.extui %lt3A_48 : i1 to i32
      %cond3A = arith.constant 0 : i32
      %cond3A_49 = arith.cmpi ne, %convert_element_type3A, %cond3A : i32
      scf.if %cond3A_49 {
        %add3A_50 = arith.constant 8 : i32
        %add3A_51 = arith.addi %scan3A_33, %add3A_50 : i32
        %dma_start3A_52 = arith.constant 0 : i32
        %dma_start3A_53 = tpu.memref_slice %arg9[%add3A_51, %dma_start3A_52] : memref<40x128xf32, #tpu.memory_space<vmem>> -> memref<1x128xf32, #tpu.memory_space<vmem>>
        %dma_start3A_54 = tpu.memref_squeeze %dma_start3A_53 : memref<1x128xf32, #tpu.memory_space<vmem>> -> memref<128xf32, #tpu.memory_space<vmem>>
        %dma_start3A_55 = arith.constant 0 : i32
        %dma_start3A_56 = tpu.memref_slice %arg7[%add3A_51, %dma_start3A_55] : memref<40x128xi32, #tpu.memory_space<vmem>> -> memref<1x128xi32, #tpu.memory_space<vmem>>
        %dma_start3A_57 = tpu.memref_squeeze %dma_start3A_56 : memref<1x128xi32, #tpu.memory_space<vmem>> -> memref<128xi32, #tpu.memory_space<vmem>>
        %dma_start3A_58 = arith.constant 0 : i32
        %dma_start3A_59 = tpu.memref_slice %arg11[%dma_start3A_58] : memref<200704xf32, #tpu.memory_space<vmem_shared>> -> memref<200704xf32, #tpu.memory_space<vmem_shared>>
        tpu.enqueue_indirect_dma source(%dma_start3A_59 : memref<200704xf32, #tpu.memory_space<vmem_shared>>) target(%dma_start3A_54 : memref<128xf32, #tpu.memory_space<vmem>>) offsets(%dma_start3A_57 : memref<128xi32, #tpu.memory_space<vmem>>) semaphore(%arg13 : memref<!tpu.dma_semaphore, #tpu.memory_space<semaphore_mem>>)
      } else {
      }
    }
    %scan3A_17 = arith.constant 40 : i32
    %scan3A_18 = arith.constant 0 : i32
    %scan3A_19 = arith.constant 0 : i32
    %scan3A_20 = arith.constant 40 : i32
    %scan3A_21 = arith.addi %scan3A_19, %scan3A_20 : i32
    %scan3A_22 = arith.constant 1 : i32
    scf.for %scan3A_33 = %scan3A_19 to %scan3A_21 step %scan3A_22  : i32 {
      %dma_wait3A = arith.constant 0 : i32
      %dma_wait3A_34 = tpu.memref_slice %arg9[%scan3A_33, %dma_wait3A] : memref<40x128xf32, #tpu.memory_space<vmem>> -> memref<1x128xf32, #tpu.memory_space<vmem>>
      %dma_wait3A_35 = tpu.memref_squeeze %dma_wait3A_34 : memref<1x128xf32, #tpu.memory_space<vmem>> -> memref<128xf32, #tpu.memory_space<vmem>>
      %dma_wait3A_36 = arith.constant 0 : i32
      %dma_wait3A_37 = tpu.memref_slice %arg8[%scan3A_33, %dma_wait3A_36] : memref<40x128xi32, #tpu.memory_space<vmem>> -> memref<1x128xi32, #tpu.memory_space<vmem>>
      %dma_wait3A_38 = tpu.memref_squeeze %dma_wait3A_37 : memref<1x128xi32, #tpu.memory_space<vmem>> -> memref<128xi32, #tpu.memory_space<vmem>>
      %dma_wait3A_39 = arith.constant 0 : i32
      %dma_wait3A_40 = tpu.memref_slice %arg12[%dma_wait3A_39] : memref<200704xf32, #tpu.memory_space<vmem_shared>> -> memref<200704xf32, #tpu.memory_space<vmem_shared>>
      tpu.wait_indirect_dma semaphore(%arg14 : memref<!tpu.dma_semaphore, #tpu.memory_space<semaphore_mem>>) src(%dma_wait3A_35 : memref<128xf32, #tpu.memory_space<vmem>>) dst(%dma_wait3A_40 : memref<200704xf32, #tpu.memory_space<vmem_shared>>)
    }
    %scan3A_23 = arith.constant 40 : i32
    %barrier3A_24 = arith.constant 0 : index
    tpu.barrier barrier_id(%barrier3A_24)
    %mul3A_25 = arith.constant 200704 : i32
    %mul3A_26 = arith.muli %arg0, %mul3A_25 : i32
    %mul3A_27 = arith.constant 12544 : i32
    %mul3A_28 = arith.muli %arg1, %mul3A_27 : i32
    %add3A_29 = arith.addi %mul3A_26, %mul3A_28 : i32
    %multiple_of3A_30 = tpu.assume_multiple %add3A_29, 128 : i32
    %mul3A_31 = arith.constant 12544 : i32
    %mul3A_32 = arith.muli %arg1, %mul3A_31 : i32
    "tpu.region"() ({
      %run_scoped3A = tpu.sem_alloc : memref<!tpu.dma_semaphore, #tpu.memory_space<semaphore_mem>>
      %dma_start3A = tpu.memref_slice %arg12[%mul3A_32] : memref<200704xf32, #tpu.memory_space<vmem_shared>> -> memref<12544xf32, #tpu.memory_space<vmem_shared>>
      %dma_start3A_33 = tpu.memref_slice %arg12[%mul3A_32] : memref<200704xf32, #tpu.memory_space<vmem_shared>> -> memref<12544xf32, #tpu.memory_space<vmem_shared>>
      tpu.enqueue_dma source(%dma_start3A_33 : memref<12544xf32, #tpu.memory_space<vmem_shared>>) target(%arg10 : memref<12544xf32, #tpu.memory_space<vmem>>) target_semaphore(%run_scoped3A : memref<!tpu.dma_semaphore, #tpu.memory_space<semaphore_mem>>)
      %dma_wait3A = tpu.memref_slice %arg12[%mul3A_32] : memref<200704xf32, #tpu.memory_space<vmem_shared>> -> memref<12544xf32, #tpu.memory_space<vmem_shared>>
      %dma_wait3A_34 = tpu.memref_slice %arg12[%mul3A_32] : memref<200704xf32, #tpu.memory_space<vmem_shared>> -> memref<12544xf32, #tpu.memory_space<vmem_shared>>
      tpu.wait_dma2 semaphore(%run_scoped3A : memref<!tpu.dma_semaphore, #tpu.memory_space<semaphore_mem>>) src(%dma_wait3A_34 : memref<12544xf32, #tpu.memory_space<vmem_shared>>) dst(%arg10 : memref<12544xf32, #tpu.memory_space<vmem>>)
      tpu.yield
    }) : () -> ()
    "tpu.region"() ({
      %run_scoped3A = tpu.sem_alloc : memref<!tpu.dma_semaphore, #tpu.memory_space<semaphore_mem>>
      %dma_start3A = tpu.memref_slice %arg6[%multiple_of3A_30] : memref<401408xf32, #tpu.memory_space<hbm>> -> memref<12544xf32, #tpu.memory_space<hbm>>
      %dma_start3A_33 = tpu.memref_slice %arg6[%multiple_of3A_30] : memref<401408xf32, #tpu.memory_space<hbm>> -> memref<12544xf32, #tpu.memory_space<hbm>>
      tpu.enqueue_dma source(%arg10 : memref<12544xf32, #tpu.memory_space<vmem>>) target(%dma_start3A_33 : memref<12544xf32, #tpu.memory_space<hbm>>) target_semaphore(%run_scoped3A : memref<!tpu.dma_semaphore, #tpu.memory_space<semaphore_mem>>)
      %dma_wait3A = tpu.memref_slice %arg6[%multiple_of3A_30] : memref<401408xf32, #tpu.memory_space<hbm>> -> memref<12544xf32, #tpu.memory_space<hbm>>
      %dma_wait3A_34 = tpu.memref_slice %arg6[%multiple_of3A_30] : memref<401408xf32, #tpu.memory_space<hbm>> -> memref<12544xf32, #tpu.memory_space<hbm>>
      tpu.wait_dma2 semaphore(%run_scoped3A : memref<!tpu.dma_semaphore, #tpu.memory_space<semaphore_mem>>) src(%arg10 : memref<12544xf32, #tpu.memory_space<vmem>>) dst(%dma_wait3A_34 : memref<12544xf32, #tpu.memory_space<hbm>>)
      tpu.yield
    }) : () -> ()
    return
  }
}

#map = affine_map<(d0, d1) -> (0)>
#map1 = affine_map<(d0, d1) -> (0, 0, 0)>
module attributes {stable_mosaic.version = 14 : i64} {
  func.func @_edge_sc_body(%arg0: i32, %arg1: i32, %arg2: memref<200704xf32, #tpu.memory_space<hbm>>, %arg3: memref<32x40x128xi32, #tpu.memory_space<hbm>>, %arg4: memref<32x40x128xi32, #tpu.memory_space<hbm>>, %arg5: memref<12544xf32, #tpu.memory_space<hbm>>, %arg6: memref<401408xf32, #tpu.memory_space<hbm>>, %arg7: memref<40x128xi32, #tpu.memory_space<vmem>>, %arg8: memref<40x128xi32, #tpu.memory_space<vmem>>, %arg9: memref<40x128xf32, #tpu.memory_space<vmem>>, %arg10: memref<12544xf32, #tpu.memory_space<vmem>>, %arg11: memref<200704xf32, #tpu.memory_space<vmem_shared>>, %arg12: memref<200704xf32, #tpu.memory_space<vmem_shared>>, %arg13: memref<!tpu.dma_semaphore, #tpu.memory_space<semaphore_mem>>, %arg14: memref<!tpu.dma_semaphore, #tpu.memory_space<semaphore_mem>>) attributes {dimension_semantics = [#tpu.dimension_semantics<core_parallel>, #tpu.dimension_semantics<subcore_parallel>], iteration_bounds = array<i64: 2, 16>, scalar_prefetch = 0 : i64, scratch_operands = 8 : i64, tpu.core_type = #tpu.core_type<sc_vector_subcore>, window_params = [{transform_indices = #map}, {transform_indices = #map1}, {transform_indices = #map1}, {transform_indices = #map}, {transform_indices = #map}]} {
    %mul3A = arith.constant 16 : i32
    %mul3A_0 = arith.muli %arg0, %mul3A : i32
    %add3A = arith.addi %mul3A_0, %arg1 : i32
    "tpu.region"() ({
      %run_scoped3A = tpu.sem_alloc : memref<!tpu.dma_semaphore, #tpu.memory_space<semaphore_mem>>
      %dma_start3A = arith.constant 0 : i32
      %dma_start3A_33 = arith.constant 0 : i32
      %dma_start3A_34 = tpu.memref_slice %arg3[%add3A, %dma_start3A, %dma_start3A_33] : memref<32x40x128xi32, #tpu.memory_space<hbm>> -> memref<1x40x128xi32, #tpu.memory_space<hbm>>
      %dma_start3A_35 = tpu.memref_squeeze %dma_start3A_34 : memref<1x40x128xi32, #tpu.memory_space<hbm>> -> memref<40x128xi32, #tpu.memory_space<hbm>>
      %dma_start3A_36 = arith.constant 0 : i32
      %dma_start3A_37 = arith.constant 0 : i32
      %dma_start3A_38 = tpu.memref_slice %arg3[%add3A, %dma_start3A_36, %dma_start3A_37] : memref<32x40x128xi32, #tpu.memory_space<hbm>> -> memref<1x40x128xi32, #tpu.memory_space<hbm>>
      %dma_start3A_39 = tpu.memref_squeeze %dma_start3A_38 : memref<1x40x128xi32, #tpu.memory_space<hbm>> -> memref<40x128xi32, #tpu.memory_space<hbm>>
      tpu.enqueue_dma source(%dma_start3A_39 : memref<40x128xi32, #tpu.memory_space<hbm>>) target(%arg7 : memref<40x128xi32, #tpu.memory_space<vmem>>) target_semaphore(%run_scoped3A : memref<!tpu.dma_semaphore, #tpu.memory_space<semaphore_mem>>)
      %dma_wait3A = arith.constant 0 : i32
      %dma_wait3A_40 = arith.constant 0 : i32
      %dma_wait3A_41 = tpu.memref_slice %arg3[%add3A, %dma_wait3A, %dma_wait3A_40] : memref<32x40x128xi32, #tpu.memory_space<hbm>> -> memref<1x40x128xi32, #tpu.memory_space<hbm>>
      %dma_wait3A_42 = tpu.memref_squeeze %dma_wait3A_41 : memref<1x40x128xi32, #tpu.memory_space<hbm>> -> memref<40x128xi32, #tpu.memory_space<hbm>>
      %dma_wait3A_43 = arith.constant 0 : i32
      %dma_wait3A_44 = arith.constant 0 : i32
      %dma_wait3A_45 = tpu.memref_slice %arg3[%add3A, %dma_wait3A_43, %dma_wait3A_44] : memref<32x40x128xi32, #tpu.memory_space<hbm>> -> memref<1x40x128xi32, #tpu.memory_space<hbm>>
      %dma_wait3A_46 = tpu.memref_squeeze %dma_wait3A_45 : memref<1x40x128xi32, #tpu.memory_space<hbm>> -> memref<40x128xi32, #tpu.memory_space<hbm>>
      tpu.wait_dma2 semaphore(%run_scoped3A : memref<!tpu.dma_semaphore, #tpu.memory_space<semaphore_mem>>) src(%dma_wait3A_46 : memref<40x128xi32, #tpu.memory_space<hbm>>) dst(%arg7 : memref<40x128xi32, #tpu.memory_space<vmem>>)
      tpu.yield
    }) : () -> ()
    "tpu.region"() ({
      %run_scoped3A = tpu.sem_alloc : memref<!tpu.dma_semaphore, #tpu.memory_space<semaphore_mem>>
      %dma_start3A = arith.constant 0 : i32
      %dma_start3A_33 = arith.constant 0 : i32
      %dma_start3A_34 = tpu.memref_slice %arg4[%add3A, %dma_start3A, %dma_start3A_33] : memref<32x40x128xi32, #tpu.memory_space<hbm>> -> memref<1x40x128xi32, #tpu.memory_space<hbm>>
      %dma_start3A_35 = tpu.memref_squeeze %dma_start3A_34 : memref<1x40x128xi32, #tpu.memory_space<hbm>> -> memref<40x128xi32, #tpu.memory_space<hbm>>
      %dma_start3A_36 = arith.constant 0 : i32
      %dma_start3A_37 = arith.constant 0 : i32
      %dma_start3A_38 = tpu.memref_slice %arg4[%add3A, %dma_start3A_36, %dma_start3A_37] : memref<32x40x128xi32, #tpu.memory_space<hbm>> -> memref<1x40x128xi32, #tpu.memory_space<hbm>>
      %dma_start3A_39 = tpu.memref_squeeze %dma_start3A_38 : memref<1x40x128xi32, #tpu.memory_space<hbm>> -> memref<40x128xi32, #tpu.memory_space<hbm>>
      tpu.enqueue_dma source(%dma_start3A_39 : memref<40x128xi32, #tpu.memory_space<hbm>>) target(%arg8 : memref<40x128xi32, #tpu.memory_space<vmem>>) target_semaphore(%run_scoped3A : memref<!tpu.dma_semaphore, #tpu.memory_space<semaphore_mem>>)
      %dma_wait3A = arith.constant 0 : i32
      %dma_wait3A_40 = arith.constant 0 : i32
      %dma_wait3A_41 = tpu.memref_slice %arg4[%add3A, %dma_wait3A, %dma_wait3A_40] : memref<32x40x128xi32, #tpu.memory_space<hbm>> -> memref<1x40x128xi32, #tpu.memory_space<hbm>>
      %dma_wait3A_42 = tpu.memref_squeeze %dma_wait3A_41 : memref<1x40x128xi32, #tpu.memory_space<hbm>> -> memref<40x128xi32, #tpu.memory_space<hbm>>
      %dma_wait3A_43 = arith.constant 0 : i32
      %dma_wait3A_44 = arith.constant 0 : i32
      %dma_wait3A_45 = tpu.memref_slice %arg4[%add3A, %dma_wait3A_43, %dma_wait3A_44] : memref<32x40x128xi32, #tpu.memory_space<hbm>> -> memref<1x40x128xi32, #tpu.memory_space<hbm>>
      %dma_wait3A_46 = tpu.memref_squeeze %dma_wait3A_45 : memref<1x40x128xi32, #tpu.memory_space<hbm>> -> memref<40x128xi32, #tpu.memory_space<hbm>>
      tpu.wait_dma2 semaphore(%run_scoped3A : memref<!tpu.dma_semaphore, #tpu.memory_space<semaphore_mem>>) src(%dma_wait3A_46 : memref<40x128xi32, #tpu.memory_space<hbm>>) dst(%arg8 : memref<40x128xi32, #tpu.memory_space<vmem>>)
      tpu.yield
    }) : () -> ()
    %mul3A_1 = arith.constant 12544 : i32
    %mul3A_2 = arith.muli %arg1, %mul3A_1 : i32
    %multiple_of3A = tpu.assume_multiple %mul3A_2, 128 : i32
    "tpu.region"() ({
      %run_scoped3A = tpu.sem_alloc : memref<!tpu.dma_semaphore, #tpu.memory_space<semaphore_mem>>
      %dma_start3A = tpu.memref_slice %arg2[%multiple_of3A] : memref<200704xf32, #tpu.memory_space<hbm>> -> memref<12544xf32, #tpu.memory_space<hbm>>
      %dma_start3A_33 = tpu.memref_slice %arg2[%multiple_of3A] : memref<200704xf32, #tpu.memory_space<hbm>> -> memref<12544xf32, #tpu.memory_space<hbm>>
      tpu.enqueue_dma source(%dma_start3A_33 : memref<12544xf32, #tpu.memory_space<hbm>>) target(%arg10 : memref<12544xf32, #tpu.memory_space<vmem>>) target_semaphore(%run_scoped3A : memref<!tpu.dma_semaphore, #tpu.memory_space<semaphore_mem>>)
      %dma_wait3A = tpu.memref_slice %arg2[%multiple_of3A] : memref<200704xf32, #tpu.memory_space<hbm>> -> memref<12544xf32, #tpu.memory_space<hbm>>
      %dma_wait3A_34 = tpu.memref_slice %arg2[%multiple_of3A] : memref<200704xf32, #tpu.memory_space<hbm>> -> memref<12544xf32, #tpu.memory_space<hbm>>
      tpu.wait_dma2 semaphore(%run_scoped3A : memref<!tpu.dma_semaphore, #tpu.memory_space<semaphore_mem>>) src(%dma_wait3A_34 : memref<12544xf32, #tpu.memory_space<hbm>>) dst(%arg10 : memref<12544xf32, #tpu.memory_space<vmem>>)
      tpu.yield
    }) : () -> ()
    %mul3A_3 = arith.constant 12544 : i32
    %mul3A_4 = arith.muli %arg1, %mul3A_3 : i32
    "tpu.region"() ({
      %run_scoped3A = tpu.sem_alloc : memref<!tpu.dma_semaphore, #tpu.memory_space<semaphore_mem>>
      %dma_start3A = tpu.memref_slice %arg11[%mul3A_4] : memref<200704xf32, #tpu.memory_space<vmem_shared>> -> memref<12544xf32, #tpu.memory_space<vmem_shared>>
      %dma_start3A_33 = tpu.memref_slice %arg11[%mul3A_4] : memref<200704xf32, #tpu.memory_space<vmem_shared>> -> memref<12544xf32, #tpu.memory_space<vmem_shared>>
      tpu.enqueue_dma source(%arg10 : memref<12544xf32, #tpu.memory_space<vmem>>) target(%dma_start3A_33 : memref<12544xf32, #tpu.memory_space<vmem_shared>>) target_semaphore(%run_scoped3A : memref<!tpu.dma_semaphore, #tpu.memory_space<semaphore_mem>>)
      %dma_wait3A = tpu.memref_slice %arg11[%mul3A_4] : memref<200704xf32, #tpu.memory_space<vmem_shared>> -> memref<12544xf32, #tpu.memory_space<vmem_shared>>
      %dma_wait3A_34 = tpu.memref_slice %arg11[%mul3A_4] : memref<200704xf32, #tpu.memory_space<vmem_shared>> -> memref<12544xf32, #tpu.memory_space<vmem_shared>>
      tpu.wait_dma2 semaphore(%run_scoped3A : memref<!tpu.dma_semaphore, #tpu.memory_space<semaphore_mem>>) src(%arg10 : memref<12544xf32, #tpu.memory_space<vmem>>) dst(%dma_wait3A_34 : memref<12544xf32, #tpu.memory_space<vmem_shared>>)
      tpu.yield
    }) : () -> ()
    "tpu.region"() ({
      %run_scoped3A = tpu.sem_alloc : memref<!tpu.dma_semaphore, #tpu.memory_space<semaphore_mem>>
      tpu.enqueue_dma source(%arg5 : memref<12544xf32, #tpu.memory_space<hbm>>) target(%arg10 : memref<12544xf32, #tpu.memory_space<vmem>>) target_semaphore(%run_scoped3A : memref<!tpu.dma_semaphore, #tpu.memory_space<semaphore_mem>>)
      tpu.wait_dma2 semaphore(%run_scoped3A : memref<!tpu.dma_semaphore, #tpu.memory_space<semaphore_mem>>) src(%arg5 : memref<12544xf32, #tpu.memory_space<hbm>>) dst(%arg10 : memref<12544xf32, #tpu.memory_space<vmem>>)
      tpu.yield
    }) : () -> ()
    %mul3A_5 = arith.constant 12544 : i32
    %mul3A_6 = arith.muli %arg1, %mul3A_5 : i32
    "tpu.region"() ({
      %run_scoped3A = tpu.sem_alloc : memref<!tpu.dma_semaphore, #tpu.memory_space<semaphore_mem>>
      %dma_start3A = tpu.memref_slice %arg12[%mul3A_6] : memref<200704xf32, #tpu.memory_space<vmem_shared>> -> memref<12544xf32, #tpu.memory_space<vmem_shared>>
      %dma_start3A_33 = tpu.memref_slice %arg12[%mul3A_6] : memref<200704xf32, #tpu.memory_space<vmem_shared>> -> memref<12544xf32, #tpu.memory_space<vmem_shared>>
      tpu.enqueue_dma source(%arg10 : memref<12544xf32, #tpu.memory_space<vmem>>) target(%dma_start3A_33 : memref<12544xf32, #tpu.memory_space<vmem_shared>>) target_semaphore(%run_scoped3A : memref<!tpu.dma_semaphore, #tpu.memory_space<semaphore_mem>>)
      %dma_wait3A = tpu.memref_slice %arg12[%mul3A_6] : memref<200704xf32, #tpu.memory_space<vmem_shared>> -> memref<12544xf32, #tpu.memory_space<vmem_shared>>
      %dma_wait3A_34 = tpu.memref_slice %arg12[%mul3A_6] : memref<200704xf32, #tpu.memory_space<vmem_shared>> -> memref<12544xf32, #tpu.memory_space<vmem_shared>>
      tpu.wait_dma2 semaphore(%run_scoped3A : memref<!tpu.dma_semaphore, #tpu.memory_space<semaphore_mem>>) src(%arg10 : memref<12544xf32, #tpu.memory_space<vmem>>) dst(%dma_wait3A_34 : memref<12544xf32, #tpu.memory_space<vmem_shared>>)
      tpu.yield
    }) : () -> ()
    %barrier3A = arith.constant 0 : index
    tpu.barrier barrier_id(%barrier3A)
    %scan3A = arith.constant 0 : i32
    %scan3A_7 = arith.constant 0 : i32
    %scan3A_8 = arith.constant 8 : i32
    %scan3A_9 = arith.addi %scan3A_7, %scan3A_8 : i32
    %scan3A_10 = arith.constant 1 : i32
    scf.for %scan3A_33 = %scan3A_7 to %scan3A_9 step %scan3A_10  : i32 {
      %dma_start3A = arith.constant 0 : i32
      %dma_start3A_34 = tpu.memref_slice %arg9[%scan3A_33, %dma_start3A] : memref<40x128xf32, #tpu.memory_space<vmem>> -> memref<1x128xf32, #tpu.memory_space<vmem>>
      %dma_start3A_35 = tpu.memref_squeeze %dma_start3A_34 : memref<1x128xf32, #tpu.memory_space<vmem>> -> memref<128xf32, #tpu.memory_space<vmem>>
      %dma_start3A_36 = arith.constant 0 : i32
      %dma_start3A_37 = tpu.memref_slice %arg7[%scan3A_33, %dma_start3A_36] : memref<40x128xi32, #tpu.memory_space<vmem>> -> memref<1x128xi32, #tpu.memory_space<vmem>>
      %dma_start3A_38 = tpu.memref_squeeze %dma_start3A_37 : memref<1x128xi32, #tpu.memory_space<vmem>> -> memref<128xi32, #tpu.memory_space<vmem>>
      %dma_start3A_39 = arith.constant 0 : i32
      %dma_start3A_40 = tpu.memref_slice %arg11[%dma_start3A_39] : memref<200704xf32, #tpu.memory_space<vmem_shared>> -> memref<200704xf32, #tpu.memory_space<vmem_shared>>
      tpu.enqueue_indirect_dma source(%dma_start3A_40 : memref<200704xf32, #tpu.memory_space<vmem_shared>>) target(%dma_start3A_35 : memref<128xf32, #tpu.memory_space<vmem>>) offsets(%dma_start3A_38 : memref<128xi32, #tpu.memory_space<vmem>>) semaphore(%arg13 : memref<!tpu.dma_semaphore, #tpu.memory_space<semaphore_mem>>)
    }
    %scan3A_11 = arith.constant 8 : i32
    %scan3A_12 = arith.constant 0 : i32
    %scan3A_13 = arith.constant 0 : i32
    %scan3A_14 = arith.constant 40 : i32
    %scan3A_15 = arith.addi %scan3A_13, %scan3A_14 : i32
    %scan3A_16 = arith.constant 1 : i32
    scf.for %scan3A_33 = %scan3A_13 to %scan3A_15 step %scan3A_16  : i32 {
      %dma_wait3A = arith.constant 0 : i32
      %dma_wait3A_34 = tpu.memref_slice %arg9[%scan3A_33, %dma_wait3A] : memref<40x128xf32, #tpu.memory_space<vmem>> -> memref<1x128xf32, #tpu.memory_space<vmem>>
      %dma_wait3A_35 = tpu.memref_squeeze %dma_wait3A_34 : memref<1x128xf32, #tpu.memory_space<vmem>> -> memref<128xf32, #tpu.memory_space<vmem>>
      %dma_wait3A_36 = arith.constant 0 : i32
      %dma_wait3A_37 = tpu.memref_slice %arg7[%scan3A_33, %dma_wait3A_36] : memref<40x128xi32, #tpu.memory_space<vmem>> -> memref<1x128xi32, #tpu.memory_space<vmem>>
      %dma_wait3A_38 = tpu.memref_squeeze %dma_wait3A_37 : memref<1x128xi32, #tpu.memory_space<vmem>> -> memref<128xi32, #tpu.memory_space<vmem>>
      %dma_wait3A_39 = arith.constant 0 : i32
      %dma_wait3A_40 = tpu.memref_slice %arg11[%dma_wait3A_39] : memref<200704xf32, #tpu.memory_space<vmem_shared>> -> memref<200704xf32, #tpu.memory_space<vmem_shared>>
      tpu.wait_indirect_dma semaphore(%arg13 : memref<!tpu.dma_semaphore, #tpu.memory_space<semaphore_mem>>) src(%dma_wait3A_40 : memref<200704xf32, #tpu.memory_space<vmem_shared>>) dst(%dma_wait3A_35 : memref<128xf32, #tpu.memory_space<vmem>>)
      %dma_start3A = arith.constant 0 : i32
      %dma_start3A_41 = tpu.memref_slice %arg9[%scan3A_33, %dma_start3A] : memref<40x128xf32, #tpu.memory_space<vmem>> -> memref<1x128xf32, #tpu.memory_space<vmem>>
      %dma_start3A_42 = tpu.memref_squeeze %dma_start3A_41 : memref<1x128xf32, #tpu.memory_space<vmem>> -> memref<128xf32, #tpu.memory_space<vmem>>
      %dma_start3A_43 = arith.constant 0 : i32
      %dma_start3A_44 = tpu.memref_slice %arg8[%scan3A_33, %dma_start3A_43] : memref<40x128xi32, #tpu.memory_space<vmem>> -> memref<1x128xi32, #tpu.memory_space<vmem>>
      %dma_start3A_45 = tpu.memref_squeeze %dma_start3A_44 : memref<1x128xi32, #tpu.memory_space<vmem>> -> memref<128xi32, #tpu.memory_space<vmem>>
      %dma_start3A_46 = arith.constant 0 : i32
      %dma_start3A_47 = tpu.memref_slice %arg12[%dma_start3A_46] : memref<200704xf32, #tpu.memory_space<vmem_shared>> -> memref<200704xf32, #tpu.memory_space<vmem_shared>>
      tpu.enqueue_indirect_dma source(%dma_start3A_42 : memref<128xf32, #tpu.memory_space<vmem>>) target(%dma_start3A_47 : memref<200704xf32, #tpu.memory_space<vmem_shared>>) offsets(%dma_start3A_45 : memref<128xi32, #tpu.memory_space<vmem>>) semaphore(%arg14 : memref<!tpu.dma_semaphore, #tpu.memory_space<semaphore_mem>>) {add = true}
      %lt3A = arith.constant 32 : i32
      %lt3A_48 = arith.cmpi slt, %scan3A_33, %lt3A : i32
      %convert_element_type3A = arith.extui %lt3A_48 : i1 to i32
      %cond3A = arith.constant 0 : i32
      %cond3A_49 = arith.cmpi ne, %convert_element_type3A, %cond3A : i32
      scf.if %cond3A_49 {
        %add3A_50 = arith.constant 8 : i32
        %add3A_51 = arith.addi %scan3A_33, %add3A_50 : i32
        %dma_start3A_52 = arith.constant 0 : i32
        %dma_start3A_53 = tpu.memref_slice %arg9[%add3A_51, %dma_start3A_52] : memref<40x128xf32, #tpu.memory_space<vmem>> -> memref<1x128xf32, #tpu.memory_space<vmem>>
        %dma_start3A_54 = tpu.memref_squeeze %dma_start3A_53 : memref<1x128xf32, #tpu.memory_space<vmem>> -> memref<128xf32, #tpu.memory_space<vmem>>
        %dma_start3A_55 = arith.constant 0 : i32
        %dma_start3A_56 = tpu.memref_slice %arg7[%add3A_51, %dma_start3A_55] : memref<40x128xi32, #tpu.memory_space<vmem>> -> memref<1x128xi32, #tpu.memory_space<vmem>>
        %dma_start3A_57 = tpu.memref_squeeze %dma_start3A_56 : memref<1x128xi32, #tpu.memory_space<vmem>> -> memref<128xi32, #tpu.memory_space<vmem>>
        %dma_start3A_58 = arith.constant 0 : i32
        %dma_start3A_59 = tpu.memref_slice %arg11[%dma_start3A_58] : memref<200704xf32, #tpu.memory_space<vmem_shared>> -> memref<200704xf32, #tpu.memory_space<vmem_shared>>
        tpu.enqueue_indirect_dma source(%dma_start3A_59 : memref<200704xf32, #tpu.memory_space<vmem_shared>>) target(%dma_start3A_54 : memref<128xf32, #tpu.memory_space<vmem>>) offsets(%dma_start3A_57 : memref<128xi32, #tpu.memory_space<vmem>>) semaphore(%arg13 : memref<!tpu.dma_semaphore, #tpu.memory_space<semaphore_mem>>)
      } else {
      }
    }
    %scan3A_17 = arith.constant 40 : i32
    %scan3A_18 = arith.constant 0 : i32
    %scan3A_19 = arith.constant 0 : i32
    %scan3A_20 = arith.constant 40 : i32
    %scan3A_21 = arith.addi %scan3A_19, %scan3A_20 : i32
    %scan3A_22 = arith.constant 1 : i32
    scf.for %scan3A_33 = %scan3A_19 to %scan3A_21 step %scan3A_22  : i32 {
      %dma_wait3A = arith.constant 0 : i32
      %dma_wait3A_34 = tpu.memref_slice %arg9[%scan3A_33, %dma_wait3A] : memref<40x128xf32, #tpu.memory_space<vmem>> -> memref<1x128xf32, #tpu.memory_space<vmem>>
      %dma_wait3A_35 = tpu.memref_squeeze %dma_wait3A_34 : memref<1x128xf32, #tpu.memory_space<vmem>> -> memref<128xf32, #tpu.memory_space<vmem>>
      %dma_wait3A_36 = arith.constant 0 : i32
      %dma_wait3A_37 = tpu.memref_slice %arg8[%scan3A_33, %dma_wait3A_36] : memref<40x128xi32, #tpu.memory_space<vmem>> -> memref<1x128xi32, #tpu.memory_space<vmem>>
      %dma_wait3A_38 = tpu.memref_squeeze %dma_wait3A_37 : memref<1x128xi32, #tpu.memory_space<vmem>> -> memref<128xi32, #tpu.memory_space<vmem>>
      %dma_wait3A_39 = arith.constant 0 : i32
      %dma_wait3A_40 = tpu.memref_slice %arg12[%dma_wait3A_39] : memref<200704xf32, #tpu.memory_space<vmem_shared>> -> memref<200704xf32, #tpu.memory_space<vmem_shared>>
      tpu.wait_indirect_dma semaphore(%arg14 : memref<!tpu.dma_semaphore, #tpu.memory_space<semaphore_mem>>) src(%dma_wait3A_35 : memref<128xf32, #tpu.memory_space<vmem>>) dst(%dma_wait3A_40 : memref<200704xf32, #tpu.memory_space<vmem_shared>>)
    }
    %scan3A_23 = arith.constant 40 : i32
    %barrier3A_24 = arith.constant 0 : index
    tpu.barrier barrier_id(%barrier3A_24)
    %mul3A_25 = arith.constant 200704 : i32
    %mul3A_26 = arith.muli %arg0, %mul3A_25 : i32
    %mul3A_27 = arith.constant 12544 : i32
    %mul3A_28 = arith.muli %arg1, %mul3A_27 : i32
    %add3A_29 = arith.addi %mul3A_26, %mul3A_28 : i32
    %multiple_of3A_30 = tpu.assume_multiple %add3A_29, 128 : i32
    %mul3A_31 = arith.constant 12544 : i32
    %mul3A_32 = arith.muli %arg1, %mul3A_31 : i32
    "tpu.region"() ({
      %run_scoped3A = tpu.sem_alloc : memref<!tpu.dma_semaphore, #tpu.memory_space<semaphore_mem>>
      %dma_start3A = tpu.memref_slice %arg12[%mul3A_32] : memref<200704xf32, #tpu.memory_space<vmem_shared>> -> memref<12544xf32, #tpu.memory_space<vmem_shared>>
      %dma_start3A_33 = tpu.memref_slice %arg12[%mul3A_32] : memref<200704xf32, #tpu.memory_space<vmem_shared>> -> memref<12544xf32, #tpu.memory_space<vmem_shared>>
      tpu.enqueue_dma source(%dma_start3A_33 : memref<12544xf32, #tpu.memory_space<vmem_shared>>) target(%arg10 : memref<12544xf32, #tpu.memory_space<vmem>>) target_semaphore(%run_scoped3A : memref<!tpu.dma_semaphore, #tpu.memory_space<semaphore_mem>>)
      %dma_wait3A = tpu.memref_slice %arg12[%mul3A_32] : memref<200704xf32, #tpu.memory_space<vmem_shared>> -> memref<12544xf32, #tpu.memory_space<vmem_shared>>
      %dma_wait3A_34 = tpu.memref_slice %arg12[%mul3A_32] : memref<200704xf32, #tpu.memory_space<vmem_shared>> -> memref<12544xf32, #tpu.memory_space<vmem_shared>>
      tpu.wait_dma2 semaphore(%run_scoped3A : memref<!tpu.dma_semaphore, #tpu.memory_space<semaphore_mem>>) src(%dma_wait3A_34 : memref<12544xf32, #tpu.memory_space<vmem_shared>>) dst(%arg10 : memref<12544xf32, #tpu.memory_space<vmem>>)
      tpu.yield
    }) : () -> ()
    "tpu.region"() ({
      %run_scoped3A = tpu.sem_alloc : memref<!tpu.dma_semaphore, #tpu.memory_space<semaphore_mem>>
      %dma_start3A = tpu.memref_slice %arg6[%multiple_of3A_30] : memref<401408xf32, #tpu.memory_space<hbm>> -> memref<12544xf32, #tpu.memory_space<hbm>>
      %dma_start3A_33 = tpu.memref_slice %arg6[%multiple_of3A_30] : memref<401408xf32, #tpu.memory_space<hbm>> -> memref<12544xf32, #tpu.memory_space<hbm>>
      tpu.enqueue_dma source(%arg10 : memref<12544xf32, #tpu.memory_space<vmem>>) target(%dma_start3A_33 : memref<12544xf32, #tpu.memory_space<hbm>>) target_semaphore(%run_scoped3A : memref<!tpu.dma_semaphore, #tpu.memory_space<semaphore_mem>>)
      %dma_wait3A = tpu.memref_slice %arg6[%multiple_of3A_30] : memref<401408xf32, #tpu.memory_space<hbm>> -> memref<12544xf32, #tpu.memory_space<hbm>>
      %dma_wait3A_34 = tpu.memref_slice %arg6[%multiple_of3A_30] : memref<401408xf32, #tpu.memory_space<hbm>> -> memref<12544xf32, #tpu.memory_space<hbm>>
      tpu.wait_dma2 semaphore(%run_scoped3A : memref<!tpu.dma_semaphore, #tpu.memory_space<semaphore_mem>>) src(%arg10 : memref<12544xf32, #tpu.memory_space<vmem>>) dst(%dma_wait3A_34 : memref<12544xf32, #tpu.memory_space<hbm>>)
      tpu.yield
    }) : () -> ()
    return
  }
}

#map = affine_map<(d0, d1) -> (0)>
#map1 = affine_map<(d0, d1) -> (0, 0, 0)>
module attributes {stable_mosaic.version = 14 : i64} {
  func.func @_edge_sc_body(%arg0: i32, %arg1: i32, %arg2: memref<200704xf32, #tpu.memory_space<hbm>>, %arg3: memref<32x40x128xi32, #tpu.memory_space<hbm>>, %arg4: memref<32x40x128xi32, #tpu.memory_space<hbm>>, %arg5: memref<12544xf32, #tpu.memory_space<hbm>>, %arg6: memref<401408xf32, #tpu.memory_space<hbm>>, %arg7: memref<40x128xi32, #tpu.memory_space<vmem>>, %arg8: memref<40x128xi32, #tpu.memory_space<vmem>>, %arg9: memref<40x128xf32, #tpu.memory_space<vmem>>, %arg10: memref<12544xf32, #tpu.memory_space<vmem>>, %arg11: memref<200704xf32, #tpu.memory_space<vmem_shared>>, %arg12: memref<200704xf32, #tpu.memory_space<vmem_shared>>, %arg13: memref<!tpu.dma_semaphore, #tpu.memory_space<semaphore_mem>>, %arg14: memref<!tpu.dma_semaphore, #tpu.memory_space<semaphore_mem>>) attributes {dimension_semantics = [#tpu.dimension_semantics<core_parallel>, #tpu.dimension_semantics<subcore_parallel>], iteration_bounds = array<i64: 2, 16>, scalar_prefetch = 0 : i64, scratch_operands = 8 : i64, tpu.core_type = #tpu.core_type<sc_vector_subcore>, window_params = [{transform_indices = #map}, {transform_indices = #map1}, {transform_indices = #map1}, {transform_indices = #map}, {transform_indices = #map}]} {
    %mul3A = arith.constant 16 : i32
    %mul3A_0 = arith.muli %arg0, %mul3A : i32
    %add3A = arith.addi %mul3A_0, %arg1 : i32
    "tpu.region"() ({
      %run_scoped3A = tpu.sem_alloc : memref<!tpu.dma_semaphore, #tpu.memory_space<semaphore_mem>>
      %dma_start3A = arith.constant 0 : i32
      %dma_start3A_33 = arith.constant 0 : i32
      %dma_start3A_34 = tpu.memref_slice %arg3[%add3A, %dma_start3A, %dma_start3A_33] : memref<32x40x128xi32, #tpu.memory_space<hbm>> -> memref<1x40x128xi32, #tpu.memory_space<hbm>>
      %dma_start3A_35 = tpu.memref_squeeze %dma_start3A_34 : memref<1x40x128xi32, #tpu.memory_space<hbm>> -> memref<40x128xi32, #tpu.memory_space<hbm>>
      %dma_start3A_36 = arith.constant 0 : i32
      %dma_start3A_37 = arith.constant 0 : i32
      %dma_start3A_38 = tpu.memref_slice %arg3[%add3A, %dma_start3A_36, %dma_start3A_37] : memref<32x40x128xi32, #tpu.memory_space<hbm>> -> memref<1x40x128xi32, #tpu.memory_space<hbm>>
      %dma_start3A_39 = tpu.memref_squeeze %dma_start3A_38 : memref<1x40x128xi32, #tpu.memory_space<hbm>> -> memref<40x128xi32, #tpu.memory_space<hbm>>
      tpu.enqueue_dma source(%dma_start3A_39 : memref<40x128xi32, #tpu.memory_space<hbm>>) target(%arg7 : memref<40x128xi32, #tpu.memory_space<vmem>>) target_semaphore(%run_scoped3A : memref<!tpu.dma_semaphore, #tpu.memory_space<semaphore_mem>>)
      %dma_wait3A = arith.constant 0 : i32
      %dma_wait3A_40 = arith.constant 0 : i32
      %dma_wait3A_41 = tpu.memref_slice %arg3[%add3A, %dma_wait3A, %dma_wait3A_40] : memref<32x40x128xi32, #tpu.memory_space<hbm>> -> memref<1x40x128xi32, #tpu.memory_space<hbm>>
      %dma_wait3A_42 = tpu.memref_squeeze %dma_wait3A_41 : memref<1x40x128xi32, #tpu.memory_space<hbm>> -> memref<40x128xi32, #tpu.memory_space<hbm>>
      %dma_wait3A_43 = arith.constant 0 : i32
      %dma_wait3A_44 = arith.constant 0 : i32
      %dma_wait3A_45 = tpu.memref_slice %arg3[%add3A, %dma_wait3A_43, %dma_wait3A_44] : memref<32x40x128xi32, #tpu.memory_space<hbm>> -> memref<1x40x128xi32, #tpu.memory_space<hbm>>
      %dma_wait3A_46 = tpu.memref_squeeze %dma_wait3A_45 : memref<1x40x128xi32, #tpu.memory_space<hbm>> -> memref<40x128xi32, #tpu.memory_space<hbm>>
      tpu.wait_dma2 semaphore(%run_scoped3A : memref<!tpu.dma_semaphore, #tpu.memory_space<semaphore_mem>>) src(%dma_wait3A_46 : memref<40x128xi32, #tpu.memory_space<hbm>>) dst(%arg7 : memref<40x128xi32, #tpu.memory_space<vmem>>)
      tpu.yield
    }) : () -> ()
    "tpu.region"() ({
      %run_scoped3A = tpu.sem_alloc : memref<!tpu.dma_semaphore, #tpu.memory_space<semaphore_mem>>
      %dma_start3A = arith.constant 0 : i32
      %dma_start3A_33 = arith.constant 0 : i32
      %dma_start3A_34 = tpu.memref_slice %arg4[%add3A, %dma_start3A, %dma_start3A_33] : memref<32x40x128xi32, #tpu.memory_space<hbm>> -> memref<1x40x128xi32, #tpu.memory_space<hbm>>
      %dma_start3A_35 = tpu.memref_squeeze %dma_start3A_34 : memref<1x40x128xi32, #tpu.memory_space<hbm>> -> memref<40x128xi32, #tpu.memory_space<hbm>>
      %dma_start3A_36 = arith.constant 0 : i32
      %dma_start3A_37 = arith.constant 0 : i32
      %dma_start3A_38 = tpu.memref_slice %arg4[%add3A, %dma_start3A_36, %dma_start3A_37] : memref<32x40x128xi32, #tpu.memory_space<hbm>> -> memref<1x40x128xi32, #tpu.memory_space<hbm>>
      %dma_start3A_39 = tpu.memref_squeeze %dma_start3A_38 : memref<1x40x128xi32, #tpu.memory_space<hbm>> -> memref<40x128xi32, #tpu.memory_space<hbm>>
      tpu.enqueue_dma source(%dma_start3A_39 : memref<40x128xi32, #tpu.memory_space<hbm>>) target(%arg8 : memref<40x128xi32, #tpu.memory_space<vmem>>) target_semaphore(%run_scoped3A : memref<!tpu.dma_semaphore, #tpu.memory_space<semaphore_mem>>)
      %dma_wait3A = arith.constant 0 : i32
      %dma_wait3A_40 = arith.constant 0 : i32
      %dma_wait3A_41 = tpu.memref_slice %arg4[%add3A, %dma_wait3A, %dma_wait3A_40] : memref<32x40x128xi32, #tpu.memory_space<hbm>> -> memref<1x40x128xi32, #tpu.memory_space<hbm>>
      %dma_wait3A_42 = tpu.memref_squeeze %dma_wait3A_41 : memref<1x40x128xi32, #tpu.memory_space<hbm>> -> memref<40x128xi32, #tpu.memory_space<hbm>>
      %dma_wait3A_43 = arith.constant 0 : i32
      %dma_wait3A_44 = arith.constant 0 : i32
      %dma_wait3A_45 = tpu.memref_slice %arg4[%add3A, %dma_wait3A_43, %dma_wait3A_44] : memref<32x40x128xi32, #tpu.memory_space<hbm>> -> memref<1x40x128xi32, #tpu.memory_space<hbm>>
      %dma_wait3A_46 = tpu.memref_squeeze %dma_wait3A_45 : memref<1x40x128xi32, #tpu.memory_space<hbm>> -> memref<40x128xi32, #tpu.memory_space<hbm>>
      tpu.wait_dma2 semaphore(%run_scoped3A : memref<!tpu.dma_semaphore, #tpu.memory_space<semaphore_mem>>) src(%dma_wait3A_46 : memref<40x128xi32, #tpu.memory_space<hbm>>) dst(%arg8 : memref<40x128xi32, #tpu.memory_space<vmem>>)
      tpu.yield
    }) : () -> ()
    %mul3A_1 = arith.constant 12544 : i32
    %mul3A_2 = arith.muli %arg1, %mul3A_1 : i32
    %multiple_of3A = tpu.assume_multiple %mul3A_2, 128 : i32
    "tpu.region"() ({
      %run_scoped3A = tpu.sem_alloc : memref<!tpu.dma_semaphore, #tpu.memory_space<semaphore_mem>>
      %dma_start3A = tpu.memref_slice %arg2[%multiple_of3A] : memref<200704xf32, #tpu.memory_space<hbm>> -> memref<12544xf32, #tpu.memory_space<hbm>>
      %dma_start3A_33 = tpu.memref_slice %arg2[%multiple_of3A] : memref<200704xf32, #tpu.memory_space<hbm>> -> memref<12544xf32, #tpu.memory_space<hbm>>
      tpu.enqueue_dma source(%dma_start3A_33 : memref<12544xf32, #tpu.memory_space<hbm>>) target(%arg10 : memref<12544xf32, #tpu.memory_space<vmem>>) target_semaphore(%run_scoped3A : memref<!tpu.dma_semaphore, #tpu.memory_space<semaphore_mem>>)
      %dma_wait3A = tpu.memref_slice %arg2[%multiple_of3A] : memref<200704xf32, #tpu.memory_space<hbm>> -> memref<12544xf32, #tpu.memory_space<hbm>>
      %dma_wait3A_34 = tpu.memref_slice %arg2[%multiple_of3A] : memref<200704xf32, #tpu.memory_space<hbm>> -> memref<12544xf32, #tpu.memory_space<hbm>>
      tpu.wait_dma2 semaphore(%run_scoped3A : memref<!tpu.dma_semaphore, #tpu.memory_space<semaphore_mem>>) src(%dma_wait3A_34 : memref<12544xf32, #tpu.memory_space<hbm>>) dst(%arg10 : memref<12544xf32, #tpu.memory_space<vmem>>)
      tpu.yield
    }) : () -> ()
    %mul3A_3 = arith.constant 12544 : i32
    %mul3A_4 = arith.muli %arg1, %mul3A_3 : i32
    "tpu.region"() ({
      %run_scoped3A = tpu.sem_alloc : memref<!tpu.dma_semaphore, #tpu.memory_space<semaphore_mem>>
      %dma_start3A = tpu.memref_slice %arg11[%mul3A_4] : memref<200704xf32, #tpu.memory_space<vmem_shared>> -> memref<12544xf32, #tpu.memory_space<vmem_shared>>
      %dma_start3A_33 = tpu.memref_slice %arg11[%mul3A_4] : memref<200704xf32, #tpu.memory_space<vmem_shared>> -> memref<12544xf32, #tpu.memory_space<vmem_shared>>
      tpu.enqueue_dma source(%arg10 : memref<12544xf32, #tpu.memory_space<vmem>>) target(%dma_start3A_33 : memref<12544xf32, #tpu.memory_space<vmem_shared>>) target_semaphore(%run_scoped3A : memref<!tpu.dma_semaphore, #tpu.memory_space<semaphore_mem>>)
      %dma_wait3A = tpu.memref_slice %arg11[%mul3A_4] : memref<200704xf32, #tpu.memory_space<vmem_shared>> -> memref<12544xf32, #tpu.memory_space<vmem_shared>>
      %dma_wait3A_34 = tpu.memref_slice %arg11[%mul3A_4] : memref<200704xf32, #tpu.memory_space<vmem_shared>> -> memref<12544xf32, #tpu.memory_space<vmem_shared>>
      tpu.wait_dma2 semaphore(%run_scoped3A : memref<!tpu.dma_semaphore, #tpu.memory_space<semaphore_mem>>) src(%arg10 : memref<12544xf32, #tpu.memory_space<vmem>>) dst(%dma_wait3A_34 : memref<12544xf32, #tpu.memory_space<vmem_shared>>)
      tpu.yield
    }) : () -> ()
    "tpu.region"() ({
      %run_scoped3A = tpu.sem_alloc : memref<!tpu.dma_semaphore, #tpu.memory_space<semaphore_mem>>
      tpu.enqueue_dma source(%arg5 : memref<12544xf32, #tpu.memory_space<hbm>>) target(%arg10 : memref<12544xf32, #tpu.memory_space<vmem>>) target_semaphore(%run_scoped3A : memref<!tpu.dma_semaphore, #tpu.memory_space<semaphore_mem>>)
      tpu.wait_dma2 semaphore(%run_scoped3A : memref<!tpu.dma_semaphore, #tpu.memory_space<semaphore_mem>>) src(%arg5 : memref<12544xf32, #tpu.memory_space<hbm>>) dst(%arg10 : memref<12544xf32, #tpu.memory_space<vmem>>)
      tpu.yield
    }) : () -> ()
    %mul3A_5 = arith.constant 12544 : i32
    %mul3A_6 = arith.muli %arg1, %mul3A_5 : i32
    "tpu.region"() ({
      %run_scoped3A = tpu.sem_alloc : memref<!tpu.dma_semaphore, #tpu.memory_space<semaphore_mem>>
      %dma_start3A = tpu.memref_slice %arg12[%mul3A_6] : memref<200704xf32, #tpu.memory_space<vmem_shared>> -> memref<12544xf32, #tpu.memory_space<vmem_shared>>
      %dma_start3A_33 = tpu.memref_slice %arg12[%mul3A_6] : memref<200704xf32, #tpu.memory_space<vmem_shared>> -> memref<12544xf32, #tpu.memory_space<vmem_shared>>
      tpu.enqueue_dma source(%arg10 : memref<12544xf32, #tpu.memory_space<vmem>>) target(%dma_start3A_33 : memref<12544xf32, #tpu.memory_space<vmem_shared>>) target_semaphore(%run_scoped3A : memref<!tpu.dma_semaphore, #tpu.memory_space<semaphore_mem>>)
      %dma_wait3A = tpu.memref_slice %arg12[%mul3A_6] : memref<200704xf32, #tpu.memory_space<vmem_shared>> -> memref<12544xf32, #tpu.memory_space<vmem_shared>>
      %dma_wait3A_34 = tpu.memref_slice %arg12[%mul3A_6] : memref<200704xf32, #tpu.memory_space<vmem_shared>> -> memref<12544xf32, #tpu.memory_space<vmem_shared>>
      tpu.wait_dma2 semaphore(%run_scoped3A : memref<!tpu.dma_semaphore, #tpu.memory_space<semaphore_mem>>) src(%arg10 : memref<12544xf32, #tpu.memory_space<vmem>>) dst(%dma_wait3A_34 : memref<12544xf32, #tpu.memory_space<vmem_shared>>)
      tpu.yield
    }) : () -> ()
    %barrier3A = arith.constant 0 : index
    tpu.barrier barrier_id(%barrier3A)
    %scan3A = arith.constant 0 : i32
    %scan3A_7 = arith.constant 0 : i32
    %scan3A_8 = arith.constant 8 : i32
    %scan3A_9 = arith.addi %scan3A_7, %scan3A_8 : i32
    %scan3A_10 = arith.constant 1 : i32
    scf.for %scan3A_33 = %scan3A_7 to %scan3A_9 step %scan3A_10  : i32 {
      %dma_start3A = arith.constant 0 : i32
      %dma_start3A_34 = tpu.memref_slice %arg9[%scan3A_33, %dma_start3A] : memref<40x128xf32, #tpu.memory_space<vmem>> -> memref<1x128xf32, #tpu.memory_space<vmem>>
      %dma_start3A_35 = tpu.memref_squeeze %dma_start3A_34 : memref<1x128xf32, #tpu.memory_space<vmem>> -> memref<128xf32, #tpu.memory_space<vmem>>
      %dma_start3A_36 = arith.constant 0 : i32
      %dma_start3A_37 = tpu.memref_slice %arg7[%scan3A_33, %dma_start3A_36] : memref<40x128xi32, #tpu.memory_space<vmem>> -> memref<1x128xi32, #tpu.memory_space<vmem>>
      %dma_start3A_38 = tpu.memref_squeeze %dma_start3A_37 : memref<1x128xi32, #tpu.memory_space<vmem>> -> memref<128xi32, #tpu.memory_space<vmem>>
      %dma_start3A_39 = arith.constant 0 : i32
      %dma_start3A_40 = tpu.memref_slice %arg11[%dma_start3A_39] : memref<200704xf32, #tpu.memory_space<vmem_shared>> -> memref<200704xf32, #tpu.memory_space<vmem_shared>>
      tpu.enqueue_indirect_dma source(%dma_start3A_40 : memref<200704xf32, #tpu.memory_space<vmem_shared>>) target(%dma_start3A_35 : memref<128xf32, #tpu.memory_space<vmem>>) offsets(%dma_start3A_38 : memref<128xi32, #tpu.memory_space<vmem>>) semaphore(%arg13 : memref<!tpu.dma_semaphore, #tpu.memory_space<semaphore_mem>>)
    }
    %scan3A_11 = arith.constant 8 : i32
    %scan3A_12 = arith.constant 0 : i32
    %scan3A_13 = arith.constant 0 : i32
    %scan3A_14 = arith.constant 40 : i32
    %scan3A_15 = arith.addi %scan3A_13, %scan3A_14 : i32
    %scan3A_16 = arith.constant 1 : i32
    scf.for %scan3A_33 = %scan3A_13 to %scan3A_15 step %scan3A_16  : i32 {
      %dma_wait3A = arith.constant 0 : i32
      %dma_wait3A_34 = tpu.memref_slice %arg9[%scan3A_33, %dma_wait3A] : memref<40x128xf32, #tpu.memory_space<vmem>> -> memref<1x128xf32, #tpu.memory_space<vmem>>
      %dma_wait3A_35 = tpu.memref_squeeze %dma_wait3A_34 : memref<1x128xf32, #tpu.memory_space<vmem>> -> memref<128xf32, #tpu.memory_space<vmem>>
      %dma_wait3A_36 = arith.constant 0 : i32
      %dma_wait3A_37 = tpu.memref_slice %arg7[%scan3A_33, %dma_wait3A_36] : memref<40x128xi32, #tpu.memory_space<vmem>> -> memref<1x128xi32, #tpu.memory_space<vmem>>
      %dma_wait3A_38 = tpu.memref_squeeze %dma_wait3A_37 : memref<1x128xi32, #tpu.memory_space<vmem>> -> memref<128xi32, #tpu.memory_space<vmem>>
      %dma_wait3A_39 = arith.constant 0 : i32
      %dma_wait3A_40 = tpu.memref_slice %arg11[%dma_wait3A_39] : memref<200704xf32, #tpu.memory_space<vmem_shared>> -> memref<200704xf32, #tpu.memory_space<vmem_shared>>
      tpu.wait_indirect_dma semaphore(%arg13 : memref<!tpu.dma_semaphore, #tpu.memory_space<semaphore_mem>>) src(%dma_wait3A_40 : memref<200704xf32, #tpu.memory_space<vmem_shared>>) dst(%dma_wait3A_35 : memref<128xf32, #tpu.memory_space<vmem>>)
      %dma_start3A = arith.constant 0 : i32
      %dma_start3A_41 = tpu.memref_slice %arg9[%scan3A_33, %dma_start3A] : memref<40x128xf32, #tpu.memory_space<vmem>> -> memref<1x128xf32, #tpu.memory_space<vmem>>
      %dma_start3A_42 = tpu.memref_squeeze %dma_start3A_41 : memref<1x128xf32, #tpu.memory_space<vmem>> -> memref<128xf32, #tpu.memory_space<vmem>>
      %dma_start3A_43 = arith.constant 0 : i32
      %dma_start3A_44 = tpu.memref_slice %arg8[%scan3A_33, %dma_start3A_43] : memref<40x128xi32, #tpu.memory_space<vmem>> -> memref<1x128xi32, #tpu.memory_space<vmem>>
      %dma_start3A_45 = tpu.memref_squeeze %dma_start3A_44 : memref<1x128xi32, #tpu.memory_space<vmem>> -> memref<128xi32, #tpu.memory_space<vmem>>
      %dma_start3A_46 = arith.constant 0 : i32
      %dma_start3A_47 = tpu.memref_slice %arg12[%dma_start3A_46] : memref<200704xf32, #tpu.memory_space<vmem_shared>> -> memref<200704xf32, #tpu.memory_space<vmem_shared>>
      tpu.enqueue_indirect_dma source(%dma_start3A_42 : memref<128xf32, #tpu.memory_space<vmem>>) target(%dma_start3A_47 : memref<200704xf32, #tpu.memory_space<vmem_shared>>) offsets(%dma_start3A_45 : memref<128xi32, #tpu.memory_space<vmem>>) semaphore(%arg14 : memref<!tpu.dma_semaphore, #tpu.memory_space<semaphore_mem>>) {add = true}
      %lt3A = arith.constant 32 : i32
      %lt3A_48 = arith.cmpi slt, %scan3A_33, %lt3A : i32
      %convert_element_type3A = arith.extui %lt3A_48 : i1 to i32
      %cond3A = arith.constant 0 : i32
      %cond3A_49 = arith.cmpi ne, %convert_element_type3A, %cond3A : i32
      scf.if %cond3A_49 {
        %add3A_50 = arith.constant 8 : i32
        %add3A_51 = arith.addi %scan3A_33, %add3A_50 : i32
        %dma_start3A_52 = arith.constant 0 : i32
        %dma_start3A_53 = tpu.memref_slice %arg9[%add3A_51, %dma_start3A_52] : memref<40x128xf32, #tpu.memory_space<vmem>> -> memref<1x128xf32, #tpu.memory_space<vmem>>
        %dma_start3A_54 = tpu.memref_squeeze %dma_start3A_53 : memref<1x128xf32, #tpu.memory_space<vmem>> -> memref<128xf32, #tpu.memory_space<vmem>>
        %dma_start3A_55 = arith.constant 0 : i32
        %dma_start3A_56 = tpu.memref_slice %arg7[%add3A_51, %dma_start3A_55] : memref<40x128xi32, #tpu.memory_space<vmem>> -> memref<1x128xi32, #tpu.memory_space<vmem>>
        %dma_start3A_57 = tpu.memref_squeeze %dma_start3A_56 : memref<1x128xi32, #tpu.memory_space<vmem>> -> memref<128xi32, #tpu.memory_space<vmem>>
        %dma_start3A_58 = arith.constant 0 : i32
        %dma_start3A_59 = tpu.memref_slice %arg11[%dma_start3A_58] : memref<200704xf32, #tpu.memory_space<vmem_shared>> -> memref<200704xf32, #tpu.memory_space<vmem_shared>>
        tpu.enqueue_indirect_dma source(%dma_start3A_59 : memref<200704xf32, #tpu.memory_space<vmem_shared>>) target(%dma_start3A_54 : memref<128xf32, #tpu.memory_space<vmem>>) offsets(%dma_start3A_57 : memref<128xi32, #tpu.memory_space<vmem>>) semaphore(%arg13 : memref<!tpu.dma_semaphore, #tpu.memory_space<semaphore_mem>>)
      } else {
      }
    }
    %scan3A_17 = arith.constant 40 : i32
    %scan3A_18 = arith.constant 0 : i32
    %scan3A_19 = arith.constant 0 : i32
    %scan3A_20 = arith.constant 40 : i32
    %scan3A_21 = arith.addi %scan3A_19, %scan3A_20 : i32
    %scan3A_22 = arith.constant 1 : i32
    scf.for %scan3A_33 = %scan3A_19 to %scan3A_21 step %scan3A_22  : i32 {
      %dma_wait3A = arith.constant 0 : i32
      %dma_wait3A_34 = tpu.memref_slice %arg9[%scan3A_33, %dma_wait3A] : memref<40x128xf32, #tpu.memory_space<vmem>> -> memref<1x128xf32, #tpu.memory_space<vmem>>
      %dma_wait3A_35 = tpu.memref_squeeze %dma_wait3A_34 : memref<1x128xf32, #tpu.memory_space<vmem>> -> memref<128xf32, #tpu.memory_space<vmem>>
      %dma_wait3A_36 = arith.constant 0 : i32
      %dma_wait3A_37 = tpu.memref_slice %arg8[%scan3A_33, %dma_wait3A_36] : memref<40x128xi32, #tpu.memory_space<vmem>> -> memref<1x128xi32, #tpu.memory_space<vmem>>
      %dma_wait3A_38 = tpu.memref_squeeze %dma_wait3A_37 : memref<1x128xi32, #tpu.memory_space<vmem>> -> memref<128xi32, #tpu.memory_space<vmem>>
      %dma_wait3A_39 = arith.constant 0 : i32
      %dma_wait3A_40 = tpu.memref_slice %arg12[%dma_wait3A_39] : memref<200704xf32, #tpu.memory_space<vmem_shared>> -> memref<200704xf32, #tpu.memory_space<vmem_shared>>
      tpu.wait_indirect_dma semaphore(%arg14 : memref<!tpu.dma_semaphore, #tpu.memory_space<semaphore_mem>>) src(%dma_wait3A_35 : memref<128xf32, #tpu.memory_space<vmem>>) dst(%dma_wait3A_40 : memref<200704xf32, #tpu.memory_space<vmem_shared>>)
    }
    %scan3A_23 = arith.constant 40 : i32
    %barrier3A_24 = arith.constant 0 : index
    tpu.barrier barrier_id(%barrier3A_24)
    %mul3A_25 = arith.constant 200704 : i32
    %mul3A_26 = arith.muli %arg0, %mul3A_25 : i32
    %mul3A_27 = arith.constant 12544 : i32
    %mul3A_28 = arith.muli %arg1, %mul3A_27 : i32
    %add3A_29 = arith.addi %mul3A_26, %mul3A_28 : i32
    %multiple_of3A_30 = tpu.assume_multiple %add3A_29, 128 : i32
    %mul3A_31 = arith.constant 12544 : i32
    %mul3A_32 = arith.muli %arg1, %mul3A_31 : i32
    "tpu.region"() ({
      %run_scoped3A = tpu.sem_alloc : memref<!tpu.dma_semaphore, #tpu.memory_space<semaphore_mem>>
      %dma_start3A = tpu.memref_slice %arg12[%mul3A_32] : memref<200704xf32, #tpu.memory_space<vmem_shared>> -> memref<12544xf32, #tpu.memory_space<vmem_shared>>
      %dma_start3A_33 = tpu.memref_slice %arg12[%mul3A_32] : memref<200704xf32, #tpu.memory_space<vmem_shared>> -> memref<12544xf32, #tpu.memory_space<vmem_shared>>
      tpu.enqueue_dma source(%dma_start3A_33 : memref<12544xf32, #tpu.memory_space<vmem_shared>>) target(%arg10 : memref<12544xf32, #tpu.memory_space<vmem>>) target_semaphore(%run_scoped3A : memref<!tpu.dma_semaphore, #tpu.memory_space<semaphore_mem>>)
      %dma_wait3A = tpu.memref_slice %arg12[%mul3A_32] : memref<200704xf32, #tpu.memory_space<vmem_shared>> -> memref<12544xf32, #tpu.memory_space<vmem_shared>>
      %dma_wait3A_34 = tpu.memref_slice %arg12[%mul3A_32] : memref<200704xf32, #tpu.memory_space<vmem_shared>> -> memref<12544xf32, #tpu.memory_space<vmem_shared>>
      tpu.wait_dma2 semaphore(%run_scoped3A : memref<!tpu.dma_semaphore, #tpu.memory_space<semaphore_mem>>) src(%dma_wait3A_34 : memref<12544xf32, #tpu.memory_space<vmem_shared>>) dst(%arg10 : memref<12544xf32, #tpu.memory_space<vmem>>)
      tpu.yield
    }) : () -> ()
    "tpu.region"() ({
      %run_scoped3A = tpu.sem_alloc : memref<!tpu.dma_semaphore, #tpu.memory_space<semaphore_mem>>
      %dma_start3A = tpu.memref_slice %arg6[%multiple_of3A_30] : memref<401408xf32, #tpu.memory_space<hbm>> -> memref<12544xf32, #tpu.memory_space<hbm>>
      %dma_start3A_33 = tpu.memref_slice %arg6[%multiple_of3A_30] : memref<401408xf32, #tpu.memory_space<hbm>> -> memref<12544xf32, #tpu.memory_space<hbm>>
      tpu.enqueue_dma source(%arg10 : memref<12544xf32, #tpu.memory_space<vmem>>) target(%dma_start3A_33 : memref<12544xf32, #tpu.memory_space<hbm>>) target_semaphore(%run_scoped3A : memref<!tpu.dma_semaphore, #tpu.memory_space<semaphore_mem>>)
      %dma_wait3A = tpu.memref_slice %arg6[%multiple_of3A_30] : memref<401408xf32, #tpu.memory_space<hbm>> -> memref<12544xf32, #tpu.memory_space<hbm>>
      %dma_wait3A_34 = tpu.memref_slice %arg6[%multiple_of3A_30] : memref<401408xf32, #tpu.memory_space<hbm>> -> memref<12544xf32, #tpu.memory_space<hbm>>
      tpu.wait_dma2 semaphore(%run_scoped3A : memref<!tpu.dma_semaphore, #tpu.memory_space<semaphore_mem>>) src(%arg10 : memref<12544xf32, #tpu.memory_space<vmem>>) dst(%dma_wait3A_34 : memref<12544xf32, #tpu.memory_space<hbm>>)
      tpu.yield
    }) : () -> ()
    return
  }
}

#map = affine_map<(d0, d1) -> (0)>
#map1 = affine_map<(d0, d1) -> (0, 0, 0)>
module attributes {stable_mosaic.version = 14 : i64} {
  func.func @_edge_sc_body(%arg0: i32, %arg1: i32, %arg2: memref<200704xf32, #tpu.memory_space<hbm>>, %arg3: memref<32x40x128xi32, #tpu.memory_space<hbm>>, %arg4: memref<32x40x128xi32, #tpu.memory_space<hbm>>, %arg5: memref<12544xf32, #tpu.memory_space<hbm>>, %arg6: memref<401408xf32, #tpu.memory_space<hbm>>, %arg7: memref<40x128xi32, #tpu.memory_space<vmem>>, %arg8: memref<40x128xi32, #tpu.memory_space<vmem>>, %arg9: memref<40x128xf32, #tpu.memory_space<vmem>>, %arg10: memref<12544xf32, #tpu.memory_space<vmem>>, %arg11: memref<200704xf32, #tpu.memory_space<vmem_shared>>, %arg12: memref<200704xf32, #tpu.memory_space<vmem_shared>>, %arg13: memref<!tpu.dma_semaphore, #tpu.memory_space<semaphore_mem>>, %arg14: memref<!tpu.dma_semaphore, #tpu.memory_space<semaphore_mem>>) attributes {dimension_semantics = [#tpu.dimension_semantics<core_parallel>, #tpu.dimension_semantics<subcore_parallel>], iteration_bounds = array<i64: 2, 16>, scalar_prefetch = 0 : i64, scratch_operands = 8 : i64, tpu.core_type = #tpu.core_type<sc_vector_subcore>, window_params = [{transform_indices = #map}, {transform_indices = #map1}, {transform_indices = #map1}, {transform_indices = #map}, {transform_indices = #map}]} {
    %mul3A = arith.constant 16 : i32
    %mul3A_0 = arith.muli %arg0, %mul3A : i32
    %add3A = arith.addi %mul3A_0, %arg1 : i32
    "tpu.region"() ({
      %run_scoped3A = tpu.sem_alloc : memref<!tpu.dma_semaphore, #tpu.memory_space<semaphore_mem>>
      %dma_start3A = arith.constant 0 : i32
      %dma_start3A_33 = arith.constant 0 : i32
      %dma_start3A_34 = tpu.memref_slice %arg3[%add3A, %dma_start3A, %dma_start3A_33] : memref<32x40x128xi32, #tpu.memory_space<hbm>> -> memref<1x40x128xi32, #tpu.memory_space<hbm>>
      %dma_start3A_35 = tpu.memref_squeeze %dma_start3A_34 : memref<1x40x128xi32, #tpu.memory_space<hbm>> -> memref<40x128xi32, #tpu.memory_space<hbm>>
      %dma_start3A_36 = arith.constant 0 : i32
      %dma_start3A_37 = arith.constant 0 : i32
      %dma_start3A_38 = tpu.memref_slice %arg3[%add3A, %dma_start3A_36, %dma_start3A_37] : memref<32x40x128xi32, #tpu.memory_space<hbm>> -> memref<1x40x128xi32, #tpu.memory_space<hbm>>
      %dma_start3A_39 = tpu.memref_squeeze %dma_start3A_38 : memref<1x40x128xi32, #tpu.memory_space<hbm>> -> memref<40x128xi32, #tpu.memory_space<hbm>>
      tpu.enqueue_dma source(%dma_start3A_39 : memref<40x128xi32, #tpu.memory_space<hbm>>) target(%arg7 : memref<40x128xi32, #tpu.memory_space<vmem>>) target_semaphore(%run_scoped3A : memref<!tpu.dma_semaphore, #tpu.memory_space<semaphore_mem>>)
      %dma_wait3A = arith.constant 0 : i32
      %dma_wait3A_40 = arith.constant 0 : i32
      %dma_wait3A_41 = tpu.memref_slice %arg3[%add3A, %dma_wait3A, %dma_wait3A_40] : memref<32x40x128xi32, #tpu.memory_space<hbm>> -> memref<1x40x128xi32, #tpu.memory_space<hbm>>
      %dma_wait3A_42 = tpu.memref_squeeze %dma_wait3A_41 : memref<1x40x128xi32, #tpu.memory_space<hbm>> -> memref<40x128xi32, #tpu.memory_space<hbm>>
      %dma_wait3A_43 = arith.constant 0 : i32
      %dma_wait3A_44 = arith.constant 0 : i32
      %dma_wait3A_45 = tpu.memref_slice %arg3[%add3A, %dma_wait3A_43, %dma_wait3A_44] : memref<32x40x128xi32, #tpu.memory_space<hbm>> -> memref<1x40x128xi32, #tpu.memory_space<hbm>>
      %dma_wait3A_46 = tpu.memref_squeeze %dma_wait3A_45 : memref<1x40x128xi32, #tpu.memory_space<hbm>> -> memref<40x128xi32, #tpu.memory_space<hbm>>
      tpu.wait_dma2 semaphore(%run_scoped3A : memref<!tpu.dma_semaphore, #tpu.memory_space<semaphore_mem>>) src(%dma_wait3A_46 : memref<40x128xi32, #tpu.memory_space<hbm>>) dst(%arg7 : memref<40x128xi32, #tpu.memory_space<vmem>>)
      tpu.yield
    }) : () -> ()
    "tpu.region"() ({
      %run_scoped3A = tpu.sem_alloc : memref<!tpu.dma_semaphore, #tpu.memory_space<semaphore_mem>>
      %dma_start3A = arith.constant 0 : i32
      %dma_start3A_33 = arith.constant 0 : i32
      %dma_start3A_34 = tpu.memref_slice %arg4[%add3A, %dma_start3A, %dma_start3A_33] : memref<32x40x128xi32, #tpu.memory_space<hbm>> -> memref<1x40x128xi32, #tpu.memory_space<hbm>>
      %dma_start3A_35 = tpu.memref_squeeze %dma_start3A_34 : memref<1x40x128xi32, #tpu.memory_space<hbm>> -> memref<40x128xi32, #tpu.memory_space<hbm>>
      %dma_start3A_36 = arith.constant 0 : i32
      %dma_start3A_37 = arith.constant 0 : i32
      %dma_start3A_38 = tpu.memref_slice %arg4[%add3A, %dma_start3A_36, %dma_start3A_37] : memref<32x40x128xi32, #tpu.memory_space<hbm>> -> memref<1x40x128xi32, #tpu.memory_space<hbm>>
      %dma_start3A_39 = tpu.memref_squeeze %dma_start3A_38 : memref<1x40x128xi32, #tpu.memory_space<hbm>> -> memref<40x128xi32, #tpu.memory_space<hbm>>
      tpu.enqueue_dma source(%dma_start3A_39 : memref<40x128xi32, #tpu.memory_space<hbm>>) target(%arg8 : memref<40x128xi32, #tpu.memory_space<vmem>>) target_semaphore(%run_scoped3A : memref<!tpu.dma_semaphore, #tpu.memory_space<semaphore_mem>>)
      %dma_wait3A = arith.constant 0 : i32
      %dma_wait3A_40 = arith.constant 0 : i32
      %dma_wait3A_41 = tpu.memref_slice %arg4[%add3A, %dma_wait3A, %dma_wait3A_40] : memref<32x40x128xi32, #tpu.memory_space<hbm>> -> memref<1x40x128xi32, #tpu.memory_space<hbm>>
      %dma_wait3A_42 = tpu.memref_squeeze %dma_wait3A_41 : memref<1x40x128xi32, #tpu.memory_space<hbm>> -> memref<40x128xi32, #tpu.memory_space<hbm>>
      %dma_wait3A_43 = arith.constant 0 : i32
      %dma_wait3A_44 = arith.constant 0 : i32
      %dma_wait3A_45 = tpu.memref_slice %arg4[%add3A, %dma_wait3A_43, %dma_wait3A_44] : memref<32x40x128xi32, #tpu.memory_space<hbm>> -> memref<1x40x128xi32, #tpu.memory_space<hbm>>
      %dma_wait3A_46 = tpu.memref_squeeze %dma_wait3A_45 : memref<1x40x128xi32, #tpu.memory_space<hbm>> -> memref<40x128xi32, #tpu.memory_space<hbm>>
      tpu.wait_dma2 semaphore(%run_scoped3A : memref<!tpu.dma_semaphore, #tpu.memory_space<semaphore_mem>>) src(%dma_wait3A_46 : memref<40x128xi32, #tpu.memory_space<hbm>>) dst(%arg8 : memref<40x128xi32, #tpu.memory_space<vmem>>)
      tpu.yield
    }) : () -> ()
    %mul3A_1 = arith.constant 12544 : i32
    %mul3A_2 = arith.muli %arg1, %mul3A_1 : i32
    %multiple_of3A = tpu.assume_multiple %mul3A_2, 128 : i32
    "tpu.region"() ({
      %run_scoped3A = tpu.sem_alloc : memref<!tpu.dma_semaphore, #tpu.memory_space<semaphore_mem>>
      %dma_start3A = tpu.memref_slice %arg2[%multiple_of3A] : memref<200704xf32, #tpu.memory_space<hbm>> -> memref<12544xf32, #tpu.memory_space<hbm>>
      %dma_start3A_33 = tpu.memref_slice %arg2[%multiple_of3A] : memref<200704xf32, #tpu.memory_space<hbm>> -> memref<12544xf32, #tpu.memory_space<hbm>>
      tpu.enqueue_dma source(%dma_start3A_33 : memref<12544xf32, #tpu.memory_space<hbm>>) target(%arg10 : memref<12544xf32, #tpu.memory_space<vmem>>) target_semaphore(%run_scoped3A : memref<!tpu.dma_semaphore, #tpu.memory_space<semaphore_mem>>)
      %dma_wait3A = tpu.memref_slice %arg2[%multiple_of3A] : memref<200704xf32, #tpu.memory_space<hbm>> -> memref<12544xf32, #tpu.memory_space<hbm>>
      %dma_wait3A_34 = tpu.memref_slice %arg2[%multiple_of3A] : memref<200704xf32, #tpu.memory_space<hbm>> -> memref<12544xf32, #tpu.memory_space<hbm>>
      tpu.wait_dma2 semaphore(%run_scoped3A : memref<!tpu.dma_semaphore, #tpu.memory_space<semaphore_mem>>) src(%dma_wait3A_34 : memref<12544xf32, #tpu.memory_space<hbm>>) dst(%arg10 : memref<12544xf32, #tpu.memory_space<vmem>>)
      tpu.yield
    }) : () -> ()
    %mul3A_3 = arith.constant 12544 : i32
    %mul3A_4 = arith.muli %arg1, %mul3A_3 : i32
    "tpu.region"() ({
      %run_scoped3A = tpu.sem_alloc : memref<!tpu.dma_semaphore, #tpu.memory_space<semaphore_mem>>
      %dma_start3A = tpu.memref_slice %arg11[%mul3A_4] : memref<200704xf32, #tpu.memory_space<vmem_shared>> -> memref<12544xf32, #tpu.memory_space<vmem_shared>>
      %dma_start3A_33 = tpu.memref_slice %arg11[%mul3A_4] : memref<200704xf32, #tpu.memory_space<vmem_shared>> -> memref<12544xf32, #tpu.memory_space<vmem_shared>>
      tpu.enqueue_dma source(%arg10 : memref<12544xf32, #tpu.memory_space<vmem>>) target(%dma_start3A_33 : memref<12544xf32, #tpu.memory_space<vmem_shared>>) target_semaphore(%run_scoped3A : memref<!tpu.dma_semaphore, #tpu.memory_space<semaphore_mem>>)
      %dma_wait3A = tpu.memref_slice %arg11[%mul3A_4] : memref<200704xf32, #tpu.memory_space<vmem_shared>> -> memref<12544xf32, #tpu.memory_space<vmem_shared>>
      %dma_wait3A_34 = tpu.memref_slice %arg11[%mul3A_4] : memref<200704xf32, #tpu.memory_space<vmem_shared>> -> memref<12544xf32, #tpu.memory_space<vmem_shared>>
      tpu.wait_dma2 semaphore(%run_scoped3A : memref<!tpu.dma_semaphore, #tpu.memory_space<semaphore_mem>>) src(%arg10 : memref<12544xf32, #tpu.memory_space<vmem>>) dst(%dma_wait3A_34 : memref<12544xf32, #tpu.memory_space<vmem_shared>>)
      tpu.yield
    }) : () -> ()
    "tpu.region"() ({
      %run_scoped3A = tpu.sem_alloc : memref<!tpu.dma_semaphore, #tpu.memory_space<semaphore_mem>>
      tpu.enqueue_dma source(%arg5 : memref<12544xf32, #tpu.memory_space<hbm>>) target(%arg10 : memref<12544xf32, #tpu.memory_space<vmem>>) target_semaphore(%run_scoped3A : memref<!tpu.dma_semaphore, #tpu.memory_space<semaphore_mem>>)
      tpu.wait_dma2 semaphore(%run_scoped3A : memref<!tpu.dma_semaphore, #tpu.memory_space<semaphore_mem>>) src(%arg5 : memref<12544xf32, #tpu.memory_space<hbm>>) dst(%arg10 : memref<12544xf32, #tpu.memory_space<vmem>>)
      tpu.yield
    }) : () -> ()
    %mul3A_5 = arith.constant 12544 : i32
    %mul3A_6 = arith.muli %arg1, %mul3A_5 : i32
    "tpu.region"() ({
      %run_scoped3A = tpu.sem_alloc : memref<!tpu.dma_semaphore, #tpu.memory_space<semaphore_mem>>
      %dma_start3A = tpu.memref_slice %arg12[%mul3A_6] : memref<200704xf32, #tpu.memory_space<vmem_shared>> -> memref<12544xf32, #tpu.memory_space<vmem_shared>>
      %dma_start3A_33 = tpu.memref_slice %arg12[%mul3A_6] : memref<200704xf32, #tpu.memory_space<vmem_shared>> -> memref<12544xf32, #tpu.memory_space<vmem_shared>>
      tpu.enqueue_dma source(%arg10 : memref<12544xf32, #tpu.memory_space<vmem>>) target(%dma_start3A_33 : memref<12544xf32, #tpu.memory_space<vmem_shared>>) target_semaphore(%run_scoped3A : memref<!tpu.dma_semaphore, #tpu.memory_space<semaphore_mem>>)
      %dma_wait3A = tpu.memref_slice %arg12[%mul3A_6] : memref<200704xf32, #tpu.memory_space<vmem_shared>> -> memref<12544xf32, #tpu.memory_space<vmem_shared>>
      %dma_wait3A_34 = tpu.memref_slice %arg12[%mul3A_6] : memref<200704xf32, #tpu.memory_space<vmem_shared>> -> memref<12544xf32, #tpu.memory_space<vmem_shared>>
      tpu.wait_dma2 semaphore(%run_scoped3A : memref<!tpu.dma_semaphore, #tpu.memory_space<semaphore_mem>>) src(%arg10 : memref<12544xf32, #tpu.memory_space<vmem>>) dst(%dma_wait3A_34 : memref<12544xf32, #tpu.memory_space<vmem_shared>>)
      tpu.yield
    }) : () -> ()
    %barrier3A = arith.constant 0 : index
    tpu.barrier barrier_id(%barrier3A)
    %scan3A = arith.constant 0 : i32
    %scan3A_7 = arith.constant 0 : i32
    %scan3A_8 = arith.constant 8 : i32
    %scan3A_9 = arith.addi %scan3A_7, %scan3A_8 : i32
    %scan3A_10 = arith.constant 1 : i32
    scf.for %scan3A_33 = %scan3A_7 to %scan3A_9 step %scan3A_10  : i32 {
      %dma_start3A = arith.constant 0 : i32
      %dma_start3A_34 = tpu.memref_slice %arg9[%scan3A_33, %dma_start3A] : memref<40x128xf32, #tpu.memory_space<vmem>> -> memref<1x128xf32, #tpu.memory_space<vmem>>
      %dma_start3A_35 = tpu.memref_squeeze %dma_start3A_34 : memref<1x128xf32, #tpu.memory_space<vmem>> -> memref<128xf32, #tpu.memory_space<vmem>>
      %dma_start3A_36 = arith.constant 0 : i32
      %dma_start3A_37 = tpu.memref_slice %arg7[%scan3A_33, %dma_start3A_36] : memref<40x128xi32, #tpu.memory_space<vmem>> -> memref<1x128xi32, #tpu.memory_space<vmem>>
      %dma_start3A_38 = tpu.memref_squeeze %dma_start3A_37 : memref<1x128xi32, #tpu.memory_space<vmem>> -> memref<128xi32, #tpu.memory_space<vmem>>
      %dma_start3A_39 = arith.constant 0 : i32
      %dma_start3A_40 = tpu.memref_slice %arg11[%dma_start3A_39] : memref<200704xf32, #tpu.memory_space<vmem_shared>> -> memref<200704xf32, #tpu.memory_space<vmem_shared>>
      tpu.enqueue_indirect_dma source(%dma_start3A_40 : memref<200704xf32, #tpu.memory_space<vmem_shared>>) target(%dma_start3A_35 : memref<128xf32, #tpu.memory_space<vmem>>) offsets(%dma_start3A_38 : memref<128xi32, #tpu.memory_space<vmem>>) semaphore(%arg13 : memref<!tpu.dma_semaphore, #tpu.memory_space<semaphore_mem>>)
    }
    %scan3A_11 = arith.constant 8 : i32
    %scan3A_12 = arith.constant 0 : i32
    %scan3A_13 = arith.constant 0 : i32
    %scan3A_14 = arith.constant 40 : i32
    %scan3A_15 = arith.addi %scan3A_13, %scan3A_14 : i32
    %scan3A_16 = arith.constant 1 : i32
    scf.for %scan3A_33 = %scan3A_13 to %scan3A_15 step %scan3A_16  : i32 {
      %dma_wait3A = arith.constant 0 : i32
      %dma_wait3A_34 = tpu.memref_slice %arg9[%scan3A_33, %dma_wait3A] : memref<40x128xf32, #tpu.memory_space<vmem>> -> memref<1x128xf32, #tpu.memory_space<vmem>>
      %dma_wait3A_35 = tpu.memref_squeeze %dma_wait3A_34 : memref<1x128xf32, #tpu.memory_space<vmem>> -> memref<128xf32, #tpu.memory_space<vmem>>
      %dma_wait3A_36 = arith.constant 0 : i32
      %dma_wait3A_37 = tpu.memref_slice %arg7[%scan3A_33, %dma_wait3A_36] : memref<40x128xi32, #tpu.memory_space<vmem>> -> memref<1x128xi32, #tpu.memory_space<vmem>>
      %dma_wait3A_38 = tpu.memref_squeeze %dma_wait3A_37 : memref<1x128xi32, #tpu.memory_space<vmem>> -> memref<128xi32, #tpu.memory_space<vmem>>
      %dma_wait3A_39 = arith.constant 0 : i32
      %dma_wait3A_40 = tpu.memref_slice %arg11[%dma_wait3A_39] : memref<200704xf32, #tpu.memory_space<vmem_shared>> -> memref<200704xf32, #tpu.memory_space<vmem_shared>>
      tpu.wait_indirect_dma semaphore(%arg13 : memref<!tpu.dma_semaphore, #tpu.memory_space<semaphore_mem>>) src(%dma_wait3A_40 : memref<200704xf32, #tpu.memory_space<vmem_shared>>) dst(%dma_wait3A_35 : memref<128xf32, #tpu.memory_space<vmem>>)
      %dma_start3A = arith.constant 0 : i32
      %dma_start3A_41 = tpu.memref_slice %arg9[%scan3A_33, %dma_start3A] : memref<40x128xf32, #tpu.memory_space<vmem>> -> memref<1x128xf32, #tpu.memory_space<vmem>>
      %dma_start3A_42 = tpu.memref_squeeze %dma_start3A_41 : memref<1x128xf32, #tpu.memory_space<vmem>> -> memref<128xf32, #tpu.memory_space<vmem>>
      %dma_start3A_43 = arith.constant 0 : i32
      %dma_start3A_44 = tpu.memref_slice %arg8[%scan3A_33, %dma_start3A_43] : memref<40x128xi32, #tpu.memory_space<vmem>> -> memref<1x128xi32, #tpu.memory_space<vmem>>
      %dma_start3A_45 = tpu.memref_squeeze %dma_start3A_44 : memref<1x128xi32, #tpu.memory_space<vmem>> -> memref<128xi32, #tpu.memory_space<vmem>>
      %dma_start3A_46 = arith.constant 0 : i32
      %dma_start3A_47 = tpu.memref_slice %arg12[%dma_start3A_46] : memref<200704xf32, #tpu.memory_space<vmem_shared>> -> memref<200704xf32, #tpu.memory_space<vmem_shared>>
      tpu.enqueue_indirect_dma source(%dma_start3A_42 : memref<128xf32, #tpu.memory_space<vmem>>) target(%dma_start3A_47 : memref<200704xf32, #tpu.memory_space<vmem_shared>>) offsets(%dma_start3A_45 : memref<128xi32, #tpu.memory_space<vmem>>) semaphore(%arg14 : memref<!tpu.dma_semaphore, #tpu.memory_space<semaphore_mem>>) {add = true}
      %lt3A = arith.constant 32 : i32
      %lt3A_48 = arith.cmpi slt, %scan3A_33, %lt3A : i32
      %convert_element_type3A = arith.extui %lt3A_48 : i1 to i32
      %cond3A = arith.constant 0 : i32
      %cond3A_49 = arith.cmpi ne, %convert_element_type3A, %cond3A : i32
      scf.if %cond3A_49 {
        %add3A_50 = arith.constant 8 : i32
        %add3A_51 = arith.addi %scan3A_33, %add3A_50 : i32
        %dma_start3A_52 = arith.constant 0 : i32
        %dma_start3A_53 = tpu.memref_slice %arg9[%add3A_51, %dma_start3A_52] : memref<40x128xf32, #tpu.memory_space<vmem>> -> memref<1x128xf32, #tpu.memory_space<vmem>>
        %dma_start3A_54 = tpu.memref_squeeze %dma_start3A_53 : memref<1x128xf32, #tpu.memory_space<vmem>> -> memref<128xf32, #tpu.memory_space<vmem>>
        %dma_start3A_55 = arith.constant 0 : i32
        %dma_start3A_56 = tpu.memref_slice %arg7[%add3A_51, %dma_start3A_55] : memref<40x128xi32, #tpu.memory_space<vmem>> -> memref<1x128xi32, #tpu.memory_space<vmem>>
        %dma_start3A_57 = tpu.memref_squeeze %dma_start3A_56 : memref<1x128xi32, #tpu.memory_space<vmem>> -> memref<128xi32, #tpu.memory_space<vmem>>
        %dma_start3A_58 = arith.constant 0 : i32
        %dma_start3A_59 = tpu.memref_slice %arg11[%dma_start3A_58] : memref<200704xf32, #tpu.memory_space<vmem_shared>> -> memref<200704xf32, #tpu.memory_space<vmem_shared>>
        tpu.enqueue_indirect_dma source(%dma_start3A_59 : memref<200704xf32, #tpu.memory_space<vmem_shared>>) target(%dma_start3A_54 : memref<128xf32, #tpu.memory_space<vmem>>) offsets(%dma_start3A_57 : memref<128xi32, #tpu.memory_space<vmem>>) semaphore(%arg13 : memref<!tpu.dma_semaphore, #tpu.memory_space<semaphore_mem>>)
      } else {
      }
    }
    %scan3A_17 = arith.constant 40 : i32
    %scan3A_18 = arith.constant 0 : i32
    %scan3A_19 = arith.constant 0 : i32
    %scan3A_20 = arith.constant 40 : i32
    %scan3A_21 = arith.addi %scan3A_19, %scan3A_20 : i32
    %scan3A_22 = arith.constant 1 : i32
    scf.for %scan3A_33 = %scan3A_19 to %scan3A_21 step %scan3A_22  : i32 {
      %dma_wait3A = arith.constant 0 : i32
      %dma_wait3A_34 = tpu.memref_slice %arg9[%scan3A_33, %dma_wait3A] : memref<40x128xf32, #tpu.memory_space<vmem>> -> memref<1x128xf32, #tpu.memory_space<vmem>>
      %dma_wait3A_35 = tpu.memref_squeeze %dma_wait3A_34 : memref<1x128xf32, #tpu.memory_space<vmem>> -> memref<128xf32, #tpu.memory_space<vmem>>
      %dma_wait3A_36 = arith.constant 0 : i32
      %dma_wait3A_37 = tpu.memref_slice %arg8[%scan3A_33, %dma_wait3A_36] : memref<40x128xi32, #tpu.memory_space<vmem>> -> memref<1x128xi32, #tpu.memory_space<vmem>>
      %dma_wait3A_38 = tpu.memref_squeeze %dma_wait3A_37 : memref<1x128xi32, #tpu.memory_space<vmem>> -> memref<128xi32, #tpu.memory_space<vmem>>
      %dma_wait3A_39 = arith.constant 0 : i32
      %dma_wait3A_40 = tpu.memref_slice %arg12[%dma_wait3A_39] : memref<200704xf32, #tpu.memory_space<vmem_shared>> -> memref<200704xf32, #tpu.memory_space<vmem_shared>>
      tpu.wait_indirect_dma semaphore(%arg14 : memref<!tpu.dma_semaphore, #tpu.memory_space<semaphore_mem>>) src(%dma_wait3A_35 : memref<128xf32, #tpu.memory_space<vmem>>) dst(%dma_wait3A_40 : memref<200704xf32, #tpu.memory_space<vmem_shared>>)
    }
    %scan3A_23 = arith.constant 40 : i32
    %barrier3A_24 = arith.constant 0 : index
    tpu.barrier barrier_id(%barrier3A_24)
    %mul3A_25 = arith.constant 200704 : i32
    %mul3A_26 = arith.muli %arg0, %mul3A_25 : i32
    %mul3A_27 = arith.constant 12544 : i32
    %mul3A_28 = arith.muli %arg1, %mul3A_27 : i32
    %add3A_29 = arith.addi %mul3A_26, %mul3A_28 : i32
    %multiple_of3A_30 = tpu.assume_multiple %add3A_29, 128 : i32
    %mul3A_31 = arith.constant 12544 : i32
    %mul3A_32 = arith.muli %arg1, %mul3A_31 : i32
    "tpu.region"() ({
      %run_scoped3A = tpu.sem_alloc : memref<!tpu.dma_semaphore, #tpu.memory_space<semaphore_mem>>
      %dma_start3A = tpu.memref_slice %arg12[%mul3A_32] : memref<200704xf32, #tpu.memory_space<vmem_shared>> -> memref<12544xf32, #tpu.memory_space<vmem_shared>>
      %dma_start3A_33 = tpu.memref_slice %arg12[%mul3A_32] : memref<200704xf32, #tpu.memory_space<vmem_shared>> -> memref<12544xf32, #tpu.memory_space<vmem_shared>>
      tpu.enqueue_dma source(%dma_start3A_33 : memref<12544xf32, #tpu.memory_space<vmem_shared>>) target(%arg10 : memref<12544xf32, #tpu.memory_space<vmem>>) target_semaphore(%run_scoped3A : memref<!tpu.dma_semaphore, #tpu.memory_space<semaphore_mem>>)
      %dma_wait3A = tpu.memref_slice %arg12[%mul3A_32] : memref<200704xf32, #tpu.memory_space<vmem_shared>> -> memref<12544xf32, #tpu.memory_space<vmem_shared>>
      %dma_wait3A_34 = tpu.memref_slice %arg12[%mul3A_32] : memref<200704xf32, #tpu.memory_space<vmem_shared>> -> memref<12544xf32, #tpu.memory_space<vmem_shared>>
      tpu.wait_dma2 semaphore(%run_scoped3A : memref<!tpu.dma_semaphore, #tpu.memory_space<semaphore_mem>>) src(%dma_wait3A_34 : memref<12544xf32, #tpu.memory_space<vmem_shared>>) dst(%arg10 : memref<12544xf32, #tpu.memory_space<vmem>>)
      tpu.yield
    }) : () -> ()
    "tpu.region"() ({
      %run_scoped3A = tpu.sem_alloc : memref<!tpu.dma_semaphore, #tpu.memory_space<semaphore_mem>>
      %dma_start3A = tpu.memref_slice %arg6[%multiple_of3A_30] : memref<401408xf32, #tpu.memory_space<hbm>> -> memref<12544xf32, #tpu.memory_space<hbm>>
      %dma_start3A_33 = tpu.memref_slice %arg6[%multiple_of3A_30] : memref<401408xf32, #tpu.memory_space<hbm>> -> memref<12544xf32, #tpu.memory_space<hbm>>
      tpu.enqueue_dma source(%arg10 : memref<12544xf32, #tpu.memory_space<vmem>>) target(%dma_start3A_33 : memref<12544xf32, #tpu.memory_space<hbm>>) target_semaphore(%run_scoped3A : memref<!tpu.dma_semaphore, #tpu.memory_space<semaphore_mem>>)
      %dma_wait3A = tpu.memref_slice %arg6[%multiple_of3A_30] : memref<401408xf32, #tpu.memory_space<hbm>> -> memref<12544xf32, #tpu.memory_space<hbm>>
      %dma_wait3A_34 = tpu.memref_slice %arg6[%multiple_of3A_30] : memref<401408xf32, #tpu.memory_space<hbm>> -> memref<12544xf32, #tpu.memory_space<hbm>>
      tpu.wait_dma2 semaphore(%run_scoped3A : memref<!tpu.dma_semaphore, #tpu.memory_space<semaphore_mem>>) src(%arg10 : memref<12544xf32, #tpu.memory_space<vmem>>) dst(%dma_wait3A_34 : memref<12544xf32, #tpu.memory_space<hbm>>)
      tpu.yield
    }) : () -> ()
    return
  }
}

#map = affine_map<(d0, d1) -> (0)>
#map1 = affine_map<(d0, d1) -> (0, 0, 0)>
module attributes {stable_mosaic.version = 14 : i64} {
  func.func @_edge_sc_body(%arg0: i32, %arg1: i32, %arg2: memref<200704xf32, #tpu.memory_space<hbm>>, %arg3: memref<32x40x128xi32, #tpu.memory_space<hbm>>, %arg4: memref<32x40x128xi32, #tpu.memory_space<hbm>>, %arg5: memref<12544xf32, #tpu.memory_space<hbm>>, %arg6: memref<401408xf32, #tpu.memory_space<hbm>>, %arg7: memref<40x128xi32, #tpu.memory_space<vmem>>, %arg8: memref<40x128xi32, #tpu.memory_space<vmem>>, %arg9: memref<40x128xf32, #tpu.memory_space<vmem>>, %arg10: memref<12544xf32, #tpu.memory_space<vmem>>, %arg11: memref<200704xf32, #tpu.memory_space<vmem_shared>>, %arg12: memref<200704xf32, #tpu.memory_space<vmem_shared>>, %arg13: memref<!tpu.dma_semaphore, #tpu.memory_space<semaphore_mem>>, %arg14: memref<!tpu.dma_semaphore, #tpu.memory_space<semaphore_mem>>) attributes {dimension_semantics = [#tpu.dimension_semantics<core_parallel>, #tpu.dimension_semantics<subcore_parallel>], iteration_bounds = array<i64: 2, 16>, scalar_prefetch = 0 : i64, scratch_operands = 8 : i64, tpu.core_type = #tpu.core_type<sc_vector_subcore>, window_params = [{transform_indices = #map}, {transform_indices = #map1}, {transform_indices = #map1}, {transform_indices = #map}, {transform_indices = #map}]} {
    %mul3A = arith.constant 16 : i32
    %mul3A_0 = arith.muli %arg0, %mul3A : i32
    %add3A = arith.addi %mul3A_0, %arg1 : i32
    "tpu.region"() ({
      %run_scoped3A = tpu.sem_alloc : memref<!tpu.dma_semaphore, #tpu.memory_space<semaphore_mem>>
      %dma_start3A = arith.constant 0 : i32
      %dma_start3A_33 = arith.constant 0 : i32
      %dma_start3A_34 = tpu.memref_slice %arg3[%add3A, %dma_start3A, %dma_start3A_33] : memref<32x40x128xi32, #tpu.memory_space<hbm>> -> memref<1x40x128xi32, #tpu.memory_space<hbm>>
      %dma_start3A_35 = tpu.memref_squeeze %dma_start3A_34 : memref<1x40x128xi32, #tpu.memory_space<hbm>> -> memref<40x128xi32, #tpu.memory_space<hbm>>
      %dma_start3A_36 = arith.constant 0 : i32
      %dma_start3A_37 = arith.constant 0 : i32
      %dma_start3A_38 = tpu.memref_slice %arg3[%add3A, %dma_start3A_36, %dma_start3A_37] : memref<32x40x128xi32, #tpu.memory_space<hbm>> -> memref<1x40x128xi32, #tpu.memory_space<hbm>>
      %dma_start3A_39 = tpu.memref_squeeze %dma_start3A_38 : memref<1x40x128xi32, #tpu.memory_space<hbm>> -> memref<40x128xi32, #tpu.memory_space<hbm>>
      tpu.enqueue_dma source(%dma_start3A_39 : memref<40x128xi32, #tpu.memory_space<hbm>>) target(%arg7 : memref<40x128xi32, #tpu.memory_space<vmem>>) target_semaphore(%run_scoped3A : memref<!tpu.dma_semaphore, #tpu.memory_space<semaphore_mem>>)
      %dma_wait3A = arith.constant 0 : i32
      %dma_wait3A_40 = arith.constant 0 : i32
      %dma_wait3A_41 = tpu.memref_slice %arg3[%add3A, %dma_wait3A, %dma_wait3A_40] : memref<32x40x128xi32, #tpu.memory_space<hbm>> -> memref<1x40x128xi32, #tpu.memory_space<hbm>>
      %dma_wait3A_42 = tpu.memref_squeeze %dma_wait3A_41 : memref<1x40x128xi32, #tpu.memory_space<hbm>> -> memref<40x128xi32, #tpu.memory_space<hbm>>
      %dma_wait3A_43 = arith.constant 0 : i32
      %dma_wait3A_44 = arith.constant 0 : i32
      %dma_wait3A_45 = tpu.memref_slice %arg3[%add3A, %dma_wait3A_43, %dma_wait3A_44] : memref<32x40x128xi32, #tpu.memory_space<hbm>> -> memref<1x40x128xi32, #tpu.memory_space<hbm>>
      %dma_wait3A_46 = tpu.memref_squeeze %dma_wait3A_45 : memref<1x40x128xi32, #tpu.memory_space<hbm>> -> memref<40x128xi32, #tpu.memory_space<hbm>>
      tpu.wait_dma2 semaphore(%run_scoped3A : memref<!tpu.dma_semaphore, #tpu.memory_space<semaphore_mem>>) src(%dma_wait3A_46 : memref<40x128xi32, #tpu.memory_space<hbm>>) dst(%arg7 : memref<40x128xi32, #tpu.memory_space<vmem>>)
      tpu.yield
    }) : () -> ()
    "tpu.region"() ({
      %run_scoped3A = tpu.sem_alloc : memref<!tpu.dma_semaphore, #tpu.memory_space<semaphore_mem>>
      %dma_start3A = arith.constant 0 : i32
      %dma_start3A_33 = arith.constant 0 : i32
      %dma_start3A_34 = tpu.memref_slice %arg4[%add3A, %dma_start3A, %dma_start3A_33] : memref<32x40x128xi32, #tpu.memory_space<hbm>> -> memref<1x40x128xi32, #tpu.memory_space<hbm>>
      %dma_start3A_35 = tpu.memref_squeeze %dma_start3A_34 : memref<1x40x128xi32, #tpu.memory_space<hbm>> -> memref<40x128xi32, #tpu.memory_space<hbm>>
      %dma_start3A_36 = arith.constant 0 : i32
      %dma_start3A_37 = arith.constant 0 : i32
      %dma_start3A_38 = tpu.memref_slice %arg4[%add3A, %dma_start3A_36, %dma_start3A_37] : memref<32x40x128xi32, #tpu.memory_space<hbm>> -> memref<1x40x128xi32, #tpu.memory_space<hbm>>
      %dma_start3A_39 = tpu.memref_squeeze %dma_start3A_38 : memref<1x40x128xi32, #tpu.memory_space<hbm>> -> memref<40x128xi32, #tpu.memory_space<hbm>>
      tpu.enqueue_dma source(%dma_start3A_39 : memref<40x128xi32, #tpu.memory_space<hbm>>) target(%arg8 : memref<40x128xi32, #tpu.memory_space<vmem>>) target_semaphore(%run_scoped3A : memref<!tpu.dma_semaphore, #tpu.memory_space<semaphore_mem>>)
      %dma_wait3A = arith.constant 0 : i32
      %dma_wait3A_40 = arith.constant 0 : i32
      %dma_wait3A_41 = tpu.memref_slice %arg4[%add3A, %dma_wait3A, %dma_wait3A_40] : memref<32x40x128xi32, #tpu.memory_space<hbm>> -> memref<1x40x128xi32, #tpu.memory_space<hbm>>
      %dma_wait3A_42 = tpu.memref_squeeze %dma_wait3A_41 : memref<1x40x128xi32, #tpu.memory_space<hbm>> -> memref<40x128xi32, #tpu.memory_space<hbm>>
      %dma_wait3A_43 = arith.constant 0 : i32
      %dma_wait3A_44 = arith.constant 0 : i32
      %dma_wait3A_45 = tpu.memref_slice %arg4[%add3A, %dma_wait3A_43, %dma_wait3A_44] : memref<32x40x128xi32, #tpu.memory_space<hbm>> -> memref<1x40x128xi32, #tpu.memory_space<hbm>>
      %dma_wait3A_46 = tpu.memref_squeeze %dma_wait3A_45 : memref<1x40x128xi32, #tpu.memory_space<hbm>> -> memref<40x128xi32, #tpu.memory_space<hbm>>
      tpu.wait_dma2 semaphore(%run_scoped3A : memref<!tpu.dma_semaphore, #tpu.memory_space<semaphore_mem>>) src(%dma_wait3A_46 : memref<40x128xi32, #tpu.memory_space<hbm>>) dst(%arg8 : memref<40x128xi32, #tpu.memory_space<vmem>>)
      tpu.yield
    }) : () -> ()
    %mul3A_1 = arith.constant 12544 : i32
    %mul3A_2 = arith.muli %arg1, %mul3A_1 : i32
    %multiple_of3A = tpu.assume_multiple %mul3A_2, 128 : i32
    "tpu.region"() ({
      %run_scoped3A = tpu.sem_alloc : memref<!tpu.dma_semaphore, #tpu.memory_space<semaphore_mem>>
      %dma_start3A = tpu.memref_slice %arg2[%multiple_of3A] : memref<200704xf32, #tpu.memory_space<hbm>> -> memref<12544xf32, #tpu.memory_space<hbm>>
      %dma_start3A_33 = tpu.memref_slice %arg2[%multiple_of3A] : memref<200704xf32, #tpu.memory_space<hbm>> -> memref<12544xf32, #tpu.memory_space<hbm>>
      tpu.enqueue_dma source(%dma_start3A_33 : memref<12544xf32, #tpu.memory_space<hbm>>) target(%arg10 : memref<12544xf32, #tpu.memory_space<vmem>>) target_semaphore(%run_scoped3A : memref<!tpu.dma_semaphore, #tpu.memory_space<semaphore_mem>>)
      %dma_wait3A = tpu.memref_slice %arg2[%multiple_of3A] : memref<200704xf32, #tpu.memory_space<hbm>> -> memref<12544xf32, #tpu.memory_space<hbm>>
      %dma_wait3A_34 = tpu.memref_slice %arg2[%multiple_of3A] : memref<200704xf32, #tpu.memory_space<hbm>> -> memref<12544xf32, #tpu.memory_space<hbm>>
      tpu.wait_dma2 semaphore(%run_scoped3A : memref<!tpu.dma_semaphore, #tpu.memory_space<semaphore_mem>>) src(%dma_wait3A_34 : memref<12544xf32, #tpu.memory_space<hbm>>) dst(%arg10 : memref<12544xf32, #tpu.memory_space<vmem>>)
      tpu.yield
    }) : () -> ()
    %mul3A_3 = arith.constant 12544 : i32
    %mul3A_4 = arith.muli %arg1, %mul3A_3 : i32
    "tpu.region"() ({
      %run_scoped3A = tpu.sem_alloc : memref<!tpu.dma_semaphore, #tpu.memory_space<semaphore_mem>>
      %dma_start3A = tpu.memref_slice %arg11[%mul3A_4] : memref<200704xf32, #tpu.memory_space<vmem_shared>> -> memref<12544xf32, #tpu.memory_space<vmem_shared>>
      %dma_start3A_33 = tpu.memref_slice %arg11[%mul3A_4] : memref<200704xf32, #tpu.memory_space<vmem_shared>> -> memref<12544xf32, #tpu.memory_space<vmem_shared>>
      tpu.enqueue_dma source(%arg10 : memref<12544xf32, #tpu.memory_space<vmem>>) target(%dma_start3A_33 : memref<12544xf32, #tpu.memory_space<vmem_shared>>) target_semaphore(%run_scoped3A : memref<!tpu.dma_semaphore, #tpu.memory_space<semaphore_mem>>)
      %dma_wait3A = tpu.memref_slice %arg11[%mul3A_4] : memref<200704xf32, #tpu.memory_space<vmem_shared>> -> memref<12544xf32, #tpu.memory_space<vmem_shared>>
      %dma_wait3A_34 = tpu.memref_slice %arg11[%mul3A_4] : memref<200704xf32, #tpu.memory_space<vmem_shared>> -> memref<12544xf32, #tpu.memory_space<vmem_shared>>
      tpu.wait_dma2 semaphore(%run_scoped3A : memref<!tpu.dma_semaphore, #tpu.memory_space<semaphore_mem>>) src(%arg10 : memref<12544xf32, #tpu.memory_space<vmem>>) dst(%dma_wait3A_34 : memref<12544xf32, #tpu.memory_space<vmem_shared>>)
      tpu.yield
    }) : () -> ()
    "tpu.region"() ({
      %run_scoped3A = tpu.sem_alloc : memref<!tpu.dma_semaphore, #tpu.memory_space<semaphore_mem>>
      tpu.enqueue_dma source(%arg5 : memref<12544xf32, #tpu.memory_space<hbm>>) target(%arg10 : memref<12544xf32, #tpu.memory_space<vmem>>) target_semaphore(%run_scoped3A : memref<!tpu.dma_semaphore, #tpu.memory_space<semaphore_mem>>)
      tpu.wait_dma2 semaphore(%run_scoped3A : memref<!tpu.dma_semaphore, #tpu.memory_space<semaphore_mem>>) src(%arg5 : memref<12544xf32, #tpu.memory_space<hbm>>) dst(%arg10 : memref<12544xf32, #tpu.memory_space<vmem>>)
      tpu.yield
    }) : () -> ()
    %mul3A_5 = arith.constant 12544 : i32
    %mul3A_6 = arith.muli %arg1, %mul3A_5 : i32
    "tpu.region"() ({
      %run_scoped3A = tpu.sem_alloc : memref<!tpu.dma_semaphore, #tpu.memory_space<semaphore_mem>>
      %dma_start3A = tpu.memref_slice %arg12[%mul3A_6] : memref<200704xf32, #tpu.memory_space<vmem_shared>> -> memref<12544xf32, #tpu.memory_space<vmem_shared>>
      %dma_start3A_33 = tpu.memref_slice %arg12[%mul3A_6] : memref<200704xf32, #tpu.memory_space<vmem_shared>> -> memref<12544xf32, #tpu.memory_space<vmem_shared>>
      tpu.enqueue_dma source(%arg10 : memref<12544xf32, #tpu.memory_space<vmem>>) target(%dma_start3A_33 : memref<12544xf32, #tpu.memory_space<vmem_shared>>) target_semaphore(%run_scoped3A : memref<!tpu.dma_semaphore, #tpu.memory_space<semaphore_mem>>)
      %dma_wait3A = tpu.memref_slice %arg12[%mul3A_6] : memref<200704xf32, #tpu.memory_space<vmem_shared>> -> memref<12544xf32, #tpu.memory_space<vmem_shared>>
      %dma_wait3A_34 = tpu.memref_slice %arg12[%mul3A_6] : memref<200704xf32, #tpu.memory_space<vmem_shared>> -> memref<12544xf32, #tpu.memory_space<vmem_shared>>
      tpu.wait_dma2 semaphore(%run_scoped3A : memref<!tpu.dma_semaphore, #tpu.memory_space<semaphore_mem>>) src(%arg10 : memref<12544xf32, #tpu.memory_space<vmem>>) dst(%dma_wait3A_34 : memref<12544xf32, #tpu.memory_space<vmem_shared>>)
      tpu.yield
    }) : () -> ()
    %barrier3A = arith.constant 0 : index
    tpu.barrier barrier_id(%barrier3A)
    %scan3A = arith.constant 0 : i32
    %scan3A_7 = arith.constant 0 : i32
    %scan3A_8 = arith.constant 8 : i32
    %scan3A_9 = arith.addi %scan3A_7, %scan3A_8 : i32
    %scan3A_10 = arith.constant 1 : i32
    scf.for %scan3A_33 = %scan3A_7 to %scan3A_9 step %scan3A_10  : i32 {
      %dma_start3A = arith.constant 0 : i32
      %dma_start3A_34 = tpu.memref_slice %arg9[%scan3A_33, %dma_start3A] : memref<40x128xf32, #tpu.memory_space<vmem>> -> memref<1x128xf32, #tpu.memory_space<vmem>>
      %dma_start3A_35 = tpu.memref_squeeze %dma_start3A_34 : memref<1x128xf32, #tpu.memory_space<vmem>> -> memref<128xf32, #tpu.memory_space<vmem>>
      %dma_start3A_36 = arith.constant 0 : i32
      %dma_start3A_37 = tpu.memref_slice %arg7[%scan3A_33, %dma_start3A_36] : memref<40x128xi32, #tpu.memory_space<vmem>> -> memref<1x128xi32, #tpu.memory_space<vmem>>
      %dma_start3A_38 = tpu.memref_squeeze %dma_start3A_37 : memref<1x128xi32, #tpu.memory_space<vmem>> -> memref<128xi32, #tpu.memory_space<vmem>>
      %dma_start3A_39 = arith.constant 0 : i32
      %dma_start3A_40 = tpu.memref_slice %arg11[%dma_start3A_39] : memref<200704xf32, #tpu.memory_space<vmem_shared>> -> memref<200704xf32, #tpu.memory_space<vmem_shared>>
      tpu.enqueue_indirect_dma source(%dma_start3A_40 : memref<200704xf32, #tpu.memory_space<vmem_shared>>) target(%dma_start3A_35 : memref<128xf32, #tpu.memory_space<vmem>>) offsets(%dma_start3A_38 : memref<128xi32, #tpu.memory_space<vmem>>) semaphore(%arg13 : memref<!tpu.dma_semaphore, #tpu.memory_space<semaphore_mem>>)
    }
    %scan3A_11 = arith.constant 8 : i32
    %scan3A_12 = arith.constant 0 : i32
    %scan3A_13 = arith.constant 0 : i32
    %scan3A_14 = arith.constant 40 : i32
    %scan3A_15 = arith.addi %scan3A_13, %scan3A_14 : i32
    %scan3A_16 = arith.constant 1 : i32
    scf.for %scan3A_33 = %scan3A_13 to %scan3A_15 step %scan3A_16  : i32 {
      %dma_wait3A = arith.constant 0 : i32
      %dma_wait3A_34 = tpu.memref_slice %arg9[%scan3A_33, %dma_wait3A] : memref<40x128xf32, #tpu.memory_space<vmem>> -> memref<1x128xf32, #tpu.memory_space<vmem>>
      %dma_wait3A_35 = tpu.memref_squeeze %dma_wait3A_34 : memref<1x128xf32, #tpu.memory_space<vmem>> -> memref<128xf32, #tpu.memory_space<vmem>>
      %dma_wait3A_36 = arith.constant 0 : i32
      %dma_wait3A_37 = tpu.memref_slice %arg7[%scan3A_33, %dma_wait3A_36] : memref<40x128xi32, #tpu.memory_space<vmem>> -> memref<1x128xi32, #tpu.memory_space<vmem>>
      %dma_wait3A_38 = tpu.memref_squeeze %dma_wait3A_37 : memref<1x128xi32, #tpu.memory_space<vmem>> -> memref<128xi32, #tpu.memory_space<vmem>>
      %dma_wait3A_39 = arith.constant 0 : i32
      %dma_wait3A_40 = tpu.memref_slice %arg11[%dma_wait3A_39] : memref<200704xf32, #tpu.memory_space<vmem_shared>> -> memref<200704xf32, #tpu.memory_space<vmem_shared>>
      tpu.wait_indirect_dma semaphore(%arg13 : memref<!tpu.dma_semaphore, #tpu.memory_space<semaphore_mem>>) src(%dma_wait3A_40 : memref<200704xf32, #tpu.memory_space<vmem_shared>>) dst(%dma_wait3A_35 : memref<128xf32, #tpu.memory_space<vmem>>)
      %dma_start3A = arith.constant 0 : i32
      %dma_start3A_41 = tpu.memref_slice %arg9[%scan3A_33, %dma_start3A] : memref<40x128xf32, #tpu.memory_space<vmem>> -> memref<1x128xf32, #tpu.memory_space<vmem>>
      %dma_start3A_42 = tpu.memref_squeeze %dma_start3A_41 : memref<1x128xf32, #tpu.memory_space<vmem>> -> memref<128xf32, #tpu.memory_space<vmem>>
      %dma_start3A_43 = arith.constant 0 : i32
      %dma_start3A_44 = tpu.memref_slice %arg8[%scan3A_33, %dma_start3A_43] : memref<40x128xi32, #tpu.memory_space<vmem>> -> memref<1x128xi32, #tpu.memory_space<vmem>>
      %dma_start3A_45 = tpu.memref_squeeze %dma_start3A_44 : memref<1x128xi32, #tpu.memory_space<vmem>> -> memref<128xi32, #tpu.memory_space<vmem>>
      %dma_start3A_46 = arith.constant 0 : i32
      %dma_start3A_47 = tpu.memref_slice %arg12[%dma_start3A_46] : memref<200704xf32, #tpu.memory_space<vmem_shared>> -> memref<200704xf32, #tpu.memory_space<vmem_shared>>
      tpu.enqueue_indirect_dma source(%dma_start3A_42 : memref<128xf32, #tpu.memory_space<vmem>>) target(%dma_start3A_47 : memref<200704xf32, #tpu.memory_space<vmem_shared>>) offsets(%dma_start3A_45 : memref<128xi32, #tpu.memory_space<vmem>>) semaphore(%arg14 : memref<!tpu.dma_semaphore, #tpu.memory_space<semaphore_mem>>) {add = true}
      %lt3A = arith.constant 32 : i32
      %lt3A_48 = arith.cmpi slt, %scan3A_33, %lt3A : i32
      %convert_element_type3A = arith.extui %lt3A_48 : i1 to i32
      %cond3A = arith.constant 0 : i32
      %cond3A_49 = arith.cmpi ne, %convert_element_type3A, %cond3A : i32
      scf.if %cond3A_49 {
        %add3A_50 = arith.constant 8 : i32
        %add3A_51 = arith.addi %scan3A_33, %add3A_50 : i32
        %dma_start3A_52 = arith.constant 0 : i32
        %dma_start3A_53 = tpu.memref_slice %arg9[%add3A_51, %dma_start3A_52] : memref<40x128xf32, #tpu.memory_space<vmem>> -> memref<1x128xf32, #tpu.memory_space<vmem>>
        %dma_start3A_54 = tpu.memref_squeeze %dma_start3A_53 : memref<1x128xf32, #tpu.memory_space<vmem>> -> memref<128xf32, #tpu.memory_space<vmem>>
        %dma_start3A_55 = arith.constant 0 : i32
        %dma_start3A_56 = tpu.memref_slice %arg7[%add3A_51, %dma_start3A_55] : memref<40x128xi32, #tpu.memory_space<vmem>> -> memref<1x128xi32, #tpu.memory_space<vmem>>
        %dma_start3A_57 = tpu.memref_squeeze %dma_start3A_56 : memref<1x128xi32, #tpu.memory_space<vmem>> -> memref<128xi32, #tpu.memory_space<vmem>>
        %dma_start3A_58 = arith.constant 0 : i32
        %dma_start3A_59 = tpu.memref_slice %arg11[%dma_start3A_58] : memref<200704xf32, #tpu.memory_space<vmem_shared>> -> memref<200704xf32, #tpu.memory_space<vmem_shared>>
        tpu.enqueue_indirect_dma source(%dma_start3A_59 : memref<200704xf32, #tpu.memory_space<vmem_shared>>) target(%dma_start3A_54 : memref<128xf32, #tpu.memory_space<vmem>>) offsets(%dma_start3A_57 : memref<128xi32, #tpu.memory_space<vmem>>) semaphore(%arg13 : memref<!tpu.dma_semaphore, #tpu.memory_space<semaphore_mem>>)
      } else {
      }
    }
    %scan3A_17 = arith.constant 40 : i32
    %scan3A_18 = arith.constant 0 : i32
    %scan3A_19 = arith.constant 0 : i32
    %scan3A_20 = arith.constant 40 : i32
    %scan3A_21 = arith.addi %scan3A_19, %scan3A_20 : i32
    %scan3A_22 = arith.constant 1 : i32
    scf.for %scan3A_33 = %scan3A_19 to %scan3A_21 step %scan3A_22  : i32 {
      %dma_wait3A = arith.constant 0 : i32
      %dma_wait3A_34 = tpu.memref_slice %arg9[%scan3A_33, %dma_wait3A] : memref<40x128xf32, #tpu.memory_space<vmem>> -> memref<1x128xf32, #tpu.memory_space<vmem>>
      %dma_wait3A_35 = tpu.memref_squeeze %dma_wait3A_34 : memref<1x128xf32, #tpu.memory_space<vmem>> -> memref<128xf32, #tpu.memory_space<vmem>>
      %dma_wait3A_36 = arith.constant 0 : i32
      %dma_wait3A_37 = tpu.memref_slice %arg8[%scan3A_33, %dma_wait3A_36] : memref<40x128xi32, #tpu.memory_space<vmem>> -> memref<1x128xi32, #tpu.memory_space<vmem>>
      %dma_wait3A_38 = tpu.memref_squeeze %dma_wait3A_37 : memref<1x128xi32, #tpu.memory_space<vmem>> -> memref<128xi32, #tpu.memory_space<vmem>>
      %dma_wait3A_39 = arith.constant 0 : i32
      %dma_wait3A_40 = tpu.memref_slice %arg12[%dma_wait3A_39] : memref<200704xf32, #tpu.memory_space<vmem_shared>> -> memref<200704xf32, #tpu.memory_space<vmem_shared>>
      tpu.wait_indirect_dma semaphore(%arg14 : memref<!tpu.dma_semaphore, #tpu.memory_space<semaphore_mem>>) src(%dma_wait3A_35 : memref<128xf32, #tpu.memory_space<vmem>>) dst(%dma_wait3A_40 : memref<200704xf32, #tpu.memory_space<vmem_shared>>)
    }
    %scan3A_23 = arith.constant 40 : i32
    %barrier3A_24 = arith.constant 0 : index
    tpu.barrier barrier_id(%barrier3A_24)
    %mul3A_25 = arith.constant 200704 : i32
    %mul3A_26 = arith.muli %arg0, %mul3A_25 : i32
    %mul3A_27 = arith.constant 12544 : i32
    %mul3A_28 = arith.muli %arg1, %mul3A_27 : i32
    %add3A_29 = arith.addi %mul3A_26, %mul3A_28 : i32
    %multiple_of3A_30 = tpu.assume_multiple %add3A_29, 128 : i32
    %mul3A_31 = arith.constant 12544 : i32
    %mul3A_32 = arith.muli %arg1, %mul3A_31 : i32
    "tpu.region"() ({
      %run_scoped3A = tpu.sem_alloc : memref<!tpu.dma_semaphore, #tpu.memory_space<semaphore_mem>>
      %dma_start3A = tpu.memref_slice %arg12[%mul3A_32] : memref<200704xf32, #tpu.memory_space<vmem_shared>> -> memref<12544xf32, #tpu.memory_space<vmem_shared>>
      %dma_start3A_33 = tpu.memref_slice %arg12[%mul3A_32] : memref<200704xf32, #tpu.memory_space<vmem_shared>> -> memref<12544xf32, #tpu.memory_space<vmem_shared>>
      tpu.enqueue_dma source(%dma_start3A_33 : memref<12544xf32, #tpu.memory_space<vmem_shared>>) target(%arg10 : memref<12544xf32, #tpu.memory_space<vmem>>) target_semaphore(%run_scoped3A : memref<!tpu.dma_semaphore, #tpu.memory_space<semaphore_mem>>)
      %dma_wait3A = tpu.memref_slice %arg12[%mul3A_32] : memref<200704xf32, #tpu.memory_space<vmem_shared>> -> memref<12544xf32, #tpu.memory_space<vmem_shared>>
      %dma_wait3A_34 = tpu.memref_slice %arg12[%mul3A_32] : memref<200704xf32, #tpu.memory_space<vmem_shared>> -> memref<12544xf32, #tpu.memory_space<vmem_shared>>
      tpu.wait_dma2 semaphore(%run_scoped3A : memref<!tpu.dma_semaphore, #tpu.memory_space<semaphore_mem>>) src(%dma_wait3A_34 : memref<12544xf32, #tpu.memory_space<vmem_shared>>) dst(%arg10 : memref<12544xf32, #tpu.memory_space<vmem>>)
      tpu.yield
    }) : () -> ()
    "tpu.region"() ({
      %run_scoped3A = tpu.sem_alloc : memref<!tpu.dma_semaphore, #tpu.memory_space<semaphore_mem>>
      %dma_start3A = tpu.memref_slice %arg6[%multiple_of3A_30] : memref<401408xf32, #tpu.memory_space<hbm>> -> memref<12544xf32, #tpu.memory_space<hbm>>
      %dma_start3A_33 = tpu.memref_slice %arg6[%multiple_of3A_30] : memref<401408xf32, #tpu.memory_space<hbm>> -> memref<12544xf32, #tpu.memory_space<hbm>>
      tpu.enqueue_dma source(%arg10 : memref<12544xf32, #tpu.memory_space<vmem>>) target(%dma_start3A_33 : memref<12544xf32, #tpu.memory_space<hbm>>) target_semaphore(%run_scoped3A : memref<!tpu.dma_semaphore, #tpu.memory_space<semaphore_mem>>)
      %dma_wait3A = tpu.memref_slice %arg6[%multiple_of3A_30] : memref<401408xf32, #tpu.memory_space<hbm>> -> memref<12544xf32, #tpu.memory_space<hbm>>
      %dma_wait3A_34 = tpu.memref_slice %arg6[%multiple_of3A_30] : memref<401408xf32, #tpu.memory_space<hbm>> -> memref<12544xf32, #tpu.memory_space<hbm>>
      tpu.wait_dma2 semaphore(%run_scoped3A : memref<!tpu.dma_semaphore, #tpu.memory_space<semaphore_mem>>) src(%arg10 : memref<12544xf32, #tpu.memory_space<vmem>>) dst(%dma_wait3A_34 : memref<12544xf32, #tpu.memory_space<hbm>>)
      tpu.yield
    }) : () -> ()
    return
  }
}

#map = affine_map<(d0, d1) -> (0)>
#map1 = affine_map<(d0, d1) -> (0, 0, 0)>
module attributes {stable_mosaic.version = 14 : i64} {
  func.func @_edge_sc_body(%arg0: i32, %arg1: i32, %arg2: memref<200704xf32, #tpu.memory_space<hbm>>, %arg3: memref<32x40x128xi32, #tpu.memory_space<hbm>>, %arg4: memref<32x40x128xi32, #tpu.memory_space<hbm>>, %arg5: memref<12544xf32, #tpu.memory_space<hbm>>, %arg6: memref<401408xf32, #tpu.memory_space<hbm>>, %arg7: memref<40x128xi32, #tpu.memory_space<vmem>>, %arg8: memref<40x128xi32, #tpu.memory_space<vmem>>, %arg9: memref<40x128xf32, #tpu.memory_space<vmem>>, %arg10: memref<12544xf32, #tpu.memory_space<vmem>>, %arg11: memref<200704xf32, #tpu.memory_space<vmem_shared>>, %arg12: memref<200704xf32, #tpu.memory_space<vmem_shared>>, %arg13: memref<!tpu.dma_semaphore, #tpu.memory_space<semaphore_mem>>, %arg14: memref<!tpu.dma_semaphore, #tpu.memory_space<semaphore_mem>>) attributes {dimension_semantics = [#tpu.dimension_semantics<core_parallel>, #tpu.dimension_semantics<subcore_parallel>], iteration_bounds = array<i64: 2, 16>, scalar_prefetch = 0 : i64, scratch_operands = 8 : i64, tpu.core_type = #tpu.core_type<sc_vector_subcore>, window_params = [{transform_indices = #map}, {transform_indices = #map1}, {transform_indices = #map1}, {transform_indices = #map}, {transform_indices = #map}]} {
    %mul3A = arith.constant 16 : i32
    %mul3A_0 = arith.muli %arg0, %mul3A : i32
    %add3A = arith.addi %mul3A_0, %arg1 : i32
    "tpu.region"() ({
      %run_scoped3A = tpu.sem_alloc : memref<!tpu.dma_semaphore, #tpu.memory_space<semaphore_mem>>
      %dma_start3A = arith.constant 0 : i32
      %dma_start3A_33 = arith.constant 0 : i32
      %dma_start3A_34 = tpu.memref_slice %arg3[%add3A, %dma_start3A, %dma_start3A_33] : memref<32x40x128xi32, #tpu.memory_space<hbm>> -> memref<1x40x128xi32, #tpu.memory_space<hbm>>
      %dma_start3A_35 = tpu.memref_squeeze %dma_start3A_34 : memref<1x40x128xi32, #tpu.memory_space<hbm>> -> memref<40x128xi32, #tpu.memory_space<hbm>>
      %dma_start3A_36 = arith.constant 0 : i32
      %dma_start3A_37 = arith.constant 0 : i32
      %dma_start3A_38 = tpu.memref_slice %arg3[%add3A, %dma_start3A_36, %dma_start3A_37] : memref<32x40x128xi32, #tpu.memory_space<hbm>> -> memref<1x40x128xi32, #tpu.memory_space<hbm>>
      %dma_start3A_39 = tpu.memref_squeeze %dma_start3A_38 : memref<1x40x128xi32, #tpu.memory_space<hbm>> -> memref<40x128xi32, #tpu.memory_space<hbm>>
      tpu.enqueue_dma source(%dma_start3A_39 : memref<40x128xi32, #tpu.memory_space<hbm>>) target(%arg7 : memref<40x128xi32, #tpu.memory_space<vmem>>) target_semaphore(%run_scoped3A : memref<!tpu.dma_semaphore, #tpu.memory_space<semaphore_mem>>)
      %dma_wait3A = arith.constant 0 : i32
      %dma_wait3A_40 = arith.constant 0 : i32
      %dma_wait3A_41 = tpu.memref_slice %arg3[%add3A, %dma_wait3A, %dma_wait3A_40] : memref<32x40x128xi32, #tpu.memory_space<hbm>> -> memref<1x40x128xi32, #tpu.memory_space<hbm>>
      %dma_wait3A_42 = tpu.memref_squeeze %dma_wait3A_41 : memref<1x40x128xi32, #tpu.memory_space<hbm>> -> memref<40x128xi32, #tpu.memory_space<hbm>>
      %dma_wait3A_43 = arith.constant 0 : i32
      %dma_wait3A_44 = arith.constant 0 : i32
      %dma_wait3A_45 = tpu.memref_slice %arg3[%add3A, %dma_wait3A_43, %dma_wait3A_44] : memref<32x40x128xi32, #tpu.memory_space<hbm>> -> memref<1x40x128xi32, #tpu.memory_space<hbm>>
      %dma_wait3A_46 = tpu.memref_squeeze %dma_wait3A_45 : memref<1x40x128xi32, #tpu.memory_space<hbm>> -> memref<40x128xi32, #tpu.memory_space<hbm>>
      tpu.wait_dma2 semaphore(%run_scoped3A : memref<!tpu.dma_semaphore, #tpu.memory_space<semaphore_mem>>) src(%dma_wait3A_46 : memref<40x128xi32, #tpu.memory_space<hbm>>) dst(%arg7 : memref<40x128xi32, #tpu.memory_space<vmem>>)
      tpu.yield
    }) : () -> ()
    "tpu.region"() ({
      %run_scoped3A = tpu.sem_alloc : memref<!tpu.dma_semaphore, #tpu.memory_space<semaphore_mem>>
      %dma_start3A = arith.constant 0 : i32
      %dma_start3A_33 = arith.constant 0 : i32
      %dma_start3A_34 = tpu.memref_slice %arg4[%add3A, %dma_start3A, %dma_start3A_33] : memref<32x40x128xi32, #tpu.memory_space<hbm>> -> memref<1x40x128xi32, #tpu.memory_space<hbm>>
      %dma_start3A_35 = tpu.memref_squeeze %dma_start3A_34 : memref<1x40x128xi32, #tpu.memory_space<hbm>> -> memref<40x128xi32, #tpu.memory_space<hbm>>
      %dma_start3A_36 = arith.constant 0 : i32
      %dma_start3A_37 = arith.constant 0 : i32
      %dma_start3A_38 = tpu.memref_slice %arg4[%add3A, %dma_start3A_36, %dma_start3A_37] : memref<32x40x128xi32, #tpu.memory_space<hbm>> -> memref<1x40x128xi32, #tpu.memory_space<hbm>>
      %dma_start3A_39 = tpu.memref_squeeze %dma_start3A_38 : memref<1x40x128xi32, #tpu.memory_space<hbm>> -> memref<40x128xi32, #tpu.memory_space<hbm>>
      tpu.enqueue_dma source(%dma_start3A_39 : memref<40x128xi32, #tpu.memory_space<hbm>>) target(%arg8 : memref<40x128xi32, #tpu.memory_space<vmem>>) target_semaphore(%run_scoped3A : memref<!tpu.dma_semaphore, #tpu.memory_space<semaphore_mem>>)
      %dma_wait3A = arith.constant 0 : i32
      %dma_wait3A_40 = arith.constant 0 : i32
      %dma_wait3A_41 = tpu.memref_slice %arg4[%add3A, %dma_wait3A, %dma_wait3A_40] : memref<32x40x128xi32, #tpu.memory_space<hbm>> -> memref<1x40x128xi32, #tpu.memory_space<hbm>>
      %dma_wait3A_42 = tpu.memref_squeeze %dma_wait3A_41 : memref<1x40x128xi32, #tpu.memory_space<hbm>> -> memref<40x128xi32, #tpu.memory_space<hbm>>
      %dma_wait3A_43 = arith.constant 0 : i32
      %dma_wait3A_44 = arith.constant 0 : i32
      %dma_wait3A_45 = tpu.memref_slice %arg4[%add3A, %dma_wait3A_43, %dma_wait3A_44] : memref<32x40x128xi32, #tpu.memory_space<hbm>> -> memref<1x40x128xi32, #tpu.memory_space<hbm>>
      %dma_wait3A_46 = tpu.memref_squeeze %dma_wait3A_45 : memref<1x40x128xi32, #tpu.memory_space<hbm>> -> memref<40x128xi32, #tpu.memory_space<hbm>>
      tpu.wait_dma2 semaphore(%run_scoped3A : memref<!tpu.dma_semaphore, #tpu.memory_space<semaphore_mem>>) src(%dma_wait3A_46 : memref<40x128xi32, #tpu.memory_space<hbm>>) dst(%arg8 : memref<40x128xi32, #tpu.memory_space<vmem>>)
      tpu.yield
    }) : () -> ()
    %mul3A_1 = arith.constant 12544 : i32
    %mul3A_2 = arith.muli %arg1, %mul3A_1 : i32
    %multiple_of3A = tpu.assume_multiple %mul3A_2, 128 : i32
    "tpu.region"() ({
      %run_scoped3A = tpu.sem_alloc : memref<!tpu.dma_semaphore, #tpu.memory_space<semaphore_mem>>
      %dma_start3A = tpu.memref_slice %arg2[%multiple_of3A] : memref<200704xf32, #tpu.memory_space<hbm>> -> memref<12544xf32, #tpu.memory_space<hbm>>
      %dma_start3A_33 = tpu.memref_slice %arg2[%multiple_of3A] : memref<200704xf32, #tpu.memory_space<hbm>> -> memref<12544xf32, #tpu.memory_space<hbm>>
      tpu.enqueue_dma source(%dma_start3A_33 : memref<12544xf32, #tpu.memory_space<hbm>>) target(%arg10 : memref<12544xf32, #tpu.memory_space<vmem>>) target_semaphore(%run_scoped3A : memref<!tpu.dma_semaphore, #tpu.memory_space<semaphore_mem>>)
      %dma_wait3A = tpu.memref_slice %arg2[%multiple_of3A] : memref<200704xf32, #tpu.memory_space<hbm>> -> memref<12544xf32, #tpu.memory_space<hbm>>
      %dma_wait3A_34 = tpu.memref_slice %arg2[%multiple_of3A] : memref<200704xf32, #tpu.memory_space<hbm>> -> memref<12544xf32, #tpu.memory_space<hbm>>
      tpu.wait_dma2 semaphore(%run_scoped3A : memref<!tpu.dma_semaphore, #tpu.memory_space<semaphore_mem>>) src(%dma_wait3A_34 : memref<12544xf32, #tpu.memory_space<hbm>>) dst(%arg10 : memref<12544xf32, #tpu.memory_space<vmem>>)
      tpu.yield
    }) : () -> ()
    %mul3A_3 = arith.constant 12544 : i32
    %mul3A_4 = arith.muli %arg1, %mul3A_3 : i32
    "tpu.region"() ({
      %run_scoped3A = tpu.sem_alloc : memref<!tpu.dma_semaphore, #tpu.memory_space<semaphore_mem>>
      %dma_start3A = tpu.memref_slice %arg11[%mul3A_4] : memref<200704xf32, #tpu.memory_space<vmem_shared>> -> memref<12544xf32, #tpu.memory_space<vmem_shared>>
      %dma_start3A_33 = tpu.memref_slice %arg11[%mul3A_4] : memref<200704xf32, #tpu.memory_space<vmem_shared>> -> memref<12544xf32, #tpu.memory_space<vmem_shared>>
      tpu.enqueue_dma source(%arg10 : memref<12544xf32, #tpu.memory_space<vmem>>) target(%dma_start3A_33 : memref<12544xf32, #tpu.memory_space<vmem_shared>>) target_semaphore(%run_scoped3A : memref<!tpu.dma_semaphore, #tpu.memory_space<semaphore_mem>>)
      %dma_wait3A = tpu.memref_slice %arg11[%mul3A_4] : memref<200704xf32, #tpu.memory_space<vmem_shared>> -> memref<12544xf32, #tpu.memory_space<vmem_shared>>
      %dma_wait3A_34 = tpu.memref_slice %arg11[%mul3A_4] : memref<200704xf32, #tpu.memory_space<vmem_shared>> -> memref<12544xf32, #tpu.memory_space<vmem_shared>>
      tpu.wait_dma2 semaphore(%run_scoped3A : memref<!tpu.dma_semaphore, #tpu.memory_space<semaphore_mem>>) src(%arg10 : memref<12544xf32, #tpu.memory_space<vmem>>) dst(%dma_wait3A_34 : memref<12544xf32, #tpu.memory_space<vmem_shared>>)
      tpu.yield
    }) : () -> ()
    "tpu.region"() ({
      %run_scoped3A = tpu.sem_alloc : memref<!tpu.dma_semaphore, #tpu.memory_space<semaphore_mem>>
      tpu.enqueue_dma source(%arg5 : memref<12544xf32, #tpu.memory_space<hbm>>) target(%arg10 : memref<12544xf32, #tpu.memory_space<vmem>>) target_semaphore(%run_scoped3A : memref<!tpu.dma_semaphore, #tpu.memory_space<semaphore_mem>>)
      tpu.wait_dma2 semaphore(%run_scoped3A : memref<!tpu.dma_semaphore, #tpu.memory_space<semaphore_mem>>) src(%arg5 : memref<12544xf32, #tpu.memory_space<hbm>>) dst(%arg10 : memref<12544xf32, #tpu.memory_space<vmem>>)
      tpu.yield
    }) : () -> ()
    %mul3A_5 = arith.constant 12544 : i32
    %mul3A_6 = arith.muli %arg1, %mul3A_5 : i32
    "tpu.region"() ({
      %run_scoped3A = tpu.sem_alloc : memref<!tpu.dma_semaphore, #tpu.memory_space<semaphore_mem>>
      %dma_start3A = tpu.memref_slice %arg12[%mul3A_6] : memref<200704xf32, #tpu.memory_space<vmem_shared>> -> memref<12544xf32, #tpu.memory_space<vmem_shared>>
      %dma_start3A_33 = tpu.memref_slice %arg12[%mul3A_6] : memref<200704xf32, #tpu.memory_space<vmem_shared>> -> memref<12544xf32, #tpu.memory_space<vmem_shared>>
      tpu.enqueue_dma source(%arg10 : memref<12544xf32, #tpu.memory_space<vmem>>) target(%dma_start3A_33 : memref<12544xf32, #tpu.memory_space<vmem_shared>>) target_semaphore(%run_scoped3A : memref<!tpu.dma_semaphore, #tpu.memory_space<semaphore_mem>>)
      %dma_wait3A = tpu.memref_slice %arg12[%mul3A_6] : memref<200704xf32, #tpu.memory_space<vmem_shared>> -> memref<12544xf32, #tpu.memory_space<vmem_shared>>
      %dma_wait3A_34 = tpu.memref_slice %arg12[%mul3A_6] : memref<200704xf32, #tpu.memory_space<vmem_shared>> -> memref<12544xf32, #tpu.memory_space<vmem_shared>>
      tpu.wait_dma2 semaphore(%run_scoped3A : memref<!tpu.dma_semaphore, #tpu.memory_space<semaphore_mem>>) src(%arg10 : memref<12544xf32, #tpu.memory_space<vmem>>) dst(%dma_wait3A_34 : memref<12544xf32, #tpu.memory_space<vmem_shared>>)
      tpu.yield
    }) : () -> ()
    %barrier3A = arith.constant 0 : index
    tpu.barrier barrier_id(%barrier3A)
    %scan3A = arith.constant 0 : i32
    %scan3A_7 = arith.constant 0 : i32
    %scan3A_8 = arith.constant 8 : i32
    %scan3A_9 = arith.addi %scan3A_7, %scan3A_8 : i32
    %scan3A_10 = arith.constant 1 : i32
    scf.for %scan3A_33 = %scan3A_7 to %scan3A_9 step %scan3A_10  : i32 {
      %dma_start3A = arith.constant 0 : i32
      %dma_start3A_34 = tpu.memref_slice %arg9[%scan3A_33, %dma_start3A] : memref<40x128xf32, #tpu.memory_space<vmem>> -> memref<1x128xf32, #tpu.memory_space<vmem>>
      %dma_start3A_35 = tpu.memref_squeeze %dma_start3A_34 : memref<1x128xf32, #tpu.memory_space<vmem>> -> memref<128xf32, #tpu.memory_space<vmem>>
      %dma_start3A_36 = arith.constant 0 : i32
      %dma_start3A_37 = tpu.memref_slice %arg7[%scan3A_33, %dma_start3A_36] : memref<40x128xi32, #tpu.memory_space<vmem>> -> memref<1x128xi32, #tpu.memory_space<vmem>>
      %dma_start3A_38 = tpu.memref_squeeze %dma_start3A_37 : memref<1x128xi32, #tpu.memory_space<vmem>> -> memref<128xi32, #tpu.memory_space<vmem>>
      %dma_start3A_39 = arith.constant 0 : i32
      %dma_start3A_40 = tpu.memref_slice %arg11[%dma_start3A_39] : memref<200704xf32, #tpu.memory_space<vmem_shared>> -> memref<200704xf32, #tpu.memory_space<vmem_shared>>
      tpu.enqueue_indirect_dma source(%dma_start3A_40 : memref<200704xf32, #tpu.memory_space<vmem_shared>>) target(%dma_start3A_35 : memref<128xf32, #tpu.memory_space<vmem>>) offsets(%dma_start3A_38 : memref<128xi32, #tpu.memory_space<vmem>>) semaphore(%arg13 : memref<!tpu.dma_semaphore, #tpu.memory_space<semaphore_mem>>)
    }
    %scan3A_11 = arith.constant 8 : i32
    %scan3A_12 = arith.constant 0 : i32
    %scan3A_13 = arith.constant 0 : i32
    %scan3A_14 = arith.constant 40 : i32
    %scan3A_15 = arith.addi %scan3A_13, %scan3A_14 : i32
    %scan3A_16 = arith.constant 1 : i32
    scf.for %scan3A_33 = %scan3A_13 to %scan3A_15 step %scan3A_16  : i32 {
      %dma_wait3A = arith.constant 0 : i32
      %dma_wait3A_34 = tpu.memref_slice %arg9[%scan3A_33, %dma_wait3A] : memref<40x128xf32, #tpu.memory_space<vmem>> -> memref<1x128xf32, #tpu.memory_space<vmem>>
      %dma_wait3A_35 = tpu.memref_squeeze %dma_wait3A_34 : memref<1x128xf32, #tpu.memory_space<vmem>> -> memref<128xf32, #tpu.memory_space<vmem>>
      %dma_wait3A_36 = arith.constant 0 : i32
      %dma_wait3A_37 = tpu.memref_slice %arg7[%scan3A_33, %dma_wait3A_36] : memref<40x128xi32, #tpu.memory_space<vmem>> -> memref<1x128xi32, #tpu.memory_space<vmem>>
      %dma_wait3A_38 = tpu.memref_squeeze %dma_wait3A_37 : memref<1x128xi32, #tpu.memory_space<vmem>> -> memref<128xi32, #tpu.memory_space<vmem>>
      %dma_wait3A_39 = arith.constant 0 : i32
      %dma_wait3A_40 = tpu.memref_slice %arg11[%dma_wait3A_39] : memref<200704xf32, #tpu.memory_space<vmem_shared>> -> memref<200704xf32, #tpu.memory_space<vmem_shared>>
      tpu.wait_indirect_dma semaphore(%arg13 : memref<!tpu.dma_semaphore, #tpu.memory_space<semaphore_mem>>) src(%dma_wait3A_40 : memref<200704xf32, #tpu.memory_space<vmem_shared>>) dst(%dma_wait3A_35 : memref<128xf32, #tpu.memory_space<vmem>>)
      %dma_start3A = arith.constant 0 : i32
      %dma_start3A_41 = tpu.memref_slice %arg9[%scan3A_33, %dma_start3A] : memref<40x128xf32, #tpu.memory_space<vmem>> -> memref<1x128xf32, #tpu.memory_space<vmem>>
      %dma_start3A_42 = tpu.memref_squeeze %dma_start3A_41 : memref<1x128xf32, #tpu.memory_space<vmem>> -> memref<128xf32, #tpu.memory_space<vmem>>
      %dma_start3A_43 = arith.constant 0 : i32
      %dma_start3A_44 = tpu.memref_slice %arg8[%scan3A_33, %dma_start3A_43] : memref<40x128xi32, #tpu.memory_space<vmem>> -> memref<1x128xi32, #tpu.memory_space<vmem>>
      %dma_start3A_45 = tpu.memref_squeeze %dma_start3A_44 : memref<1x128xi32, #tpu.memory_space<vmem>> -> memref<128xi32, #tpu.memory_space<vmem>>
      %dma_start3A_46 = arith.constant 0 : i32
      %dma_start3A_47 = tpu.memref_slice %arg12[%dma_start3A_46] : memref<200704xf32, #tpu.memory_space<vmem_shared>> -> memref<200704xf32, #tpu.memory_space<vmem_shared>>
      tpu.enqueue_indirect_dma source(%dma_start3A_42 : memref<128xf32, #tpu.memory_space<vmem>>) target(%dma_start3A_47 : memref<200704xf32, #tpu.memory_space<vmem_shared>>) offsets(%dma_start3A_45 : memref<128xi32, #tpu.memory_space<vmem>>) semaphore(%arg14 : memref<!tpu.dma_semaphore, #tpu.memory_space<semaphore_mem>>) {add = true}
      %lt3A = arith.constant 32 : i32
      %lt3A_48 = arith.cmpi slt, %scan3A_33, %lt3A : i32
      %convert_element_type3A = arith.extui %lt3A_48 : i1 to i32
      %cond3A = arith.constant 0 : i32
      %cond3A_49 = arith.cmpi ne, %convert_element_type3A, %cond3A : i32
      scf.if %cond3A_49 {
        %add3A_50 = arith.constant 8 : i32
        %add3A_51 = arith.addi %scan3A_33, %add3A_50 : i32
        %dma_start3A_52 = arith.constant 0 : i32
        %dma_start3A_53 = tpu.memref_slice %arg9[%add3A_51, %dma_start3A_52] : memref<40x128xf32, #tpu.memory_space<vmem>> -> memref<1x128xf32, #tpu.memory_space<vmem>>
        %dma_start3A_54 = tpu.memref_squeeze %dma_start3A_53 : memref<1x128xf32, #tpu.memory_space<vmem>> -> memref<128xf32, #tpu.memory_space<vmem>>
        %dma_start3A_55 = arith.constant 0 : i32
        %dma_start3A_56 = tpu.memref_slice %arg7[%add3A_51, %dma_start3A_55] : memref<40x128xi32, #tpu.memory_space<vmem>> -> memref<1x128xi32, #tpu.memory_space<vmem>>
        %dma_start3A_57 = tpu.memref_squeeze %dma_start3A_56 : memref<1x128xi32, #tpu.memory_space<vmem>> -> memref<128xi32, #tpu.memory_space<vmem>>
        %dma_start3A_58 = arith.constant 0 : i32
        %dma_start3A_59 = tpu.memref_slice %arg11[%dma_start3A_58] : memref<200704xf32, #tpu.memory_space<vmem_shared>> -> memref<200704xf32, #tpu.memory_space<vmem_shared>>
        tpu.enqueue_indirect_dma source(%dma_start3A_59 : memref<200704xf32, #tpu.memory_space<vmem_shared>>) target(%dma_start3A_54 : memref<128xf32, #tpu.memory_space<vmem>>) offsets(%dma_start3A_57 : memref<128xi32, #tpu.memory_space<vmem>>) semaphore(%arg13 : memref<!tpu.dma_semaphore, #tpu.memory_space<semaphore_mem>>)
      } else {
      }
    }
    %scan3A_17 = arith.constant 40 : i32
    %scan3A_18 = arith.constant 0 : i32
    %scan3A_19 = arith.constant 0 : i32
    %scan3A_20 = arith.constant 40 : i32
    %scan3A_21 = arith.addi %scan3A_19, %scan3A_20 : i32
    %scan3A_22 = arith.constant 1 : i32
    scf.for %scan3A_33 = %scan3A_19 to %scan3A_21 step %scan3A_22  : i32 {
      %dma_wait3A = arith.constant 0 : i32
      %dma_wait3A_34 = tpu.memref_slice %arg9[%scan3A_33, %dma_wait3A] : memref<40x128xf32, #tpu.memory_space<vmem>> -> memref<1x128xf32, #tpu.memory_space<vmem>>
      %dma_wait3A_35 = tpu.memref_squeeze %dma_wait3A_34 : memref<1x128xf32, #tpu.memory_space<vmem>> -> memref<128xf32, #tpu.memory_space<vmem>>
      %dma_wait3A_36 = arith.constant 0 : i32
      %dma_wait3A_37 = tpu.memref_slice %arg8[%scan3A_33, %dma_wait3A_36] : memref<40x128xi32, #tpu.memory_space<vmem>> -> memref<1x128xi32, #tpu.memory_space<vmem>>
      %dma_wait3A_38 = tpu.memref_squeeze %dma_wait3A_37 : memref<1x128xi32, #tpu.memory_space<vmem>> -> memref<128xi32, #tpu.memory_space<vmem>>
      %dma_wait3A_39 = arith.constant 0 : i32
      %dma_wait3A_40 = tpu.memref_slice %arg12[%dma_wait3A_39] : memref<200704xf32, #tpu.memory_space<vmem_shared>> -> memref<200704xf32, #tpu.memory_space<vmem_shared>>
      tpu.wait_indirect_dma semaphore(%arg14 : memref<!tpu.dma_semaphore, #tpu.memory_space<semaphore_mem>>) src(%dma_wait3A_35 : memref<128xf32, #tpu.memory_space<vmem>>) dst(%dma_wait3A_40 : memref<200704xf32, #tpu.memory_space<vmem_shared>>)
    }
    %scan3A_23 = arith.constant 40 : i32
    %barrier3A_24 = arith.constant 0 : index
    tpu.barrier barrier_id(%barrier3A_24)
    %mul3A_25 = arith.constant 200704 : i32
    %mul3A_26 = arith.muli %arg0, %mul3A_25 : i32
    %mul3A_27 = arith.constant 12544 : i32
    %mul3A_28 = arith.muli %arg1, %mul3A_27 : i32
    %add3A_29 = arith.addi %mul3A_26, %mul3A_28 : i32
    %multiple_of3A_30 = tpu.assume_multiple %add3A_29, 128 : i32
    %mul3A_31 = arith.constant 12544 : i32
    %mul3A_32 = arith.muli %arg1, %mul3A_31 : i32
    "tpu.region"() ({
      %run_scoped3A = tpu.sem_alloc : memref<!tpu.dma_semaphore, #tpu.memory_space<semaphore_mem>>
      %dma_start3A = tpu.memref_slice %arg12[%mul3A_32] : memref<200704xf32, #tpu.memory_space<vmem_shared>> -> memref<12544xf32, #tpu.memory_space<vmem_shared>>
      %dma_start3A_33 = tpu.memref_slice %arg12[%mul3A_32] : memref<200704xf32, #tpu.memory_space<vmem_shared>> -> memref<12544xf32, #tpu.memory_space<vmem_shared>>
      tpu.enqueue_dma source(%dma_start3A_33 : memref<12544xf32, #tpu.memory_space<vmem_shared>>) target(%arg10 : memref<12544xf32, #tpu.memory_space<vmem>>) target_semaphore(%run_scoped3A : memref<!tpu.dma_semaphore, #tpu.memory_space<semaphore_mem>>)
      %dma_wait3A = tpu.memref_slice %arg12[%mul3A_32] : memref<200704xf32, #tpu.memory_space<vmem_shared>> -> memref<12544xf32, #tpu.memory_space<vmem_shared>>
      %dma_wait3A_34 = tpu.memref_slice %arg12[%mul3A_32] : memref<200704xf32, #tpu.memory_space<vmem_shared>> -> memref<12544xf32, #tpu.memory_space<vmem_shared>>
      tpu.wait_dma2 semaphore(%run_scoped3A : memref<!tpu.dma_semaphore, #tpu.memory_space<semaphore_mem>>) src(%dma_wait3A_34 : memref<12544xf32, #tpu.memory_space<vmem_shared>>) dst(%arg10 : memref<12544xf32, #tpu.memory_space<vmem>>)
      tpu.yield
    }) : () -> ()
    "tpu.region"() ({
      %run_scoped3A = tpu.sem_alloc : memref<!tpu.dma_semaphore, #tpu.memory_space<semaphore_mem>>
      %dma_start3A = tpu.memref_slice %arg6[%multiple_of3A_30] : memref<401408xf32, #tpu.memory_space<hbm>> -> memref<12544xf32, #tpu.memory_space<hbm>>
      %dma_start3A_33 = tpu.memref_slice %arg6[%multiple_of3A_30] : memref<401408xf32, #tpu.memory_space<hbm>> -> memref<12544xf32, #tpu.memory_space<hbm>>
      tpu.enqueue_dma source(%arg10 : memref<12544xf32, #tpu.memory_space<vmem>>) target(%dma_start3A_33 : memref<12544xf32, #tpu.memory_space<hbm>>) target_semaphore(%run_scoped3A : memref<!tpu.dma_semaphore, #tpu.memory_space<semaphore_mem>>)
      %dma_wait3A = tpu.memref_slice %arg6[%multiple_of3A_30] : memref<401408xf32, #tpu.memory_space<hbm>> -> memref<12544xf32, #tpu.memory_space<hbm>>
      %dma_wait3A_34 = tpu.memref_slice %arg6[%multiple_of3A_30] : memref<401408xf32, #tpu.memory_space<hbm>> -> memref<12544xf32, #tpu.memory_space<hbm>>
      tpu.wait_dma2 semaphore(%run_scoped3A : memref<!tpu.dma_semaphore, #tpu.memory_space<semaphore_mem>>) src(%arg10 : memref<12544xf32, #tpu.memory_space<vmem>>) dst(%dma_wait3A_34 : memref<12544xf32, #tpu.memory_space<hbm>>)
      tpu.yield
    }) : () -> ()
    return
  }
}

#map = affine_map<(d0, d1) -> (0)>
#map1 = affine_map<(d0, d1) -> (0, 0, 0)>
module attributes {stable_mosaic.version = 14 : i64} {
  func.func @_edge_sc_body(%arg0: i32, %arg1: i32, %arg2: memref<200704xf32, #tpu.memory_space<hbm>>, %arg3: memref<32x40x128xi32, #tpu.memory_space<hbm>>, %arg4: memref<32x40x128xi32, #tpu.memory_space<hbm>>, %arg5: memref<12544xf32, #tpu.memory_space<hbm>>, %arg6: memref<401408xf32, #tpu.memory_space<hbm>>, %arg7: memref<40x128xi32, #tpu.memory_space<vmem>>, %arg8: memref<40x128xi32, #tpu.memory_space<vmem>>, %arg9: memref<40x128xf32, #tpu.memory_space<vmem>>, %arg10: memref<12544xf32, #tpu.memory_space<vmem>>, %arg11: memref<200704xf32, #tpu.memory_space<vmem_shared>>, %arg12: memref<200704xf32, #tpu.memory_space<vmem_shared>>, %arg13: memref<!tpu.dma_semaphore, #tpu.memory_space<semaphore_mem>>, %arg14: memref<!tpu.dma_semaphore, #tpu.memory_space<semaphore_mem>>) attributes {dimension_semantics = [#tpu.dimension_semantics<core_parallel>, #tpu.dimension_semantics<subcore_parallel>], iteration_bounds = array<i64: 2, 16>, scalar_prefetch = 0 : i64, scratch_operands = 8 : i64, tpu.core_type = #tpu.core_type<sc_vector_subcore>, window_params = [{transform_indices = #map}, {transform_indices = #map1}, {transform_indices = #map1}, {transform_indices = #map}, {transform_indices = #map}]} {
    %mul3A = arith.constant 16 : i32
    %mul3A_0 = arith.muli %arg0, %mul3A : i32
    %add3A = arith.addi %mul3A_0, %arg1 : i32
    "tpu.region"() ({
      %run_scoped3A = tpu.sem_alloc : memref<!tpu.dma_semaphore, #tpu.memory_space<semaphore_mem>>
      %dma_start3A = arith.constant 0 : i32
      %dma_start3A_33 = arith.constant 0 : i32
      %dma_start3A_34 = tpu.memref_slice %arg3[%add3A, %dma_start3A, %dma_start3A_33] : memref<32x40x128xi32, #tpu.memory_space<hbm>> -> memref<1x40x128xi32, #tpu.memory_space<hbm>>
      %dma_start3A_35 = tpu.memref_squeeze %dma_start3A_34 : memref<1x40x128xi32, #tpu.memory_space<hbm>> -> memref<40x128xi32, #tpu.memory_space<hbm>>
      %dma_start3A_36 = arith.constant 0 : i32
      %dma_start3A_37 = arith.constant 0 : i32
      %dma_start3A_38 = tpu.memref_slice %arg3[%add3A, %dma_start3A_36, %dma_start3A_37] : memref<32x40x128xi32, #tpu.memory_space<hbm>> -> memref<1x40x128xi32, #tpu.memory_space<hbm>>
      %dma_start3A_39 = tpu.memref_squeeze %dma_start3A_38 : memref<1x40x128xi32, #tpu.memory_space<hbm>> -> memref<40x128xi32, #tpu.memory_space<hbm>>
      tpu.enqueue_dma source(%dma_start3A_39 : memref<40x128xi32, #tpu.memory_space<hbm>>) target(%arg7 : memref<40x128xi32, #tpu.memory_space<vmem>>) target_semaphore(%run_scoped3A : memref<!tpu.dma_semaphore, #tpu.memory_space<semaphore_mem>>)
      %dma_wait3A = arith.constant 0 : i32
      %dma_wait3A_40 = arith.constant 0 : i32
      %dma_wait3A_41 = tpu.memref_slice %arg3[%add3A, %dma_wait3A, %dma_wait3A_40] : memref<32x40x128xi32, #tpu.memory_space<hbm>> -> memref<1x40x128xi32, #tpu.memory_space<hbm>>
      %dma_wait3A_42 = tpu.memref_squeeze %dma_wait3A_41 : memref<1x40x128xi32, #tpu.memory_space<hbm>> -> memref<40x128xi32, #tpu.memory_space<hbm>>
      %dma_wait3A_43 = arith.constant 0 : i32
      %dma_wait3A_44 = arith.constant 0 : i32
      %dma_wait3A_45 = tpu.memref_slice %arg3[%add3A, %dma_wait3A_43, %dma_wait3A_44] : memref<32x40x128xi32, #tpu.memory_space<hbm>> -> memref<1x40x128xi32, #tpu.memory_space<hbm>>
      %dma_wait3A_46 = tpu.memref_squeeze %dma_wait3A_45 : memref<1x40x128xi32, #tpu.memory_space<hbm>> -> memref<40x128xi32, #tpu.memory_space<hbm>>
      tpu.wait_dma2 semaphore(%run_scoped3A : memref<!tpu.dma_semaphore, #tpu.memory_space<semaphore_mem>>) src(%dma_wait3A_46 : memref<40x128xi32, #tpu.memory_space<hbm>>) dst(%arg7 : memref<40x128xi32, #tpu.memory_space<vmem>>)
      tpu.yield
    }) : () -> ()
    "tpu.region"() ({
      %run_scoped3A = tpu.sem_alloc : memref<!tpu.dma_semaphore, #tpu.memory_space<semaphore_mem>>
      %dma_start3A = arith.constant 0 : i32
      %dma_start3A_33 = arith.constant 0 : i32
      %dma_start3A_34 = tpu.memref_slice %arg4[%add3A, %dma_start3A, %dma_start3A_33] : memref<32x40x128xi32, #tpu.memory_space<hbm>> -> memref<1x40x128xi32, #tpu.memory_space<hbm>>
      %dma_start3A_35 = tpu.memref_squeeze %dma_start3A_34 : memref<1x40x128xi32, #tpu.memory_space<hbm>> -> memref<40x128xi32, #tpu.memory_space<hbm>>
      %dma_start3A_36 = arith.constant 0 : i32
      %dma_start3A_37 = arith.constant 0 : i32
      %dma_start3A_38 = tpu.memref_slice %arg4[%add3A, %dma_start3A_36, %dma_start3A_37] : memref<32x40x128xi32, #tpu.memory_space<hbm>> -> memref<1x40x128xi32, #tpu.memory_space<hbm>>
      %dma_start3A_39 = tpu.memref_squeeze %dma_start3A_38 : memref<1x40x128xi32, #tpu.memory_space<hbm>> -> memref<40x128xi32, #tpu.memory_space<hbm>>
      tpu.enqueue_dma source(%dma_start3A_39 : memref<40x128xi32, #tpu.memory_space<hbm>>) target(%arg8 : memref<40x128xi32, #tpu.memory_space<vmem>>) target_semaphore(%run_scoped3A : memref<!tpu.dma_semaphore, #tpu.memory_space<semaphore_mem>>)
      %dma_wait3A = arith.constant 0 : i32
      %dma_wait3A_40 = arith.constant 0 : i32
      %dma_wait3A_41 = tpu.memref_slice %arg4[%add3A, %dma_wait3A, %dma_wait3A_40] : memref<32x40x128xi32, #tpu.memory_space<hbm>> -> memref<1x40x128xi32, #tpu.memory_space<hbm>>
      %dma_wait3A_42 = tpu.memref_squeeze %dma_wait3A_41 : memref<1x40x128xi32, #tpu.memory_space<hbm>> -> memref<40x128xi32, #tpu.memory_space<hbm>>
      %dma_wait3A_43 = arith.constant 0 : i32
      %dma_wait3A_44 = arith.constant 0 : i32
      %dma_wait3A_45 = tpu.memref_slice %arg4[%add3A, %dma_wait3A_43, %dma_wait3A_44] : memref<32x40x128xi32, #tpu.memory_space<hbm>> -> memref<1x40x128xi32, #tpu.memory_space<hbm>>
      %dma_wait3A_46 = tpu.memref_squeeze %dma_wait3A_45 : memref<1x40x128xi32, #tpu.memory_space<hbm>> -> memref<40x128xi32, #tpu.memory_space<hbm>>
      tpu.wait_dma2 semaphore(%run_scoped3A : memref<!tpu.dma_semaphore, #tpu.memory_space<semaphore_mem>>) src(%dma_wait3A_46 : memref<40x128xi32, #tpu.memory_space<hbm>>) dst(%arg8 : memref<40x128xi32, #tpu.memory_space<vmem>>)
      tpu.yield
    }) : () -> ()
    %mul3A_1 = arith.constant 12544 : i32
    %mul3A_2 = arith.muli %arg1, %mul3A_1 : i32
    %multiple_of3A = tpu.assume_multiple %mul3A_2, 128 : i32
    "tpu.region"() ({
      %run_scoped3A = tpu.sem_alloc : memref<!tpu.dma_semaphore, #tpu.memory_space<semaphore_mem>>
      %dma_start3A = tpu.memref_slice %arg2[%multiple_of3A] : memref<200704xf32, #tpu.memory_space<hbm>> -> memref<12544xf32, #tpu.memory_space<hbm>>
      %dma_start3A_33 = tpu.memref_slice %arg2[%multiple_of3A] : memref<200704xf32, #tpu.memory_space<hbm>> -> memref<12544xf32, #tpu.memory_space<hbm>>
      tpu.enqueue_dma source(%dma_start3A_33 : memref<12544xf32, #tpu.memory_space<hbm>>) target(%arg10 : memref<12544xf32, #tpu.memory_space<vmem>>) target_semaphore(%run_scoped3A : memref<!tpu.dma_semaphore, #tpu.memory_space<semaphore_mem>>)
      %dma_wait3A = tpu.memref_slice %arg2[%multiple_of3A] : memref<200704xf32, #tpu.memory_space<hbm>> -> memref<12544xf32, #tpu.memory_space<hbm>>
      %dma_wait3A_34 = tpu.memref_slice %arg2[%multiple_of3A] : memref<200704xf32, #tpu.memory_space<hbm>> -> memref<12544xf32, #tpu.memory_space<hbm>>
      tpu.wait_dma2 semaphore(%run_scoped3A : memref<!tpu.dma_semaphore, #tpu.memory_space<semaphore_mem>>) src(%dma_wait3A_34 : memref<12544xf32, #tpu.memory_space<hbm>>) dst(%arg10 : memref<12544xf32, #tpu.memory_space<vmem>>)
      tpu.yield
    }) : () -> ()
    %mul3A_3 = arith.constant 12544 : i32
    %mul3A_4 = arith.muli %arg1, %mul3A_3 : i32
    "tpu.region"() ({
      %run_scoped3A = tpu.sem_alloc : memref<!tpu.dma_semaphore, #tpu.memory_space<semaphore_mem>>
      %dma_start3A = tpu.memref_slice %arg11[%mul3A_4] : memref<200704xf32, #tpu.memory_space<vmem_shared>> -> memref<12544xf32, #tpu.memory_space<vmem_shared>>
      %dma_start3A_33 = tpu.memref_slice %arg11[%mul3A_4] : memref<200704xf32, #tpu.memory_space<vmem_shared>> -> memref<12544xf32, #tpu.memory_space<vmem_shared>>
      tpu.enqueue_dma source(%arg10 : memref<12544xf32, #tpu.memory_space<vmem>>) target(%dma_start3A_33 : memref<12544xf32, #tpu.memory_space<vmem_shared>>) target_semaphore(%run_scoped3A : memref<!tpu.dma_semaphore, #tpu.memory_space<semaphore_mem>>)
      %dma_wait3A = tpu.memref_slice %arg11[%mul3A_4] : memref<200704xf32, #tpu.memory_space<vmem_shared>> -> memref<12544xf32, #tpu.memory_space<vmem_shared>>
      %dma_wait3A_34 = tpu.memref_slice %arg11[%mul3A_4] : memref<200704xf32, #tpu.memory_space<vmem_shared>> -> memref<12544xf32, #tpu.memory_space<vmem_shared>>
      tpu.wait_dma2 semaphore(%run_scoped3A : memref<!tpu.dma_semaphore, #tpu.memory_space<semaphore_mem>>) src(%arg10 : memref<12544xf32, #tpu.memory_space<vmem>>) dst(%dma_wait3A_34 : memref<12544xf32, #tpu.memory_space<vmem_shared>>)
      tpu.yield
    }) : () -> ()
    "tpu.region"() ({
      %run_scoped3A = tpu.sem_alloc : memref<!tpu.dma_semaphore, #tpu.memory_space<semaphore_mem>>
      tpu.enqueue_dma source(%arg5 : memref<12544xf32, #tpu.memory_space<hbm>>) target(%arg10 : memref<12544xf32, #tpu.memory_space<vmem>>) target_semaphore(%run_scoped3A : memref<!tpu.dma_semaphore, #tpu.memory_space<semaphore_mem>>)
      tpu.wait_dma2 semaphore(%run_scoped3A : memref<!tpu.dma_semaphore, #tpu.memory_space<semaphore_mem>>) src(%arg5 : memref<12544xf32, #tpu.memory_space<hbm>>) dst(%arg10 : memref<12544xf32, #tpu.memory_space<vmem>>)
      tpu.yield
    }) : () -> ()
    %mul3A_5 = arith.constant 12544 : i32
    %mul3A_6 = arith.muli %arg1, %mul3A_5 : i32
    "tpu.region"() ({
      %run_scoped3A = tpu.sem_alloc : memref<!tpu.dma_semaphore, #tpu.memory_space<semaphore_mem>>
      %dma_start3A = tpu.memref_slice %arg12[%mul3A_6] : memref<200704xf32, #tpu.memory_space<vmem_shared>> -> memref<12544xf32, #tpu.memory_space<vmem_shared>>
      %dma_start3A_33 = tpu.memref_slice %arg12[%mul3A_6] : memref<200704xf32, #tpu.memory_space<vmem_shared>> -> memref<12544xf32, #tpu.memory_space<vmem_shared>>
      tpu.enqueue_dma source(%arg10 : memref<12544xf32, #tpu.memory_space<vmem>>) target(%dma_start3A_33 : memref<12544xf32, #tpu.memory_space<vmem_shared>>) target_semaphore(%run_scoped3A : memref<!tpu.dma_semaphore, #tpu.memory_space<semaphore_mem>>)
      %dma_wait3A = tpu.memref_slice %arg12[%mul3A_6] : memref<200704xf32, #tpu.memory_space<vmem_shared>> -> memref<12544xf32, #tpu.memory_space<vmem_shared>>
      %dma_wait3A_34 = tpu.memref_slice %arg12[%mul3A_6] : memref<200704xf32, #tpu.memory_space<vmem_shared>> -> memref<12544xf32, #tpu.memory_space<vmem_shared>>
      tpu.wait_dma2 semaphore(%run_scoped3A : memref<!tpu.dma_semaphore, #tpu.memory_space<semaphore_mem>>) src(%arg10 : memref<12544xf32, #tpu.memory_space<vmem>>) dst(%dma_wait3A_34 : memref<12544xf32, #tpu.memory_space<vmem_shared>>)
      tpu.yield
    }) : () -> ()
    %barrier3A = arith.constant 0 : index
    tpu.barrier barrier_id(%barrier3A)
    %scan3A = arith.constant 0 : i32
    %scan3A_7 = arith.constant 0 : i32
    %scan3A_8 = arith.constant 8 : i32
    %scan3A_9 = arith.addi %scan3A_7, %scan3A_8 : i32
    %scan3A_10 = arith.constant 1 : i32
    scf.for %scan3A_33 = %scan3A_7 to %scan3A_9 step %scan3A_10  : i32 {
      %dma_start3A = arith.constant 0 : i32
      %dma_start3A_34 = tpu.memref_slice %arg9[%scan3A_33, %dma_start3A] : memref<40x128xf32, #tpu.memory_space<vmem>> -> memref<1x128xf32, #tpu.memory_space<vmem>>
      %dma_start3A_35 = tpu.memref_squeeze %dma_start3A_34 : memref<1x128xf32, #tpu.memory_space<vmem>> -> memref<128xf32, #tpu.memory_space<vmem>>
      %dma_start3A_36 = arith.constant 0 : i32
      %dma_start3A_37 = tpu.memref_slice %arg7[%scan3A_33, %dma_start3A_36] : memref<40x128xi32, #tpu.memory_space<vmem>> -> memref<1x128xi32, #tpu.memory_space<vmem>>
      %dma_start3A_38 = tpu.memref_squeeze %dma_start3A_37 : memref<1x128xi32, #tpu.memory_space<vmem>> -> memref<128xi32, #tpu.memory_space<vmem>>
      %dma_start3A_39 = arith.constant 0 : i32
      %dma_start3A_40 = tpu.memref_slice %arg11[%dma_start3A_39] : memref<200704xf32, #tpu.memory_space<vmem_shared>> -> memref<200704xf32, #tpu.memory_space<vmem_shared>>
      tpu.enqueue_indirect_dma source(%dma_start3A_40 : memref<200704xf32, #tpu.memory_space<vmem_shared>>) target(%dma_start3A_35 : memref<128xf32, #tpu.memory_space<vmem>>) offsets(%dma_start3A_38 : memref<128xi32, #tpu.memory_space<vmem>>) semaphore(%arg13 : memref<!tpu.dma_semaphore, #tpu.memory_space<semaphore_mem>>)
    }
    %scan3A_11 = arith.constant 8 : i32
    %scan3A_12 = arith.constant 0 : i32
    %scan3A_13 = arith.constant 0 : i32
    %scan3A_14 = arith.constant 40 : i32
    %scan3A_15 = arith.addi %scan3A_13, %scan3A_14 : i32
    %scan3A_16 = arith.constant 1 : i32
    scf.for %scan3A_33 = %scan3A_13 to %scan3A_15 step %scan3A_16  : i32 {
      %dma_wait3A = arith.constant 0 : i32
      %dma_wait3A_34 = tpu.memref_slice %arg9[%scan3A_33, %dma_wait3A] : memref<40x128xf32, #tpu.memory_space<vmem>> -> memref<1x128xf32, #tpu.memory_space<vmem>>
      %dma_wait3A_35 = tpu.memref_squeeze %dma_wait3A_34 : memref<1x128xf32, #tpu.memory_space<vmem>> -> memref<128xf32, #tpu.memory_space<vmem>>
      %dma_wait3A_36 = arith.constant 0 : i32
      %dma_wait3A_37 = tpu.memref_slice %arg7[%scan3A_33, %dma_wait3A_36] : memref<40x128xi32, #tpu.memory_space<vmem>> -> memref<1x128xi32, #tpu.memory_space<vmem>>
      %dma_wait3A_38 = tpu.memref_squeeze %dma_wait3A_37 : memref<1x128xi32, #tpu.memory_space<vmem>> -> memref<128xi32, #tpu.memory_space<vmem>>
      %dma_wait3A_39 = arith.constant 0 : i32
      %dma_wait3A_40 = tpu.memref_slice %arg11[%dma_wait3A_39] : memref<200704xf32, #tpu.memory_space<vmem_shared>> -> memref<200704xf32, #tpu.memory_space<vmem_shared>>
      tpu.wait_indirect_dma semaphore(%arg13 : memref<!tpu.dma_semaphore, #tpu.memory_space<semaphore_mem>>) src(%dma_wait3A_40 : memref<200704xf32, #tpu.memory_space<vmem_shared>>) dst(%dma_wait3A_35 : memref<128xf32, #tpu.memory_space<vmem>>)
      %dma_start3A = arith.constant 0 : i32
      %dma_start3A_41 = tpu.memref_slice %arg9[%scan3A_33, %dma_start3A] : memref<40x128xf32, #tpu.memory_space<vmem>> -> memref<1x128xf32, #tpu.memory_space<vmem>>
      %dma_start3A_42 = tpu.memref_squeeze %dma_start3A_41 : memref<1x128xf32, #tpu.memory_space<vmem>> -> memref<128xf32, #tpu.memory_space<vmem>>
      %dma_start3A_43 = arith.constant 0 : i32
      %dma_start3A_44 = tpu.memref_slice %arg8[%scan3A_33, %dma_start3A_43] : memref<40x128xi32, #tpu.memory_space<vmem>> -> memref<1x128xi32, #tpu.memory_space<vmem>>
      %dma_start3A_45 = tpu.memref_squeeze %dma_start3A_44 : memref<1x128xi32, #tpu.memory_space<vmem>> -> memref<128xi32, #tpu.memory_space<vmem>>
      %dma_start3A_46 = arith.constant 0 : i32
      %dma_start3A_47 = tpu.memref_slice %arg12[%dma_start3A_46] : memref<200704xf32, #tpu.memory_space<vmem_shared>> -> memref<200704xf32, #tpu.memory_space<vmem_shared>>
      tpu.enqueue_indirect_dma source(%dma_start3A_42 : memref<128xf32, #tpu.memory_space<vmem>>) target(%dma_start3A_47 : memref<200704xf32, #tpu.memory_space<vmem_shared>>) offsets(%dma_start3A_45 : memref<128xi32, #tpu.memory_space<vmem>>) semaphore(%arg14 : memref<!tpu.dma_semaphore, #tpu.memory_space<semaphore_mem>>) {add = true}
      %lt3A = arith.constant 32 : i32
      %lt3A_48 = arith.cmpi slt, %scan3A_33, %lt3A : i32
      %convert_element_type3A = arith.extui %lt3A_48 : i1 to i32
      %cond3A = arith.constant 0 : i32
      %cond3A_49 = arith.cmpi ne, %convert_element_type3A, %cond3A : i32
      scf.if %cond3A_49 {
        %add3A_50 = arith.constant 8 : i32
        %add3A_51 = arith.addi %scan3A_33, %add3A_50 : i32
        %dma_start3A_52 = arith.constant 0 : i32
        %dma_start3A_53 = tpu.memref_slice %arg9[%add3A_51, %dma_start3A_52] : memref<40x128xf32, #tpu.memory_space<vmem>> -> memref<1x128xf32, #tpu.memory_space<vmem>>
        %dma_start3A_54 = tpu.memref_squeeze %dma_start3A_53 : memref<1x128xf32, #tpu.memory_space<vmem>> -> memref<128xf32, #tpu.memory_space<vmem>>
        %dma_start3A_55 = arith.constant 0 : i32
        %dma_start3A_56 = tpu.memref_slice %arg7[%add3A_51, %dma_start3A_55] : memref<40x128xi32, #tpu.memory_space<vmem>> -> memref<1x128xi32, #tpu.memory_space<vmem>>
        %dma_start3A_57 = tpu.memref_squeeze %dma_start3A_56 : memref<1x128xi32, #tpu.memory_space<vmem>> -> memref<128xi32, #tpu.memory_space<vmem>>
        %dma_start3A_58 = arith.constant 0 : i32
        %dma_start3A_59 = tpu.memref_slice %arg11[%dma_start3A_58] : memref<200704xf32, #tpu.memory_space<vmem_shared>> -> memref<200704xf32, #tpu.memory_space<vmem_shared>>
        tpu.enqueue_indirect_dma source(%dma_start3A_59 : memref<200704xf32, #tpu.memory_space<vmem_shared>>) target(%dma_start3A_54 : memref<128xf32, #tpu.memory_space<vmem>>) offsets(%dma_start3A_57 : memref<128xi32, #tpu.memory_space<vmem>>) semaphore(%arg13 : memref<!tpu.dma_semaphore, #tpu.memory_space<semaphore_mem>>)
      } else {
      }
    }
    %scan3A_17 = arith.constant 40 : i32
    %scan3A_18 = arith.constant 0 : i32
    %scan3A_19 = arith.constant 0 : i32
    %scan3A_20 = arith.constant 40 : i32
    %scan3A_21 = arith.addi %scan3A_19, %scan3A_20 : i32
    %scan3A_22 = arith.constant 1 : i32
    scf.for %scan3A_33 = %scan3A_19 to %scan3A_21 step %scan3A_22  : i32 {
      %dma_wait3A = arith.constant 0 : i32
      %dma_wait3A_34 = tpu.memref_slice %arg9[%scan3A_33, %dma_wait3A] : memref<40x128xf32, #tpu.memory_space<vmem>> -> memref<1x128xf32, #tpu.memory_space<vmem>>
      %dma_wait3A_35 = tpu.memref_squeeze %dma_wait3A_34 : memref<1x128xf32, #tpu.memory_space<vmem>> -> memref<128xf32, #tpu.memory_space<vmem>>
      %dma_wait3A_36 = arith.constant 0 : i32
      %dma_wait3A_37 = tpu.memref_slice %arg8[%scan3A_33, %dma_wait3A_36] : memref<40x128xi32, #tpu.memory_space<vmem>> -> memref<1x128xi32, #tpu.memory_space<vmem>>
      %dma_wait3A_38 = tpu.memref_squeeze %dma_wait3A_37 : memref<1x128xi32, #tpu.memory_space<vmem>> -> memref<128xi32, #tpu.memory_space<vmem>>
      %dma_wait3A_39 = arith.constant 0 : i32
      %dma_wait3A_40 = tpu.memref_slice %arg12[%dma_wait3A_39] : memref<200704xf32, #tpu.memory_space<vmem_shared>> -> memref<200704xf32, #tpu.memory_space<vmem_shared>>
      tpu.wait_indirect_dma semaphore(%arg14 : memref<!tpu.dma_semaphore, #tpu.memory_space<semaphore_mem>>) src(%dma_wait3A_35 : memref<128xf32, #tpu.memory_space<vmem>>) dst(%dma_wait3A_40 : memref<200704xf32, #tpu.memory_space<vmem_shared>>)
    }
    %scan3A_23 = arith.constant 40 : i32
    %barrier3A_24 = arith.constant 0 : index
    tpu.barrier barrier_id(%barrier3A_24)
    %mul3A_25 = arith.constant 200704 : i32
    %mul3A_26 = arith.muli %arg0, %mul3A_25 : i32
    %mul3A_27 = arith.constant 12544 : i32
    %mul3A_28 = arith.muli %arg1, %mul3A_27 : i32
    %add3A_29 = arith.addi %mul3A_26, %mul3A_28 : i32
    %multiple_of3A_30 = tpu.assume_multiple %add3A_29, 128 : i32
    %mul3A_31 = arith.constant 12544 : i32
    %mul3A_32 = arith.muli %arg1, %mul3A_31 : i32
    "tpu.region"() ({
      %run_scoped3A = tpu.sem_alloc : memref<!tpu.dma_semaphore, #tpu.memory_space<semaphore_mem>>
      %dma_start3A = tpu.memref_slice %arg12[%mul3A_32] : memref<200704xf32, #tpu.memory_space<vmem_shared>> -> memref<12544xf32, #tpu.memory_space<vmem_shared>>
      %dma_start3A_33 = tpu.memref_slice %arg12[%mul3A_32] : memref<200704xf32, #tpu.memory_space<vmem_shared>> -> memref<12544xf32, #tpu.memory_space<vmem_shared>>
      tpu.enqueue_dma source(%dma_start3A_33 : memref<12544xf32, #tpu.memory_space<vmem_shared>>) target(%arg10 : memref<12544xf32, #tpu.memory_space<vmem>>) target_semaphore(%run_scoped3A : memref<!tpu.dma_semaphore, #tpu.memory_space<semaphore_mem>>)
      %dma_wait3A = tpu.memref_slice %arg12[%mul3A_32] : memref<200704xf32, #tpu.memory_space<vmem_shared>> -> memref<12544xf32, #tpu.memory_space<vmem_shared>>
      %dma_wait3A_34 = tpu.memref_slice %arg12[%mul3A_32] : memref<200704xf32, #tpu.memory_space<vmem_shared>> -> memref<12544xf32, #tpu.memory_space<vmem_shared>>
      tpu.wait_dma2 semaphore(%run_scoped3A : memref<!tpu.dma_semaphore, #tpu.memory_space<semaphore_mem>>) src(%dma_wait3A_34 : memref<12544xf32, #tpu.memory_space<vmem_shared>>) dst(%arg10 : memref<12544xf32, #tpu.memory_space<vmem>>)
      tpu.yield
    }) : () -> ()
    "tpu.region"() ({
      %run_scoped3A = tpu.sem_alloc : memref<!tpu.dma_semaphore, #tpu.memory_space<semaphore_mem>>
      %dma_start3A = tpu.memref_slice %arg6[%multiple_of3A_30] : memref<401408xf32, #tpu.memory_space<hbm>> -> memref<12544xf32, #tpu.memory_space<hbm>>
      %dma_start3A_33 = tpu.memref_slice %arg6[%multiple_of3A_30] : memref<401408xf32, #tpu.memory_space<hbm>> -> memref<12544xf32, #tpu.memory_space<hbm>>
      tpu.enqueue_dma source(%arg10 : memref<12544xf32, #tpu.memory_space<vmem>>) target(%dma_start3A_33 : memref<12544xf32, #tpu.memory_space<hbm>>) target_semaphore(%run_scoped3A : memref<!tpu.dma_semaphore, #tpu.memory_space<semaphore_mem>>)
      %dma_wait3A = tpu.memref_slice %arg6[%multiple_of3A_30] : memref<401408xf32, #tpu.memory_space<hbm>> -> memref<12544xf32, #tpu.memory_space<hbm>>
      %dma_wait3A_34 = tpu.memref_slice %arg6[%multiple_of3A_30] : memref<401408xf32, #tpu.memory_space<hbm>> -> memref<12544xf32, #tpu.memory_space<hbm>>
      tpu.wait_dma2 semaphore(%run_scoped3A : memref<!tpu.dma_semaphore, #tpu.memory_space<semaphore_mem>>) src(%arg10 : memref<12544xf32, #tpu.memory_space<vmem>>) dst(%dma_wait3A_34 : memref<12544xf32, #tpu.memory_space<hbm>>)
      tpu.yield
    }) : () -> ()
    return
  }
}

module attributes {stable_mosaic.version = 14 : i64} {
  func.func @_tc_embed_body(%arg0: memref<1x10000xi32, #tpu.memory_space<vmem>>, %arg1: memref<1x10000xi32, #tpu.memory_space<vmem>>, %arg2: memref<40x10000xf32, #tpu.memory_space<vmem>>, %arg3: memref<16x106xf32, #tpu.memory_space<vmem>>, %arg4: memref<32x100xf32, #tpu.memory_space<vmem>>, %arg5: memref<16x48xf32, #tpu.memory_space<vmem>>, %arg6: memref<16x1xf32, #tpu.memory_space<vmem>>, %arg7: memref<16x16xf32, #tpu.memory_space<vmem>>, %arg8: memref<16x1xf32, #tpu.memory_space<vmem>>, %arg9: memref<20x16xf32, #tpu.memory_space<vmem>>, %arg10: memref<16x10000xf32, #tpu.memory_space<vmem>>, %arg11: memref<20x10000xf32, #tpu.memory_space<vmem>>, %arg12: memref<1x10000xf32, #tpu.memory_space<vmem>>) attributes {dimension_semantics = [], scalar_prefetch = 0 : i64, scratch_operands = 0 : i64, tpu.core_type = #tpu.core_type<tc>} {
    %get3A = arith.constant 0 : index
    %get3A_0 = arith.constant 0 : index
    %get3A_1 = vector.load %arg0[%get3A, %get3A_0] : memref<1x10000xi32, #tpu.memory_space<vmem>>, vector<1x10000xi32>
    %iota3A = tpu.iota {dimensions = array<i32: 0>} : vector<106x10000xi32>
    %eq3A = vector.broadcast %get3A_1 : vector<1x10000xi32> to vector<106x10000xi32>
    %eq3A_2 = arith.cmpi eq, %iota3A, %eq3A : vector<106x10000xi32>
    %convert_element_type3A = arith.extui %eq3A_2 : vector<106x10000xi1> to vector<106x10000xi32>
    %convert_element_type3A_3 = arith.sitofp %convert_element_type3A : vector<106x10000xi32> to vector<106x10000xf32>
    %get3A_4 = arith.constant 0 : index
    %get3A_5 = arith.constant 0 : index
    %get3A_6 = vector.load %arg3[%get3A_4, %get3A_5] : memref<16x106xf32, #tpu.memory_space<vmem>>, vector<16x106xf32>
    %dot_general3A = arith.constant dense<0.000000e+00> : vector<16x10000xf32>
    %dot_general3A_7 = tpu.matmul %get3A_6, %convert_element_type3A_3, %dot_general3A {dimension_numbers = #tpu.dot_dimension_numbers<[1], [0], [0], [1], [0, 0, 1, 1], [], []>, transpose_lhs_hint = false} : vector<16x106xf32>, vector<106x10000xf32>, vector<16x10000xf32> -> vector<16x10000xf32>
    %get3A_8 = arith.constant 0 : index
    %get3A_9 = arith.constant 0 : index
    %get3A_10 = vector.load %arg1[%get3A_8, %get3A_9] : memref<1x10000xi32, #tpu.memory_space<vmem>>, vector<1x10000xi32>
    %iota3A_11 = tpu.iota {dimensions = array<i32: 0>} : vector<100x10000xi32>
    %eq3A_12 = vector.broadcast %get3A_10 : vector<1x10000xi32> to vector<100x10000xi32>
    %eq3A_13 = arith.cmpi eq, %iota3A_11, %eq3A_12 : vector<100x10000xi32>
    %convert_element_type3A_14 = arith.extui %eq3A_13 : vector<100x10000xi1> to vector<100x10000xi32>
    %convert_element_type3A_15 = arith.sitofp %convert_element_type3A_14 : vector<100x10000xi32> to vector<100x10000xf32>
    %get3A_16 = arith.constant 0 : index
    %get3A_17 = arith.constant 0 : index
    %get3A_18 = vector.load %arg4[%get3A_16, %get3A_17] : memref<32x100xf32, #tpu.memory_space<vmem>>, vector<32x100xf32>
    %dot_general3A_19 = arith.constant dense<0.000000e+00> : vector<32x10000xf32>
    %dot_general3A_20 = tpu.matmul %get3A_18, %convert_element_type3A_15, %dot_general3A_19 {dimension_numbers = #tpu.dot_dimension_numbers<[1], [0], [0], [1], [0, 0, 1, 1], [], []>, transpose_lhs_hint = false} : vector<32x100xf32>, vector<100x10000xf32>, vector<32x10000xf32> -> vector<32x10000xf32>
    %concatenate3A = tpu.concatenate %dot_general3A_7, %dot_general3A_20 in 0 : vector<16x10000xf32>, vector<32x10000xf32> -> vector<48x10000xf32>
    %get3A_21 = arith.constant 0 : index
    %get3A_22 = arith.constant 0 : index
    %get3A_23 = vector.load %arg5[%get3A_21, %get3A_22] : memref<16x48xf32, #tpu.memory_space<vmem>>, vector<16x48xf32>
    %dot_general3A_24 = arith.constant dense<0.000000e+00> : vector<16x10000xf32>
    %dot_general3A_25 = tpu.matmul %get3A_23, %concatenate3A, %dot_general3A_24 {dimension_numbers = #tpu.dot_dimension_numbers<[1], [0], [0], [1], [0, 0, 1, 1], [], []>, transpose_lhs_hint = false} : vector<16x48xf32>, vector<48x10000xf32>, vector<16x10000xf32> -> vector<16x10000xf32>
    %get3A_26 = arith.constant 0 : index
    %get3A_27 = arith.constant 0 : index
    %get3A_28 = vector.load %arg6[%get3A_26, %get3A_27] : memref<16x1xf32, #tpu.memory_space<vmem>>, vector<16x1xf32>
    %add3A = vector.broadcast %get3A_28 : vector<16x1xf32> to vector<16x10000xf32>
    %add3A_29 = arith.addf %dot_general3A_25, %add3A : vector<16x10000xf32>
    %gt3A = arith.constant 0.000000e+00 : f32
    %gt3A_30 = vector.broadcast %gt3A : f32 to vector<16x10000xf32>
    %gt3A_31 = arith.cmpf ogt, %add3A_29, %gt3A_30 : vector<16x10000xf32>
    %mul3A = arith.constant 0.00999999977 : f32
    %mul3A_32 = vector.broadcast %mul3A : f32 to vector<16x10000xf32>
    %mul3A_33 = arith.mulf %mul3A_32, %add3A_29 : vector<16x10000xf32>
    %select_n3A = arith.select %gt3A_31, %add3A_29, %mul3A_33 : vector<16x10000xi1>, vector<16x10000xf32>
    %get3A_34 = arith.constant 0 : index
    %get3A_35 = arith.constant 0 : index
    %get3A_36 = vector.load %arg7[%get3A_34, %get3A_35] : memref<16x16xf32, #tpu.memory_space<vmem>>, vector<16x16xf32>
    %dot_general3A_37 = arith.constant dense<0.000000e+00> : vector<16x10000xf32>
    %dot_general3A_38 = tpu.matmul %get3A_36, %select_n3A, %dot_general3A_37 {dimension_numbers = #tpu.dot_dimension_numbers<[1], [0], [0], [1], [0, 0, 1, 1], [], []>, transpose_lhs_hint = false} : vector<16x16xf32>, vector<16x10000xf32>, vector<16x10000xf32> -> vector<16x10000xf32>
    %get3A_39 = arith.constant 0 : index
    %get3A_40 = arith.constant 0 : index
    %get3A_41 = vector.load %arg8[%get3A_39, %get3A_40] : memref<16x1xf32, #tpu.memory_space<vmem>>, vector<16x1xf32>
    %add3A_42 = vector.broadcast %get3A_41 : vector<16x1xf32> to vector<16x10000xf32>
    %add3A_43 = arith.addf %dot_general3A_38, %add3A_42 : vector<16x10000xf32>
    %swap3A = arith.constant 0 : index
    %swap3A_44 = arith.constant 0 : index
    %swap3A_45 = vector.load %arg10[%swap3A, %swap3A_44] : memref<16x10000xf32, #tpu.memory_space<vmem>>, vector<16x10000xf32>
    tpu.vector_store %arg10[%swap3A, %swap3A_44], %add3A_43 {strides = array<i32>} : memref<16x10000xf32, #tpu.memory_space<vmem>>, vector<16x10000xf32>,
    %get3A_46 = arith.constant 0 : index
    %get3A_47 = arith.constant 0 : index
    %get3A_48 = vector.load %arg9[%get3A_46, %get3A_47] : memref<20x16xf32, #tpu.memory_space<vmem>>, vector<20x16xf32>
    %dot_general3A_49 = arith.constant dense<0.000000e+00> : vector<20x10000xf32>
    %dot_general3A_50 = tpu.matmul %get3A_48, %add3A_43, %dot_general3A_49 {dimension_numbers = #tpu.dot_dimension_numbers<[1], [0], [0], [1], [0, 0, 1, 1], [], []>, transpose_lhs_hint = false} : vector<20x16xf32>, vector<16x10000xf32>, vector<20x10000xf32> -> vector<20x10000xf32>
    %swap3A_51 = arith.constant 0 : index
    %swap3A_52 = arith.constant 0 : index
    %swap3A_53 = vector.load %arg11[%swap3A_51, %swap3A_52] : memref<20x10000xf32, #tpu.memory_space<vmem>>, vector<20x10000xf32>
    tpu.vector_store %arg11[%swap3A_51, %swap3A_52], %dot_general3A_50 {strides = array<i32>} : memref<20x10000xf32, #tpu.memory_space<vmem>>, vector<20x10000xf32>,
    %get3A_54 = arith.constant 0 : index
    %get3A_55 = arith.constant 0 : index
    %get3A_56 = vector.load %arg2[%get3A_54, %get3A_55] : memref<40x10000xf32, #tpu.memory_space<vmem>>, vector<40x10000xf32>
    %reduce_sum3A = arith.constant dense<0.000000e+00> : vector<10000xf32>
    %reduce_sum3A_57 = vector.multi_reduction <add>, %get3A_56, %reduce_sum3A [0] : vector<40x10000xf32> to vector<10000xf32>
    %broadcast_in_dim3A = vector.shape_cast %reduce_sum3A_57 : vector<10000xf32> to vector<1x10000xf32>
    %max3A = arith.constant 1.000000e+00 : f32
    %max3A_58 = vector.broadcast %max3A : f32 to vector<1x10000xf32>
    %max3A_59 = arith.maximumf %broadcast_in_dim3A, %max3A_58 : vector<1x10000xf32>
    %div3A = arith.constant 1.000000e+00 : f32
    %div3A_60 = vector.broadcast %div3A : f32 to vector<1x10000xf32>
    %div3A_61 = arith.divf %div3A_60, %max3A_59 : vector<1x10000xf32>
    %swap3A_62 = arith.constant 0 : index
    %swap3A_63 = arith.constant 0 : index
    %swap3A_64 = vector.load %arg12[%swap3A_62, %swap3A_63] : memref<1x10000xf32, #tpu.memory_space<vmem>>, vector<1x10000xf32>
    tpu.vector_store %arg12[%swap3A_62, %swap3A_63], %div3A_61 {strides = array<i32>} : memref<1x10000xf32, #tpu.memory_space<vmem>>, vector<1x10000xf32>,
    return
  }
}

module attributes {stable_mosaic.version = 14 : i64} {
  func.func @_tc_step_body(%arg0: memref<2x20x10000xf32, #tpu.memory_space<vmem>>, %arg1: memref<16x10000xf32, #tpu.memory_space<vmem>>, %arg2: memref<1x10000xf32, #tpu.memory_space<vmem>>, %arg3: memref<16x20xf32, #tpu.memory_space<vmem>>, %arg4: memref<20x16xf32, #tpu.memory_space<vmem>>, %arg5: memref<16x16xf32, #tpu.memory_space<vmem>>, %arg6: memref<16x1xf32, #tpu.memory_space<vmem>>, %arg7: memref<48x16xf32, #tpu.memory_space<vmem>>, %arg8: memref<48x1xf32, #tpu.memory_space<vmem>>, %arg9: memref<48x16xf32, #tpu.memory_space<vmem>>, %arg10: memref<48x1xf32, #tpu.memory_space<vmem>>, %arg11: memref<16x10000xf32, #tpu.memory_space<vmem>>, %arg12: memref<20x10000xf32, #tpu.memory_space<vmem>>) attributes {dimension_semantics = [], scalar_prefetch = 0 : i64, scratch_operands = 0 : i64, tpu.core_type = #tpu.core_type<tc>} {
    %get3A = arith.constant 0 : index
    %get3A_0 = arith.constant 0 : index
    %get3A_1 = arith.constant 0 : index
    %get3A_2 = vector.load %arg0[%get3A, %get3A_0, %get3A_1] : memref<2x20x10000xf32, #tpu.memory_space<vmem>>, vector<1x20x10000xf32>
    %get3A_3 = vector.shape_cast %get3A_2 : vector<1x20x10000xf32> to vector<20x10000xf32>
    %get3A_4 = arith.constant 1 : index
    %get3A_5 = arith.constant 0 : index
    %get3A_6 = arith.constant 0 : index
    %get3A_7 = vector.load %arg0[%get3A_4, %get3A_5, %get3A_6] : memref<2x20x10000xf32, #tpu.memory_space<vmem>>, vector<1x20x10000xf32>
    %get3A_8 = vector.shape_cast %get3A_7 : vector<1x20x10000xf32> to vector<20x10000xf32>
    %add3A = arith.addf %get3A_3, %get3A_8 : vector<20x10000xf32>
    %get3A_9 = arith.constant 0 : index
    %get3A_10 = arith.constant 0 : index
    %get3A_11 = vector.load %arg1[%get3A_9, %get3A_10] : memref<16x10000xf32, #tpu.memory_space<vmem>>, vector<16x10000xf32>
    %get3A_12 = arith.constant 0 : index
    %get3A_13 = arith.constant 0 : index
    %get3A_14 = vector.load %arg3[%get3A_12, %get3A_13] : memref<16x20xf32, #tpu.memory_space<vmem>>, vector<16x20xf32>
    %dot_general3A = arith.constant dense<0.000000e+00> : vector<16x10000xf32>
    %dot_general3A_15 = tpu.matmul %get3A_14, %add3A, %dot_general3A {dimension_numbers = #tpu.dot_dimension_numbers<[1], [0], [0], [1], [0, 0, 1, 1], [], []>, transpose_lhs_hint = false} : vector<16x20xf32>, vector<20x10000xf32>, vector<16x10000xf32> -> vector<16x10000xf32>
    %get3A_16 = arith.constant 0 : index
    %get3A_17 = arith.constant 0 : index
    %get3A_18 = vector.load %arg2[%get3A_16, %get3A_17] : memref<1x10000xf32, #tpu.memory_space<vmem>>, vector<1x10000xf32>
    %mul3A = vector.broadcast %get3A_18 : vector<1x10000xf32> to vector<16x10000xf32>
    %mul3A_19 = arith.mulf %dot_general3A_15, %mul3A : vector<16x10000xf32>
    %get3A_20 = arith.constant 0 : index
    %get3A_21 = arith.constant 0 : index
    %get3A_22 = vector.load %arg5[%get3A_20, %get3A_21] : memref<16x16xf32, #tpu.memory_space<vmem>>, vector<16x16xf32>
    %dot_general3A_23 = arith.constant dense<0.000000e+00> : vector<16x10000xf32>
    %dot_general3A_24 = tpu.matmul %get3A_22, %get3A_11, %dot_general3A_23 {dimension_numbers = #tpu.dot_dimension_numbers<[1], [0], [0], [1], [0, 0, 1, 1], [], []>, transpose_lhs_hint = false} : vector<16x16xf32>, vector<16x10000xf32>, vector<16x10000xf32> -> vector<16x10000xf32>
    %add3A_25 = arith.addf %mul3A_19, %dot_general3A_24 : vector<16x10000xf32>
    %get3A_26 = arith.constant 0 : index
    %get3A_27 = arith.constant 0 : index
    %get3A_28 = vector.load %arg6[%get3A_26, %get3A_27] : memref<16x1xf32, #tpu.memory_space<vmem>>, vector<16x1xf32>
    %add3A_29 = vector.broadcast %get3A_28 : vector<16x1xf32> to vector<16x10000xf32>
    %add3A_30 = arith.addf %add3A_25, %add3A_29 : vector<16x10000xf32>
    %gt3A = arith.constant 0.000000e+00 : f32
    %gt3A_31 = vector.broadcast %gt3A : f32 to vector<16x10000xf32>
    %gt3A_32 = arith.cmpf ogt, %add3A_30, %gt3A_31 : vector<16x10000xf32>
    %mul3A_33 = arith.constant 0.00999999977 : f32
    %mul3A_34 = vector.broadcast %mul3A_33 : f32 to vector<16x10000xf32>
    %mul3A_35 = arith.mulf %mul3A_34, %add3A_30 : vector<16x10000xf32>
    %select_n3A = arith.select %gt3A_32, %add3A_30, %mul3A_35 : vector<16x10000xi1>, vector<16x10000xf32>
    %get3A_36 = arith.constant 0 : index
    %get3A_37 = arith.constant 0 : index
    %get3A_38 = vector.load %arg7[%get3A_36, %get3A_37] : memref<48x16xf32, #tpu.memory_space<vmem>>, vector<48x16xf32>
    %dot_general3A_39 = arith.constant dense<0.000000e+00> : vector<48x10000xf32>
    %dot_general3A_40 = tpu.matmul %get3A_38, %select_n3A, %dot_general3A_39 {dimension_numbers = #tpu.dot_dimension_numbers<[1], [0], [0], [1], [0, 0, 1, 1], [], []>, transpose_lhs_hint = false} : vector<48x16xf32>, vector<16x10000xf32>, vector<48x10000xf32> -> vector<48x10000xf32>
    %get3A_41 = arith.constant 0 : index
    %get3A_42 = arith.constant 0 : index
    %get3A_43 = vector.load %arg8[%get3A_41, %get3A_42] : memref<48x1xf32, #tpu.memory_space<vmem>>, vector<48x1xf32>
    %add3A_44 = vector.broadcast %get3A_43 : vector<48x1xf32> to vector<48x10000xf32>
    %add3A_45 = arith.addf %dot_general3A_40, %add3A_44 : vector<48x10000xf32>
    %get3A_46 = arith.constant 0 : index
    %get3A_47 = arith.constant 0 : index
    %get3A_48 = vector.load %arg9[%get3A_46, %get3A_47] : memref<48x16xf32, #tpu.memory_space<vmem>>, vector<48x16xf32>
    %dot_general3A_49 = arith.constant dense<0.000000e+00> : vector<48x10000xf32>
    %dot_general3A_50 = tpu.matmul %get3A_48, %get3A_11, %dot_general3A_49 {dimension_numbers = #tpu.dot_dimension_numbers<[1], [0], [0], [1], [0, 0, 1, 1], [], []>, transpose_lhs_hint = false} : vector<48x16xf32>, vector<16x10000xf32>, vector<48x10000xf32> -> vector<48x10000xf32>
    %get3A_51 = arith.constant 0 : index
    %get3A_52 = arith.constant 0 : index
    %get3A_53 = vector.load %arg10[%get3A_51, %get3A_52] : memref<48x1xf32, #tpu.memory_space<vmem>>, vector<48x1xf32>
    %add3A_54 = vector.broadcast %get3A_53 : vector<48x1xf32> to vector<48x10000xf32>
    %add3A_55 = arith.addf %dot_general3A_50, %add3A_54 : vector<48x10000xf32>
    %slice3A = vector.extract_strided_slice %add3A_45 {offsets = [0, 0], sizes = [16, 10000], strides = [1, 1]} : vector<48x10000xf32> to vector<16x10000xf32>
    %slice3A_56 = vector.extract_strided_slice %add3A_55 {offsets = [0, 0], sizes = [16, 10000], strides = [1, 1]} : vector<48x10000xf32> to vector<16x10000xf32>
    %add3A_57 = arith.addf %slice3A, %slice3A_56 : vector<16x10000xf32>
    %logistic3A = arith.negf %add3A_57 : vector<16x10000xf32>
    %logistic3A_58 = math.exp %logistic3A : vector<16x10000xf32>
    %logistic3A_59 = arith.constant 1.000000e+00 : f32
    %logistic3A_60 = vector.broadcast %logistic3A_59 : f32 to vector<16x10000xf32>
    %logistic3A_61 = arith.addf %logistic3A_60, %logistic3A_58 : vector<16x10000xf32>
    %logistic3A_62 = arith.divf %logistic3A_60, %logistic3A_61 : vector<16x10000xf32>
    %slice3A_63 = vector.extract_strided_slice %add3A_45 {offsets = [16, 0], sizes = [16, 10000], strides = [1, 1]} : vector<48x10000xf32> to vector<16x10000xf32>
    %slice3A_64 = vector.extract_strided_slice %add3A_55 {offsets = [16, 0], sizes = [16, 10000], strides = [1, 1]} : vector<48x10000xf32> to vector<16x10000xf32>
    %add3A_65 = arith.addf %slice3A_63, %slice3A_64 : vector<16x10000xf32>
    %logistic3A_66 = arith.negf %add3A_65 : vector<16x10000xf32>
    %logistic3A_67 = math.exp %logistic3A_66 : vector<16x10000xf32>
    %logistic3A_68 = arith.constant 1.000000e+00 : f32
    %logistic3A_69 = vector.broadcast %logistic3A_68 : f32 to vector<16x10000xf32>
    %logistic3A_70 = arith.addf %logistic3A_69, %logistic3A_67 : vector<16x10000xf32>
    %logistic3A_71 = arith.divf %logistic3A_69, %logistic3A_70 : vector<16x10000xf32>
    %slice3A_72 = vector.extract_strided_slice %add3A_45 {offsets = [32, 0], sizes = [16, 10000], strides = [1, 1]} : vector<48x10000xf32> to vector<16x10000xf32>
    %slice3A_73 = vector.extract_strided_slice %add3A_55 {offsets = [32, 0], sizes = [16, 10000], strides = [1, 1]} : vector<48x10000xf32> to vector<16x10000xf32>
    %mul3A_74 = arith.mulf %logistic3A_62, %slice3A_73 : vector<16x10000xf32>
    %add3A_75 = arith.addf %slice3A_72, %mul3A_74 : vector<16x10000xf32>
    %tanh3A = math.tanh %add3A_75 : vector<16x10000xf32>
    %sub3A = arith.constant 1.000000e+00 : f32
    %sub3A_76 = vector.broadcast %sub3A : f32 to vector<16x10000xf32>
    %sub3A_77 = arith.subf %sub3A_76, %logistic3A_71 : vector<16x10000xf32>
    %mul3A_78 = arith.mulf %sub3A_77, %tanh3A : vector<16x10000xf32>
    %mul3A_79 = arith.mulf %logistic3A_71, %get3A_11 : vector<16x10000xf32>
    %add3A_80 = arith.addf %mul3A_78, %mul3A_79 : vector<16x10000xf32>
    %swap3A = arith.constant 0 : index
    %swap3A_81 = arith.constant 0 : index
    %swap3A_82 = vector.load %arg11[%swap3A, %swap3A_81] : memref<16x10000xf32, #tpu.memory_space<vmem>>, vector<16x10000xf32>
    tpu.vector_store %arg11[%swap3A, %swap3A_81], %add3A_80 {strides = array<i32>} : memref<16x10000xf32, #tpu.memory_space<vmem>>, vector<16x10000xf32>,
    %get3A_83 = arith.constant 0 : index
    %get3A_84 = arith.constant 0 : index
    %get3A_85 = vector.load %arg4[%get3A_83, %get3A_84] : memref<20x16xf32, #tpu.memory_space<vmem>>, vector<20x16xf32>
    %dot_general3A_86 = arith.constant dense<0.000000e+00> : vector<20x10000xf32>
    %dot_general3A_87 = tpu.matmul %get3A_85, %add3A_80, %dot_general3A_86 {dimension_numbers = #tpu.dot_dimension_numbers<[1], [0], [0], [1], [0, 0, 1, 1], [], []>, transpose_lhs_hint = false} : vector<20x16xf32>, vector<16x10000xf32>, vector<20x10000xf32> -> vector<20x10000xf32>
    %swap3A_88 = arith.constant 0 : index
    %swap3A_89 = arith.constant 0 : index
    %swap3A_90 = vector.load %arg12[%swap3A_88, %swap3A_89] : memref<20x10000xf32, #tpu.memory_space<vmem>>, vector<20x10000xf32>
    tpu.vector_store %arg12[%swap3A_88, %swap3A_89], %dot_general3A_87 {strides = array<i32>} : memref<20x10000xf32, #tpu.memory_space<vmem>>, vector<20x10000xf32>,
    return
  }
}

module attributes {stable_mosaic.version = 14 : i64} {
  func.func @_tc_step_body(%arg0: memref<2x20x10000xf32, #tpu.memory_space<vmem>>, %arg1: memref<16x10000xf32, #tpu.memory_space<vmem>>, %arg2: memref<1x10000xf32, #tpu.memory_space<vmem>>, %arg3: memref<16x20xf32, #tpu.memory_space<vmem>>, %arg4: memref<20x16xf32, #tpu.memory_space<vmem>>, %arg5: memref<16x16xf32, #tpu.memory_space<vmem>>, %arg6: memref<16x1xf32, #tpu.memory_space<vmem>>, %arg7: memref<48x16xf32, #tpu.memory_space<vmem>>, %arg8: memref<48x1xf32, #tpu.memory_space<vmem>>, %arg9: memref<48x16xf32, #tpu.memory_space<vmem>>, %arg10: memref<48x1xf32, #tpu.memory_space<vmem>>, %arg11: memref<16x10000xf32, #tpu.memory_space<vmem>>, %arg12: memref<20x10000xf32, #tpu.memory_space<vmem>>) attributes {dimension_semantics = [], scalar_prefetch = 0 : i64, scratch_operands = 0 : i64, tpu.core_type = #tpu.core_type<tc>} {
    %get3A = arith.constant 0 : index
    %get3A_0 = arith.constant 0 : index
    %get3A_1 = arith.constant 0 : index
    %get3A_2 = vector.load %arg0[%get3A, %get3A_0, %get3A_1] : memref<2x20x10000xf32, #tpu.memory_space<vmem>>, vector<1x20x10000xf32>
    %get3A_3 = vector.shape_cast %get3A_2 : vector<1x20x10000xf32> to vector<20x10000xf32>
    %get3A_4 = arith.constant 1 : index
    %get3A_5 = arith.constant 0 : index
    %get3A_6 = arith.constant 0 : index
    %get3A_7 = vector.load %arg0[%get3A_4, %get3A_5, %get3A_6] : memref<2x20x10000xf32, #tpu.memory_space<vmem>>, vector<1x20x10000xf32>
    %get3A_8 = vector.shape_cast %get3A_7 : vector<1x20x10000xf32> to vector<20x10000xf32>
    %add3A = arith.addf %get3A_3, %get3A_8 : vector<20x10000xf32>
    %get3A_9 = arith.constant 0 : index
    %get3A_10 = arith.constant 0 : index
    %get3A_11 = vector.load %arg1[%get3A_9, %get3A_10] : memref<16x10000xf32, #tpu.memory_space<vmem>>, vector<16x10000xf32>
    %get3A_12 = arith.constant 0 : index
    %get3A_13 = arith.constant 0 : index
    %get3A_14 = vector.load %arg3[%get3A_12, %get3A_13] : memref<16x20xf32, #tpu.memory_space<vmem>>, vector<16x20xf32>
    %dot_general3A = arith.constant dense<0.000000e+00> : vector<16x10000xf32>
    %dot_general3A_15 = tpu.matmul %get3A_14, %add3A, %dot_general3A {dimension_numbers = #tpu.dot_dimension_numbers<[1], [0], [0], [1], [0, 0, 1, 1], [], []>, transpose_lhs_hint = false} : vector<16x20xf32>, vector<20x10000xf32>, vector<16x10000xf32> -> vector<16x10000xf32>
    %get3A_16 = arith.constant 0 : index
    %get3A_17 = arith.constant 0 : index
    %get3A_18 = vector.load %arg2[%get3A_16, %get3A_17] : memref<1x10000xf32, #tpu.memory_space<vmem>>, vector<1x10000xf32>
    %mul3A = vector.broadcast %get3A_18 : vector<1x10000xf32> to vector<16x10000xf32>
    %mul3A_19 = arith.mulf %dot_general3A_15, %mul3A : vector<16x10000xf32>
    %get3A_20 = arith.constant 0 : index
    %get3A_21 = arith.constant 0 : index
    %get3A_22 = vector.load %arg5[%get3A_20, %get3A_21] : memref<16x16xf32, #tpu.memory_space<vmem>>, vector<16x16xf32>
    %dot_general3A_23 = arith.constant dense<0.000000e+00> : vector<16x10000xf32>
    %dot_general3A_24 = tpu.matmul %get3A_22, %get3A_11, %dot_general3A_23 {dimension_numbers = #tpu.dot_dimension_numbers<[1], [0], [0], [1], [0, 0, 1, 1], [], []>, transpose_lhs_hint = false} : vector<16x16xf32>, vector<16x10000xf32>, vector<16x10000xf32> -> vector<16x10000xf32>
    %add3A_25 = arith.addf %mul3A_19, %dot_general3A_24 : vector<16x10000xf32>
    %get3A_26 = arith.constant 0 : index
    %get3A_27 = arith.constant 0 : index
    %get3A_28 = vector.load %arg6[%get3A_26, %get3A_27] : memref<16x1xf32, #tpu.memory_space<vmem>>, vector<16x1xf32>
    %add3A_29 = vector.broadcast %get3A_28 : vector<16x1xf32> to vector<16x10000xf32>
    %add3A_30 = arith.addf %add3A_25, %add3A_29 : vector<16x10000xf32>
    %gt3A = arith.constant 0.000000e+00 : f32
    %gt3A_31 = vector.broadcast %gt3A : f32 to vector<16x10000xf32>
    %gt3A_32 = arith.cmpf ogt, %add3A_30, %gt3A_31 : vector<16x10000xf32>
    %mul3A_33 = arith.constant 0.00999999977 : f32
    %mul3A_34 = vector.broadcast %mul3A_33 : f32 to vector<16x10000xf32>
    %mul3A_35 = arith.mulf %mul3A_34, %add3A_30 : vector<16x10000xf32>
    %select_n3A = arith.select %gt3A_32, %add3A_30, %mul3A_35 : vector<16x10000xi1>, vector<16x10000xf32>
    %get3A_36 = arith.constant 0 : index
    %get3A_37 = arith.constant 0 : index
    %get3A_38 = vector.load %arg7[%get3A_36, %get3A_37] : memref<48x16xf32, #tpu.memory_space<vmem>>, vector<48x16xf32>
    %dot_general3A_39 = arith.constant dense<0.000000e+00> : vector<48x10000xf32>
    %dot_general3A_40 = tpu.matmul %get3A_38, %select_n3A, %dot_general3A_39 {dimension_numbers = #tpu.dot_dimension_numbers<[1], [0], [0], [1], [0, 0, 1, 1], [], []>, transpose_lhs_hint = false} : vector<48x16xf32>, vector<16x10000xf32>, vector<48x10000xf32> -> vector<48x10000xf32>
    %get3A_41 = arith.constant 0 : index
    %get3A_42 = arith.constant 0 : index
    %get3A_43 = vector.load %arg8[%get3A_41, %get3A_42] : memref<48x1xf32, #tpu.memory_space<vmem>>, vector<48x1xf32>
    %add3A_44 = vector.broadcast %get3A_43 : vector<48x1xf32> to vector<48x10000xf32>
    %add3A_45 = arith.addf %dot_general3A_40, %add3A_44 : vector<48x10000xf32>
    %get3A_46 = arith.constant 0 : index
    %get3A_47 = arith.constant 0 : index
    %get3A_48 = vector.load %arg9[%get3A_46, %get3A_47] : memref<48x16xf32, #tpu.memory_space<vmem>>, vector<48x16xf32>
    %dot_general3A_49 = arith.constant dense<0.000000e+00> : vector<48x10000xf32>
    %dot_general3A_50 = tpu.matmul %get3A_48, %get3A_11, %dot_general3A_49 {dimension_numbers = #tpu.dot_dimension_numbers<[1], [0], [0], [1], [0, 0, 1, 1], [], []>, transpose_lhs_hint = false} : vector<48x16xf32>, vector<16x10000xf32>, vector<48x10000xf32> -> vector<48x10000xf32>
    %get3A_51 = arith.constant 0 : index
    %get3A_52 = arith.constant 0 : index
    %get3A_53 = vector.load %arg10[%get3A_51, %get3A_52] : memref<48x1xf32, #tpu.memory_space<vmem>>, vector<48x1xf32>
    %add3A_54 = vector.broadcast %get3A_53 : vector<48x1xf32> to vector<48x10000xf32>
    %add3A_55 = arith.addf %dot_general3A_50, %add3A_54 : vector<48x10000xf32>
    %slice3A = vector.extract_strided_slice %add3A_45 {offsets = [0, 0], sizes = [16, 10000], strides = [1, 1]} : vector<48x10000xf32> to vector<16x10000xf32>
    %slice3A_56 = vector.extract_strided_slice %add3A_55 {offsets = [0, 0], sizes = [16, 10000], strides = [1, 1]} : vector<48x10000xf32> to vector<16x10000xf32>
    %add3A_57 = arith.addf %slice3A, %slice3A_56 : vector<16x10000xf32>
    %logistic3A = arith.negf %add3A_57 : vector<16x10000xf32>
    %logistic3A_58 = math.exp %logistic3A : vector<16x10000xf32>
    %logistic3A_59 = arith.constant 1.000000e+00 : f32
    %logistic3A_60 = vector.broadcast %logistic3A_59 : f32 to vector<16x10000xf32>
    %logistic3A_61 = arith.addf %logistic3A_60, %logistic3A_58 : vector<16x10000xf32>
    %logistic3A_62 = arith.divf %logistic3A_60, %logistic3A_61 : vector<16x10000xf32>
    %slice3A_63 = vector.extract_strided_slice %add3A_45 {offsets = [16, 0], sizes = [16, 10000], strides = [1, 1]} : vector<48x10000xf32> to vector<16x10000xf32>
    %slice3A_64 = vector.extract_strided_slice %add3A_55 {offsets = [16, 0], sizes = [16, 10000], strides = [1, 1]} : vector<48x10000xf32> to vector<16x10000xf32>
    %add3A_65 = arith.addf %slice3A_63, %slice3A_64 : vector<16x10000xf32>
    %logistic3A_66 = arith.negf %add3A_65 : vector<16x10000xf32>
    %logistic3A_67 = math.exp %logistic3A_66 : vector<16x10000xf32>
    %logistic3A_68 = arith.constant 1.000000e+00 : f32
    %logistic3A_69 = vector.broadcast %logistic3A_68 : f32 to vector<16x10000xf32>
    %logistic3A_70 = arith.addf %logistic3A_69, %logistic3A_67 : vector<16x10000xf32>
    %logistic3A_71 = arith.divf %logistic3A_69, %logistic3A_70 : vector<16x10000xf32>
    %slice3A_72 = vector.extract_strided_slice %add3A_45 {offsets = [32, 0], sizes = [16, 10000], strides = [1, 1]} : vector<48x10000xf32> to vector<16x10000xf32>
    %slice3A_73 = vector.extract_strided_slice %add3A_55 {offsets = [32, 0], sizes = [16, 10000], strides = [1, 1]} : vector<48x10000xf32> to vector<16x10000xf32>
    %mul3A_74 = arith.mulf %logistic3A_62, %slice3A_73 : vector<16x10000xf32>
    %add3A_75 = arith.addf %slice3A_72, %mul3A_74 : vector<16x10000xf32>
    %tanh3A = math.tanh %add3A_75 : vector<16x10000xf32>
    %sub3A = arith.constant 1.000000e+00 : f32
    %sub3A_76 = vector.broadcast %sub3A : f32 to vector<16x10000xf32>
    %sub3A_77 = arith.subf %sub3A_76, %logistic3A_71 : vector<16x10000xf32>
    %mul3A_78 = arith.mulf %sub3A_77, %tanh3A : vector<16x10000xf32>
    %mul3A_79 = arith.mulf %logistic3A_71, %get3A_11 : vector<16x10000xf32>
    %add3A_80 = arith.addf %mul3A_78, %mul3A_79 : vector<16x10000xf32>
    %swap3A = arith.constant 0 : index
    %swap3A_81 = arith.constant 0 : index
    %swap3A_82 = vector.load %arg11[%swap3A, %swap3A_81] : memref<16x10000xf32, #tpu.memory_space<vmem>>, vector<16x10000xf32>
    tpu.vector_store %arg11[%swap3A, %swap3A_81], %add3A_80 {strides = array<i32>} : memref<16x10000xf32, #tpu.memory_space<vmem>>, vector<16x10000xf32>,
    %get3A_83 = arith.constant 0 : index
    %get3A_84 = arith.constant 0 : index
    %get3A_85 = vector.load %arg4[%get3A_83, %get3A_84] : memref<20x16xf32, #tpu.memory_space<vmem>>, vector<20x16xf32>
    %dot_general3A_86 = arith.constant dense<0.000000e+00> : vector<20x10000xf32>
    %dot_general3A_87 = tpu.matmul %get3A_85, %add3A_80, %dot_general3A_86 {dimension_numbers = #tpu.dot_dimension_numbers<[1], [0], [0], [1], [0, 0, 1, 1], [], []>, transpose_lhs_hint = false} : vector<20x16xf32>, vector<16x10000xf32>, vector<20x10000xf32> -> vector<20x10000xf32>
    %swap3A_88 = arith.constant 0 : index
    %swap3A_89 = arith.constant 0 : index
    %swap3A_90 = vector.load %arg12[%swap3A_88, %swap3A_89] : memref<20x10000xf32, #tpu.memory_space<vmem>>, vector<20x10000xf32>
    tpu.vector_store %arg12[%swap3A_88, %swap3A_89], %dot_general3A_87 {strides = array<i32>} : memref<20x10000xf32, #tpu.memory_space<vmem>>, vector<20x10000xf32>,
    return
  }
}

module attributes {stable_mosaic.version = 14 : i64} {
  func.func @_tc_heads_body(%arg0: memref<16x10000xf32, #tpu.memory_space<vmem>>, %arg1: memref<1x2000xi32, #tpu.memory_space<vmem>>, %arg2: memref<1x2000xi32, #tpu.memory_space<vmem>>, %arg3: memref<10000x1xi32, #tpu.memory_space<vmem>>, %arg4: memref<16x21xf32, #tpu.memory_space<vmem>>, %arg5: memref<16x32xf32, #tpu.memory_space<vmem>>, %arg6: memref<16x1xf32, #tpu.memory_space<vmem>>, %arg7: memref<16x16xf32, #tpu.memory_space<vmem>>, %arg8: memref<16x1xf32, #tpu.memory_space<vmem>>, %arg9: memref<105x16xf32, #tpu.memory_space<vmem>>, %arg10: memref<105x1xf32, #tpu.memory_space<vmem>>, %arg11: memref<16x16xf32, #tpu.memory_space<vmem>>, %arg12: memref<16x1xf32, #tpu.memory_space<vmem>>, %arg13: memref<1x16xf32, #tpu.memory_space<vmem>>, %arg14: memref<1x1xf32, #tpu.memory_space<vmem>>, %arg15: memref<105x2000xf32, #tpu.memory_space<vmem>>, %arg16: memref<1x100xf32, #tpu.memory_space<vmem>>) attributes {dimension_semantics = [], scalar_prefetch = 0 : i64, scratch_operands = 0 : i64, tpu.core_type = #tpu.core_type<tc>} {
    %get3A = arith.constant 0 : index
    %get3A_0 = arith.constant 0 : index
    %get3A_1 = vector.load %arg0[%get3A, %get3A_0] : memref<16x10000xf32, #tpu.memory_space<vmem>>, vector<16x10000xf32>
    %get3A_2 = arith.constant 0 : index
    %get3A_3 = arith.constant 0 : index
    %get3A_4 = vector.load %arg1[%get3A_2, %get3A_3] : memref<1x2000xi32, #tpu.memory_space<vmem>>, vector<1x2000xi32>
    %broadcast_in_dim3A = arith.constant 0.000000e+00 : f32
    %broadcast_in_dim3A_5 = vector.broadcast %broadcast_in_dim3A : f32 to vector<16x2000xf32>
    %iota3A = tpu.iota {dimensions = array<i32: 0>} : vector<1000x2000xi32>
    %add3A = arith.constant 0 : i32
    %add3A_6 = vector.broadcast %add3A : i32 to vector<1000x2000xi32>
    %add3A_7 = arith.addi %iota3A, %add3A_6 : vector<1000x2000xi32>
    %eq3A = vector.broadcast %get3A_4 : vector<1x2000xi32> to vector<1000x2000xi32>
    %eq3A_8 = arith.cmpi eq, %add3A_7, %eq3A : vector<1000x2000xi32>
    %convert_element_type3A = arith.extui %eq3A_8 : vector<1000x2000xi1> to vector<1000x2000xi32>
    %convert_element_type3A_9 = arith.sitofp %convert_element_type3A : vector<1000x2000xi32> to vector<1000x2000xf32>
    %slice3A = vector.extract_strided_slice %get3A_1 {offsets = [0, 0], sizes = [16, 1000], strides = [1, 1]} : vector<16x10000xf32> to vector<16x1000xf32>
    %dot_general3A = arith.constant dense<0.000000e+00> : vector<16x2000xf32>
    %dot_general3A_10 = tpu.matmul %slice3A, %convert_element_type3A_9, %dot_general3A {dimension_numbers = #tpu.dot_dimension_numbers<[1], [0], [0], [1], [0, 0, 1, 1], [], []>, transpose_lhs_hint = false} : vector<16x1000xf32>, vector<1000x2000xf32>, vector<16x2000xf32> -> vector<16x2000xf32>
    %add3A_11 = arith.addf %broadcast_in_dim3A_5, %dot_general3A_10 : vector<16x2000xf32>
    %iota3A_12 = tpu.iota {dimensions = array<i32: 0>} : vector<1000x2000xi32>
    %add3A_13 = arith.constant 1000 : i32
    %add3A_14 = vector.broadcast %add3A_13 : i32 to vector<1000x2000xi32>
    %add3A_15 = arith.addi %iota3A_12, %add3A_14 : vector<1000x2000xi32>
    %eq3A_16 = vector.broadcast %get3A_4 : vector<1x2000xi32> to vector<1000x2000xi32>
    %eq3A_17 = arith.cmpi eq, %add3A_15, %eq3A_16 : vector<1000x2000xi32>
    %convert_element_type3A_18 = arith.extui %eq3A_17 : vector<1000x2000xi1> to vector<1000x2000xi32>
    %convert_element_type3A_19 = arith.sitofp %convert_element_type3A_18 : vector<1000x2000xi32> to vector<1000x2000xf32>
    %slice3A_20 = vector.extract_strided_slice %get3A_1 {offsets = [0, 1000], sizes = [16, 1000], strides = [1, 1]} : vector<16x10000xf32> to vector<16x1000xf32>
    %dot_general3A_21 = arith.constant dense<0.000000e+00> : vector<16x2000xf32>
    %dot_general3A_22 = tpu.matmul %slice3A_20, %convert_element_type3A_19, %dot_general3A_21 {dimension_numbers = #tpu.dot_dimension_numbers<[1], [0], [0], [1], [0, 0, 1, 1], [], []>, transpose_lhs_hint = false} : vector<16x1000xf32>, vector<1000x2000xf32>, vector<16x2000xf32> -> vector<16x2000xf32>
    %add3A_23 = arith.addf %add3A_11, %dot_general3A_22 : vector<16x2000xf32>
    %iota3A_24 = tpu.iota {dimensions = array<i32: 0>} : vector<1000x2000xi32>
    %add3A_25 = arith.constant 2000 : i32
    %add3A_26 = vector.broadcast %add3A_25 : i32 to vector<1000x2000xi32>
    %add3A_27 = arith.addi %iota3A_24, %add3A_26 : vector<1000x2000xi32>
    %eq3A_28 = vector.broadcast %get3A_4 : vector<1x2000xi32> to vector<1000x2000xi32>
    %eq3A_29 = arith.cmpi eq, %add3A_27, %eq3A_28 : vector<1000x2000xi32>
    %convert_element_type3A_30 = arith.extui %eq3A_29 : vector<1000x2000xi1> to vector<1000x2000xi32>
    %convert_element_type3A_31 = arith.sitofp %convert_element_type3A_30 : vector<1000x2000xi32> to vector<1000x2000xf32>
    %slice3A_32 = vector.extract_strided_slice %get3A_1 {offsets = [0, 2000], sizes = [16, 1000], strides = [1, 1]} : vector<16x10000xf32> to vector<16x1000xf32>
    %dot_general3A_33 = arith.constant dense<0.000000e+00> : vector<16x2000xf32>
    %dot_general3A_34 = tpu.matmul %slice3A_32, %convert_element_type3A_31, %dot_general3A_33 {dimension_numbers = #tpu.dot_dimension_numbers<[1], [0], [0], [1], [0, 0, 1, 1], [], []>, transpose_lhs_hint = false} : vector<16x1000xf32>, vector<1000x2000xf32>, vector<16x2000xf32> -> vector<16x2000xf32>
    %add3A_35 = arith.addf %add3A_23, %dot_general3A_34 : vector<16x2000xf32>
    %iota3A_36 = tpu.iota {dimensions = array<i32: 0>} : vector<1000x2000xi32>
    %add3A_37 = arith.constant 3000 : i32
    %add3A_38 = vector.broadcast %add3A_37 : i32 to vector<1000x2000xi32>
    %add3A_39 = arith.addi %iota3A_36, %add3A_38 : vector<1000x2000xi32>
    %eq3A_40 = vector.broadcast %get3A_4 : vector<1x2000xi32> to vector<1000x2000xi32>
    %eq3A_41 = arith.cmpi eq, %add3A_39, %eq3A_40 : vector<1000x2000xi32>
    %convert_element_type3A_42 = arith.extui %eq3A_41 : vector<1000x2000xi1> to vector<1000x2000xi32>
    %convert_element_type3A_43 = arith.sitofp %convert_element_type3A_42 : vector<1000x2000xi32> to vector<1000x2000xf32>
    %slice3A_44 = vector.extract_strided_slice %get3A_1 {offsets = [0, 3000], sizes = [16, 1000], strides = [1, 1]} : vector<16x10000xf32> to vector<16x1000xf32>
    %dot_general3A_45 = arith.constant dense<0.000000e+00> : vector<16x2000xf32>
    %dot_general3A_46 = tpu.matmul %slice3A_44, %convert_element_type3A_43, %dot_general3A_45 {dimension_numbers = #tpu.dot_dimension_numbers<[1], [0], [0], [1], [0, 0, 1, 1], [], []>, transpose_lhs_hint = false} : vector<16x1000xf32>, vector<1000x2000xf32>, vector<16x2000xf32> -> vector<16x2000xf32>
    %add3A_47 = arith.addf %add3A_35, %dot_general3A_46 : vector<16x2000xf32>
    %iota3A_48 = tpu.iota {dimensions = array<i32: 0>} : vector<1000x2000xi32>
    %add3A_49 = arith.constant 4000 : i32
    %add3A_50 = vector.broadcast %add3A_49 : i32 to vector<1000x2000xi32>
    %add3A_51 = arith.addi %iota3A_48, %add3A_50 : vector<1000x2000xi32>
    %eq3A_52 = vector.broadcast %get3A_4 : vector<1x2000xi32> to vector<1000x2000xi32>
    %eq3A_53 = arith.cmpi eq, %add3A_51, %eq3A_52 : vector<1000x2000xi32>
    %convert_element_type3A_54 = arith.extui %eq3A_53 : vector<1000x2000xi1> to vector<1000x2000xi32>
    %convert_element_type3A_55 = arith.sitofp %convert_element_type3A_54 : vector<1000x2000xi32> to vector<1000x2000xf32>
    %slice3A_56 = vector.extract_strided_slice %get3A_1 {offsets = [0, 4000], sizes = [16, 1000], strides = [1, 1]} : vector<16x10000xf32> to vector<16x1000xf32>
    %dot_general3A_57 = arith.constant dense<0.000000e+00> : vector<16x2000xf32>
    %dot_general3A_58 = tpu.matmul %slice3A_56, %convert_element_type3A_55, %dot_general3A_57 {dimension_numbers = #tpu.dot_dimension_numbers<[1], [0], [0], [1], [0, 0, 1, 1], [], []>, transpose_lhs_hint = false} : vector<16x1000xf32>, vector<1000x2000xf32>, vector<16x2000xf32> -> vector<16x2000xf32>
    %add3A_59 = arith.addf %add3A_47, %dot_general3A_58 : vector<16x2000xf32>
    %iota3A_60 = tpu.iota {dimensions = array<i32: 0>} : vector<1000x2000xi32>
    %add3A_61 = arith.constant 5000 : i32
    %add3A_62 = vector.broadcast %add3A_61 : i32 to vector<1000x2000xi32>
    %add3A_63 = arith.addi %iota3A_60, %add3A_62 : vector<1000x2000xi32>
    %eq3A_64 = vector.broadcast %get3A_4 : vector<1x2000xi32> to vector<1000x2000xi32>
    %eq3A_65 = arith.cmpi eq, %add3A_63, %eq3A_64 : vector<1000x2000xi32>
    %convert_element_type3A_66 = arith.extui %eq3A_65 : vector<1000x2000xi1> to vector<1000x2000xi32>
    %convert_element_type3A_67 = arith.sitofp %convert_element_type3A_66 : vector<1000x2000xi32> to vector<1000x2000xf32>
    %slice3A_68 = vector.extract_strided_slice %get3A_1 {offsets = [0, 5000], sizes = [16, 1000], strides = [1, 1]} : vector<16x10000xf32> to vector<16x1000xf32>
    %dot_general3A_69 = arith.constant dense<0.000000e+00> : vector<16x2000xf32>
    %dot_general3A_70 = tpu.matmul %slice3A_68, %convert_element_type3A_67, %dot_general3A_69 {dimension_numbers = #tpu.dot_dimension_numbers<[1], [0], [0], [1], [0, 0, 1, 1], [], []>, transpose_lhs_hint = false} : vector<16x1000xf32>, vector<1000x2000xf32>, vector<16x2000xf32> -> vector<16x2000xf32>
    %add3A_71 = arith.addf %add3A_59, %dot_general3A_70 : vector<16x2000xf32>
    %iota3A_72 = tpu.iota {dimensions = array<i32: 0>} : vector<1000x2000xi32>
    %add3A_73 = arith.constant 6000 : i32
    %add3A_74 = vector.broadcast %add3A_73 : i32 to vector<1000x2000xi32>
    %add3A_75 = arith.addi %iota3A_72, %add3A_74 : vector<1000x2000xi32>
    %eq3A_76 = vector.broadcast %get3A_4 : vector<1x2000xi32> to vector<1000x2000xi32>
    %eq3A_77 = arith.cmpi eq, %add3A_75, %eq3A_76 : vector<1000x2000xi32>
    %convert_element_type3A_78 = arith.extui %eq3A_77 : vector<1000x2000xi1> to vector<1000x2000xi32>
    %convert_element_type3A_79 = arith.sitofp %convert_element_type3A_78 : vector<1000x2000xi32> to vector<1000x2000xf32>
    %slice3A_80 = vector.extract_strided_slice %get3A_1 {offsets = [0, 6000], sizes = [16, 1000], strides = [1, 1]} : vector<16x10000xf32> to vector<16x1000xf32>
    %dot_general3A_81 = arith.constant dense<0.000000e+00> : vector<16x2000xf32>
    %dot_general3A_82 = tpu.matmul %slice3A_80, %convert_element_type3A_79, %dot_general3A_81 {dimension_numbers = #tpu.dot_dimension_numbers<[1], [0], [0], [1], [0, 0, 1, 1], [], []>, transpose_lhs_hint = false} : vector<16x1000xf32>, vector<1000x2000xf32>, vector<16x2000xf32> -> vector<16x2000xf32>
    %add3A_83 = arith.addf %add3A_71, %dot_general3A_82 : vector<16x2000xf32>
    %iota3A_84 = tpu.iota {dimensions = array<i32: 0>} : vector<1000x2000xi32>
    %add3A_85 = arith.constant 7000 : i32
    %add3A_86 = vector.broadcast %add3A_85 : i32 to vector<1000x2000xi32>
    %add3A_87 = arith.addi %iota3A_84, %add3A_86 : vector<1000x2000xi32>
    %eq3A_88 = vector.broadcast %get3A_4 : vector<1x2000xi32> to vector<1000x2000xi32>
    %eq3A_89 = arith.cmpi eq, %add3A_87, %eq3A_88 : vector<1000x2000xi32>
    %convert_element_type3A_90 = arith.extui %eq3A_89 : vector<1000x2000xi1> to vector<1000x2000xi32>
    %convert_element_type3A_91 = arith.sitofp %convert_element_type3A_90 : vector<1000x2000xi32> to vector<1000x2000xf32>
    %slice3A_92 = vector.extract_strided_slice %get3A_1 {offsets = [0, 7000], sizes = [16, 1000], strides = [1, 1]} : vector<16x10000xf32> to vector<16x1000xf32>
    %dot_general3A_93 = arith.constant dense<0.000000e+00> : vector<16x2000xf32>
    %dot_general3A_94 = tpu.matmul %slice3A_92, %convert_element_type3A_91, %dot_general3A_93 {dimension_numbers = #tpu.dot_dimension_numbers<[1], [0], [0], [1], [0, 0, 1, 1], [], []>, transpose_lhs_hint = false} : vector<16x1000xf32>, vector<1000x2000xf32>, vector<16x2000xf32> -> vector<16x2000xf32>
    %add3A_95 = arith.addf %add3A_83, %dot_general3A_94 : vector<16x2000xf32>
    %iota3A_96 = tpu.iota {dimensions = array<i32: 0>} : vector<1000x2000xi32>
    %add3A_97 = arith.constant 8000 : i32
    %add3A_98 = vector.broadcast %add3A_97 : i32 to vector<1000x2000xi32>
    %add3A_99 = arith.addi %iota3A_96, %add3A_98 : vector<1000x2000xi32>
    %eq3A_100 = vector.broadcast %get3A_4 : vector<1x2000xi32> to vector<1000x2000xi32>
    %eq3A_101 = arith.cmpi eq, %add3A_99, %eq3A_100 : vector<1000x2000xi32>
    %convert_element_type3A_102 = arith.extui %eq3A_101 : vector<1000x2000xi1> to vector<1000x2000xi32>
    %convert_element_type3A_103 = arith.sitofp %convert_element_type3A_102 : vector<1000x2000xi32> to vector<1000x2000xf32>
    %slice3A_104 = vector.extract_strided_slice %get3A_1 {offsets = [0, 8000], sizes = [16, 1000], strides = [1, 1]} : vector<16x10000xf32> to vector<16x1000xf32>
    %dot_general3A_105 = arith.constant dense<0.000000e+00> : vector<16x2000xf32>
    %dot_general3A_106 = tpu.matmul %slice3A_104, %convert_element_type3A_103, %dot_general3A_105 {dimension_numbers = #tpu.dot_dimension_numbers<[1], [0], [0], [1], [0, 0, 1, 1], [], []>, transpose_lhs_hint = false} : vector<16x1000xf32>, vector<1000x2000xf32>, vector<16x2000xf32> -> vector<16x2000xf32>
    %add3A_107 = arith.addf %add3A_95, %dot_general3A_106 : vector<16x2000xf32>
    %iota3A_108 = tpu.iota {dimensions = array<i32: 0>} : vector<1000x2000xi32>
    %add3A_109 = arith.constant 9000 : i32
    %add3A_110 = vector.broadcast %add3A_109 : i32 to vector<1000x2000xi32>
    %add3A_111 = arith.addi %iota3A_108, %add3A_110 : vector<1000x2000xi32>
    %eq3A_112 = vector.broadcast %get3A_4 : vector<1x2000xi32> to vector<1000x2000xi32>
    %eq3A_113 = arith.cmpi eq, %add3A_111, %eq3A_112 : vector<1000x2000xi32>
    %convert_element_type3A_114 = arith.extui %eq3A_113 : vector<1000x2000xi1> to vector<1000x2000xi32>
    %convert_element_type3A_115 = arith.sitofp %convert_element_type3A_114 : vector<1000x2000xi32> to vector<1000x2000xf32>
    %slice3A_116 = vector.extract_strided_slice %get3A_1 {offsets = [0, 9000], sizes = [16, 1000], strides = [1, 1]} : vector<16x10000xf32> to vector<16x1000xf32>
    %dot_general3A_117 = arith.constant dense<0.000000e+00> : vector<16x2000xf32>
    %dot_general3A_118 = tpu.matmul %slice3A_116, %convert_element_type3A_115, %dot_general3A_117 {dimension_numbers = #tpu.dot_dimension_numbers<[1], [0], [0], [1], [0, 0, 1, 1], [], []>, transpose_lhs_hint = false} : vector<16x1000xf32>, vector<1000x2000xf32>, vector<16x2000xf32> -> vector<16x2000xf32>
    %add3A_119 = arith.addf %add3A_107, %dot_general3A_118 : vector<16x2000xf32>
    %get3A_120 = arith.constant 0 : index
    %get3A_121 = arith.constant 0 : index
    %get3A_122 = vector.load %arg2[%get3A_120, %get3A_121] : memref<1x2000xi32, #tpu.memory_space<vmem>>, vector<1x2000xi32>
    %iota3A_123 = tpu.iota {dimensions = array<i32: 0>} : vector<21x2000xi32>
    %eq3A_124 = vector.broadcast %get3A_122 : vector<1x2000xi32> to vector<21x2000xi32>
    %eq3A_125 = arith.cmpi eq, %iota3A_123, %eq3A_124 : vector<21x2000xi32>
    %convert_element_type3A_126 = arith.extui %eq3A_125 : vector<21x2000xi1> to vector<21x2000xi32>
    %convert_element_type3A_127 = arith.sitofp %convert_element_type3A_126 : vector<21x2000xi32> to vector<21x2000xf32>
    %get3A_128 = arith.constant 0 : index
    %get3A_129 = arith.constant 0 : index
    %get3A_130 = vector.load %arg4[%get3A_128, %get3A_129] : memref<16x21xf32, #tpu.memory_space<vmem>>, vector<16x21xf32>
    %dot_general3A_131 = arith.constant dense<0.000000e+00> : vector<16x2000xf32>
    %dot_general3A_132 = tpu.matmul %get3A_130, %convert_element_type3A_127, %dot_general3A_131 {dimension_numbers = #tpu.dot_dimension_numbers<[1], [0], [0], [1], [0, 0, 1, 1], [], []>, transpose_lhs_hint = false} : vector<16x21xf32>, vector<21x2000xf32>, vector<16x2000xf32> -> vector<16x2000xf32>
    %concatenate3A = tpu.concatenate %add3A_119, %dot_general3A_132 in 0 : vector<16x2000xf32>, vector<16x2000xf32> -> vector<32x2000xf32>
    %get3A_133 = arith.constant 0 : index
    %get3A_134 = arith.constant 0 : index
    %get3A_135 = vector.load %arg5[%get3A_133, %get3A_134] : memref<16x32xf32, #tpu.memory_space<vmem>>, vector<16x32xf32>
    %dot_general3A_136 = arith.constant dense<0.000000e+00> : vector<16x2000xf32>
    %dot_general3A_137 = tpu.matmul %get3A_135, %concatenate3A, %dot_general3A_136 {dimension_numbers = #tpu.dot_dimension_numbers<[1], [0], [0], [1], [0, 0, 1, 1], [], []>, transpose_lhs_hint = false} : vector<16x32xf32>, vector<32x2000xf32>, vector<16x2000xf32> -> vector<16x2000xf32>
    %get3A_138 = arith.constant 0 : index
    %get3A_139 = arith.constant 0 : index
    %get3A_140 = vector.load %arg6[%get3A_138, %get3A_139] : memref<16x1xf32, #tpu.memory_space<vmem>>, vector<16x1xf32>
    %add3A_141 = vector.broadcast %get3A_140 : vector<16x1xf32> to vector<16x2000xf32>
    %add3A_142 = arith.addf %dot_general3A_137, %add3A_141 : vector<16x2000xf32>
    %gt3A = arith.constant 0.000000e+00 : f32
    %gt3A_143 = vector.broadcast %gt3A : f32 to vector<16x2000xf32>
    %gt3A_144 = arith.cmpf ogt, %add3A_142, %gt3A_143 : vector<16x2000xf32>
    %mul3A = arith.constant 0.00999999977 : f32
    %mul3A_145 = vector.broadcast %mul3A : f32 to vector<16x2000xf32>
    %mul3A_146 = arith.mulf %mul3A_145, %add3A_142 : vector<16x2000xf32>
    %select_n3A = arith.select %gt3A_144, %add3A_142, %mul3A_146 : vector<16x2000xi1>, vector<16x2000xf32>
    %get3A_147 = arith.constant 0 : index
    %get3A_148 = arith.constant 0 : index
    %get3A_149 = vector.load %arg7[%get3A_147, %get3A_148] : memref<16x16xf32, #tpu.memory_space<vmem>>, vector<16x16xf32>
    %dot_general3A_150 = arith.constant dense<0.000000e+00> : vector<16x2000xf32>
    %dot_general3A_151 = tpu.matmul %get3A_149, %select_n3A, %dot_general3A_150 {dimension_numbers = #tpu.dot_dimension_numbers<[1], [0], [0], [1], [0, 0, 1, 1], [], []>, transpose_lhs_hint = false} : vector<16x16xf32>, vector<16x2000xf32>, vector<16x2000xf32> -> vector<16x2000xf32>
    %get3A_152 = arith.constant 0 : index
    %get3A_153 = arith.constant 0 : index
    %get3A_154 = vector.load %arg8[%get3A_152, %get3A_153] : memref<16x1xf32, #tpu.memory_space<vmem>>, vector<16x1xf32>
    %add3A_155 = vector.broadcast %get3A_154 : vector<16x1xf32> to vector<16x2000xf32>
    %add3A_156 = arith.addf %dot_general3A_151, %add3A_155 : vector<16x2000xf32>
    %gt3A_157 = arith.constant 0.000000e+00 : f32
    %gt3A_158 = vector.broadcast %gt3A_157 : f32 to vector<16x2000xf32>
    %gt3A_159 = arith.cmpf ogt, %add3A_156, %gt3A_158 : vector<16x2000xf32>
    %mul3A_160 = arith.constant 0.00999999977 : f32
    %mul3A_161 = vector.broadcast %mul3A_160 : f32 to vector<16x2000xf32>
    %mul3A_162 = arith.mulf %mul3A_161, %add3A_156 : vector<16x2000xf32>
    %select_n3A_163 = arith.select %gt3A_159, %add3A_156, %mul3A_162 : vector<16x2000xi1>, vector<16x2000xf32>
    %get3A_164 = arith.constant 0 : index
    %get3A_165 = arith.constant 0 : index
    %get3A_166 = vector.load %arg9[%get3A_164, %get3A_165] : memref<105x16xf32, #tpu.memory_space<vmem>>, vector<105x16xf32>
    %dot_general3A_167 = arith.constant dense<0.000000e+00> : vector<105x2000xf32>
    %dot_general3A_168 = tpu.matmul %get3A_166, %select_n3A_163, %dot_general3A_167 {dimension_numbers = #tpu.dot_dimension_numbers<[1], [0], [0], [1], [0, 0, 1, 1], [], []>, transpose_lhs_hint = false} : vector<105x16xf32>, vector<16x2000xf32>, vector<105x2000xf32> -> vector<105x2000xf32>
    %get3A_169 = arith.constant 0 : index
    %get3A_170 = arith.constant 0 : index
    %get3A_171 = vector.load %arg10[%get3A_169, %get3A_170] : memref<105x1xf32, #tpu.memory_space<vmem>>, vector<105x1xf32>
    %add3A_172 = vector.broadcast %get3A_171 : vector<105x1xf32> to vector<105x2000xf32>
    %add3A_173 = arith.addf %dot_general3A_168, %add3A_172 : vector<105x2000xf32>
    %swap3A = arith.constant 0 : index
    %swap3A_174 = arith.constant 0 : index
    %swap3A_175 = vector.load %arg15[%swap3A, %swap3A_174] : memref<105x2000xf32, #tpu.memory_space<vmem>>, vector<105x2000xf32>
    tpu.vector_store %arg15[%swap3A, %swap3A_174], %add3A_173 {strides = array<i32>} : memref<105x2000xf32, #tpu.memory_space<vmem>>, vector<105x2000xf32>,
    %get3A_176 = arith.constant 0 : index
    %get3A_177 = arith.constant 0 : index
    %get3A_178 = vector.load %arg3[%get3A_176, %get3A_177] : memref<10000x1xi32, #tpu.memory_space<vmem>>, vector<10000x1xi32>
    %iota3A_179 = tpu.iota {dimensions = array<i32: 1>} : vector<10000x100xi32>
    %eq3A_180 = vector.broadcast %get3A_178 : vector<10000x1xi32> to vector<10000x100xi32>
    %eq3A_181 = arith.cmpi eq, %iota3A_179, %eq3A_180 : vector<10000x100xi32>
    %convert_element_type3A_182 = arith.extui %eq3A_181 : vector<10000x100xi1> to vector<10000x100xi32>
    %convert_element_type3A_183 = arith.sitofp %convert_element_type3A_182 : vector<10000x100xi32> to vector<10000x100xf32>
    %dot_general3A_184 = arith.constant dense<0.000000e+00> : vector<16x100xf32>
    %dot_general3A_185 = tpu.matmul %get3A_1, %convert_element_type3A_183, %dot_general3A_184 {dimension_numbers = #tpu.dot_dimension_numbers<[1], [0], [0], [1], [0, 0, 1, 1], [], []>, transpose_lhs_hint = false} : vector<16x10000xf32>, vector<10000x100xf32>, vector<16x100xf32> -> vector<16x100xf32>
    %reduce_sum3A = arith.constant dense<0.000000e+00> : vector<100xf32>
    %reduce_sum3A_186 = vector.multi_reduction <add>, %convert_element_type3A_183, %reduce_sum3A [0] : vector<10000x100xf32> to vector<100xf32>
    %broadcast_in_dim3A_187 = vector.shape_cast %reduce_sum3A_186 : vector<100xf32> to vector<1x100xf32>
    %max3A = arith.constant 1.000000e+00 : f32
    %max3A_188 = vector.broadcast %max3A : f32 to vector<1x100xf32>
    %max3A_189 = arith.maximumf %broadcast_in_dim3A_187, %max3A_188 : vector<1x100xf32>
    %div3A = vector.broadcast %max3A_189 : vector<1x100xf32> to vector<16x100xf32>
    %div3A_190 = arith.divf %dot_general3A_185, %div3A : vector<16x100xf32>
    %get3A_191 = arith.constant 0 : index
    %get3A_192 = arith.constant 0 : index
    %get3A_193 = vector.load %arg11[%get3A_191, %get3A_192] : memref<16x16xf32, #tpu.memory_space<vmem>>, vector<16x16xf32>
    %dot_general3A_194 = arith.constant dense<0.000000e+00> : vector<16x100xf32>
    %dot_general3A_195 = tpu.matmul %get3A_193, %div3A_190, %dot_general3A_194 {dimension_numbers = #tpu.dot_dimension_numbers<[1], [0], [0], [1], [0, 0, 1, 1], [], []>, transpose_lhs_hint = false} : vector<16x16xf32>, vector<16x100xf32>, vector<16x100xf32> -> vector<16x100xf32>
    %get3A_196 = arith.constant 0 : index
    %get3A_197 = arith.constant 0 : index
    %get3A_198 = vector.load %arg12[%get3A_196, %get3A_197] : memref<16x1xf32, #tpu.memory_space<vmem>>, vector<16x1xf32>
    %add3A_199 = vector.broadcast %get3A_198 : vector<16x1xf32> to vector<16x100xf32>
    %add3A_200 = arith.addf %dot_general3A_195, %add3A_199 : vector<16x100xf32>
    %gt3A_201 = arith.constant 0.000000e+00 : f32
    %gt3A_202 = vector.broadcast %gt3A_201 : f32 to vector<16x100xf32>
    %gt3A_203 = arith.cmpf ogt, %add3A_200, %gt3A_202 : vector<16x100xf32>
    %mul3A_204 = arith.constant 0.00999999977 : f32
    %mul3A_205 = vector.broadcast %mul3A_204 : f32 to vector<16x100xf32>
    %mul3A_206 = arith.mulf %mul3A_205, %add3A_200 : vector<16x100xf32>
    %select_n3A_207 = arith.select %gt3A_203, %add3A_200, %mul3A_206 : vector<16x100xi1>, vector<16x100xf32>
    %get3A_208 = arith.constant 0 : index
    %get3A_209 = arith.constant 0 : index
    %get3A_210 = vector.load %arg13[%get3A_208, %get3A_209] : memref<1x16xf32, #tpu.memory_space<vmem>>, vector<1x16xf32>
    %dot_general3A_211 = arith.constant dense<0.000000e+00> : vector<1x100xf32>
    %dot_general3A_212 = tpu.matmul %get3A_210, %select_n3A_207, %dot_general3A_211 {dimension_numbers = #tpu.dot_dimension_numbers<[1], [0], [0], [1], [0, 0, 1, 1], [], []>, transpose_lhs_hint = false} : vector<1x16xf32>, vector<16x100xf32>, vector<1x100xf32> -> vector<1x100xf32>
    %get3A_213 = arith.constant 0 : index
    %get3A_214 = arith.constant 0 : index
    %get3A_215 = vector.load %arg14[%get3A_213, %get3A_214] : memref<1x1xf32, #tpu.memory_space<vmem>>, vector<1x1xf32>
    %add3A_216 = vector.broadcast %get3A_215 : vector<1x1xf32> to vector<1x100xf32>
    %add3A_217 = arith.addf %dot_general3A_212, %add3A_216 : vector<1x100xf32>
    %swap3A_218 = arith.constant 0 : index
    %swap3A_219 = arith.constant 0 : index
    %swap3A_220 = vector.load %arg16[%swap3A_218, %swap3A_219] : memref<1x100xf32, #tpu.memory_space<vmem>>, vector<1x100xf32>
    tpu.vector_store %arg16[%swap3A_218, %swap3A_219], %add3A_217 {strides = array<i32>} : memref<1x100xf32, #tpu.memory_space<vmem>>, vector<1x100xf32>,
    return
  }
}

</mosaic_0001>

<sc_bundles>
// kernel: kernel.25.cloned.1.call-start
scs
__scs_entry_jumppad:
0x0: {  	(pc) =	sbr.rel $0x88, $3  }
0x1: {  	(tag) =	ssettag $0x0;
	lr =	simm.s32 $0x1  }
0x2: {  	[smem:$0x3F81] =	sst lr;
	_ =	strace $0xD0000000  }
0x3: {  	_ = 	snop  }
0x4: {  	_ = 	snop  }
0x5: {  	_ = 	snop  }
0x6: {  	_ = 	snop  }
0x7: {  	_ = 	snop  }
__scs_overlays_trampoline_lowered:
0x8: {  	[smem:$0x3F90] =	sst s0  }
0x9: {  	[smem:$0x3F91] =	sst s1  }
0xa: {  	[smem:$0x3F92] =	sst s2  }
0xb: {  	[smem:$0x3F93] =	sst s3  }
0xc: {  	[smem:$0x3F94] =	sst s4  }
0xd: {  	[smem:$0x3F95] =	sst s5  }
0xe: {  	[smem:$0x3F96] =	sst s6  }
0xf: {  	[smem:$0x3F97] =	sst s7  }
0x10: {  	[smem:$0x3F98] =	sst s8  }
0x11: {  	[smem:$0x3F99] =	sst s9;
	s0 =	simm.s32 @!p0 $0x0  }
0x12: {  	s1 =	sld [smem:$0x3F7F];
	s0 =	simm.s32 @p0 $0x1  }
0x13: {  	[smem:$0x3F9A] =	sst s0;
	s0 =	simm.s32 @!p1 $0x0  }
0x14: {  	s2 =	sld [smem:$0x3F7E];
	s0 =	simm.s32 @p1 $0x1  }
0x15: {  	[smem:$0x3F9B] =	sst s0;
	s0 =	simm.s32 @!p2 $0x0  }
0x16: {  	s3 =	sld [smem:$0x3FDB];
	s0 =	simm.s32 @p2 $0x1  }
0x17: {  	s4 =	simm.s32 $0x1BF5;
	[smem:$0x3F9D] =	sst s0  }
0x18: {  	s0 =	sld [smem:$0x3F80];
	_ =	swait.ge [sflag:s4], $0x0  }
0x19: {  	s7 =	sld [smem:$0x3F81]  }
0x1a: {  	s8 =	sadd.s32 $0xFFFFE003, lr  }
0x1b: {  	s9 =	sadd.s32 $0xFFFFFEF7, lr;
	s5 =	simm.s32 $0xFFFFFFFF;
	p2 =	slt.u32 s8, $0xFFFFF086  }
0x1c: {  	p1 =	slt.u32 s9, $0xF7A;
	s5 =	simm.s32 @!p2 $0x0  }
0x1d: {  	s5 =	simm.s32 @p1 $0x1;
	p0 =	seq.s32 s7, s2  }
0x1e: {  	s7 =	smul.u32 @!p0 $0xF7A, s2;
	p2 =	seq.s32 @!p0 s5, $0x0  }
0x1f: {  	s9 =	smul.u32 $0xF7A, s1;
	s8 =	simm.s32 @!p0 $0x1BF5;
	p2 =	por !p2, p0  }
0x20: {  	[sflag:s8] =	ssyncset.s32 @!p0 $0xFFFFF086;
	s6 =	sadd.s32 @!p0 s3, s7;
	s7 =	simm.s32 @!p0 $0x108  }
0x21: {  	s3 =	sadd.s32 s3, s9;
	s6 =	sadd.s32 @!p0 $0x88, s6;
	s7 =	simm.s32 @p2 $0x1082  }
0x22: {  	[simem:s7], [sflag:s8] =	dma.local @!p0 [hbm:s6], $0xF7A  }
0x23: {  	s9 =	sor.u32 $0xD0000000, s2;
	s6 =	simm.s32 $0x108;
	_ =	swait.ge @!p0 [sflag:s8], $0x0  }
0x24: {  	s3 =	sadd.s32 $0x88, s3;
	s6 =	simm.s32 @!p1 $0x1082;
	[sflag:s4] =	ssyncset.s32 $0xFFFFF086  }
0x25: {  	[simem:s6], [sflag:s4] =	dma.local [hbm:s3], $0xF7A  }
0x26: {  	[smem:$0x3F81] =	sst s1;
	(tag) =	ssettag s2;
	_ =	strace s9  }
0x27: {  	s1 =	sld [smem:$0x3F91]  }
0x28: {  	s2 =	sld [smem:$0x3F92]  }
0x29: {  	s4 =	sld [smem:$0x3F94]  }
0x2a: {  	p0 =	seq.s32 s5, $0x0;
	s5 =	sld [smem:$0x3F95]  }
0x2b: {  	s6 =	sld [smem:$0x3F96]  }
0x2c: {  	s7 =	sld [smem:$0x3F97]  }
0x2d: {  	s3 =	simm.s32 $0x108;
	s8 =	sld [smem:$0x3F98]  }
0x2e: {  	s3 =	simm.s32 @!p0 $0x1082;
	s9 =	sld [smem:$0x3F99]  }
0x2f: {  	lr =	sadd.s32 s0, s3;
	s0 =	sld [smem:$0x3F90]  }
0x30: {  	s3 =	sld [smem:$0x3F93]  }
0x31: {  	[smem:$0x3F9C] =	sst s10  }
0x32: {  	s10 =	sld [smem:$0x3F9A];
	_ =	sdelay $0x3  }
0x33: {  	p0 =	seq.s32 s10, $0x1;
	s10 =	sld [smem:$0x3F9C];
	_ =	sdelay $0x3  }
0x34: {  	[smem:$0x3F9C] =	sst s10  }
0x35: {  	s10 =	sld [smem:$0x3F9B];
	_ =	sdelay $0x3  }
0x36: {  	p1 =	seq.s32 s10, $0x1;
	s10 =	sld [smem:$0x3F9C];
	_ =	sdelay $0x3  }
0x37: {  	[smem:$0x3F9C] =	sst s10  }
0x38: {  	s10 =	sld [smem:$0x3F9D]  }
0x39: {  	_ = 	snop;
	(pc) =	sbr.ind lr, $3  }
0x3a: {  	_ = 	snop  }
0x3b: {  	_ = 	snop  }
0x3c: {  	p2 =	seq.s32 s10, $0x1;
	s10 =	sld [smem:$0x3F9C]  }
0x3d: {  	_ =	shalt  }
0x3e: {  	_ =	shalt  }
0x3f: {  	_ =	shalt  }
0x40: {  	_ =	shalt  }
0x41: {  	_ =	shalt  }
0x42: {  	_ =	shalt  }
0x43: {  	_ =	shalt  }
0x44: {  	_ =	shalt  }
0x45: {  	_ =	shalt  }
0x46: {  	_ =	shalt  }
0x47: {  	_ =	shalt  }
0x48: {  	_ =	shalt  }
0x49: {  	_ =	shalt  }
0x4a: {  	_ =	shalt  }
0x4b: {  	_ =	shalt  }
0x4c: {  	_ =	shalt  }
0x4d: {  	_ =	shalt  }
0x4e: {  	_ =	shalt  }
0x4f: {  	_ =	shalt  }
0x50: {  	_ =	shalt  }
0x51: {  	_ =	shalt  }
0x52: {  	_ =	shalt  }
0x53: {  	_ =	shalt  }
0x54: {  	_ =	shalt  }
0x55: {  	_ =	shalt  }
0x56: {  	_ =	shalt  }
0x57: {  	_ =	shalt  }
0x58: {  	_ =	shalt  }
0x59: {  	_ =	shalt  }
0x5a: {  	_ =	shalt  }
0x5b: {  	_ =	shalt  }
0x5c: {  	_ =	shalt  }
0x5d: {  	_ =	shalt  }
0x5e: {  	_ =	shalt  }
0x5f: {  	_ =	shalt  }
0x60: {  	_ =	shalt  }
0x61: {  	_ =	shalt  }
0x62: {  	_ =	shalt  }
0x63: {  	_ =	shalt  }
0x64: {  	_ =	shalt  }
0x65: {  	_ =	shalt  }
0x66: {  	_ =	shalt  }
0x67: {  	_ =	shalt  }
0x68: {  	_ =	shalt  }
0x69: {  	_ =	shalt  }
0x6a: {  	_ =	shalt  }
0x6b: {  	_ =	shalt  }
0x6c: {  	_ =	shalt  }
0x6d: {  	_ =	shalt  }
0x6e: {  	_ =	shalt  }
0x6f: {  	_ =	shalt  }
0x70: {  	_ =	shalt  }
0x71: {  	_ =	shalt  }
0x72: {  	_ =	shalt  }
0x73: {  	_ =	shalt  }
0x74: {  	_ =	shalt  }
0x75: {  	_ =	shalt  }
0x76: {  	_ =	shalt  }
0x77: {  	_ =	shalt  }
0x78: {  	_ =	shalt  }
0x79: {  	_ =	shalt  }
0x7a: {  	_ =	shalt  }
0x7b: {  	_ =	shalt  }
0x7c: {  	_ =	shalt  }
0x7d: {  	_ =	shalt  }
0x7e: {  	_ =	shalt  }
0x7f: {  	_ =	shalt  }
0x80: {  	_ =	shalt  }
0x81: {  	_ =	shalt  }
0x82: {  	_ =	shalt  }
0x83: {  	_ =	shalt  }
0x84: {  	_ =	shalt  }
0x85: {  	_ =	shalt  }
0x86: {  	_ =	shalt  }
0x87: {  	_ =	shalt  }
.Lfunc_end0:
.L_simem_size_0:
called_computation_lowered:
.L_overlay_start_0:
0x88: {  	s2 =	sld [smem:$0x3FD9]  }
0x89: {  	s3 =	sld [smem:$0x3FFE];
	_ =	sdelay $0x1  }
0x8a: {  	s1 =	srdreg.scid  }
0x8b: {  	s0 =	sand.u32 $0x1, s1  }
0x8c: {  	s14 =	sshll.u32 s0, $0xA;
	s2 =	sadd.s32 s3, s2  }
0x8d: {  	s2 =	sadd.s32 s2, s14  }
0x8e: {  	[smem:$0x3FA8] =	sst s2  }
0x8f: {  	_ = 	snop  }
0x90: {  	s2 =	sld [smem:$0x3FD0];
	_ =	sdelay $0x2  }
0x91: {  	s15 =	simm.s32 $0xA;
	s4 =	simm.s32 $0x10  }
0x92: {  	[smem:s4], [sflag:s15] =	dma.local [hbm:s2], $0x1  }
0x93: {  	_ =	swait.eq [sflag:s15], $0x1  }
0x94: {  	[sflag:s15] =	ssyncset.done $0x0  }
0x95: {  	[sflag:s15] =	ssyncadd.s32 $0xFFFFFFFF  }
0x96: {  	s16 =	sld [smem:$0x10];
	(tm) =	ssettm $0x1  }
0x97: {  	s17 =	sld [smem:$0x3FFB];
	_ =	sdelay $0x3  }
0x98: {  	_ =	strace s17  }
0x99: {  	s3 =	sld [smem:$0x3FFC];
	_ =	sdelay $0x3  }
0x9a: {  	_ =	strace s3  }
0x9b: {  	s3 =	sld [smem:$0x3FFD];
	_ =	sdelay $0x3  }
0x9c: {  	_ =	strace s3  }
0x9d: {  	_ =	strace $0x8FFFFFFF  }
0x9e: {  	s18 =	sld [smem:$0x3FDB];
	_ =	sdelay $0x1  }
0x9f: {  	s19 =	simm.s32 $_scs_section_size  }
0xa0: {  	s5 =	simm.s32 $_size__tile_overlayer_lowered;
	s6 =	simm.s32 $_tile_overlayer_lowered  }
0xa1: {  	s22 =	simm.s32 $0x1BFF;
	s21 =	sshll.u32 s6, $0x1;
	s3 =	sadd.s32 s19, s18  }
0xa2: {  	s7 =	simm.s32 $0x0;
	s20 =	sshll.u32 s5, $0x1;
	s5 =	sadd.s32 s21, s3  }
0xa3: {  	[timem:s7], [sflag:s22] =	dma.local [hbm:s5], s20  }
0xa4: {  	_ =	swait.ge [sflag:s22], s20  }
0xa5: {  	s4 =	ssub.s32 $0x0, s20;
	[sflag:s22] =	ssyncset.done $0x0  }
0xa6: {  	[sflag:s22] =	ssyncadd.s32 s4;
	_ =	sdelay $0x1  }
0xa7: {  	s23 =	simm.s32 $0x1B8B  }
0xa8: {  	_ =	swait.ge [sflag:s23], $0x1  }
0xa9: {  	[sflag:s23] =	ssyncset.done $0x0  }
0xaa: {  	s25 =	simm.s32 $0x1B8E;
	s24 =	sld [smem:$0x3FFE];
	[sflag:s23] =	ssyncadd.s32 $0xFFFFFFFF  }
0xab: {  	s26 =	simm.s32 $execute0_lowered;
	[smem:$0x3FD2] =	sst s25  }
0xac: {  	s5 =	sshll.u32 s26, $0x1;
	_ =	strace $0x80000046;
	[dreg:$0x1] =	wrdreg $0xFFFFFFFF  }
0xad: {  	s28 =	simm.s32 $_size_execute0_lowered;
	s3 =	sadd.s32 s3, s5;
	[dreg:$0x0] =	wrdreg $0x0  }
0xae: {  	s5 =	sshll.u32 s28, $0x1;
	[dreg:$0x2] =	wrdreg s3  }
0xaf: {  	[dreg:$0x3] =	wrdreg s5  }
0xb0: {  	[dreg:$0x4] =	wrdreg $0xC0  }
0xb1: {  	_ =	task [dreg:s7], $0x5FFFF  }
0xb2: {  	[dreg:$0x1] =	wrdreg $0xFFFFFFFF  }
0xb3: {  	[dreg:$0x0] =	wrdreg $0x60  }
0xb4: {  	[dreg:$0x2] =	wrdreg s16  }
0xb5: {  	[dreg:$0x3] =	wrdreg s24  }
0xb6: {  	[dreg:$0x4] =	wrdreg $0x6D000  }
0xb7: {  	[dreg:$0x5] =	wrdreg $0x9E000  }
0xb8: {  	[dreg:$0x6] =	wrdreg $0x9  }
0xb9: {  	_ =	task.clear_ibuf [dreg:s7], $0x7FFFF;
	_ =	strace $0x90000046  }
0xba: {  	s29 =	simm.s32 $0x9;
	_ =	strace $0x80000048  }
0xbb: {  	_ =	swait.ge [sflag:s29], $0x1  }
0xbc: {  	[sflag:s29] =	ssyncadd.s32 $0xFFFFFFFF  }
0xbd: {  	_ =	strace $0x90000048  }
0xbe: {  	_ =	sfence  }
0xbf: {  	s30 =	sld [smem:$0x0];
	_ =	sdelay $0x2  }
0xc0: {  	s31 =	sshll.u32 s1, $0xD;
	s1 =	sshrl.u32 s1, $0x2  }
0xc1: {  	s3 =	sand.u32 $0x4000, s31;
	s1 =	sadd.s32 s1, s30  }
0xc2: {  	s0 =	sor.u32 s3, s0;
	s1 =	sshll.u32 s1, $0x11  }
0xc3: {  	s0 =	sor.u32 s1, s0  }
0xc4: {  	s0 =	sadd.s32 $0x8F2B, s0  }
0xc5: {  	[sflag:s0] =	ssyncadd.remote.s32 $0x1  }
0xc6: {  	_ =	sfence.sel $0xFFFF  }
0xc7: {  	[dreg:$0x0] =	wrdreg $0xFFFFFFFF;
	(pc) =	sbr.abs _section_cstart, $3  }
0xc8: {  	[dreg:$0x1] =	wrdreg $0xFFFFFFFF  }
0xc9: {  	_ =	task.clear_ibuf [dreg:s7], $0x2FFFF;
	_ =	strace $0x9FFFFFFF  }
0xca: {  	(tm) =	ssettm $0x7FFFFFFF  }
0xcb: {  	_ =	shalt  }
tec
execute0_lowered:
.L_overlay_start_1:
0x0: {  	(tag) =	ssettag $0x1  }
0x1: {  	s1 =	rddreg [dreg:$0x0]  }
0x2: {  	s0 =	srdreg.scid;
	s6 =	rddreg [dreg:$0x1]  }
0x3: {  	s7 =	stileid.u32;
	s2 =	rddreg [dreg:$0x2];
	s13 =	simm.s32 $0x3  }
0x4: {  	s14 =	simm.s32 $0x3C00;
	s15 =	simm.s32 $0x80;
	s28 =	simm.s32 $0x2B00  }
0x5: {  	s29 =	simm.s32 $0x380;
	s30 =	simm.s32 $0x2B80;
	s0 =	sand.u32 $0x1, s0  }
0x6: {  	s31 =	simm.s32 $0x1;
	s10 =	smul.u32 $0x3100, s7;
	s3 =	sshll.u32 s0, $0x4  }
0x7: {  	s25 =	smul.u32 $0x31000, s0;
	s0 =	ssub.s32 $0x2, s0;
	s4 =	sor.u32 s7, s3  }
0x8: {  	s3 =	rddreg [dreg:$0x3];
	s9 =	sshrl.u32 s0, $0x1;
	s26 =	sshrl.u32 s10, $0x3  }
0x9: {  	s5 =	smul.u32 $0x280, s4;
	s4 =	simm.s32 $0x0;
	s7 =	sadd.s32 s10, s25  }
0xa: {  	s0 =	ssub.s32 s0, s9;
	s9 =	sadd.s32 s10, s2;
	s10 =	sadd.s32 s10, s3  }
0xb: {  	s25 =	simm.s32 $0x2A80;
	[smem:$0x7FF] =	sst s4;
	s7 =	sshrl.u32 s7, $0x3  }
0xc: {  	s12 =	smax.u32 s0, $0x1;
	s0 =	simm.s32 $0x0;
	_ =	strace $0x80000047  }
0xd: {  	s8 =	sadd.s32 s5, s6;
	s5 =	sadd.s32 $0x11000, s6;
	s11 =	sadd.s32 s7, s6  }
0xe: {  	s6 =	sadd.s32 $0x7000, s8;
	s7 =	sadd.s32 $0xC000, s8;
	s8 =	sadd.s32 s1, s26  }
0xf: {  	s11 =	sadd.s32 $0x11800, s11;
	s26 =	simm.s32 $0x300;
	s1 =	simm.s32 $0x2  }
.LBB2_1:
0x10: {  	[tilespmem:s4], [sflag:$0x3] =	stream.linear.gather [hbm4b:s6+s4], $0x1400, $0x38;
	[tilespmem:$0xCF00] =	vst v63  }
0x11: {  	_ =	swait.ge [sflag:s13], $0x1400  }
0x12: {  	[sflag:s13] =	ssyncset.done $0x0  }
0x13: {  	s17 =	simm.s32 $0x1400;
	[sflag:s13] =	ssyncadd.s32 $0xFFFFEC00  }
0x14: {  	[tilespmem:s17], [sflag:$0x3] =	stream.linear.gather [hbm4b:s7+s4], $0x1400, $0x38;
	[tilespmem:$0xCF00] =	vst v63  }
0x15: {  	_ =	swait.ge [sflag:s13], $0x1400  }
0x16: {  	[sflag:s13] =	ssyncset.done $0x0  }
0x17: {  	[sflag:s13] =	ssyncadd.s32 $0xFFFFEC00  }
0x18: {  	[tilespmem:s14], [sflag:$0x3] =	stream.linear.gather [hbm4b:s8+s4], $0x3100, $0x38;
	[tilespmem:$0xCF00] =	vst v63  }
0x19: {  	_ =	swait.ge [sflag:s13], $0x3100  }
0x1a: {  	[sflag:s13] =	ssyncset.done $0x0  }
0x1b: {  	[sflag:s13] =	ssyncadd.s32 $0xFFFFCF00  }
0x1c: {  	[spmem:s9] =	stream.linear.scatter [tilespmem:s14], [sflag:$0x3], $0x3100, $0x38;
	[tilespmem:$0xCF00] =	vst v63  }
0x1d: {  	_ =	swait.ge [sflag:s13], $0x3100  }
0x1e: {  	[sflag:s13] =	ssyncset.done $0x0  }
0x1f: {  	[sflag:s13] =	ssyncadd.s32 $0xFFFFCF00  }
0x20: {  	[tilespmem:s14], [sflag:$0x3] =	stream.linear.gather [hbm4b:s5+s4], $0x3100, $0x38;
	[tilespmem:$0xCF00] =	vst v63  }
0x21: {  	_ =	swait.ge [sflag:s13], $0x3100  }
0x22: {  	[sflag:s13] =	ssyncset.done $0x0  }
0x23: {  	[sflag:s13] =	ssyncadd.s32 $0xFFFFCF00  }
0x24: {  	[spmem:s10] =	stream.linear.scatter [tilespmem:s14], [sflag:$0x3], $0x3100, $0x38;
	[tilespmem:$0xCF00] =	vst v63  }
0x25: {  	_ =	swait.ge [sflag:s13], $0x3100  }
0x26: {  	[sflag:s13] =	ssyncset.done $0x0  }
0x27: {  	[sflag:s13] =	ssyncadd.s32 $0xFFFFCF00  }
0x28: {  	s16 =	simm.s32 $0x2800;
	[bflag:$0x0] =	sbarrier.arrive $0xFFFF  }
0x29: {  	[tilespmem:s16], [sflag:$0x1] =	stream.indirect.gather [spmem:s2], $0x1, s4, s15, $0xb8;
	[tilespmem:$0xCF00] =	vst v63  }
0x2a: {  	s18 =	simm.s32 $0x2880  }
0x2b: {  	[tilespmem:s18], [sflag:$0x1] =	stream.indirect.gather [spmem:s2], $0x1, s15, s15, $0xb8;
	[tilespmem:$0xCF00] =	vst v63  }
0x2c: {  	s19 =	simm.s32 $0x100;
	s18 =	simm.s32 $0x2900  }
0x2d: {  	[tilespmem:s18], [sflag:$0x1] =	stream.indirect.gather [spmem:s2], $0x1, s19, s15, $0xb8;
	[tilespmem:$0xCF00] =	vst v63  }
0x2e: {  	s20 =	simm.s32 $0x180;
	s21 =	simm.s32 $0x2980  }
0x2f: {  	[tilespmem:s21], [sflag:$0x1] =	stream.indirect.gather [spmem:s2], $0x1, s20, s15, $0xb8;
	[tilespmem:$0xCF00] =	vst v63  }
0x30: {  	s22 =	simm.s32 $0x200;
	s23 =	simm.s32 $0x2A00  }
0x31: {  	[tilespmem:s23], [sflag:$0x1] =	stream.indirect.gather [spmem:s2], $0x1, s22, s15, $0xb8;
	[tilespmem:$0xCF00] =	vst v63  }
0x32: {  	s24 =	simm.s32 $0x280  }
0x33: {  	[tilespmem:s25], [sflag:$0x1] =	stream.indirect.gather [spmem:s2], $0x1, s24, s15, $0xb8;
	[tilespmem:$0xCF00] =	vst v63  }
0x34: {  	_ = 	snop  }
0x35: {  	[tilespmem:s28], [sflag:$0x1] =	stream.indirect.gather [spmem:s2], $0x1, s26, s15, $0xb8;
	[tilespmem:$0xCF00] =	vst v63  }
0x36: {  	_ = 	snop  }
0x37: {  	[tilespmem:s30], [sflag:$0x1] =	stream.indirect.gather [spmem:s2], $0x1, s29, s15, $0xb8;
	[tilespmem:$0xCF00] =	vst v63  }
0x38: {  	p0 =	por $0x0, $0x0;
	s16 =	simm.s32 $0x400;
	_ =	swait.ge [sflag:s31], $0x80  }
0x39: {  	s18 =	simm.s32 $0x2C00;
	s19 =	simm.s32 $0x2800;
	[sflag:s31] =	ssyncset.done $0x0  }
0x3a: {  	s20 =	simm.s32 $0x480;
	s21 =	simm.s32 $0x2C80;
	[sflag:s31] =	ssyncadd.s32 $0xFFFFFF80  }
0x3b: {  	[spmem:s3] =	stream.indirect.scatter.add.f32 [tilespmem:s19], [sflag:$0x2], $0x1, s17, s15, $0xb8;
	[tilespmem:$0xCF00] =	vst v63  }
0x3c: {  	s22 =	simm.s32 @!p0 $0x80;
	s17 =	simm.s32 $0x1;
	s19 =	simm.s32 $0x1480  }
.LBB2_2:
0x3d: {  	[tilespmem:s18], [sflag:$0x1] =	stream.indirect.gather @!p0 [spmem:s2], $0x1, s16, s22, $0xb8;
	[tilespmem:$0xCF00] =	vst v63  }
0x3e: {  	s22 =	smov.u32 s17  }
0x3f: {  	s23 =	smov.u32 s19;
	s16 =	smov.u32 s20;
	s17 =	sadd.s32 $0x1, s17  }
0x40: {  	s18 =	smov.u32 s21;
	p1 =	sne.s32 s17, $0x28  }
.Ltmp0:
0x41: {  	_ =	swait.ge [sflag:s31], $0x80;
	(pc) =	sbr.rel @p1 .LBB2_2-.Ltmp0, $4  }
0x42: {  	s19 =	sadd.s32 $0x80, s19;
	[sflag:s31] =	ssyncset.done $0x0  }
0x43: {  	s24 =	sadd.s32 $0xFFFFFC00, s21;
	p0 =	sgt.u32 s22, $0x1F;
	[sflag:s31] =	ssyncadd.s32 $0xFFFFFF80  }
0x44: {  	[spmem:s3] =	stream.indirect.scatter.add.f32 [tilespmem:s24], [sflag:$0x2], $0x1, s23, s15, $0xb8;
	[tilespmem:$0xCF00] =	vst v63  }
0x45: {  	s20 =	sadd.s32 $0x80, s20;
	s21 =	sadd.s32 $0x80, s21;
	s22 =	simm.s32 @!p0 $0x80  }
0x46: {  	[tilespmem:s18], [sflag:$0x1] =	stream.indirect.gather @!p0 [spmem:s2], $0x1, s16, s22, $0xb8;
	[tilespmem:$0xCF00] =	vst v63  }
0x47: {  	_ =	swait.ge [sflag:s1], $0x80  }
0x48: {  	s16 =	simm.s32 $0x27;
	[sflag:s1] =	ssyncset.done $0x0  }
.LBB2_4:
0x49: {  	p0 =	sne.s32 s16, $0x1;
	s16 =	sadd.s32 $0xFFFFFFFF, s16;
	[sflag:s1] =	ssyncadd.s32 $0xFFFFFF80  }
.Ltmp1:
0x4a: {  	(pc) =	sbr.rel @p0 .LBB2_4-.Ltmp1, $3  }
0x4b: {  	_ =	sdelay $0x1  }
0x4c: {  	_ =	swait.ge [sflag:s1], $0x80  }
0x4d: {  	[sflag:s1] =	ssyncset.done $0x0  }
0x4e: {  	[sflag:s1] =	ssyncadd.s32 $0xFFFFFF80  }
0x4f: {  	[bflag:$0x0] =	sbarrier.arrive $0xFFFF  }
0x50: {  	[tilespmem:s14], [sflag:$0x3] =	stream.linear.gather [spmem:s10], $0x3100, $0x38;
	[tilespmem:$0xCF00] =	vst v63  }
0x51: {  	s0 =	sadd.s32 $0x1, s0;
	_ =	swait.ge [sflag:s13], $0x3100  }
0x52: {  	p0 =	sne.s32 s0, s12;
	[sflag:s13] =	ssyncset.done $0x0  }
.Ltmp2:
0x53: {  	[sflag:s13] =	ssyncadd.s32 $0xFFFFCF00;
	(pc) =	sbr.rel @p0 .LBB2_1-.Ltmp2, $4  }
0x54: {  	[hbm4b:s11+s4] =	stream.linear.scatter [tilespmem:s14], [sflag:$0x3], $0x3100, $0x38;
	[tilespmem:$0xCF00] =	vst v63  }
0x55: {  	_ =	swait.ge [sflag:s13], $0x3100  }
0x56: {  	[sflag:s13] =	ssyncset.done $0x0  }
0x57: {  	[sflag:s13] =	ssyncadd.s32 $0xFFFFCF00  }
0x58: {  	_ =	sfence.sel $0x180000  }
0x59: {  	[bflag:$0x0] =	sbarrier.arrive $0xFFFF  }
0x5a: {  	_ =	strace $0x90000047  }
0x5b: {  	s0 =	stileid.u32;
	[bflag:$0x2] =	sbarrier.arrive $0xFFFF  }
0x5c: {  	p0 =	sne.s32 s0, $0x0;
	s0 =	rddreg [dreg:$0x4]  }
0x5d: {  	s0 =	sadd.s32 @!p0 $0x100000, s0  }
0x5e: {  	[sflag:s0] =	ssyncadd.tile.s32 @!p0 $0x1;
	_ =	shalt  }
.Lfunc_end2:
_tile_overlayer_lowered:
.L_overlay_start_2:
0x5f: {  	(tag) =	ssettag $0x2  }
0x60: {  	s0 =	rddreg [dreg:$0x0];
	s2 =	stileid.u32  }
0x61: {  	s1 =	rddreg [dreg:$0x1];
	p0 =	sne.s32 s2, $0x0  }
0x62: {  	s3 =	rddreg [dreg:$0x2];
	[bflag:$0x3] =	sbarrier.arrive $0xFFFF;
	s2 =	simm.s32 @!p0 $0x1C03  }
0x63: {  	[timem:s3], [sflag:s2] =	dma.local @!p0 [hbm:s0], s1  }
0x64: {  	s0 =	simm.s32 @!p0 $0x3  }
0x65: {  	_ =	swait.ge @!p0 [sflag:s0], s1  }
0x66: {  	s1 =	ssub.s32 @!p0 $0x0, s1;
	[sflag:s0] =	ssyncset.done @!p0 $0x0  }
0x67: {  	[sflag:s0] =	ssyncadd.s32 @!p0 s1  }
0x68: {  	[bflag:$0x3] =	sbarrier.arrive $0xFFFF  }
0x69: {  	_ =	shalt  }

// kernel: kernel.28.cloned.1.call-start
scs
__scs_entry_jumppad:
0x0: {  	(pc) =	sbr.rel $0x88, $3  }
0x1: {  	(tag) =	ssettag $0x0;
	lr =	simm.s32 $0x1  }
0x2: {  	[smem:$0x3F81] =	sst lr;
	_ =	strace $0xD0000000  }
0x3: {  	_ = 	snop  }
0x4: {  	_ = 	snop  }
0x5: {  	_ = 	snop  }
0x6: {  	_ = 	snop  }
0x7: {  	_ = 	snop  }
__scs_overlays_trampoline_lowered:
0x8: {  	[smem:$0x3F90] =	sst s0  }
0x9: {  	[smem:$0x3F91] =	sst s1  }
0xa: {  	[smem:$0x3F92] =	sst s2  }
0xb: {  	[smem:$0x3F93] =	sst s3  }
0xc: {  	[smem:$0x3F94] =	sst s4  }
0xd: {  	[smem:$0x3F95] =	sst s5  }
0xe: {  	[smem:$0x3F96] =	sst s6  }
0xf: {  	[smem:$0x3F97] =	sst s7  }
0x10: {  	[smem:$0x3F98] =	sst s8  }
0x11: {  	[smem:$0x3F99] =	sst s9;
	s0 =	simm.s32 @!p0 $0x0  }
0x12: {  	s1 =	sld [smem:$0x3F7F];
	s0 =	simm.s32 @p0 $0x1  }
0x13: {  	[smem:$0x3F9A] =	sst s0;
	s0 =	simm.s32 @!p1 $0x0  }
0x14: {  	s2 =	sld [smem:$0x3F7E];
	s0 =	simm.s32 @p1 $0x1  }
0x15: {  	[smem:$0x3F9B] =	sst s0;
	s0 =	simm.s32 @!p2 $0x0  }
0x16: {  	s3 =	sld [smem:$0x3FDB];
	s0 =	simm.s32 @p2 $0x1  }
0x17: {  	s4 =	simm.s32 $0x1BF5;
	[smem:$0x3F9D] =	sst s0  }
0x18: {  	s0 =	sld [smem:$0x3F80];
	_ =	swait.ge [sflag:s4], $0x0  }
0x19: {  	s7 =	sld [smem:$0x3F81]  }
0x1a: {  	s8 =	sadd.s32 $0xFFFFE003, lr  }
0x1b: {  	s9 =	sadd.s32 $0xFFFFFEF7, lr;
	s5 =	simm.s32 $0xFFFFFFFF;
	p2 =	slt.u32 s8, $0xFFFFF086  }
0x1c: {  	p1 =	slt.u32 s9, $0xF7A;
	s5 =	simm.s32 @!p2 $0x0  }
0x1d: {  	s5 =	simm.s32 @p1 $0x1;
	p0 =	seq.s32 s7, s2  }
0x1e: {  	s7 =	smul.u32 @!p0 $0xF7A, s2;
	p2 =	seq.s32 @!p0 s5, $0x0  }
0x1f: {  	s9 =	smul.u32 $0xF7A, s1;
	s8 =	simm.s32 @!p0 $0x1BF5;
	p2 =	por !p2, p0  }
0x20: {  	[sflag:s8] =	ssyncset.s32 @!p0 $0xFFFFF086;
	s6 =	sadd.s32 @!p0 s3, s7;
	s7 =	simm.s32 @!p0 $0x108  }
0x21: {  	s3 =	sadd.s32 s3, s9;
	s6 =	sadd.s32 @!p0 $0x88, s6;
	s7 =	simm.s32 @p2 $0x1082  }
0x22: {  	[simem:s7], [sflag:s8] =	dma.local @!p0 [hbm:s6], $0xF7A  }
0x23: {  	s9 =	sor.u32 $0xD0000000, s2;
	s6 =	simm.s32 $0x108;
	_ =	swait.ge @!p0 [sflag:s8], $0x0  }
0x24: {  	s3 =	sadd.s32 $0x88, s3;
	s6 =	simm.s32 @!p1 $0x1082;
	[sflag:s4] =	ssyncset.s32 $0xFFFFF086  }
0x25: {  	[simem:s6], [sflag:s4] =	dma.local [hbm:s3], $0xF7A  }
0x26: {  	[smem:$0x3F81] =	sst s1;
	(tag) =	ssettag s2;
	_ =	strace s9  }
0x27: {  	s1 =	sld [smem:$0x3F91]  }
0x28: {  	s2 =	sld [smem:$0x3F92]  }
0x29: {  	s4 =	sld [smem:$0x3F94]  }
0x2a: {  	p0 =	seq.s32 s5, $0x0;
	s5 =	sld [smem:$0x3F95]  }
0x2b: {  	s6 =	sld [smem:$0x3F96]  }
0x2c: {  	s7 =	sld [smem:$0x3F97]  }
0x2d: {  	s3 =	simm.s32 $0x108;
	s8 =	sld [smem:$0x3F98]  }
0x2e: {  	s3 =	simm.s32 @!p0 $0x1082;
	s9 =	sld [smem:$0x3F99]  }
0x2f: {  	lr =	sadd.s32 s0, s3;
	s0 =	sld [smem:$0x3F90]  }
0x30: {  	s3 =	sld [smem:$0x3F93]  }
0x31: {  	[smem:$0x3F9C] =	sst s10  }
0x32: {  	s10 =	sld [smem:$0x3F9A];
	_ =	sdelay $0x3  }
0x33: {  	p0 =	seq.s32 s10, $0x1;
	s10 =	sld [smem:$0x3F9C];
	_ =	sdelay $0x3  }
0x34: {  	[smem:$0x3F9C] =	sst s10  }
0x35: {  	s10 =	sld [smem:$0x3F9B];
	_ =	sdelay $0x3  }
0x36: {  	p1 =	seq.s32 s10, $0x1;
	s10 =	sld [smem:$0x3F9C];
	_ =	sdelay $0x3  }
0x37: {  	[smem:$0x3F9C] =	sst s10  }
0x38: {  	s10 =	sld [smem:$0x3F9D]  }
0x39: {  	_ = 	snop;
	(pc) =	sbr.ind lr, $3  }
0x3a: {  	_ = 	snop  }
0x3b: {  	_ = 	snop  }
0x3c: {  	p2 =	seq.s32 s10, $0x1;
	s10 =	sld [smem:$0x3F9C]  }
0x3d: {  	_ =	shalt  }
0x3e: {  	_ =	shalt  }
0x3f: {  	_ =	shalt  }
0x40: {  	_ =	shalt  }
0x41: {  	_ =	shalt  }
0x42: {  	_ =	shalt  }
0x43: {  	_ =	shalt  }
0x44: {  	_ =	shalt  }
0x45: {  	_ =	shalt  }
0x46: {  	_ =	shalt  }
0x47: {  	_ =	shalt  }
0x48: {  	_ =	shalt  }
0x49: {  	_ =	shalt  }
0x4a: {  	_ =	shalt  }
0x4b: {  	_ =	shalt  }
0x4c: {  	_ =	shalt  }
0x4d: {  	_ =	shalt  }
0x4e: {  	_ =	shalt  }
0x4f: {  	_ =	shalt  }
0x50: {  	_ =	shalt  }
0x51: {  	_ =	shalt  }
0x52: {  	_ =	shalt  }
0x53: {  	_ =	shalt  }
0x54: {  	_ =	shalt  }
0x55: {  	_ =	shalt  }
0x56: {  	_ =	shalt  }
0x57: {  	_ =	shalt  }
0x58: {  	_ =	shalt  }
0x59: {  	_ =	shalt  }
0x5a: {  	_ =	shalt  }
0x5b: {  	_ =	shalt  }
0x5c: {  	_ =	shalt  }
0x5d: {  	_ =	shalt  }
0x5e: {  	_ =	shalt  }
0x5f: {  	_ =	shalt  }
0x60: {  	_ =	shalt  }
0x61: {  	_ =	shalt  }
0x62: {  	_ =	shalt  }
0x63: {  	_ =	shalt  }
0x64: {  	_ =	shalt  }
0x65: {  	_ =	shalt  }
0x66: {  	_ =	shalt  }
0x67: {  	_ =	shalt  }
0x68: {  	_ =	shalt  }
0x69: {  	_ =	shalt  }
0x6a: {  	_ =	shalt  }
0x6b: {  	_ =	shalt  }
0x6c: {  	_ =	shalt  }
0x6d: {  	_ =	shalt  }
0x6e: {  	_ =	shalt  }
0x6f: {  	_ =	shalt  }
0x70: {  	_ =	shalt  }
0x71: {  	_ =	shalt  }
0x72: {  	_ =	shalt  }
0x73: {  	_ =	shalt  }
0x74: {  	_ =	shalt  }
0x75: {  	_ =	shalt  }
0x76: {  	_ =	shalt  }
0x77: {  	_ =	shalt  }
0x78: {  	_ =	shalt  }
0x79: {  	_ =	shalt  }
0x7a: {  	_ =	shalt  }
0x7b: {  	_ =	shalt  }
0x7c: {  	_ =	shalt  }
0x7d: {  	_ =	shalt  }
0x7e: {  	_ =	shalt  }
0x7f: {  	_ =	shalt  }
0x80: {  	_ =	shalt  }
0x81: {  	_ =	shalt  }
0x82: {  	_ =	shalt  }
0x83: {  	_ =	shalt  }
0x84: {  	_ =	shalt  }
0x85: {  	_ =	shalt  }
0x86: {  	_ =	shalt  }
0x87: {  	_ =	shalt  }
.Lfunc_end0:
.L_simem_size_0:
called_computation.1_lowered:
.L_overlay_start_0:
0x88: {  	s2 =	sld [smem:$0x3FD9]  }
0x89: {  	s3 =	sld [smem:$0x3FFE];
	_ =	sdelay $0x1  }
0x8a: {  	s1 =	srdreg.scid  }
0x8b: {  	s0 =	sand.u32 $0x1, s1  }
0x8c: {  	s14 =	sshll.u32 s0, $0xA;
	s2 =	sadd.s32 s3, s2  }
0x8d: {  	s2 =	sadd.s32 s2, s14  }
0x8e: {  	[smem:$0x3FA8] =	sst s2  }
0x8f: {  	_ = 	snop  }
0x90: {  	s2 =	sld [smem:$0x3FD0];
	_ =	sdelay $0x2  }
0x91: {  	s15 =	simm.s32 $0xA;
	s4 =	simm.s32 $0x10  }
0x92: {  	[smem:s4], [sflag:s15] =	dma.local [hbm:s2], $0x1  }
0x93: {  	_ =	swait.eq [sflag:s15], $0x1  }
0x94: {  	[sflag:s15] =	ssyncset.done $0x0  }
0x95: {  	[sflag:s15] =	ssyncadd.s32 $0xFFFFFFFF  }
0x96: {  	s16 =	sld [smem:$0x10];
	(tm) =	ssettm $0x1  }
0x97: {  	s17 =	sld [smem:$0x3FFB];
	_ =	sdelay $0x3  }
0x98: {  	_ =	strace s17  }
0x99: {  	s3 =	sld [smem:$0x3FFC];
	_ =	sdelay $0x3  }
0x9a: {  	_ =	strace s3  }
0x9b: {  	s3 =	sld [smem:$0x3FFD];
	_ =	sdelay $0x3  }
0x9c: {  	_ =	strace s3  }
0x9d: {  	_ =	strace $0x8FFFFFFF  }
0x9e: {  	s18 =	sld [smem:$0x3FDB];
	_ =	sdelay $0x1  }
0x9f: {  	s19 =	simm.s32 $_scs_section_size  }
0xa0: {  	s5 =	simm.s32 $_size__tile_overlayer_lowered;
	s6 =	simm.s32 $_tile_overlayer_lowered  }
0xa1: {  	s22 =	simm.s32 $0x1BFF;
	s21 =	sshll.u32 s6, $0x1;
	s3 =	sadd.s32 s19, s18  }
0xa2: {  	s7 =	simm.s32 $0x0;
	s20 =	sshll.u32 s5, $0x1;
	s5 =	sadd.s32 s21, s3  }
0xa3: {  	[timem:s7], [sflag:s22] =	dma.local [hbm:s5], s20  }
0xa4: {  	_ =	swait.ge [sflag:s22], s20  }
0xa5: {  	s4 =	ssub.s32 $0x0, s20;
	[sflag:s22] =	ssyncset.done $0x0  }
0xa6: {  	[sflag:s22] =	ssyncadd.s32 s4;
	_ =	sdelay $0x1  }
0xa7: {  	s23 =	simm.s32 $0x1B8B  }
0xa8: {  	_ =	swait.ge [sflag:s23], $0x1  }
0xa9: {  	[sflag:s23] =	ssyncset.done $0x0  }
0xaa: {  	s25 =	simm.s32 $0x1B8E;
	s24 =	sld [smem:$0x3FFE];
	[sflag:s23] =	ssyncadd.s32 $0xFFFFFFFF  }
0xab: {  	s26 =	simm.s32 $execute0_lowered;
	[smem:$0x3FD2] =	sst s25  }
0xac: {  	s5 =	sshll.u32 s26, $0x1;
	_ =	strace $0x80000049;
	[dreg:$0x1] =	wrdreg $0xFFFFFFFF  }
0xad: {  	s28 =	simm.s32 $_size_execute0_lowered;
	s3 =	sadd.s32 s3, s5;
	[dreg:$0x0] =	wrdreg $0x0  }
0xae: {  	s5 =	sshll.u32 s28, $0x1;
	[dreg:$0x2] =	wrdreg s3  }
0xaf: {  	[dreg:$0x3] =	wrdreg s5  }
0xb0: {  	[dreg:$0x4] =	wrdreg $0xC0  }
0xb1: {  	_ =	task [dreg:s7], $0x5FFFF  }
0xb2: {  	[dreg:$0x1] =	wrdreg $0xFFFFFFFF  }
0xb3: {  	[dreg:$0x0] =	wrdreg $0x60  }
0xb4: {  	[dreg:$0x2] =	wrdreg s16  }
0xb5: {  	[dreg:$0x3] =	wrdreg s24  }
0xb6: {  	[dreg:$0x4] =	wrdreg $0x6D000  }
0xb7: {  	[dreg:$0x5] =	wrdreg $0x9E000  }
0xb8: {  	[dreg:$0x6] =	wrdreg $0x9  }
0xb9: {  	_ =	task.clear_ibuf [dreg:s7], $0x7FFFF;
	_ =	strace $0x90000049  }
0xba: {  	s29 =	simm.s32 $0x9;
	_ =	strace $0x8000004B  }
0xbb: {  	_ =	swait.ge [sflag:s29], $0x1  }
0xbc: {  	[sflag:s29] =	ssyncadd.s32 $0xFFFFFFFF  }
0xbd: {  	_ =	strace $0x9000004B  }
0xbe: {  	_ =	sfence  }
0xbf: {  	s30 =	sld [smem:$0x0];
	_ =	sdelay $0x2  }
0xc0: {  	s31 =	sshll.u32 s1, $0xD;
	s1 =	sshrl.u32 s1, $0x2  }
0xc1: {  	s3 =	sand.u32 $0x4000, s31;
	s1 =	sadd.s32 s1, s30  }
0xc2: {  	s0 =	sor.u32 s3, s0;
	s1 =	sshll.u32 s1, $0x11  }
0xc3: {  	s0 =	sor.u32 s1, s0  }
0xc4: {  	s0 =	sadd.s32 $0x8F2B, s0  }
0xc5: {  	[sflag:s0] =	ssyncadd.remote.s32 $0x1  }
0xc6: {  	_ =	sfence.sel $0xFFFF  }
0xc7: {  	[dreg:$0x0] =	wrdreg $0xFFFFFFFF;
	(pc) =	sbr.abs _section_cstart, $3  }
0xc8: {  	[dreg:$0x1] =	wrdreg $0xFFFFFFFF  }
0xc9: {  	_ =	task.clear_ibuf [dreg:s7], $0x2FFFF;
	_ =	strace $0x9FFFFFFF  }
0xca: {  	(tm) =	ssettm $0x7FFFFFFF  }
0xcb: {  	_ =	shalt  }
tec
execute0_lowered:
.L_overlay_start_1:
0x0: {  	(tag) =	ssettag $0x1  }
0x1: {  	s1 =	rddreg [dreg:$0x0]  }
0x2: {  	s0 =	srdreg.scid;
	s6 =	rddreg [dreg:$0x1]  }
0x3: {  	s7 =	stileid.u32;
	s2 =	rddreg [dreg:$0x2];
	s13 =	simm.s32 $0x3  }
0x4: {  	s14 =	simm.s32 $0x3C00;
	s15 =	simm.s32 $0x80;
	s28 =	simm.s32 $0x2B00  }
0x5: {  	s29 =	simm.s32 $0x380;
	s30 =	simm.s32 $0x2B80;
	s0 =	sand.u32 $0x1, s0  }
0x6: {  	s31 =	simm.s32 $0x1;
	s10 =	smul.u32 $0x3100, s7;
	s3 =	sshll.u32 s0, $0x4  }
0x7: {  	s25 =	smul.u32 $0x31000, s0;
	s0 =	ssub.s32 $0x2, s0;
	s4 =	sor.u32 s7, s3  }
0x8: {  	s3 =	rddreg [dreg:$0x3];
	s9 =	sshrl.u32 s0, $0x1;
	s26 =	sshrl.u32 s10, $0x3  }
0x9: {  	s5 =	smul.u32 $0x280, s4;
	s4 =	simm.s32 $0x0;
	s7 =	sadd.s32 s10, s25  }
0xa: {  	s0 =	ssub.s32 s0, s9;
	s9 =	sadd.s32 s10, s2;
	s10 =	sadd.s32 s10, s3  }
0xb: {  	s25 =	simm.s32 $0x2A80;
	[smem:$0x7FF] =	sst s4;
	s7 =	sshrl.u32 s7, $0x3  }
0xc: {  	s12 =	smax.u32 s0, $0x1;
	s0 =	simm.s32 $0x0;
	_ =	strace $0x8000004A  }
0xd: {  	s8 =	sadd.s32 s5, s6;
	s5 =	sadd.s32 $0x11000, s6;
	s11 =	sadd.s32 s7, s6  }
0xe: {  	s6 =	sadd.s32 $0x7000, s8;
	s7 =	sadd.s32 $0xC000, s8;
	s8 =	sadd.s32 s1, s26  }
0xf: {  	s11 =	sadd.s32 $0x11800, s11;
	s26 =	simm.s32 $0x300;
	s1 =	simm.s32 $0x2  }
.LBB2_1:
0x10: {  	[tilespmem:s4], [sflag:$0x3] =	stream.linear.gather [hbm4b:s6+s4], $0x1400, $0x38;
	[tilespmem:$0xCF00] =	vst v63  }
0x11: {  	_ =	swait.ge [sflag:s13], $0x1400  }
0x12: {  	[sflag:s13] =	ssyncset.done $0x0  }
0x13: {  	s17 =	simm.s32 $0x1400;
	[sflag:s13] =	ssyncadd.s32 $0xFFFFEC00  }
0x14: {  	[tilespmem:s17], [sflag:$0x3] =	stream.linear.gather [hbm4b:s7+s4], $0x1400, $0x38;
	[tilespmem:$0xCF00] =	vst v63  }
0x15: {  	_ =	swait.ge [sflag:s13], $0x1400  }
0x16: {  	[sflag:s13] =	ssyncset.done $0x0  }
0x17: {  	[sflag:s13] =	ssyncadd.s32 $0xFFFFEC00  }
0x18: {  	[tilespmem:s14], [sflag:$0x3] =	stream.linear.gather [hbm4b:s8+s4], $0x3100, $0x38;
	[tilespmem:$0xCF00] =	vst v63  }
0x19: {  	_ =	swait.ge [sflag:s13], $0x3100  }
0x1a: {  	[sflag:s13] =	ssyncset.done $0x0  }
0x1b: {  	[sflag:s13] =	ssyncadd.s32 $0xFFFFCF00  }
0x1c: {  	[spmem:s9] =	stream.linear.scatter [tilespmem:s14], [sflag:$0x3], $0x3100, $0x38;
	[tilespmem:$0xCF00] =	vst v63  }
0x1d: {  	_ =	swait.ge [sflag:s13], $0x3100  }
0x1e: {  	[sflag:s13] =	ssyncset.done $0x0  }
0x1f: {  	[sflag:s13] =	ssyncadd.s32 $0xFFFFCF00  }
0x20: {  	[tilespmem:s14], [sflag:$0x3] =	stream.linear.gather [hbm4b:s5+s4], $0x3100, $0x38;
	[tilespmem:$0xCF00] =	vst v63  }
0x21: {  	_ =	swait.ge [sflag:s13], $0x3100  }
0x22: {  	[sflag:s13] =	ssyncset.done $0x0  }
0x23: {  	[sflag:s13] =	ssyncadd.s32 $0xFFFFCF00  }
0x24: {  	[spmem:s10] =	stream.linear.scatter [tilespmem:s14], [sflag:$0x3], $0x3100, $0x38;
	[tilespmem:$0xCF00] =	vst v63  }
0x25: {  	_ =	swait.ge [sflag:s13], $0x3100  }
0x26: {  	[sflag:s13] =	ssyncset.done $0x0  }
0x27: {  	[sflag:s13] =	ssyncadd.s32 $0xFFFFCF00  }
0x28: {  	s16 =	simm.s32 $0x2800;
	[bflag:$0x0] =	sbarrier.arrive $0xFFFF  }
0x29: {  	[tilespmem:s16], [sflag:$0x1] =	stream.indirect.gather [spmem:s2], $0x1, s4, s15, $0xb8;
	[tilespmem:$0xCF00] =	vst v63  }
0x2a: {  	s18 =	simm.s32 $0x2880  }
0x2b: {  	[tilespmem:s18], [sflag:$0x1] =	stream.indirect.gather [spmem:s2], $0x1, s15, s15, $0xb8;
	[tilespmem:$0xCF00] =	vst v63  }
0x2c: {  	s19 =	simm.s32 $0x100;
	s18 =	simm.s32 $0x2900  }
0x2d: {  	[tilespmem:s18], [sflag:$0x1] =	stream.indirect.gather [spmem:s2], $0x1, s19, s15, $0xb8;
	[tilespmem:$0xCF00] =	vst v63  }
0x2e: {  	s20 =	simm.s32 $0x180;
	s21 =	simm.s32 $0x2980  }
0x2f: {  	[tilespmem:s21], [sflag:$0x1] =	stream.indirect.gather [spmem:s2], $0x1, s20, s15, $0xb8;
	[tilespmem:$0xCF00] =	vst v63  }
0x30: {  	s22 =	simm.s32 $0x200;
	s23 =	simm.s32 $0x2A00  }
0x31: {  	[tilespmem:s23], [sflag:$0x1] =	stream.indirect.gather [spmem:s2], $0x1, s22, s15, $0xb8;
	[tilespmem:$0xCF00] =	vst v63  }
0x32: {  	s24 =	simm.s32 $0x280  }
0x33: {  	[tilespmem:s25], [sflag:$0x1] =	stream.indirect.gather [spmem:s2], $0x1, s24, s15, $0xb8;
	[tilespmem:$0xCF00] =	vst v63  }
0x34: {  	_ = 	snop  }
0x35: {  	[tilespmem:s28], [sflag:$0x1] =	stream.indirect.gather [spmem:s2], $0x1, s26, s15, $0xb8;
	[tilespmem:$0xCF00] =	vst v63  }
0x36: {  	_ = 	snop  }
0x37: {  	[tilespmem:s30], [sflag:$0x1] =	stream.indirect.gather [spmem:s2], $0x1, s29, s15, $0xb8;
	[tilespmem:$0xCF00] =	vst v63  }
0x38: {  	p0 =	por $0x0, $0x0;
	s16 =	simm.s32 $0x400;
	_ =	swait.ge [sflag:s31], $0x80  }
0x39: {  	s18 =	simm.s32 $0x2C00;
	s19 =	simm.s32 $0x2800;
	[sflag:s31] =	ssyncset.done $0x0  }
0x3a: {  	s20 =	simm.s32 $0x480;
	s21 =	simm.s32 $0x2C80;
	[sflag:s31] =	ssyncadd.s32 $0xFFFFFF80  }
0x3b: {  	[spmem:s3] =	stream.indirect.scatter.add.f32 [tilespmem:s19], [sflag:$0x2], $0x1, s17, s15, $0xb8;
	[tilespmem:$0xCF00] =	vst v63  }
0x3c: {  	s22 =	simm.s32 @!p0 $0x80;
	s17 =	simm.s32 $0x1;
	s19 =	simm.s32 $0x1480  }
.LBB2_2:
0x3d: {  	[tilespmem:s18], [sflag:$0x1] =	stream.indirect.gather @!p0 [spmem:s2], $0x1, s16, s22, $0xb8;
	[tilespmem:$0xCF00] =	vst v63  }
0x3e: {  	s22 =	smov.u32 s17  }
0x3f: {  	s23 =	smov.u32 s19;
	s16 =	smov.u32 s20;
	s17 =	sadd.s32 $0x1, s17  }
0x40: {  	s18 =	smov.u32 s21;
	p1 =	sne.s32 s17, $0x28  }
.Ltmp0:
0x41: {  	_ =	swait.ge [sflag:s31], $0x80;
	(pc) =	sbr.rel @p1 .LBB2_2-.Ltmp0, $4  }
0x42: {  	s19 =	sadd.s32 $0x80, s19;
	[sflag:s31] =	ssyncset.done $0x0  }
0x43: {  	s24 =	sadd.s32 $0xFFFFFC00, s21;
	p0 =	sgt.u32 s22, $0x1F;
	[sflag:s31] =	ssyncadd.s32 $0xFFFFFF80  }
0x44: {  	[spmem:s3] =	stream.indirect.scatter.add.f32 [tilespmem:s24], [sflag:$0x2], $0x1, s23, s15, $0xb8;
	[tilespmem:$0xCF00] =	vst v63  }
0x45: {  	s20 =	sadd.s32 $0x80, s20;
	s21 =	sadd.s32 $0x80, s21;
	s22 =	simm.s32 @!p0 $0x80  }
0x46: {  	[tilespmem:s18], [sflag:$0x1] =	stream.indirect.gather @!p0 [spmem:s2], $0x1, s16, s22, $0xb8;
	[tilespmem:$0xCF00] =	vst v63  }
0x47: {  	_ =	swait.ge [sflag:s1], $0x80  }
0x48: {  	s16 =	simm.s32 $0x27;
	[sflag:s1] =	ssyncset.done $0x0  }
.LBB2_4:
0x49: {  	p0 =	sne.s32 s16, $0x1;
	s16 =	sadd.s32 $0xFFFFFFFF, s16;
	[sflag:s1] =	ssyncadd.s32 $0xFFFFFF80  }
.Ltmp1:
0x4a: {  	(pc) =	sbr.rel @p0 .LBB2_4-.Ltmp1, $3  }
0x4b: {  	_ =	sdelay $0x1  }
0x4c: {  	_ =	swait.ge [sflag:s1], $0x80  }
0x4d: {  	[sflag:s1] =	ssyncset.done $0x0  }
0x4e: {  	[sflag:s1] =	ssyncadd.s32 $0xFFFFFF80  }
0x4f: {  	[bflag:$0x0] =	sbarrier.arrive $0xFFFF  }
0x50: {  	[tilespmem:s14], [sflag:$0x3] =	stream.linear.gather [spmem:s10], $0x3100, $0x38;
	[tilespmem:$0xCF00] =	vst v63  }
0x51: {  	s0 =	sadd.s32 $0x1, s0;
	_ =	swait.ge [sflag:s13], $0x3100  }
0x52: {  	p0 =	sne.s32 s0, s12;
	[sflag:s13] =	ssyncset.done $0x0  }
.Ltmp2:
0x53: {  	[sflag:s13] =	ssyncadd.s32 $0xFFFFCF00;
	(pc) =	sbr.rel @p0 .LBB2_1-.Ltmp2, $4  }
0x54: {  	[hbm4b:s11+s4] =	stream.linear.scatter [tilespmem:s14], [sflag:$0x3], $0x3100, $0x38;
	[tilespmem:$0xCF00] =	vst v63  }
0x55: {  	_ =	swait.ge [sflag:s13], $0x3100  }
0x56: {  	[sflag:s13] =	ssyncset.done $0x0  }
0x57: {  	[sflag:s13] =	ssyncadd.s32 $0xFFFFCF00  }
0x58: {  	_ =	sfence.sel $0x180000  }
0x59: {  	[bflag:$0x0] =	sbarrier.arrive $0xFFFF  }
0x5a: {  	_ =	strace $0x9000004A  }
0x5b: {  	s0 =	stileid.u32;
	[bflag:$0x2] =	sbarrier.arrive $0xFFFF  }
0x5c: {  	p0 =	sne.s32 s0, $0x0;
	s0 =	rddreg [dreg:$0x4]  }
0x5d: {  	s0 =	sadd.s32 @!p0 $0x100000, s0  }
0x5e: {  	[sflag:s0] =	ssyncadd.tile.s32 @!p0 $0x1;
	_ =	shalt  }
.Lfunc_end2:
_tile_overlayer_lowered:
.L_overlay_start_2:
0x5f: {  	(tag) =	ssettag $0x2  }
0x60: {  	s0 =	rddreg [dreg:$0x0];
	s2 =	stileid.u32  }
0x61: {  	s1 =	rddreg [dreg:$0x1];
	p0 =	sne.s32 s2, $0x0  }
0x62: {  	s3 =	rddreg [dreg:$0x2];
	[bflag:$0x3] =	sbarrier.arrive $0xFFFF;
	s2 =	simm.s32 @!p0 $0x1C03  }
0x63: {  	[timem:s3], [sflag:s2] =	dma.local @!p0 [hbm:s0], s1  }
0x64: {  	s0 =	simm.s32 @!p0 $0x3  }
0x65: {  	_ =	swait.ge @!p0 [sflag:s0], s1  }
0x66: {  	s1 =	ssub.s32 @!p0 $0x0, s1;
	[sflag:s0] =	ssyncset.done @!p0 $0x0  }
0x67: {  	[sflag:s0] =	ssyncadd.s32 @!p0 s1  }
0x68: {  	[bflag:$0x3] =	sbarrier.arrive $0xFFFF  }
0x69: {  	_ =	shalt  }

// kernel: kernel.31.cloned.1.call-start
scs
__scs_entry_jumppad:
0x0: {  	(pc) =	sbr.rel $0x88, $3  }
0x1: {  	(tag) =	ssettag $0x0;
	lr =	simm.s32 $0x1  }
0x2: {  	[smem:$0x3F81] =	sst lr;
	_ =	strace $0xD0000000  }
0x3: {  	_ = 	snop  }
0x4: {  	_ = 	snop  }
0x5: {  	_ = 	snop  }
0x6: {  	_ = 	snop  }
0x7: {  	_ = 	snop  }
__scs_overlays_trampoline_lowered:
0x8: {  	[smem:$0x3F90] =	sst s0  }
0x9: {  	[smem:$0x3F91] =	sst s1  }
0xa: {  	[smem:$0x3F92] =	sst s2  }
0xb: {  	[smem:$0x3F93] =	sst s3  }
0xc: {  	[smem:$0x3F94] =	sst s4  }
0xd: {  	[smem:$0x3F95] =	sst s5  }
0xe: {  	[smem:$0x3F96] =	sst s6  }
0xf: {  	[smem:$0x3F97] =	sst s7  }
0x10: {  	[smem:$0x3F98] =	sst s8  }
0x11: {  	[smem:$0x3F99] =	sst s9;
	s0 =	simm.s32 @!p0 $0x0  }
0x12: {  	s1 =	sld [smem:$0x3F7F];
	s0 =	simm.s32 @p0 $0x1  }
0x13: {  	[smem:$0x3F9A] =	sst s0;
	s0 =	simm.s32 @!p1 $0x0  }
0x14: {  	s2 =	sld [smem:$0x3F7E];
	s0 =	simm.s32 @p1 $0x1  }
0x15: {  	[smem:$0x3F9B] =	sst s0;
	s0 =	simm.s32 @!p2 $0x0  }
0x16: {  	s3 =	sld [smem:$0x3FDB];
	s0 =	simm.s32 @p2 $0x1  }
0x17: {  	s4 =	simm.s32 $0x1BF5;
	[smem:$0x3F9D] =	sst s0  }
0x18: {  	s0 =	sld [smem:$0x3F80];
	_ =	swait.ge [sflag:s4], $0x0  }
0x19: {  	s7 =	sld [smem:$0x3F81]  }
0x1a: {  	s8 =	sadd.s32 $0xFFFFE003, lr  }
0x1b: {  	s9 =	sadd.s32 $0xFFFFFEF7, lr;
	s5 =	simm.s32 $0xFFFFFFFF;
	p2 =	slt.u32 s8, $0xFFFFF086  }
0x1c: {  	p1 =	slt.u32 s9, $0xF7A;
	s5 =	simm.s32 @!p2 $0x0  }
0x1d: {  	s5 =	simm.s32 @p1 $0x1;
	p0 =	seq.s32 s7, s2  }
0x1e: {  	s7 =	smul.u32 @!p0 $0xF7A, s2;
	p2 =	seq.s32 @!p0 s5, $0x0  }
0x1f: {  	s9 =	smul.u32 $0xF7A, s1;
	s8 =	simm.s32 @!p0 $0x1BF5;
	p2 =	por !p2, p0  }
0x20: {  	[sflag:s8] =	ssyncset.s32 @!p0 $0xFFFFF086;
	s6 =	sadd.s32 @!p0 s3, s7;
	s7 =	simm.s32 @!p0 $0x108  }
0x21: {  	s3 =	sadd.s32 s3, s9;
	s6 =	sadd.s32 @!p0 $0x88, s6;
	s7 =	simm.s32 @p2 $0x1082  }
0x22: {  	[simem:s7], [sflag:s8] =	dma.local @!p0 [hbm:s6], $0xF7A  }
0x23: {  	s9 =	sor.u32 $0xD0000000, s2;
	s6 =	simm.s32 $0x108;
	_ =	swait.ge @!p0 [sflag:s8], $0x0  }
0x24: {  	s3 =	sadd.s32 $0x88, s3;
	s6 =	simm.s32 @!p1 $0x1082;
	[sflag:s4] =	ssyncset.s32 $0xFFFFF086  }
0x25: {  	[simem:s6], [sflag:s4] =	dma.local [hbm:s3], $0xF7A  }
0x26: {  	[smem:$0x3F81] =	sst s1;
	(tag) =	ssettag s2;
	_ =	strace s9  }
0x27: {  	s1 =	sld [smem:$0x3F91]  }
0x28: {  	s2 =	sld [smem:$0x3F92]  }
0x29: {  	s4 =	sld [smem:$0x3F94]  }
0x2a: {  	p0 =	seq.s32 s5, $0x0;
	s5 =	sld [smem:$0x3F95]  }
0x2b: {  	s6 =	sld [smem:$0x3F96]  }
0x2c: {  	s7 =	sld [smem:$0x3F97]  }
0x2d: {  	s3 =	simm.s32 $0x108;
	s8 =	sld [smem:$0x3F98]  }
0x2e: {  	s3 =	simm.s32 @!p0 $0x1082;
	s9 =	sld [smem:$0x3F99]  }
0x2f: {  	lr =	sadd.s32 s0, s3;
	s0 =	sld [smem:$0x3F90]  }
0x30: {  	s3 =	sld [smem:$0x3F93]  }
0x31: {  	[smem:$0x3F9C] =	sst s10  }
0x32: {  	s10 =	sld [smem:$0x3F9A];
	_ =	sdelay $0x3  }
0x33: {  	p0 =	seq.s32 s10, $0x1;
	s10 =	sld [smem:$0x3F9C];
	_ =	sdelay $0x3  }
0x34: {  	[smem:$0x3F9C] =	sst s10  }
0x35: {  	s10 =	sld [smem:$0x3F9B];
	_ =	sdelay $0x3  }
0x36: {  	p1 =	seq.s32 s10, $0x1;
	s10 =	sld [smem:$0x3F9C];
	_ =	sdelay $0x3  }
0x37: {  	[smem:$0x3F9C] =	sst s10  }
0x38: {  	s10 =	sld [smem:$0x3F9D]  }
0x39: {  	_ = 	snop;
	(pc) =	sbr.ind lr, $3  }
0x3a: {  	_ = 	snop  }
0x3b: {  	_ = 	snop  }
0x3c: {  	p2 =	seq.s32 s10, $0x1;
	s10 =	sld [smem:$0x3F9C]  }
0x3d: {  	_ =	shalt  }
0x3e: {  	_ =	shalt  }
0x3f: {  	_ =	shalt  }
0x40: {  	_ =	shalt  }
0x41: {  	_ =	shalt  }
0x42: {  	_ =	shalt  }
0x43: {  	_ =	shalt  }
0x44: {  	_ =	shalt  }
0x45: {  	_ =	shalt  }
0x46: {  	_ =	shalt  }
0x47: {  	_ =	shalt  }
0x48: {  	_ =	shalt  }
0x49: {  	_ =	shalt  }
0x4a: {  	_ =	shalt  }
0x4b: {  	_ =	shalt  }
0x4c: {  	_ =	shalt  }
0x4d: {  	_ =	shalt  }
0x4e: {  	_ =	shalt  }
0x4f: {  	_ =	shalt  }
0x50: {  	_ =	shalt  }
0x51: {  	_ =	shalt  }
0x52: {  	_ =	shalt  }
0x53: {  	_ =	shalt  }
0x54: {  	_ =	shalt  }
0x55: {  	_ =	shalt  }
0x56: {  	_ =	shalt  }
0x57: {  	_ =	shalt  }
0x58: {  	_ =	shalt  }
0x59: {  	_ =	shalt  }
0x5a: {  	_ =	shalt  }
0x5b: {  	_ =	shalt  }
0x5c: {  	_ =	shalt  }
0x5d: {  	_ =	shalt  }
0x5e: {  	_ =	shalt  }
0x5f: {  	_ =	shalt  }
0x60: {  	_ =	shalt  }
0x61: {  	_ =	shalt  }
0x62: {  	_ =	shalt  }
0x63: {  	_ =	shalt  }
0x64: {  	_ =	shalt  }
0x65: {  	_ =	shalt  }
0x66: {  	_ =	shalt  }
0x67: {  	_ =	shalt  }
0x68: {  	_ =	shalt  }
0x69: {  	_ =	shalt  }
0x6a: {  	_ =	shalt  }
0x6b: {  	_ =	shalt  }
0x6c: {  	_ =	shalt  }
0x6d: {  	_ =	shalt  }
0x6e: {  	_ =	shalt  }
0x6f: {  	_ =	shalt  }
0x70: {  	_ =	shalt  }
0x71: {  	_ =	shalt  }
0x72: {  	_ =	shalt  }
0x73: {  	_ =	shalt  }
0x74: {  	_ =	shalt  }
0x75: {  	_ =	shalt  }
0x76: {  	_ =	shalt  }
0x77: {  	_ =	shalt  }
0x78: {  	_ =	shalt  }
0x79: {  	_ =	shalt  }
0x7a: {  	_ =	shalt  }
0x7b: {  	_ =	shalt  }
0x7c: {  	_ =	shalt  }
0x7d: {  	_ =	shalt  }
0x7e: {  	_ =	shalt  }
0x7f: {  	_ =	shalt  }
0x80: {  	_ =	shalt  }
0x81: {  	_ =	shalt  }
0x82: {  	_ =	shalt  }
0x83: {  	_ =	shalt  }
0x84: {  	_ =	shalt  }
0x85: {  	_ =	shalt  }
0x86: {  	_ =	shalt  }
0x87: {  	_ =	shalt  }
.Lfunc_end0:
.L_simem_size_0:
called_computation.2_lowered:
.L_overlay_start_0:
0x88: {  	s2 =	sld [smem:$0x3FD9]  }
0x89: {  	s3 =	sld [smem:$0x3FFE];
	_ =	sdelay $0x1  }
0x8a: {  	s1 =	srdreg.scid  }
0x8b: {  	s0 =	sand.u32 $0x1, s1  }
0x8c: {  	s14 =	sshll.u32 s0, $0xA;
	s2 =	sadd.s32 s3, s2  }
0x8d: {  	s2 =	sadd.s32 s2, s14  }
0x8e: {  	[smem:$0x3FA8] =	sst s2  }
0x8f: {  	_ = 	snop  }
0x90: {  	s2 =	sld [smem:$0x3FD0];
	_ =	sdelay $0x2  }
0x91: {  	s15 =	simm.s32 $0xA;
	s4 =	simm.s32 $0x10  }
0x92: {  	[smem:s4], [sflag:s15] =	dma.local [hbm:s2], $0x1  }
0x93: {  	_ =	swait.eq [sflag:s15], $0x1  }
0x94: {  	[sflag:s15] =	ssyncset.done $0x0  }
0x95: {  	[sflag:s15] =	ssyncadd.s32 $0xFFFFFFFF  }
0x96: {  	s16 =	sld [smem:$0x10];
	(tm) =	ssettm $0x1  }
0x97: {  	s17 =	sld [smem:$0x3FFB];
	_ =	sdelay $0x3  }
0x98: {  	_ =	strace s17  }
0x99: {  	s3 =	sld [smem:$0x3FFC];
	_ =	sdelay $0x3  }
0x9a: {  	_ =	strace s3  }
0x9b: {  	s3 =	sld [smem:$0x3FFD];
	_ =	sdelay $0x3  }
0x9c: {  	_ =	strace s3  }
0x9d: {  	_ =	strace $0x8FFFFFFF  }
0x9e: {  	s18 =	sld [smem:$0x3FDB];
	_ =	sdelay $0x1  }
0x9f: {  	s19 =	simm.s32 $_scs_section_size  }
0xa0: {  	s5 =	simm.s32 $_size__tile_overlayer_lowered;
	s6 =	simm.s32 $_tile_overlayer_lowered  }
0xa1: {  	s22 =	simm.s32 $0x1BFF;
	s21 =	sshll.u32 s6, $0x1;
	s3 =	sadd.s32 s19, s18  }
0xa2: {  	s7 =	simm.s32 $0x0;
	s20 =	sshll.u32 s5, $0x1;
	s5 =	sadd.s32 s21, s3  }
0xa3: {  	[timem:s7], [sflag:s22] =	dma.local [hbm:s5], s20  }
0xa4: {  	_ =	swait.ge [sflag:s22], s20  }
0xa5: {  	s4 =	ssub.s32 $0x0, s20;
	[sflag:s22] =	ssyncset.done $0x0  }
0xa6: {  	[sflag:s22] =	ssyncadd.s32 s4;
	_ =	sdelay $0x1  }
0xa7: {  	s23 =	simm.s32 $0x1B8B  }
0xa8: {  	_ =	swait.ge [sflag:s23], $0x1  }
0xa9: {  	[sflag:s23] =	ssyncset.done $0x0  }
0xaa: {  	s25 =	simm.s32 $0x1B8E;
	s24 =	sld [smem:$0x3FFE];
	[sflag:s23] =	ssyncadd.s32 $0xFFFFFFFF  }
0xab: {  	s26 =	simm.s32 $execute0_lowered;
	[smem:$0x3FD2] =	sst s25  }
0xac: {  	s5 =	sshll.u32 s26, $0x1;
	_ =	strace $0x8000004C;
	[dreg:$0x1] =	wrdreg $0xFFFFFFFF  }
0xad: {  	s28 =	simm.s32 $_size_execute0_lowered;
	s3 =	sadd.s32 s3, s5;
	[dreg:$0x0] =	wrdreg $0x0  }
0xae: {  	s5 =	sshll.u32 s28, $0x1;
	[dreg:$0x2] =	wrdreg s3  }
0xaf: {  	[dreg:$0x3] =	wrdreg s5  }
0xb0: {  	[dreg:$0x4] =	wrdreg $0xC0  }
0xb1: {  	_ =	task [dreg:s7], $0x5FFFF  }
0xb2: {  	[dreg:$0x1] =	wrdreg $0xFFFFFFFF  }
0xb3: {  	[dreg:$0x0] =	wrdreg $0x60  }
0xb4: {  	[dreg:$0x2] =	wrdreg s16  }
0xb5: {  	[dreg:$0x3] =	wrdreg s24  }
0xb6: {  	[dreg:$0x4] =	wrdreg $0x6D000  }
0xb7: {  	[dreg:$0x5] =	wrdreg $0x9E000  }
0xb8: {  	[dreg:$0x6] =	wrdreg $0x9  }
0xb9: {  	_ =	task.clear_ibuf [dreg:s7], $0x7FFFF;
	_ =	strace $0x9000004C  }
0xba: {  	s29 =	simm.s32 $0x9;
	_ =	strace $0x8000004E  }
0xbb: {  	_ =	swait.ge [sflag:s29], $0x1  }
0xbc: {  	[sflag:s29] =	ssyncadd.s32 $0xFFFFFFFF  }
0xbd: {  	_ =	strace $0x9000004E  }
0xbe: {  	_ =	sfence  }
0xbf: {  	s30 =	sld [smem:$0x0];
	_ =	sdelay $0x2  }
0xc0: {  	s31 =	sshll.u32 s1, $0xD;
	s1 =	sshrl.u32 s1, $0x2  }
0xc1: {  	s3 =	sand.u32 $0x4000, s31;
	s1 =	sadd.s32 s1, s30  }
0xc2: {  	s0 =	sor.u32 s3, s0;
	s1 =	sshll.u32 s1, $0x11  }
0xc3: {  	s0 =	sor.u32 s1, s0  }
0xc4: {  	s0 =	sadd.s32 $0x8F2B, s0  }
0xc5: {  	[sflag:s0] =	ssyncadd.remote.s32 $0x1  }
0xc6: {  	_ =	sfence.sel $0xFFFF  }
0xc7: {  	[dreg:$0x0] =	wrdreg $0xFFFFFFFF;
	(pc) =	sbr.abs _section_cstart, $3  }
0xc8: {  	[dreg:$0x1] =	wrdreg $0xFFFFFFFF  }
0xc9: {  	_ =	task.clear_ibuf [dreg:s7], $0x2FFFF;
	_ =	strace $0x9FFFFFFF  }
0xca: {  	(tm) =	ssettm $0x7FFFFFFF  }
0xcb: {  	_ =	shalt  }
tec
execute0_lowered:
.L_overlay_start_1:
0x0: {  	(tag) =	ssettag $0x1  }
0x1: {  	s1 =	rddreg [dreg:$0x0]  }
0x2: {  	s0 =	srdreg.scid;
	s6 =	rddreg [dreg:$0x1]  }
0x3: {  	s7 =	stileid.u32;
	s2 =	rddreg [dreg:$0x2];
	s13 =	simm.s32 $0x3  }
0x4: {  	s14 =	simm.s32 $0x3C00;
	s15 =	simm.s32 $0x80;
	s28 =	simm.s32 $0x2B00  }
0x5: {  	s29 =	simm.s32 $0x380;
	s30 =	simm.s32 $0x2B80;
	s0 =	sand.u32 $0x1, s0  }
0x6: {  	s31 =	simm.s32 $0x1;
	s10 =	smul.u32 $0x3100, s7;
	s3 =	sshll.u32 s0, $0x4  }
0x7: {  	s25 =	smul.u32 $0x31000, s0;
	s0 =	ssub.s32 $0x2, s0;
	s4 =	sor.u32 s7, s3  }
0x8: {  	s3 =	rddreg [dreg:$0x3];
	s9 =	sshrl.u32 s0, $0x1;
	s26 =	sshrl.u32 s10, $0x3  }
0x9: {  	s5 =	smul.u32 $0x280, s4;
	s4 =	simm.s32 $0x0;
	s7 =	sadd.s32 s10, s25  }
0xa: {  	s0 =	ssub.s32 s0, s9;
	s9 =	sadd.s32 s10, s2;
	s10 =	sadd.s32 s10, s3  }
0xb: {  	s25 =	simm.s32 $0x2A80;
	[smem:$0x7FF] =	sst s4;
	s7 =	sshrl.u32 s7, $0x3  }
0xc: {  	s12 =	smax.u32 s0, $0x1;
	s0 =	simm.s32 $0x0;
	_ =	strace $0x8000004D  }
0xd: {  	s8 =	sadd.s32 s5, s6;
	s5 =	sadd.s32 $0x11000, s6;
	s11 =	sadd.s32 s7, s6  }
0xe: {  	s6 =	sadd.s32 $0x7000, s8;
	s7 =	sadd.s32 $0xC000, s8;
	s8 =	sadd.s32 s1, s26  }
0xf: {  	s11 =	sadd.s32 $0x11800, s11;
	s26 =	simm.s32 $0x300;
	s1 =	simm.s32 $0x2  }
.LBB2_1:
0x10: {  	[tilespmem:s4], [sflag:$0x3] =	stream.linear.gather [hbm4b:s6+s4], $0x1400, $0x38;
	[tilespmem:$0xCF00] =	vst v63  }
0x11: {  	_ =	swait.ge [sflag:s13], $0x1400  }
0x12: {  	[sflag:s13] =	ssyncset.done $0x0  }
0x13: {  	s17 =	simm.s32 $0x1400;
	[sflag:s13] =	ssyncadd.s32 $0xFFFFEC00  }
0x14: {  	[tilespmem:s17], [sflag:$0x3] =	stream.linear.gather [hbm4b:s7+s4], $0x1400, $0x38;
	[tilespmem:$0xCF00] =	vst v63  }
0x15: {  	_ =	swait.ge [sflag:s13], $0x1400  }
0x16: {  	[sflag:s13] =	ssyncset.done $0x0  }
0x17: {  	[sflag:s13] =	ssyncadd.s32 $0xFFFFEC00  }
0x18: {  	[tilespmem:s14], [sflag:$0x3] =	stream.linear.gather [hbm4b:s8+s4], $0x3100, $0x38;
	[tilespmem:$0xCF00] =	vst v63  }
0x19: {  	_ =	swait.ge [sflag:s13], $0x3100  }
0x1a: {  	[sflag:s13] =	ssyncset.done $0x0  }
0x1b: {  	[sflag:s13] =	ssyncadd.s32 $0xFFFFCF00  }
0x1c: {  	[spmem:s9] =	stream.linear.scatter [tilespmem:s14], [sflag:$0x3], $0x3100, $0x38;
	[tilespmem:$0xCF00] =	vst v63  }
0x1d: {  	_ =	swait.ge [sflag:s13], $0x3100  }
0x1e: {  	[sflag:s13] =	ssyncset.done $0x0  }
0x1f: {  	[sflag:s13] =	ssyncadd.s32 $0xFFFFCF00  }
0x20: {  	[tilespmem:s14], [sflag:$0x3] =	stream.linear.gather [hbm4b:s5+s4], $0x3100, $0x38;
	[tilespmem:$0xCF00] =	vst v63  }
0x21: {  	_ =	swait.ge [sflag:s13], $0x3100  }
0x22: {  	[sflag:s13] =	ssyncset.done $0x0  }
0x23: {  	[sflag:s13] =	ssyncadd.s32 $0xFFFFCF00  }
0x24: {  	[spmem:s10] =	stream.linear.scatter [tilespmem:s14], [sflag:$0x3], $0x3100, $0x38;
	[tilespmem:$0xCF00] =	vst v63  }
0x25: {  	_ =	swait.ge [sflag:s13], $0x3100  }
0x26: {  	[sflag:s13] =	ssyncset.done $0x0  }
0x27: {  	[sflag:s13] =	ssyncadd.s32 $0xFFFFCF00  }
0x28: {  	s16 =	simm.s32 $0x2800;
	[bflag:$0x0] =	sbarrier.arrive $0xFFFF  }
0x29: {  	[tilespmem:s16], [sflag:$0x1] =	stream.indirect.gather [spmem:s2], $0x1, s4, s15, $0xb8;
	[tilespmem:$0xCF00] =	vst v63  }
0x2a: {  	s18 =	simm.s32 $0x2880  }
0x2b: {  	[tilespmem:s18], [sflag:$0x1] =	stream.indirect.gather [spmem:s2], $0x1, s15, s15, $0xb8;
	[tilespmem:$0xCF00] =	vst v63  }
0x2c: {  	s19 =	simm.s32 $0x100;
	s18 =	simm.s32 $0x2900  }
0x2d: {  	[tilespmem:s18], [sflag:$0x1] =	stream.indirect.gather [spmem:s2], $0x1, s19, s15, $0xb8;
	[tilespmem:$0xCF00] =	vst v63  }
0x2e: {  	s20 =	simm.s32 $0x180;
	s21 =	simm.s32 $0x2980  }
0x2f: {  	[tilespmem:s21], [sflag:$0x1] =	stream.indirect.gather [spmem:s2], $0x1, s20, s15, $0xb8;
	[tilespmem:$0xCF00] =	vst v63  }
0x30: {  	s22 =	simm.s32 $0x200;
	s23 =	simm.s32 $0x2A00  }
0x31: {  	[tilespmem:s23], [sflag:$0x1] =	stream.indirect.gather [spmem:s2], $0x1, s22, s15, $0xb8;
	[tilespmem:$0xCF00] =	vst v63  }
0x32: {  	s24 =	simm.s32 $0x280  }
0x33: {  	[tilespmem:s25], [sflag:$0x1] =	stream.indirect.gather [spmem:s2], $0x1, s24, s15, $0xb8;
	[tilespmem:$0xCF00] =	vst v63  }
0x34: {  	_ = 	snop  }
0x35: {  	[tilespmem:s28], [sflag:$0x1] =	stream.indirect.gather [spmem:s2], $0x1, s26, s15, $0xb8;
	[tilespmem:$0xCF00] =	vst v63  }
0x36: {  	_ = 	snop  }
0x37: {  	[tilespmem:s30], [sflag:$0x1] =	stream.indirect.gather [spmem:s2], $0x1, s29, s15, $0xb8;
	[tilespmem:$0xCF00] =	vst v63  }
0x38: {  	p0 =	por $0x0, $0x0;
	s16 =	simm.s32 $0x400;
	_ =	swait.ge [sflag:s31], $0x80  }
0x39: {  	s18 =	simm.s32 $0x2C00;
	s19 =	simm.s32 $0x2800;
	[sflag:s31] =	ssyncset.done $0x0  }
0x3a: {  	s20 =	simm.s32 $0x480;
	s21 =	simm.s32 $0x2C80;
	[sflag:s31] =	ssyncadd.s32 $0xFFFFFF80  }
0x3b: {  	[spmem:s3] =	stream.indirect.scatter.add.f32 [tilespmem:s19], [sflag:$0x2], $0x1, s17, s15, $0xb8;
	[tilespmem:$0xCF00] =	vst v63  }
0x3c: {  	s22 =	simm.s32 @!p0 $0x80;
	s17 =	simm.s32 $0x1;
	s19 =	simm.s32 $0x1480  }
.LBB2_2:
0x3d: {  	[tilespmem:s18], [sflag:$0x1] =	stream.indirect.gather @!p0 [spmem:s2], $0x1, s16, s22, $0xb8;
	[tilespmem:$0xCF00] =	vst v63  }
0x3e: {  	s22 =	smov.u32 s17  }
0x3f: {  	s23 =	smov.u32 s19;
	s16 =	smov.u32 s20;
	s17 =	sadd.s32 $0x1, s17  }
0x40: {  	s18 =	smov.u32 s21;
	p1 =	sne.s32 s17, $0x28  }
.Ltmp0:
0x41: {  	_ =	swait.ge [sflag:s31], $0x80;
	(pc) =	sbr.rel @p1 .LBB2_2-.Ltmp0, $4  }
0x42: {  	s19 =	sadd.s32 $0x80, s19;
	[sflag:s31] =	ssyncset.done $0x0  }
0x43: {  	s24 =	sadd.s32 $0xFFFFFC00, s21;
	p0 =	sgt.u32 s22, $0x1F;
	[sflag:s31] =	ssyncadd.s32 $0xFFFFFF80  }
0x44: {  	[spmem:s3] =	stream.indirect.scatter.add.f32 [tilespmem:s24], [sflag:$0x2], $0x1, s23, s15, $0xb8;
	[tilespmem:$0xCF00] =	vst v63  }
0x45: {  	s20 =	sadd.s32 $0x80, s20;
	s21 =	sadd.s32 $0x80, s21;
	s22 =	simm.s32 @!p0 $0x80  }
0x46: {  	[tilespmem:s18], [sflag:$0x1] =	stream.indirect.gather @!p0 [spmem:s2], $0x1, s16, s22, $0xb8;
	[tilespmem:$0xCF00] =	vst v63  }
0x47: {  	_ =	swait.ge [sflag:s1], $0x80  }
0x48: {  	s16 =	simm.s32 $0x27;
	[sflag:s1] =	ssyncset.done $0x0  }
.LBB2_4:
0x49: {  	p0 =	sne.s32 s16, $0x1;
	s16 =	sadd.s32 $0xFFFFFFFF, s16;
	[sflag:s1] =	ssyncadd.s32 $0xFFFFFF80  }
.Ltmp1:
0x4a: {  	(pc) =	sbr.rel @p0 .LBB2_4-.Ltmp1, $3  }
0x4b: {  	_ =	sdelay $0x1  }
0x4c: {  	_ =	swait.ge [sflag:s1], $0x80  }
0x4d: {  	[sflag:s1] =	ssyncset.done $0x0  }
0x4e: {  	[sflag:s1] =	ssyncadd.s32 $0xFFFFFF80  }
0x4f: {  	[bflag:$0x0] =	sbarrier.arrive $0xFFFF  }
0x50: {  	[tilespmem:s14], [sflag:$0x3] =	stream.linear.gather [spmem:s10], $0x3100, $0x38;
	[tilespmem:$0xCF00] =	vst v63  }
0x51: {  	s0 =	sadd.s32 $0x1, s0;
	_ =	swait.ge [sflag:s13], $0x3100  }
0x52: {  	p0 =	sne.s32 s0, s12;
	[sflag:s13] =	ssyncset.done $0x0  }
.Ltmp2:
0x53: {  	[sflag:s13] =	ssyncadd.s32 $0xFFFFCF00;
	(pc) =	sbr.rel @p0 .LBB2_1-.Ltmp2, $4  }
0x54: {  	[hbm4b:s11+s4] =	stream.linear.scatter [tilespmem:s14], [sflag:$0x3], $0x3100, $0x38;
	[tilespmem:$0xCF00] =	vst v63  }
0x55: {  	_ =	swait.ge [sflag:s13], $0x3100  }
0x56: {  	[sflag:s13] =	ssyncset.done $0x0  }
0x57: {  	[sflag:s13] =	ssyncadd.s32 $0xFFFFCF00  }
0x58: {  	_ =	sfence.sel $0x180000  }
0x59: {  	[bflag:$0x0] =	sbarrier.arrive $0xFFFF  }
0x5a: {  	_ =	strace $0x9000004D  }
0x5b: {  	s0 =	stileid.u32;
	[bflag:$0x2] =	sbarrier.arrive $0xFFFF  }
0x5c: {  	p0 =	sne.s32 s0, $0x0;
	s0 =	rddreg [dreg:$0x4]  }
0x5d: {  	s0 =	sadd.s32 @!p0 $0x100000, s0  }
0x5e: {  	[sflag:s0] =	ssyncadd.tile.s32 @!p0 $0x1;
	_ =	shalt  }
.Lfunc_end2:
_tile_overlayer_lowered:
.L_overlay_start_2:
0x5f: {  	(tag) =	ssettag $0x2  }
0x60: {  	s0 =	rddreg [dreg:$0x0];
	s2 =	stileid.u32  }
0x61: {  	s1 =	rddreg [dreg:$0x1];
	p0 =	sne.s32 s2, $0x0  }
0x62: {  	s3 =	rddreg [dreg:$0x2];
	[bflag:$0x3] =	sbarrier.arrive $0xFFFF;
	s2 =	simm.s32 @!p0 $0x1C03  }
0x63: {  	[timem:s3], [sflag:s2] =	dma.local @!p0 [hbm:s0], s1  }
0x64: {  	s0 =	simm.s32 @!p0 $0x3  }
0x65: {  	_ =	swait.ge @!p0 [sflag:s0], s1  }
0x66: {  	s1 =	ssub.s32 @!p0 $0x0, s1;
	[sflag:s0] =	ssyncset.done @!p0 $0x0  }
0x67: {  	[sflag:s0] =	ssyncadd.s32 @!p0 s1  }
0x68: {  	[bflag:$0x3] =	sbarrier.arrive $0xFFFF  }
0x69: {  	_ =	shalt  }

// kernel: kernel.34.cloned.1.call-start
scs
__scs_entry_jumppad:
0x0: {  	(pc) =	sbr.rel $0x88, $3  }
0x1: {  	(tag) =	ssettag $0x0;
	lr =	simm.s32 $0x1  }
0x2: {  	[smem:$0x3F81] =	sst lr;
	_ =	strace $0xD0000000  }
0x3: {  	_ = 	snop  }
0x4: {  	_ = 	snop  }
0x5: {  	_ = 	snop  }
0x6: {  	_ = 	snop  }
0x7: {  	_ = 	snop  }
__scs_overlays_trampoline_lowered:
0x8: {  	[smem:$0x3F90] =	sst s0  }
0x9: {  	[smem:$0x3F91] =	sst s1  }
0xa: {  	[smem:$0x3F92] =	sst s2  }
0xb: {  	[smem:$0x3F93] =	sst s3  }
0xc: {  	[smem:$0x3F94] =	sst s4  }
0xd: {  	[smem:$0x3F95] =	sst s5  }
0xe: {  	[smem:$0x3F96] =	sst s6  }
0xf: {  	[smem:$0x3F97] =	sst s7  }
0x10: {  	[smem:$0x3F98] =	sst s8  }
0x11: {  	[smem:$0x3F99] =	sst s9;
	s0 =	simm.s32 @!p0 $0x0  }
0x12: {  	s1 =	sld [smem:$0x3F7F];
	s0 =	simm.s32 @p0 $0x1  }
0x13: {  	[smem:$0x3F9A] =	sst s0;
	s0 =	simm.s32 @!p1 $0x0  }
0x14: {  	s2 =	sld [smem:$0x3F7E];
	s0 =	simm.s32 @p1 $0x1  }
0x15: {  	[smem:$0x3F9B] =	sst s0;
	s0 =	simm.s32 @!p2 $0x0  }
0x16: {  	s3 =	sld [smem:$0x3FDB];
	s0 =	simm.s32 @p2 $0x1  }
0x17: {  	s4 =	simm.s32 $0x1BF5;
	[smem:$0x3F9D] =	sst s0  }
0x18: {  	s0 =	sld [smem:$0x3F80];
	_ =	swait.ge [sflag:s4], $0x0  }
0x19: {  	s7 =	sld [smem:$0x3F81]  }
0x1a: {  	s8 =	sadd.s32 $0xFFFFE003, lr  }
0x1b: {  	s9 =	sadd.s32 $0xFFFFFEF7, lr;
	s5 =	simm.s32 $0xFFFFFFFF;
	p2 =	slt.u32 s8, $0xFFFFF086  }
0x1c: {  	p1 =	slt.u32 s9, $0xF7A;
	s5 =	simm.s32 @!p2 $0x0  }
0x1d: {  	s5 =	simm.s32 @p1 $0x1;
	p0 =	seq.s32 s7, s2  }
0x1e: {  	s7 =	smul.u32 @!p0 $0xF7A, s2;
	p2 =	seq.s32 @!p0 s5, $0x0  }
0x1f: {  	s9 =	smul.u32 $0xF7A, s1;
	s8 =	simm.s32 @!p0 $0x1BF5;
	p2 =	por !p2, p0  }
0x20: {  	[sflag:s8] =	ssyncset.s32 @!p0 $0xFFFFF086;
	s6 =	sadd.s32 @!p0 s3, s7;
	s7 =	simm.s32 @!p0 $0x108  }
0x21: {  	s3 =	sadd.s32 s3, s9;
	s6 =	sadd.s32 @!p0 $0x88, s6;
	s7 =	simm.s32 @p2 $0x1082  }
0x22: {  	[simem:s7], [sflag:s8] =	dma.local @!p0 [hbm:s6], $0xF7A  }
0x23: {  	s9 =	sor.u32 $0xD0000000, s2;
	s6 =	simm.s32 $0x108;
	_ =	swait.ge @!p0 [sflag:s8], $0x0  }
0x24: {  	s3 =	sadd.s32 $0x88, s3;
	s6 =	simm.s32 @!p1 $0x1082;
	[sflag:s4] =	ssyncset.s32 $0xFFFFF086  }
0x25: {  	[simem:s6], [sflag:s4] =	dma.local [hbm:s3], $0xF7A  }
0x26: {  	[smem:$0x3F81] =	sst s1;
	(tag) =	ssettag s2;
	_ =	strace s9  }
0x27: {  	s1 =	sld [smem:$0x3F91]  }
0x28: {  	s2 =	sld [smem:$0x3F92]  }
0x29: {  	s4 =	sld [smem:$0x3F94]  }
0x2a: {  	p0 =	seq.s32 s5, $0x0;
	s5 =	sld [smem:$0x3F95]  }
0x2b: {  	s6 =	sld [smem:$0x3F96]  }
0x2c: {  	s7 =	sld [smem:$0x3F97]  }
0x2d: {  	s3 =	simm.s32 $0x108;
	s8 =	sld [smem:$0x3F98]  }
0x2e: {  	s3 =	simm.s32 @!p0 $0x1082;
	s9 =	sld [smem:$0x3F99]  }
0x2f: {  	lr =	sadd.s32 s0, s3;
	s0 =	sld [smem:$0x3F90]  }
0x30: {  	s3 =	sld [smem:$0x3F93]  }
0x31: {  	[smem:$0x3F9C] =	sst s10  }
0x32: {  	s10 =	sld [smem:$0x3F9A];
	_ =	sdelay $0x3  }
0x33: {  	p0 =	seq.s32 s10, $0x1;
	s10 =	sld [smem:$0x3F9C];
	_ =	sdelay $0x3  }
0x34: {  	[smem:$0x3F9C] =	sst s10  }
0x35: {  	s10 =	sld [smem:$0x3F9B];
	_ =	sdelay $0x3  }
0x36: {  	p1 =	seq.s32 s10, $0x1;
	s10 =	sld [smem:$0x3F9C];
	_ =	sdelay $0x3  }
0x37: {  	[smem:$0x3F9C] =	sst s10  }
0x38: {  	s10 =	sld [smem:$0x3F9D]  }
0x39: {  	_ = 	snop;
	(pc) =	sbr.ind lr, $3  }
0x3a: {  	_ = 	snop  }
0x3b: {  	_ = 	snop  }
0x3c: {  	p2 =	seq.s32 s10, $0x1;
	s10 =	sld [smem:$0x3F9C]  }
0x3d: {  	_ =	shalt  }
0x3e: {  	_ =	shalt  }
0x3f: {  	_ =	shalt  }
0x40: {  	_ =	shalt  }
0x41: {  	_ =	shalt  }
0x42: {  	_ =	shalt  }
0x43: {  	_ =	shalt  }
0x44: {  	_ =	shalt  }
0x45: {  	_ =	shalt  }
0x46: {  	_ =	shalt  }
0x47: {  	_ =	shalt  }
0x48: {  	_ =	shalt  }
0x49: {  	_ =	shalt  }
0x4a: {  	_ =	shalt  }
0x4b: {  	_ =	shalt  }
0x4c: {  	_ =	shalt  }
0x4d: {  	_ =	shalt  }
0x4e: {  	_ =	shalt  }
0x4f: {  	_ =	shalt  }
0x50: {  	_ =	shalt  }
0x51: {  	_ =	shalt  }
0x52: {  	_ =	shalt  }
0x53: {  	_ =	shalt  }
0x54: {  	_ =	shalt  }
0x55: {  	_ =	shalt  }
0x56: {  	_ =	shalt  }
0x57: {  	_ =	shalt  }
0x58: {  	_ =	shalt  }
0x59: {  	_ =	shalt  }
0x5a: {  	_ =	shalt  }
0x5b: {  	_ =	shalt  }
0x5c: {  	_ =	shalt  }
0x5d: {  	_ =	shalt  }
0x5e: {  	_ =	shalt  }
0x5f: {  	_ =	shalt  }
0x60: {  	_ =	shalt  }
0x61: {  	_ =	shalt  }
0x62: {  	_ =	shalt  }
0x63: {  	_ =	shalt  }
0x64: {  	_ =	shalt  }
0x65: {  	_ =	shalt  }
0x66: {  	_ =	shalt  }
0x67: {  	_ =	shalt  }
0x68: {  	_ =	shalt  }
0x69: {  	_ =	shalt  }
0x6a: {  	_ =	shalt  }
0x6b: {  	_ =	shalt  }
0x6c: {  	_ =	shalt  }
0x6d: {  	_ =	shalt  }
0x6e: {  	_ =	shalt  }
0x6f: {  	_ =	shalt  }
0x70: {  	_ =	shalt  }
0x71: {  	_ =	shalt  }
0x72: {  	_ =	shalt  }
0x73: {  	_ =	shalt  }
0x74: {  	_ =	shalt  }
0x75: {  	_ =	shalt  }
0x76: {  	_ =	shalt  }
0x77: {  	_ =	shalt  }
0x78: {  	_ =	shalt  }
0x79: {  	_ =	shalt  }
0x7a: {  	_ =	shalt  }
0x7b: {  	_ =	shalt  }
0x7c: {  	_ =	shalt  }
0x7d: {  	_ =	shalt  }
0x7e: {  	_ =	shalt  }
0x7f: {  	_ =	shalt  }
0x80: {  	_ =	shalt  }
0x81: {  	_ =	shalt  }
0x82: {  	_ =	shalt  }
0x83: {  	_ =	shalt  }
0x84: {  	_ =	shalt  }
0x85: {  	_ =	shalt  }
0x86: {  	_ =	shalt  }
0x87: {  	_ =	shalt  }
.Lfunc_end0:
.L_simem_size_0:
called_computation.3_lowered:
.L_overlay_start_0:
0x88: {  	s2 =	sld [smem:$0x3FD9]  }
0x89: {  	s3 =	sld [smem:$0x3FFE];
	_ =	sdelay $0x1  }
0x8a: {  	s1 =	srdreg.scid  }
0x8b: {  	s0 =	sand.u32 $0x1, s1  }
0x8c: {  	s14 =	sshll.u32 s0, $0xA;
	s2 =	sadd.s32 s3, s2  }
0x8d: {  	s2 =	sadd.s32 s2, s14  }
0x8e: {  	[smem:$0x3FA8] =	sst s2  }
0x8f: {  	_ = 	snop  }
0x90: {  	s2 =	sld [smem:$0x3FD0];
	_ =	sdelay $0x2  }
0x91: {  	s15 =	simm.s32 $0xA;
	s4 =	simm.s32 $0x10  }
0x92: {  	[smem:s4], [sflag:s15] =	dma.local [hbm:s2], $0x1  }
0x93: {  	_ =	swait.eq [sflag:s15], $0x1  }
0x94: {  	[sflag:s15] =	ssyncset.done $0x0  }
0x95: {  	[sflag:s15] =	ssyncadd.s32 $0xFFFFFFFF  }
0x96: {  	s16 =	sld [smem:$0x10];
	(tm) =	ssettm $0x1  }
0x97: {  	s17 =	sld [smem:$0x3FFB];
	_ =	sdelay $0x3  }
0x98: {  	_ =	strace s17  }
0x99: {  	s3 =	sld [smem:$0x3FFC];
	_ =	sdelay $0x3  }
0x9a: {  	_ =	strace s3  }
0x9b: {  	s3 =	sld [smem:$0x3FFD];
	_ =	sdelay $0x3  }
0x9c: {  	_ =	strace s3  }
0x9d: {  	_ =	strace $0x8FFFFFFF  }
0x9e: {  	s18 =	sld [smem:$0x3FDB];
	_ =	sdelay $0x1  }
0x9f: {  	s19 =	simm.s32 $_scs_section_size  }
0xa0: {  	s5 =	simm.s32 $_size__tile_overlayer_lowered;
	s6 =	simm.s32 $_tile_overlayer_lowered  }
0xa1: {  	s22 =	simm.s32 $0x1BFF;
	s21 =	sshll.u32 s6, $0x1;
	s3 =	sadd.s32 s19, s18  }
0xa2: {  	s7 =	simm.s32 $0x0;
	s20 =	sshll.u32 s5, $0x1;
	s5 =	sadd.s32 s21, s3  }
0xa3: {  	[timem:s7], [sflag:s22] =	dma.local [hbm:s5], s20  }
0xa4: {  	_ =	swait.ge [sflag:s22], s20  }
0xa5: {  	s4 =	ssub.s32 $0x0, s20;
	[sflag:s22] =	ssyncset.done $0x0  }
0xa6: {  	[sflag:s22] =	ssyncadd.s32 s4;
	_ =	sdelay $0x1  }
0xa7: {  	s23 =	simm.s32 $0x1B8B  }
0xa8: {  	_ =	swait.ge [sflag:s23], $0x1  }
0xa9: {  	[sflag:s23] =	ssyncset.done $0x0  }
0xaa: {  	s25 =	simm.s32 $0x1B8E;
	s24 =	sld [smem:$0x3FFE];
	[sflag:s23] =	ssyncadd.s32 $0xFFFFFFFF  }
0xab: {  	s26 =	simm.s32 $execute0_lowered;
	[smem:$0x3FD2] =	sst s25  }
0xac: {  	s5 =	sshll.u32 s26, $0x1;
	_ =	strace $0x8000004F;
	[dreg:$0x1] =	wrdreg $0xFFFFFFFF  }
0xad: {  	s28 =	simm.s32 $_size_execute0_lowered;
	s3 =	sadd.s32 s3, s5;
	[dreg:$0x0] =	wrdreg $0x0  }
0xae: {  	s5 =	sshll.u32 s28, $0x1;
	[dreg:$0x2] =	wrdreg s3  }
0xaf: {  	[dreg:$0x3] =	wrdreg s5  }
0xb0: {  	[dreg:$0x4] =	wrdreg $0xC0  }
0xb1: {  	_ =	task [dreg:s7], $0x5FFFF  }
0xb2: {  	[dreg:$0x1] =	wrdreg $0xFFFFFFFF  }
0xb3: {  	[dreg:$0x0] =	wrdreg $0x60  }
0xb4: {  	[dreg:$0x2] =	wrdreg s16  }
0xb5: {  	[dreg:$0x3] =	wrdreg s24  }
0xb6: {  	[dreg:$0x4] =	wrdreg $0x6D000  }
0xb7: {  	[dreg:$0x5] =	wrdreg $0x9E000  }
0xb8: {  	[dreg:$0x6] =	wrdreg $0x9  }
0xb9: {  	_ =	task.clear_ibuf [dreg:s7], $0x7FFFF;
	_ =	strace $0x9000004F  }
0xba: {  	s29 =	simm.s32 $0x9;
	_ =	strace $0x80000051  }
0xbb: {  	_ =	swait.ge [sflag:s29], $0x1  }
0xbc: {  	[sflag:s29] =	ssyncadd.s32 $0xFFFFFFFF  }
0xbd: {  	_ =	strace $0x90000051  }
0xbe: {  	_ =	sfence  }
0xbf: {  	s30 =	sld [smem:$0x0];
	_ =	sdelay $0x2  }
0xc0: {  	s31 =	sshll.u32 s1, $0xD;
	s1 =	sshrl.u32 s1, $0x2  }
0xc1: {  	s3 =	sand.u32 $0x4000, s31;
	s1 =	sadd.s32 s1, s30  }
0xc2: {  	s0 =	sor.u32 s3, s0;
	s1 =	sshll.u32 s1, $0x11  }
0xc3: {  	s0 =	sor.u32 s1, s0  }
0xc4: {  	s0 =	sadd.s32 $0x8F2B, s0  }
0xc5: {  	[sflag:s0] =	ssyncadd.remote.s32 $0x1  }
0xc6: {  	_ =	sfence.sel $0xFFFF  }
0xc7: {  	[dreg:$0x0] =	wrdreg $0xFFFFFFFF;
	(pc) =	sbr.abs _section_cstart, $3  }
0xc8: {  	[dreg:$0x1] =	wrdreg $0xFFFFFFFF  }
0xc9: {  	_ =	task.clear_ibuf [dreg:s7], $0x2FFFF;
	_ =	strace $0x9FFFFFFF  }
0xca: {  	(tm) =	ssettm $0x7FFFFFFF  }
0xcb: {  	_ =	shalt  }
tec
execute0_lowered:
.L_overlay_start_1:
0x0: {  	(tag) =	ssettag $0x1  }
0x1: {  	s1 =	rddreg [dreg:$0x0]  }
0x2: {  	s0 =	srdreg.scid;
	s6 =	rddreg [dreg:$0x1]  }
0x3: {  	s7 =	stileid.u32;
	s2 =	rddreg [dreg:$0x2];
	s13 =	simm.s32 $0x3  }
0x4: {  	s14 =	simm.s32 $0x3C00;
	s15 =	simm.s32 $0x80;
	s28 =	simm.s32 $0x2B00  }
0x5: {  	s29 =	simm.s32 $0x380;
	s30 =	simm.s32 $0x2B80;
	s0 =	sand.u32 $0x1, s0  }
0x6: {  	s31 =	simm.s32 $0x1;
	s10 =	smul.u32 $0x3100, s7;
	s3 =	sshll.u32 s0, $0x4  }
0x7: {  	s25 =	smul.u32 $0x31000, s0;
	s0 =	ssub.s32 $0x2, s0;
	s4 =	sor.u32 s7, s3  }
0x8: {  	s3 =	rddreg [dreg:$0x3];
	s9 =	sshrl.u32 s0, $0x1;
	s26 =	sshrl.u32 s10, $0x3  }
0x9: {  	s5 =	smul.u32 $0x280, s4;
	s4 =	simm.s32 $0x0;
	s7 =	sadd.s32 s10, s25  }
0xa: {  	s0 =	ssub.s32 s0, s9;
	s9 =	sadd.s32 s10, s2;
	s10 =	sadd.s32 s10, s3  }
0xb: {  	s25 =	simm.s32 $0x2A80;
	[smem:$0x7FF] =	sst s4;
	s7 =	sshrl.u32 s7, $0x3  }
0xc: {  	s12 =	smax.u32 s0, $0x1;
	s0 =	simm.s32 $0x0;
	_ =	strace $0x80000050  }
0xd: {  	s8 =	sadd.s32 s5, s6;
	s5 =	sadd.s32 $0x11000, s6;
	s11 =	sadd.s32 s7, s6  }
0xe: {  	s6 =	sadd.s32 $0x7000, s8;
	s7 =	sadd.s32 $0xC000, s8;
	s8 =	sadd.s32 s1, s26  }
0xf: {  	s11 =	sadd.s32 $0x11800, s11;
	s26 =	simm.s32 $0x300;
	s1 =	simm.s32 $0x2  }
.LBB2_1:
0x10: {  	[tilespmem:s4], [sflag:$0x3] =	stream.linear.gather [hbm4b:s6+s4], $0x1400, $0x38;
	[tilespmem:$0xCF00] =	vst v63  }
0x11: {  	_ =	swait.ge [sflag:s13], $0x1400  }
0x12: {  	[sflag:s13] =	ssyncset.done $0x0  }
0x13: {  	s17 =	simm.s32 $0x1400;
	[sflag:s13] =	ssyncadd.s32 $0xFFFFEC00  }
0x14: {  	[tilespmem:s17], [sflag:$0x3] =	stream.linear.gather [hbm4b:s7+s4], $0x1400, $0x38;
	[tilespmem:$0xCF00] =	vst v63  }
0x15: {  	_ =	swait.ge [sflag:s13], $0x1400  }
0x16: {  	[sflag:s13] =	ssyncset.done $0x0  }
0x17: {  	[sflag:s13] =	ssyncadd.s32 $0xFFFFEC00  }
0x18: {  	[tilespmem:s14], [sflag:$0x3] =	stream.linear.gather [hbm4b:s8+s4], $0x3100, $0x38;
	[tilespmem:$0xCF00] =	vst v63  }
0x19: {  	_ =	swait.ge [sflag:s13], $0x3100  }
0x1a: {  	[sflag:s13] =	ssyncset.done $0x0  }
0x1b: {  	[sflag:s13] =	ssyncadd.s32 $0xFFFFCF00  }
0x1c: {  	[spmem:s9] =	stream.linear.scatter [tilespmem:s14], [sflag:$0x3], $0x3100, $0x38;
	[tilespmem:$0xCF00] =	vst v63  }
0x1d: {  	_ =	swait.ge [sflag:s13], $0x3100  }
0x1e: {  	[sflag:s13] =	ssyncset.done $0x0  }
0x1f: {  	[sflag:s13] =	ssyncadd.s32 $0xFFFFCF00  }
0x20: {  	[tilespmem:s14], [sflag:$0x3] =	stream.linear.gather [hbm4b:s5+s4], $0x3100, $0x38;
	[tilespmem:$0xCF00] =	vst v63  }
0x21: {  	_ =	swait.ge [sflag:s13], $0x3100  }
0x22: {  	[sflag:s13] =	ssyncset.done $0x0  }
0x23: {  	[sflag:s13] =	ssyncadd.s32 $0xFFFFCF00  }
0x24: {  	[spmem:s10] =	stream.linear.scatter [tilespmem:s14], [sflag:$0x3], $0x3100, $0x38;
	[tilespmem:$0xCF00] =	vst v63  }
0x25: {  	_ =	swait.ge [sflag:s13], $0x3100  }
0x26: {  	[sflag:s13] =	ssyncset.done $0x0  }
0x27: {  	[sflag:s13] =	ssyncadd.s32 $0xFFFFCF00  }
0x28: {  	s16 =	simm.s32 $0x2800;
	[bflag:$0x0] =	sbarrier.arrive $0xFFFF  }
0x29: {  	[tilespmem:s16], [sflag:$0x1] =	stream.indirect.gather [spmem:s2], $0x1, s4, s15, $0xb8;
	[tilespmem:$0xCF00] =	vst v63  }
0x2a: {  	s18 =	simm.s32 $0x2880  }
0x2b: {  	[tilespmem:s18], [sflag:$0x1] =	stream.indirect.gather [spmem:s2], $0x1, s15, s15, $0xb8;
	[tilespmem:$0xCF00] =	vst v63  }
0x2c: {  	s19 =	simm.s32 $0x100;
	s18 =	simm.s32 $0x2900  }
0x2d: {  	[tilespmem:s18], [sflag:$0x1] =	stream.indirect.gather [spmem:s2], $0x1, s19, s15, $0xb8;
	[tilespmem:$0xCF00] =	vst v63  }
0x2e: {  	s20 =	simm.s32 $0x180;
	s21 =	simm.s32 $0x2980  }
0x2f: {  	[tilespmem:s21], [sflag:$0x1] =	stream.indirect.gather [spmem:s2], $0x1, s20, s15, $0xb8;
	[tilespmem:$0xCF00] =	vst v63  }
0x30: {  	s22 =	simm.s32 $0x200;
	s23 =	simm.s32 $0x2A00  }
0x31: {  	[tilespmem:s23], [sflag:$0x1] =	stream.indirect.gather [spmem:s2], $0x1, s22, s15, $0xb8;
	[tilespmem:$0xCF00] =	vst v63  }
0x32: {  	s24 =	simm.s32 $0x280  }
0x33: {  	[tilespmem:s25], [sflag:$0x1] =	stream.indirect.gather [spmem:s2], $0x1, s24, s15, $0xb8;
	[tilespmem:$0xCF00] =	vst v63  }
0x34: {  	_ = 	snop  }
0x35: {  	[tilespmem:s28], [sflag:$0x1] =	stream.indirect.gather [spmem:s2], $0x1, s26, s15, $0xb8;
	[tilespmem:$0xCF00] =	vst v63  }
0x36: {  	_ = 	snop  }
0x37: {  	[tilespmem:s30], [sflag:$0x1] =	stream.indirect.gather [spmem:s2], $0x1, s29, s15, $0xb8;
	[tilespmem:$0xCF00] =	vst v63  }
0x38: {  	p0 =	por $0x0, $0x0;
	s16 =	simm.s32 $0x400;
	_ =	swait.ge [sflag:s31], $0x80  }
0x39: {  	s18 =	simm.s32 $0x2C00;
	s19 =	simm.s32 $0x2800;
	[sflag:s31] =	ssyncset.done $0x0  }
0x3a: {  	s20 =	simm.s32 $0x480;
	s21 =	simm.s32 $0x2C80;
	[sflag:s31] =	ssyncadd.s32 $0xFFFFFF80  }
0x3b: {  	[spmem:s3] =	stream.indirect.scatter.add.f32 [tilespmem:s19], [sflag:$0x2], $0x1, s17, s15, $0xb8;
	[tilespmem:$0xCF00] =	vst v63  }
0x3c: {  	s22 =	simm.s32 @!p0 $0x80;
	s17 =	simm.s32 $0x1;
	s19 =	simm.s32 $0x1480  }
.LBB2_2:
0x3d: {  	[tilespmem:s18], [sflag:$0x1] =	stream.indirect.gather @!p0 [spmem:s2], $0x1, s16, s22, $0xb8;
	[tilespmem:$0xCF00] =	vst v63  }
0x3e: {  	s22 =	smov.u32 s17  }
0x3f: {  	s23 =	smov.u32 s19;
	s16 =	smov.u32 s20;
	s17 =	sadd.s32 $0x1, s17  }
0x40: {  	s18 =	smov.u32 s21;
	p1 =	sne.s32 s17, $0x28  }
.Ltmp0:
0x41: {  	_ =	swait.ge [sflag:s31], $0x80;
	(pc) =	sbr.rel @p1 .LBB2_2-.Ltmp0, $4  }
0x42: {  	s19 =	sadd.s32 $0x80, s19;
	[sflag:s31] =	ssyncset.done $0x0  }
0x43: {  	s24 =	sadd.s32 $0xFFFFFC00, s21;
	p0 =	sgt.u32 s22, $0x1F;
	[sflag:s31] =	ssyncadd.s32 $0xFFFFFF80  }
0x44: {  	[spmem:s3] =	stream.indirect.scatter.add.f32 [tilespmem:s24], [sflag:$0x2], $0x1, s23, s15, $0xb8;
	[tilespmem:$0xCF00] =	vst v63  }
0x45: {  	s20 =	sadd.s32 $0x80, s20;
	s21 =	sadd.s32 $0x80, s21;
	s22 =	simm.s32 @!p0 $0x80  }
0x46: {  	[tilespmem:s18], [sflag:$0x1] =	stream.indirect.gather @!p0 [spmem:s2], $0x1, s16, s22, $0xb8;
	[tilespmem:$0xCF00] =	vst v63  }
0x47: {  	_ =	swait.ge [sflag:s1], $0x80  }
0x48: {  	s16 =	simm.s32 $0x27;
	[sflag:s1] =	ssyncset.done $0x0  }
.LBB2_4:
0x49: {  	p0 =	sne.s32 s16, $0x1;
	s16 =	sadd.s32 $0xFFFFFFFF, s16;
	[sflag:s1] =	ssyncadd.s32 $0xFFFFFF80  }
.Ltmp1:
0x4a: {  	(pc) =	sbr.rel @p0 .LBB2_4-.Ltmp1, $3  }
0x4b: {  	_ =	sdelay $0x1  }
0x4c: {  	_ =	swait.ge [sflag:s1], $0x80  }
0x4d: {  	[sflag:s1] =	ssyncset.done $0x0  }
0x4e: {  	[sflag:s1] =	ssyncadd.s32 $0xFFFFFF80  }
0x4f: {  	[bflag:$0x0] =	sbarrier.arrive $0xFFFF  }
0x50: {  	[tilespmem:s14], [sflag:$0x3] =	stream.linear.gather [spmem:s10], $0x3100, $0x38;
	[tilespmem:$0xCF00] =	vst v63  }
0x51: {  	s0 =	sadd.s32 $0x1, s0;
	_ =	swait.ge [sflag:s13], $0x3100  }
0x52: {  	p0 =	sne.s32 s0, s12;
	[sflag:s13] =	ssyncset.done $0x0  }
.Ltmp2:
0x53: {  	[sflag:s13] =	ssyncadd.s32 $0xFFFFCF00;
	(pc) =	sbr.rel @p0 .LBB2_1-.Ltmp2, $4  }
0x54: {  	[hbm4b:s11+s4] =	stream.linear.scatter [tilespmem:s14], [sflag:$0x3], $0x3100, $0x38;
	[tilespmem:$0xCF00] =	vst v63  }
0x55: {  	_ =	swait.ge [sflag:s13], $0x3100  }
0x56: {  	[sflag:s13] =	ssyncset.done $0x0  }
0x57: {  	[sflag:s13] =	ssyncadd.s32 $0xFFFFCF00  }
0x58: {  	_ =	sfence.sel $0x180000  }
0x59: {  	[bflag:$0x0] =	sbarrier.arrive $0xFFFF  }
0x5a: {  	_ =	strace $0x90000050  }
0x5b: {  	s0 =	stileid.u32;
	[bflag:$0x2] =	sbarrier.arrive $0xFFFF  }
0x5c: {  	p0 =	sne.s32 s0, $0x0;
	s0 =	rddreg [dreg:$0x4]  }
0x5d: {  	s0 =	sadd.s32 @!p0 $0x100000, s0  }
0x5e: {  	[sflag:s0] =	ssyncadd.tile.s32 @!p0 $0x1;
	_ =	shalt  }
.Lfunc_end2:
_tile_overlayer_lowered:
.L_overlay_start_2:
0x5f: {  	(tag) =	ssettag $0x2  }
0x60: {  	s0 =	rddreg [dreg:$0x0];
	s2 =	stileid.u32  }
0x61: {  	s1 =	rddreg [dreg:$0x1];
	p0 =	sne.s32 s2, $0x0  }
0x62: {  	s3 =	rddreg [dreg:$0x2];
	[bflag:$0x3] =	sbarrier.arrive $0xFFFF;
	s2 =	simm.s32 @!p0 $0x1C03  }
0x63: {  	[timem:s3], [sflag:s2] =	dma.local @!p0 [hbm:s0], s1  }
0x64: {  	s0 =	simm.s32 @!p0 $0x3  }
0x65: {  	_ =	swait.ge @!p0 [sflag:s0], s1  }
0x66: {  	s1 =	ssub.s32 @!p0 $0x0, s1;
	[sflag:s0] =	ssyncset.done @!p0 $0x0  }
0x67: {  	[sflag:s0] =	ssyncadd.s32 @!p0 s1  }
0x68: {  	[bflag:$0x3] =	sbarrier.arrive $0xFFFF  }
0x69: {  	_ =	shalt  }

// kernel: kernel.37.cloned.1.call-start
scs
__scs_entry_jumppad:
0x0: {  	(pc) =	sbr.rel $0x88, $3  }
0x1: {  	(tag) =	ssettag $0x0;
	lr =	simm.s32 $0x1  }
0x2: {  	[smem:$0x3F81] =	sst lr;
	_ =	strace $0xD0000000  }
0x3: {  	_ = 	snop  }
0x4: {  	_ = 	snop  }
0x5: {  	_ = 	snop  }
0x6: {  	_ = 	snop  }
0x7: {  	_ = 	snop  }
__scs_overlays_trampoline_lowered:
0x8: {  	[smem:$0x3F90] =	sst s0  }
0x9: {  	[smem:$0x3F91] =	sst s1  }
0xa: {  	[smem:$0x3F92] =	sst s2  }
0xb: {  	[smem:$0x3F93] =	sst s3  }
0xc: {  	[smem:$0x3F94] =	sst s4  }
0xd: {  	[smem:$0x3F95] =	sst s5  }
0xe: {  	[smem:$0x3F96] =	sst s6  }
0xf: {  	[smem:$0x3F97] =	sst s7  }
0x10: {  	[smem:$0x3F98] =	sst s8  }
0x11: {  	[smem:$0x3F99] =	sst s9;
	s0 =	simm.s32 @!p0 $0x0  }
0x12: {  	s1 =	sld [smem:$0x3F7F];
	s0 =	simm.s32 @p0 $0x1  }
0x13: {  	[smem:$0x3F9A] =	sst s0;
	s0 =	simm.s32 @!p1 $0x0  }
0x14: {  	s2 =	sld [smem:$0x3F7E];
	s0 =	simm.s32 @p1 $0x1  }
0x15: {  	[smem:$0x3F9B] =	sst s0;
	s0 =	simm.s32 @!p2 $0x0  }
0x16: {  	s3 =	sld [smem:$0x3FDB];
	s0 =	simm.s32 @p2 $0x1  }
0x17: {  	s4 =	simm.s32 $0x1BF5;
	[smem:$0x3F9D] =	sst s0  }
0x18: {  	s0 =	sld [smem:$0x3F80];
	_ =	swait.ge [sflag:s4], $0x0  }
0x19: {  	s7 =	sld [smem:$0x3F81]  }
0x1a: {  	s8 =	sadd.s32 $0xFFFFE003, lr  }
0x1b: {  	s9 =	sadd.s32 $0xFFFFFEF7, lr;
	s5 =	simm.s32 $0xFFFFFFFF;
	p2 =	slt.u32 s8, $0xFFFFF086  }
0x1c: {  	p1 =	slt.u32 s9, $0xF7A;
	s5 =	simm.s32 @!p2 $0x0  }
0x1d: {  	s5 =	simm.s32 @p1 $0x1;
	p0 =	seq.s32 s7, s2  }
0x1e: {  	s7 =	smul.u32 @!p0 $0xF7A, s2;
	p2 =	seq.s32 @!p0 s5, $0x0  }
0x1f: {  	s9 =	smul.u32 $0xF7A, s1;
	s8 =	simm.s32 @!p0 $0x1BF5;
	p2 =	por !p2, p0  }
0x20: {  	[sflag:s8] =	ssyncset.s32 @!p0 $0xFFFFF086;
	s6 =	sadd.s32 @!p0 s3, s7;
	s7 =	simm.s32 @!p0 $0x108  }
0x21: {  	s3 =	sadd.s32 s3, s9;
	s6 =	sadd.s32 @!p0 $0x88, s6;
	s7 =	simm.s32 @p2 $0x1082  }
0x22: {  	[simem:s7], [sflag:s8] =	dma.local @!p0 [hbm:s6], $0xF7A  }
0x23: {  	s9 =	sor.u32 $0xD0000000, s2;
	s6 =	simm.s32 $0x108;
	_ =	swait.ge @!p0 [sflag:s8], $0x0  }
0x24: {  	s3 =	sadd.s32 $0x88, s3;
	s6 =	simm.s32 @!p1 $0x1082;
	[sflag:s4] =	ssyncset.s32 $0xFFFFF086  }
0x25: {  	[simem:s6], [sflag:s4] =	dma.local [hbm:s3], $0xF7A  }
0x26: {  	[smem:$0x3F81] =	sst s1;
	(tag) =	ssettag s2;
	_ =	strace s9  }
0x27: {  	s1 =	sld [smem:$0x3F91]  }
0x28: {  	s2 =	sld [smem:$0x3F92]  }
0x29: {  	s4 =	sld [smem:$0x3F94]  }
0x2a: {  	p0 =	seq.s32 s5, $0x0;
	s5 =	sld [smem:$0x3F95]  }
0x2b: {  	s6 =	sld [smem:$0x3F96]  }
0x2c: {  	s7 =	sld [smem:$0x3F97]  }
0x2d: {  	s3 =	simm.s32 $0x108;
	s8 =	sld [smem:$0x3F98]  }
0x2e: {  	s3 =	simm.s32 @!p0 $0x1082;
	s9 =	sld [smem:$0x3F99]  }
0x2f: {  	lr =	sadd.s32 s0, s3;
	s0 =	sld [smem:$0x3F90]  }
0x30: {  	s3 =	sld [smem:$0x3F93]  }
0x31: {  	[smem:$0x3F9C] =	sst s10  }
0x32: {  	s10 =	sld [smem:$0x3F9A];
	_ =	sdelay $0x3  }
0x33: {  	p0 =	seq.s32 s10, $0x1;
	s10 =	sld [smem:$0x3F9C];
	_ =	sdelay $0x3  }
0x34: {  	[smem:$0x3F9C] =	sst s10  }
0x35: {  	s10 =	sld [smem:$0x3F9B];
	_ =	sdelay $0x3  }
0x36: {  	p1 =	seq.s32 s10, $0x1;
	s10 =	sld [smem:$0x3F9C];
	_ =	sdelay $0x3  }
0x37: {  	[smem:$0x3F9C] =	sst s10  }
0x38: {  	s10 =	sld [smem:$0x3F9D]  }
0x39: {  	_ = 	snop;
	(pc) =	sbr.ind lr, $3  }
0x3a: {  	_ = 	snop  }
0x3b: {  	_ = 	snop  }
0x3c: {  	p2 =	seq.s32 s10, $0x1;
	s10 =	sld [smem:$0x3F9C]  }
0x3d: {  	_ =	shalt  }
0x3e: {  	_ =	shalt  }
0x3f: {  	_ =	shalt  }
0x40: {  	_ =	shalt  }
0x41: {  	_ =	shalt  }
0x42: {  	_ =	shalt  }
0x43: {  	_ =	shalt  }
0x44: {  	_ =	shalt  }
0x45: {  	_ =	shalt  }
0x46: {  	_ =	shalt  }
0x47: {  	_ =	shalt  }
0x48: {  	_ =	shalt  }
0x49: {  	_ =	shalt  }
0x4a: {  	_ =	shalt  }
0x4b: {  	_ =	shalt  }
0x4c: {  	_ =	shalt  }
0x4d: {  	_ =	shalt  }
0x4e: {  	_ =	shalt  }
0x4f: {  	_ =	shalt  }
0x50: {  	_ =	shalt  }
0x51: {  	_ =	shalt  }
0x52: {  	_ =	shalt  }
0x53: {  	_ =	shalt  }
0x54: {  	_ =	shalt  }
0x55: {  	_ =	shalt  }
0x56: {  	_ =	shalt  }
0x57: {  	_ =	shalt  }
0x58: {  	_ =	shalt  }
0x59: {  	_ =	shalt  }
0x5a: {  	_ =	shalt  }
0x5b: {  	_ =	shalt  }
0x5c: {  	_ =	shalt  }
0x5d: {  	_ =	shalt  }
0x5e: {  	_ =	shalt  }
0x5f: {  	_ =	shalt  }
0x60: {  	_ =	shalt  }
0x61: {  	_ =	shalt  }
0x62: {  	_ =	shalt  }
0x63: {  	_ =	shalt  }
0x64: {  	_ =	shalt  }
0x65: {  	_ =	shalt  }
0x66: {  	_ =	shalt  }
0x67: {  	_ =	shalt  }
0x68: {  	_ =	shalt  }
0x69: {  	_ =	shalt  }
0x6a: {  	_ =	shalt  }
0x6b: {  	_ =	shalt  }
0x6c: {  	_ =	shalt  }
0x6d: {  	_ =	shalt  }
0x6e: {  	_ =	shalt  }
0x6f: {  	_ =	shalt  }
0x70: {  	_ =	shalt  }
0x71: {  	_ =	shalt  }
0x72: {  	_ =	shalt  }
0x73: {  	_ =	shalt  }
0x74: {  	_ =	shalt  }
0x75: {  	_ =	shalt  }
0x76: {  	_ =	shalt  }
0x77: {  	_ =	shalt  }
0x78: {  	_ =	shalt  }
0x79: {  	_ =	shalt  }
0x7a: {  	_ =	shalt  }
0x7b: {  	_ =	shalt  }
0x7c: {  	_ =	shalt  }
0x7d: {  	_ =	shalt  }
0x7e: {  	_ =	shalt  }
0x7f: {  	_ =	shalt  }
0x80: {  	_ =	shalt  }
0x81: {  	_ =	shalt  }
0x82: {  	_ =	shalt  }
0x83: {  	_ =	shalt  }
0x84: {  	_ =	shalt  }
0x85: {  	_ =	shalt  }
0x86: {  	_ =	shalt  }
0x87: {  	_ =	shalt  }
.Lfunc_end0:
.L_simem_size_0:
called_computation.4_lowered:
.L_overlay_start_0:
0x88: {  	s2 =	sld [smem:$0x3FD9]  }
0x89: {  	s3 =	sld [smem:$0x3FFE];
	_ =	sdelay $0x1  }
0x8a: {  	s1 =	srdreg.scid  }
0x8b: {  	s0 =	sand.u32 $0x1, s1  }
0x8c: {  	s14 =	sshll.u32 s0, $0xA;
	s2 =	sadd.s32 s3, s2  }
0x8d: {  	s2 =	sadd.s32 s2, s14  }
0x8e: {  	[smem:$0x3FA8] =	sst s2  }
0x8f: {  	_ = 	snop  }
0x90: {  	s2 =	sld [smem:$0x3FD0];
	_ =	sdelay $0x2  }
0x91: {  	s15 =	simm.s32 $0xA;
	s4 =	simm.s32 $0x10  }
0x92: {  	[smem:s4], [sflag:s15] =	dma.local [hbm:s2], $0x1  }
0x93: {  	_ =	swait.eq [sflag:s15], $0x1  }
0x94: {  	[sflag:s15] =	ssyncset.done $0x0  }
0x95: {  	[sflag:s15] =	ssyncadd.s32 $0xFFFFFFFF  }
0x96: {  	s16 =	sld [smem:$0x10];
	(tm) =	ssettm $0x1  }
0x97: {  	s17 =	sld [smem:$0x3FFB];
	_ =	sdelay $0x3  }
0x98: {  	_ =	strace s17  }
0x99: {  	s3 =	sld [smem:$0x3FFC];
	_ =	sdelay $0x3  }
0x9a: {  	_ =	strace s3  }
0x9b: {  	s3 =	sld [smem:$0x3FFD];
	_ =	sdelay $0x3  }
0x9c: {  	_ =	strace s3  }
0x9d: {  	_ =	strace $0x8FFFFFFF  }
0x9e: {  	s18 =	sld [smem:$0x3FDB];
	_ =	sdelay $0x1  }
0x9f: {  	s19 =	simm.s32 $_scs_section_size  }
0xa0: {  	s5 =	simm.s32 $_size__tile_overlayer_lowered;
	s6 =	simm.s32 $_tile_overlayer_lowered  }
0xa1: {  	s22 =	simm.s32 $0x1BFF;
	s21 =	sshll.u32 s6, $0x1;
	s3 =	sadd.s32 s19, s18  }
0xa2: {  	s7 =	simm.s32 $0x0;
	s20 =	sshll.u32 s5, $0x1;
	s5 =	sadd.s32 s21, s3  }
0xa3: {  	[timem:s7], [sflag:s22] =	dma.local [hbm:s5], s20  }
0xa4: {  	_ =	swait.ge [sflag:s22], s20  }
0xa5: {  	s4 =	ssub.s32 $0x0, s20;
	[sflag:s22] =	ssyncset.done $0x0  }
0xa6: {  	[sflag:s22] =	ssyncadd.s32 s4;
	_ =	sdelay $0x1  }
0xa7: {  	s23 =	simm.s32 $0x1B8B  }
0xa8: {  	_ =	swait.ge [sflag:s23], $0x1  }
0xa9: {  	[sflag:s23] =	ssyncset.done $0x0  }
0xaa: {  	s25 =	simm.s32 $0x1B8E;
	s24 =	sld [smem:$0x3FFE];
	[sflag:s23] =	ssyncadd.s32 $0xFFFFFFFF  }
0xab: {  	s26 =	simm.s32 $execute0_lowered;
	[smem:$0x3FD2] =	sst s25  }
0xac: {  	s5 =	sshll.u32 s26, $0x1;
	_ =	strace $0x80000052;
	[dreg:$0x1] =	wrdreg $0xFFFFFFFF  }
0xad: {  	s28 =	simm.s32 $_size_execute0_lowered;
	s3 =	sadd.s32 s3, s5;
	[dreg:$0x0] =	wrdreg $0x0  }
0xae: {  	s5 =	sshll.u32 s28, $0x1;
	[dreg:$0x2] =	wrdreg s3  }
0xaf: {  	[dreg:$0x3] =	wrdreg s5  }
0xb0: {  	[dreg:$0x4] =	wrdreg $0xC0  }
0xb1: {  	_ =	task [dreg:s7], $0x5FFFF  }
0xb2: {  	[dreg:$0x1] =	wrdreg $0xFFFFFFFF  }
0xb3: {  	[dreg:$0x0] =	wrdreg $0x60  }
0xb4: {  	[dreg:$0x2] =	wrdreg s16  }
0xb5: {  	[dreg:$0x3] =	wrdreg s24  }
0xb6: {  	[dreg:$0x4] =	wrdreg $0x6D000  }
0xb7: {  	[dreg:$0x5] =	wrdreg $0x9E000  }
0xb8: {  	[dreg:$0x6] =	wrdreg $0x9  }
0xb9: {  	_ =	task.clear_ibuf [dreg:s7], $0x7FFFF;
	_ =	strace $0x90000052  }
0xba: {  	s29 =	simm.s32 $0x9;
	_ =	strace $0x80000054  }
0xbb: {  	_ =	swait.ge [sflag:s29], $0x1  }
0xbc: {  	[sflag:s29] =	ssyncadd.s32 $0xFFFFFFFF  }
0xbd: {  	_ =	strace $0x90000054  }
0xbe: {  	_ =	sfence  }
0xbf: {  	s30 =	sld [smem:$0x0];
	_ =	sdelay $0x2  }
0xc0: {  	s31 =	sshll.u32 s1, $0xD;
	s1 =	sshrl.u32 s1, $0x2  }
0xc1: {  	s3 =	sand.u32 $0x4000, s31;
	s1 =	sadd.s32 s1, s30  }
0xc2: {  	s0 =	sor.u32 s3, s0;
	s1 =	sshll.u32 s1, $0x11  }
0xc3: {  	s0 =	sor.u32 s1, s0  }
0xc4: {  	s0 =	sadd.s32 $0x8F2B, s0  }
0xc5: {  	[sflag:s0] =	ssyncadd.remote.s32 $0x1  }
0xc6: {  	_ =	sfence.sel $0xFFFF  }
0xc7: {  	[dreg:$0x0] =	wrdreg $0xFFFFFFFF;
	(pc) =	sbr.abs _section_cstart, $3  }
0xc8: {  	[dreg:$0x1] =	wrdreg $0xFFFFFFFF  }
0xc9: {  	_ =	task.clear_ibuf [dreg:s7], $0x2FFFF;
	_ =	strace $0x9FFFFFFF  }
0xca: {  	(tm) =	ssettm $0x7FFFFFFF  }
0xcb: {  	_ =	shalt  }
tec
execute0_lowered:
.L_overlay_start_1:
0x0: {  	(tag) =	ssettag $0x1  }
0x1: {  	s1 =	rddreg [dreg:$0x0]  }
0x2: {  	s0 =	srdreg.scid;
	s6 =	rddreg [dreg:$0x1]  }
0x3: {  	s7 =	stileid.u32;
	s2 =	rddreg [dreg:$0x2];
	s13 =	simm.s32 $0x3  }
0x4: {  	s14 =	simm.s32 $0x3C00;
	s15 =	simm.s32 $0x80;
	s28 =	simm.s32 $0x2B00  }
0x5: {  	s29 =	simm.s32 $0x380;
	s30 =	simm.s32 $0x2B80;
	s0 =	sand.u32 $0x1, s0  }
0x6: {  	s31 =	simm.s32 $0x1;
	s10 =	smul.u32 $0x3100, s7;
	s3 =	sshll.u32 s0, $0x4  }
0x7: {  	s25 =	smul.u32 $0x31000, s0;
	s0 =	ssub.s32 $0x2, s0;
	s4 =	sor.u32 s7, s3  }
0x8: {  	s3 =	rddreg [dreg:$0x3];
	s9 =	sshrl.u32 s0, $0x1;
	s26 =	sshrl.u32 s10, $0x3  }
0x9: {  	s5 =	smul.u32 $0x280, s4;
	s4 =	simm.s32 $0x0;
	s7 =	sadd.s32 s10, s25  }
0xa: {  	s0 =	ssub.s32 s0, s9;
	s9 =	sadd.s32 s10, s2;
	s10 =	sadd.s32 s10, s3  }
0xb: {  	s25 =	simm.s32 $0x2A80;
	[smem:$0x7FF] =	sst s4;
	s7 =	sshrl.u32 s7, $0x3  }
0xc: {  	s12 =	smax.u32 s0, $0x1;
	s0 =	simm.s32 $0x0;
	_ =	strace $0x80000053  }
0xd: {  	s8 =	sadd.s32 s5, s6;
	s5 =	sadd.s32 $0x11000, s6;
	s11 =	sadd.s32 s7, s6  }
0xe: {  	s6 =	sadd.s32 $0x7000, s8;
	s7 =	sadd.s32 $0xC000, s8;
	s8 =	sadd.s32 s1, s26  }
0xf: {  	s11 =	sadd.s32 $0x11800, s11;
	s26 =	simm.s32 $0x300;
	s1 =	simm.s32 $0x2  }
.LBB2_1:
0x10: {  	[tilespmem:s4], [sflag:$0x3] =	stream.linear.gather [hbm4b:s6+s4], $0x1400, $0x38;
	[tilespmem:$0xCF00] =	vst v63  }
0x11: {  	_ =	swait.ge [sflag:s13], $0x1400  }
0x12: {  	[sflag:s13] =	ssyncset.done $0x0  }
0x13: {  	s17 =	simm.s32 $0x1400;
	[sflag:s13] =	ssyncadd.s32 $0xFFFFEC00  }
0x14: {  	[tilespmem:s17], [sflag:$0x3] =	stream.linear.gather [hbm4b:s7+s4], $0x1400, $0x38;
	[tilespmem:$0xCF00] =	vst v63  }
0x15: {  	_ =	swait.ge [sflag:s13], $0x1400  }
0x16: {  	[sflag:s13] =	ssyncset.done $0x0  }
0x17: {  	[sflag:s13] =	ssyncadd.s32 $0xFFFFEC00  }
0x18: {  	[tilespmem:s14], [sflag:$0x3] =	stream.linear.gather [hbm4b:s8+s4], $0x3100, $0x38;
	[tilespmem:$0xCF00] =	vst v63  }
0x19: {  	_ =	swait.ge [sflag:s13], $0x3100  }
0x1a: {  	[sflag:s13] =	ssyncset.done $0x0  }
0x1b: {  	[sflag:s13] =	ssyncadd.s32 $0xFFFFCF00  }
0x1c: {  	[spmem:s9] =	stream.linear.scatter [tilespmem:s14], [sflag:$0x3], $0x3100, $0x38;
	[tilespmem:$0xCF00] =	vst v63  }
0x1d: {  	_ =	swait.ge [sflag:s13], $0x3100  }
0x1e: {  	[sflag:s13] =	ssyncset.done $0x0  }
0x1f: {  	[sflag:s13] =	ssyncadd.s32 $0xFFFFCF00  }
0x20: {  	[tilespmem:s14], [sflag:$0x3] =	stream.linear.gather [hbm4b:s5+s4], $0x3100, $0x38;
	[tilespmem:$0xCF00] =	vst v63  }
0x21: {  	_ =	swait.ge [sflag:s13], $0x3100  }
0x22: {  	[sflag:s13] =	ssyncset.done $0x0  }
0x23: {  	[sflag:s13] =	ssyncadd.s32 $0xFFFFCF00  }
0x24: {  	[spmem:s10] =	stream.linear.scatter [tilespmem:s14], [sflag:$0x3], $0x3100, $0x38;
	[tilespmem:$0xCF00] =	vst v63  }
0x25: {  	_ =	swait.ge [sflag:s13], $0x3100  }
0x26: {  	[sflag:s13] =	ssyncset.done $0x0  }
0x27: {  	[sflag:s13] =	ssyncadd.s32 $0xFFFFCF00  }
0x28: {  	s16 =	simm.s32 $0x2800;
	[bflag:$0x0] =	sbarrier.arrive $0xFFFF  }
0x29: {  	[tilespmem:s16], [sflag:$0x1] =	stream.indirect.gather [spmem:s2], $0x1, s4, s15, $0xb8;
	[tilespmem:$0xCF00] =	vst v63  }
0x2a: {  	s18 =	simm.s32 $0x2880  }
0x2b: {  	[tilespmem:s18], [sflag:$0x1] =	stream.indirect.gather [spmem:s2], $0x1, s15, s15, $0xb8;
	[tilespmem:$0xCF00] =	vst v63  }
0x2c: {  	s19 =	simm.s32 $0x100;
	s18 =	simm.s32 $0x2900  }
0x2d: {  	[tilespmem:s18], [sflag:$0x1] =	stream.indirect.gather [spmem:s2], $0x1, s19, s15, $0xb8;
	[tilespmem:$0xCF00] =	vst v63  }
0x2e: {  	s20 =	simm.s32 $0x180;
	s21 =	simm.s32 $0x2980  }
0x2f: {  	[tilespmem:s21], [sflag:$0x1] =	stream.indirect.gather [spmem:s2], $0x1, s20, s15, $0xb8;
	[tilespmem:$0xCF00] =	vst v63  }
0x30: {  	s22 =	simm.s32 $0x200;
	s23 =	simm.s32 $0x2A00  }
0x31: {  	[tilespmem:s23], [sflag:$0x1] =	stream.indirect.gather [spmem:s2], $0x1, s22, s15, $0xb8;
	[tilespmem:$0xCF00] =	vst v63  }
0x32: {  	s24 =	simm.s32 $0x280  }
0x33: {  	[tilespmem:s25], [sflag:$0x1] =	stream.indirect.gather [spmem:s2], $0x1, s24, s15, $0xb8;
	[tilespmem:$0xCF00] =	vst v63  }
0x34: {  	_ = 	snop  }
0x35: {  	[tilespmem:s28], [sflag:$0x1] =	stream.indirect.gather [spmem:s2], $0x1, s26, s15, $0xb8;
	[tilespmem:$0xCF00] =	vst v63  }
0x36: {  	_ = 	snop  }
0x37: {  	[tilespmem:s30], [sflag:$0x1] =	stream.indirect.gather [spmem:s2], $0x1, s29, s15, $0xb8;
	[tilespmem:$0xCF00] =	vst v63  }
0x38: {  	p0 =	por $0x0, $0x0;
	s16 =	simm.s32 $0x400;
	_ =	swait.ge [sflag:s31], $0x80  }
0x39: {  	s18 =	simm.s32 $0x2C00;
	s19 =	simm.s32 $0x2800;
	[sflag:s31] =	ssyncset.done $0x0  }
0x3a: {  	s20 =	simm.s32 $0x480;
	s21 =	simm.s32 $0x2C80;
	[sflag:s31] =	ssyncadd.s32 $0xFFFFFF80  }
0x3b: {  	[spmem:s3] =	stream.indirect.scatter.add.f32 [tilespmem:s19], [sflag:$0x2], $0x1, s17, s15, $0xb8;
	[tilespmem:$0xCF00] =	vst v63  }
0x3c: {  	s22 =	simm.s32 @!p0 $0x80;
	s17 =	simm.s32 $0x1;
	s19 =	simm.s32 $0x1480  }
.LBB2_2:
0x3d: {  	[tilespmem:s18], [sflag:$0x1] =	stream.indirect.gather @!p0 [spmem:s2], $0x1, s16, s22, $0xb8;
	[tilespmem:$0xCF00] =	vst v63  }
0x3e: {  	s22 =	smov.u32 s17  }
0x3f: {  	s23 =	smov.u32 s19;
	s16 =	smov.u32 s20;
	s17 =	sadd.s32 $0x1, s17  }
0x40: {  	s18 =	smov.u32 s21;
	p1 =	sne.s32 s17, $0x28  }
.Ltmp0:
0x41: {  	_ =	swait.ge [sflag:s31], $0x80;
	(pc) =	sbr.rel @p1 .LBB2_2-.Ltmp0, $4  }
0x42: {  	s19 =	sadd.s32 $0x80, s19;
	[sflag:s31] =	ssyncset.done $0x0  }
0x43: {  	s24 =	sadd.s32 $0xFFFFFC00, s21;
	p0 =	sgt.u32 s22, $0x1F;
	[sflag:s31] =	ssyncadd.s32 $0xFFFFFF80  }
0x44: {  	[spmem:s3] =	stream.indirect.scatter.add.f32 [tilespmem:s24], [sflag:$0x2], $0x1, s23, s15, $0xb8;
	[tilespmem:$0xCF00] =	vst v63  }
0x45: {  	s20 =	sadd.s32 $0x80, s20;
	s21 =	sadd.s32 $0x80, s21;
	s22 =	simm.s32 @!p0 $0x80  }
0x46: {  	[tilespmem:s18], [sflag:$0x1] =	stream.indirect.gather @!p0 [spmem:s2], $0x1, s16, s22, $0xb8;
	[tilespmem:$0xCF00] =	vst v63  }
0x47: {  	_ =	swait.ge [sflag:s1], $0x80  }
0x48: {  	s16 =	simm.s32 $0x27;
	[sflag:s1] =	ssyncset.done $0x0  }
.LBB2_4:
0x49: {  	p0 =	sne.s32 s16, $0x1;
	s16 =	sadd.s32 $0xFFFFFFFF, s16;
	[sflag:s1] =	ssyncadd.s32 $0xFFFFFF80  }
.Ltmp1:
0x4a: {  	(pc) =	sbr.rel @p0 .LBB2_4-.Ltmp1, $3  }
0x4b: {  	_ =	sdelay $0x1  }
0x4c: {  	_ =	swait.ge [sflag:s1], $0x80  }
0x4d: {  	[sflag:s1] =	ssyncset.done $0x0  }
0x4e: {  	[sflag:s1] =	ssyncadd.s32 $0xFFFFFF80  }
0x4f: {  	[bflag:$0x0] =	sbarrier.arrive $0xFFFF  }
0x50: {  	[tilespmem:s14], [sflag:$0x3] =	stream.linear.gather [spmem:s10], $0x3100, $0x38;
	[tilespmem:$0xCF00] =	vst v63  }
0x51: {  	s0 =	sadd.s32 $0x1, s0;
	_ =	swait.ge [sflag:s13], $0x3100  }
0x52: {  	p0 =	sne.s32 s0, s12;
	[sflag:s13] =	ssyncset.done $0x0  }
.Ltmp2:
0x53: {  	[sflag:s13] =	ssyncadd.s32 $0xFFFFCF00;
	(pc) =	sbr.rel @p0 .LBB2_1-.Ltmp2, $4  }
0x54: {  	[hbm4b:s11+s4] =	stream.linear.scatter [tilespmem:s14], [sflag:$0x3], $0x3100, $0x38;
	[tilespmem:$0xCF00] =	vst v63  }
0x55: {  	_ =	swait.ge [sflag:s13], $0x3100  }
0x56: {  	[sflag:s13] =	ssyncset.done $0x0  }
0x57: {  	[sflag:s13] =	ssyncadd.s32 $0xFFFFCF00  }
0x58: {  	_ =	sfence.sel $0x180000  }
0x59: {  	[bflag:$0x0] =	sbarrier.arrive $0xFFFF  }
0x5a: {  	_ =	strace $0x90000053  }
0x5b: {  	s0 =	stileid.u32;
	[bflag:$0x2] =	sbarrier.arrive $0xFFFF  }
0x5c: {  	p0 =	sne.s32 s0, $0x0;
	s0 =	rddreg [dreg:$0x4]  }
0x5d: {  	s0 =	sadd.s32 @!p0 $0x100000, s0  }
0x5e: {  	[sflag:s0] =	ssyncadd.tile.s32 @!p0 $0x1;
	_ =	shalt  }
.Lfunc_end2:
_tile_overlayer_lowered:
.L_overlay_start_2:
0x5f: {  	(tag) =	ssettag $0x2  }
0x60: {  	s0 =	rddreg [dreg:$0x0];
	s2 =	stileid.u32  }
0x61: {  	s1 =	rddreg [dreg:$0x1];
	p0 =	sne.s32 s2, $0x0  }
0x62: {  	s3 =	rddreg [dreg:$0x2];
	[bflag:$0x3] =	sbarrier.arrive $0xFFFF;
	s2 =	simm.s32 @!p0 $0x1C03  }
0x63: {  	[timem:s3], [sflag:s2] =	dma.local @!p0 [hbm:s0], s1  }
0x64: {  	s0 =	simm.s32 @!p0 $0x3  }
0x65: {  	_ =	swait.ge @!p0 [sflag:s0], s1  }
0x66: {  	s1 =	ssub.s32 @!p0 $0x0, s1;
	[sflag:s0] =	ssyncset.done @!p0 $0x0  }
0x67: {  	[sflag:s0] =	ssyncadd.s32 @!p0 s1  }
0x68: {  	[bflag:$0x3] =	sbarrier.arrive $0xFFFF  }
0x69: {  	_ =	shalt  }

// kernel: kernel.40.cloned.1.call-start
scs
__scs_entry_jumppad:
0x0: {  	(pc) =	sbr.rel $0x88, $3  }
0x1: {  	(tag) =	ssettag $0x0;
	lr =	simm.s32 $0x1  }
0x2: {  	[smem:$0x3F81] =	sst lr;
	_ =	strace $0xD0000000  }
0x3: {  	_ = 	snop  }
0x4: {  	_ = 	snop  }
0x5: {  	_ = 	snop  }
0x6: {  	_ = 	snop  }
0x7: {  	_ = 	snop  }
__scs_overlays_trampoline_lowered:
0x8: {  	[smem:$0x3F90] =	sst s0  }
0x9: {  	[smem:$0x3F91] =	sst s1  }
0xa: {  	[smem:$0x3F92] =	sst s2  }
0xb: {  	[smem:$0x3F93] =	sst s3  }
0xc: {  	[smem:$0x3F94] =	sst s4  }
0xd: {  	[smem:$0x3F95] =	sst s5  }
0xe: {  	[smem:$0x3F96] =	sst s6  }
0xf: {  	[smem:$0x3F97] =	sst s7  }
0x10: {  	[smem:$0x3F98] =	sst s8  }
0x11: {  	[smem:$0x3F99] =	sst s9;
	s0 =	simm.s32 @!p0 $0x0  }
0x12: {  	s1 =	sld [smem:$0x3F7F];
	s0 =	simm.s32 @p0 $0x1  }
0x13: {  	[smem:$0x3F9A] =	sst s0;
	s0 =	simm.s32 @!p1 $0x0  }
0x14: {  	s2 =	sld [smem:$0x3F7E];
	s0 =	simm.s32 @p1 $0x1  }
0x15: {  	[smem:$0x3F9B] =	sst s0;
	s0 =	simm.s32 @!p2 $0x0  }
0x16: {  	s3 =	sld [smem:$0x3FDB];
	s0 =	simm.s32 @p2 $0x1  }
0x17: {  	s4 =	simm.s32 $0x1BF5;
	[smem:$0x3F9D] =	sst s0  }
0x18: {  	s0 =	sld [smem:$0x3F80];
	_ =	swait.ge [sflag:s4], $0x0  }
0x19: {  	s7 =	sld [smem:$0x3F81]  }
0x1a: {  	s8 =	sadd.s32 $0xFFFFE003, lr  }
0x1b: {  	s9 =	sadd.s32 $0xFFFFFEF7, lr;
	s5 =	simm.s32 $0xFFFFFFFF;
	p2 =	slt.u32 s8, $0xFFFFF086  }
0x1c: {  	p1 =	slt.u32 s9, $0xF7A;
	s5 =	simm.s32 @!p2 $0x0  }
0x1d: {  	s5 =	simm.s32 @p1 $0x1;
	p0 =	seq.s32 s7, s2  }
0x1e: {  	s7 =	smul.u32 @!p0 $0xF7A, s2;
	p2 =	seq.s32 @!p0 s5, $0x0  }
0x1f: {  	s9 =	smul.u32 $0xF7A, s1;
	s8 =	simm.s32 @!p0 $0x1BF5;
	p2 =	por !p2, p0  }
0x20: {  	[sflag:s8] =	ssyncset.s32 @!p0 $0xFFFFF086;
	s6 =	sadd.s32 @!p0 s3, s7;
	s7 =	simm.s32 @!p0 $0x108  }
0x21: {  	s3 =	sadd.s32 s3, s9;
	s6 =	sadd.s32 @!p0 $0x88, s6;
	s7 =	simm.s32 @p2 $0x1082  }
0x22: {  	[simem:s7], [sflag:s8] =	dma.local @!p0 [hbm:s6], $0xF7A  }
0x23: {  	s9 =	sor.u32 $0xD0000000, s2;
	s6 =	simm.s32 $0x108;
	_ =	swait.ge @!p0 [sflag:s8], $0x0  }
0x24: {  	s3 =	sadd.s32 $0x88, s3;
	s6 =	simm.s32 @!p1 $0x1082;
	[sflag:s4] =	ssyncset.s32 $0xFFFFF086  }
0x25: {  	[simem:s6], [sflag:s4] =	dma.local [hbm:s3], $0xF7A  }
0x26: {  	[smem:$0x3F81] =	sst s1;
	(tag) =	ssettag s2;
	_ =	strace s9  }
0x27: {  	s1 =	sld [smem:$0x3F91]  }
0x28: {  	s2 =	sld [smem:$0x3F92]  }
0x29: {  	s4 =	sld [smem:$0x3F94]  }
0x2a: {  	p0 =	seq.s32 s5, $0x0;
	s5 =	sld [smem:$0x3F95]  }
0x2b: {  	s6 =	sld [smem:$0x3F96]  }
0x2c: {  	s7 =	sld [smem:$0x3F97]  }
0x2d: {  	s3 =	simm.s32 $0x108;
	s8 =	sld [smem:$0x3F98]  }
0x2e: {  	s3 =	simm.s32 @!p0 $0x1082;
	s9 =	sld [smem:$0x3F99]  }
0x2f: {  	lr =	sadd.s32 s0, s3;
	s0 =	sld [smem:$0x3F90]  }
0x30: {  	s3 =	sld [smem:$0x3F93]  }
0x31: {  	[smem:$0x3F9C] =	sst s10  }
0x32: {  	s10 =	sld [smem:$0x3F9A];
	_ =	sdelay $0x3  }
0x33: {  	p0 =	seq.s32 s10, $0x1;
	s10 =	sld [smem:$0x3F9C];
	_ =	sdelay $0x3  }
0x34: {  	[smem:$0x3F9C] =	sst s10  }
0x35: {  	s10 =	sld [smem:$0x3F9B];
	_ =	sdelay $0x3  }
0x36: {  	p1 =	seq.s32 s10, $0x1;
	s10 =	sld [smem:$0x3F9C];
	_ =	sdelay $0x3  }
0x37: {  	[smem:$0x3F9C] =	sst s10  }
0x38: {  	s10 =	sld [smem:$0x3F9D]  }
0x39: {  	_ = 	snop;
	(pc) =	sbr.ind lr, $3  }
0x3a: {  	_ = 	snop  }
0x3b: {  	_ = 	snop  }
0x3c: {  	p2 =	seq.s32 s10, $0x1;
	s10 =	sld [smem:$0x3F9C]  }
0x3d: {  	_ =	shalt  }
0x3e: {  	_ =	shalt  }
0x3f: {  	_ =	shalt  }
0x40: {  	_ =	shalt  }
0x41: {  	_ =	shalt  }
0x42: {  	_ =	shalt  }
0x43: {  	_ =	shalt  }
0x44: {  	_ =	shalt  }
0x45: {  	_ =	shalt  }
0x46: {  	_ =	shalt  }
0x47: {  	_ =	shalt  }
0x48: {  	_ =	shalt  }
0x49: {  	_ =	shalt  }
0x4a: {  	_ =	shalt  }
0x4b: {  	_ =	shalt  }
0x4c: {  	_ =	shalt  }
0x4d: {  	_ =	shalt  }
0x4e: {  	_ =	shalt  }
0x4f: {  	_ =	shalt  }
0x50: {  	_ =	shalt  }
0x51: {  	_ =	shalt  }
0x52: {  	_ =	shalt  }
0x53: {  	_ =	shalt  }
0x54: {  	_ =	shalt  }
0x55: {  	_ =	shalt  }
0x56: {  	_ =	shalt  }
0x57: {  	_ =	shalt  }
0x58: {  	_ =	shalt  }
0x59: {  	_ =	shalt  }
0x5a: {  	_ =	shalt  }
0x5b: {  	_ =	shalt  }
0x5c: {  	_ =	shalt  }
0x5d: {  	_ =	shalt  }
0x5e: {  	_ =	shalt  }
0x5f: {  	_ =	shalt  }
0x60: {  	_ =	shalt  }
0x61: {  	_ =	shalt  }
0x62: {  	_ =	shalt  }
0x63: {  	_ =	shalt  }
0x64: {  	_ =	shalt  }
0x65: {  	_ =	shalt  }
0x66: {  	_ =	shalt  }
0x67: {  	_ =	shalt  }
0x68: {  	_ =	shalt  }
0x69: {  	_ =	shalt  }
0x6a: {  	_ =	shalt  }
0x6b: {  	_ =	shalt  }
0x6c: {  	_ =	shalt  }
0x6d: {  	_ =	shalt  }
0x6e: {  	_ =	shalt  }
0x6f: {  	_ =	shalt  }
0x70: {  	_ =	shalt  }
0x71: {  	_ =	shalt  }
0x72: {  	_ =	shalt  }
0x73: {  	_ =	shalt  }
0x74: {  	_ =	shalt  }
0x75: {  	_ =	shalt  }
0x76: {  	_ =	shalt  }
0x77: {  	_ =	shalt  }
0x78: {  	_ =	shalt  }
0x79: {  	_ =	shalt  }
0x7a: {  	_ =	shalt  }
0x7b: {  	_ =	shalt  }
0x7c: {  	_ =	shalt  }
0x7d: {  	_ =	shalt  }
0x7e: {  	_ =	shalt  }
0x7f: {  	_ =	shalt  }
0x80: {  	_ =	shalt  }
0x81: {  	_ =	shalt  }
0x82: {  	_ =	shalt  }
0x83: {  	_ =	shalt  }
0x84: {  	_ =	shalt  }
0x85: {  	_ =	shalt  }
0x86: {  	_ =	shalt  }
0x87: {  	_ =	shalt  }
.Lfunc_end0:
.L_simem_size_0:
called_computation.5_lowered:
.L_overlay_start_0:
0x88: {  	s2 =	sld [smem:$0x3FD9]  }
0x89: {  	s3 =	sld [smem:$0x3FFE];
	_ =	sdelay $0x1  }
0x8a: {  	s1 =	srdreg.scid  }
0x8b: {  	s0 =	sand.u32 $0x1, s1  }
0x8c: {  	s14 =	sshll.u32 s0, $0xA;
	s2 =	sadd.s32 s3, s2  }
0x8d: {  	s2 =	sadd.s32 s2, s14  }
0x8e: {  	[smem:$0x3FA8] =	sst s2  }
0x8f: {  	_ = 	snop  }
0x90: {  	s2 =	sld [smem:$0x3FD0];
	_ =	sdelay $0x2  }
0x91: {  	s15 =	simm.s32 $0xA;
	s4 =	simm.s32 $0x10  }
0x92: {  	[smem:s4], [sflag:s15] =	dma.local [hbm:s2], $0x1  }
0x93: {  	_ =	swait.eq [sflag:s15], $0x1  }
0x94: {  	[sflag:s15] =	ssyncset.done $0x0  }
0x95: {  	[sflag:s15] =	ssyncadd.s32 $0xFFFFFFFF  }
0x96: {  	s16 =	sld [smem:$0x10];
	(tm) =	ssettm $0x1  }
0x97: {  	s17 =	sld [smem:$0x3FFB];
	_ =	sdelay $0x3  }
0x98: {  	_ =	strace s17  }
0x99: {  	s3 =	sld [smem:$0x3FFC];
	_ =	sdelay $0x3  }
0x9a: {  	_ =	strace s3  }
0x9b: {  	s3 =	sld [smem:$0x3FFD];
	_ =	sdelay $0x3  }
0x9c: {  	_ =	strace s3  }
0x9d: {  	_ =	strace $0x8FFFFFFF  }
0x9e: {  	s18 =	sld [smem:$0x3FDB];
	_ =	sdelay $0x1  }
0x9f: {  	s19 =	simm.s32 $_scs_section_size  }
0xa0: {  	s5 =	simm.s32 $_size__tile_overlayer_lowered;
	s6 =	simm.s32 $_tile_overlayer_lowered  }
0xa1: {  	s22 =	simm.s32 $0x1BFF;
	s21 =	sshll.u32 s6, $0x1;
	s3 =	sadd.s32 s19, s18  }
0xa2: {  	s7 =	simm.s32 $0x0;
	s20 =	sshll.u32 s5, $0x1;
	s5 =	sadd.s32 s21, s3  }
0xa3: {  	[timem:s7], [sflag:s22] =	dma.local [hbm:s5], s20  }
0xa4: {  	_ =	swait.ge [sflag:s22], s20  }
0xa5: {  	s4 =	ssub.s32 $0x0, s20;
	[sflag:s22] =	ssyncset.done $0x0  }
0xa6: {  	[sflag:s22] =	ssyncadd.s32 s4;
	_ =	sdelay $0x1  }
0xa7: {  	s23 =	simm.s32 $0x1B8B  }
0xa8: {  	_ =	swait.ge [sflag:s23], $0x1  }
0xa9: {  	[sflag:s23] =	ssyncset.done $0x0  }
0xaa: {  	s25 =	simm.s32 $0x1B8E;
	s24 =	sld [smem:$0x3FFE];
	[sflag:s23] =	ssyncadd.s32 $0xFFFFFFFF  }
0xab: {  	s26 =	simm.s32 $execute0_lowered;
	[smem:$0x3FD2] =	sst s25  }
0xac: {  	s5 =	sshll.u32 s26, $0x1;
	_ =	strace $0x80000055;
	[dreg:$0x1] =	wrdreg $0xFFFFFFFF  }
0xad: {  	s28 =	simm.s32 $_size_execute0_lowered;
	s3 =	sadd.s32 s3, s5;
	[dreg:$0x0] =	wrdreg $0x0  }
0xae: {  	s5 =	sshll.u32 s28, $0x1;
	[dreg:$0x2] =	wrdreg s3  }
0xaf: {  	[dreg:$0x3] =	wrdreg s5  }
0xb0: {  	[dreg:$0x4] =	wrdreg $0xC0  }
0xb1: {  	_ =	task [dreg:s7], $0x5FFFF  }
0xb2: {  	[dreg:$0x1] =	wrdreg $0xFFFFFFFF  }
0xb3: {  	[dreg:$0x0] =	wrdreg $0x60  }
0xb4: {  	[dreg:$0x2] =	wrdreg s16  }
0xb5: {  	[dreg:$0x3] =	wrdreg s24  }
0xb6: {  	[dreg:$0x4] =	wrdreg $0x6D000  }
0xb7: {  	[dreg:$0x5] =	wrdreg $0x9E000  }
0xb8: {  	[dreg:$0x6] =	wrdreg $0x9  }
0xb9: {  	_ =	task.clear_ibuf [dreg:s7], $0x7FFFF;
	_ =	strace $0x90000055  }
0xba: {  	s29 =	simm.s32 $0x9;
	_ =	strace $0x80000057  }
0xbb: {  	_ =	swait.ge [sflag:s29], $0x1  }
0xbc: {  	[sflag:s29] =	ssyncadd.s32 $0xFFFFFFFF  }
0xbd: {  	_ =	strace $0x90000057  }
0xbe: {  	_ =	sfence  }
0xbf: {  	s30 =	sld [smem:$0x0];
	_ =	sdelay $0x2  }
0xc0: {  	s31 =	sshll.u32 s1, $0xD;
	s1 =	sshrl.u32 s1, $0x2  }
0xc1: {  	s3 =	sand.u32 $0x4000, s31;
	s1 =	sadd.s32 s1, s30  }
0xc2: {  	s0 =	sor.u32 s3, s0;
	s1 =	sshll.u32 s1, $0x11  }
0xc3: {  	s0 =	sor.u32 s1, s0  }
0xc4: {  	s0 =	sadd.s32 $0x8F2B, s0  }
0xc5: {  	[sflag:s0] =	ssyncadd.remote.s32 $0x1  }
0xc6: {  	_ =	sfence.sel $0xFFFF  }
0xc7: {  	[dreg:$0x0] =	wrdreg $0xFFFFFFFF;
	(pc) =	sbr.abs _section_cstart, $3  }
0xc8: {  	[dreg:$0x1] =	wrdreg $0xFFFFFFFF  }
0xc9: {  	_ =	task.clear_ibuf [dreg:s7], $0x2FFFF;
	_ =	strace $0x9FFFFFFF  }
0xca: {  	(tm) =	ssettm $0x7FFFFFFF  }
0xcb: {  	_ =	shalt  }
tec
execute0_lowered:
.L_overlay_start_1:
0x0: {  	(tag) =	ssettag $0x1  }
0x1: {  	s1 =	rddreg [dreg:$0x0]  }
0x2: {  	s0 =	srdreg.scid;
	s6 =	rddreg [dreg:$0x1]  }
0x3: {  	s7 =	stileid.u32;
	s2 =	rddreg [dreg:$0x2];
	s13 =	simm.s32 $0x3  }
0x4: {  	s14 =	simm.s32 $0x3C00;
	s15 =	simm.s32 $0x80;
	s28 =	simm.s32 $0x2B00  }
0x5: {  	s29 =	simm.s32 $0x380;
	s30 =	simm.s32 $0x2B80;
	s0 =	sand.u32 $0x1, s0  }
0x6: {  	s31 =	simm.s32 $0x1;
	s10 =	smul.u32 $0x3100, s7;
	s3 =	sshll.u32 s0, $0x4  }
0x7: {  	s25 =	smul.u32 $0x31000, s0;
	s0 =	ssub.s32 $0x2, s0;
	s4 =	sor.u32 s7, s3  }
0x8: {  	s3 =	rddreg [dreg:$0x3];
	s9 =	sshrl.u32 s0, $0x1;
	s26 =	sshrl.u32 s10, $0x3  }
0x9: {  	s5 =	smul.u32 $0x280, s4;
	s4 =	simm.s32 $0x0;
	s7 =	sadd.s32 s10, s25  }
0xa: {  	s0 =	ssub.s32 s0, s9;
	s9 =	sadd.s32 s10, s2;
	s10 =	sadd.s32 s10, s3  }
0xb: {  	s25 =	simm.s32 $0x2A80;
	[smem:$0x7FF] =	sst s4;
	s7 =	sshrl.u32 s7, $0x3  }
0xc: {  	s12 =	smax.u32 s0, $0x1;
	s0 =	simm.s32 $0x0;
	_ =	strace $0x80000056  }
0xd: {  	s8 =	sadd.s32 s5, s6;
	s5 =	sadd.s32 $0x11000, s6;
	s11 =	sadd.s32 s7, s6  }
0xe: {  	s6 =	sadd.s32 $0x7000, s8;
	s7 =	sadd.s32 $0xC000, s8;
	s8 =	sadd.s32 s1, s26  }
0xf: {  	s11 =	sadd.s32 $0x11800, s11;
	s26 =	simm.s32 $0x300;
	s1 =	simm.s32 $0x2  }
.LBB2_1:
0x10: {  	[tilespmem:s4], [sflag:$0x3] =	stream.linear.gather [hbm4b:s6+s4], $0x1400, $0x38;
	[tilespmem:$0xCF00] =	vst v63  }
0x11: {  	_ =	swait.ge [sflag:s13], $0x1400  }
0x12: {  	[sflag:s13] =	ssyncset.done $0x0  }
0x13: {  	s17 =	simm.s32 $0x1400;
	[sflag:s13] =	ssyncadd.s32 $0xFFFFEC00  }
0x14: {  	[tilespmem:s17], [sflag:$0x3] =	stream.linear.gather [hbm4b:s7+s4], $0x1400, $0x38;
	[tilespmem:$0xCF00] =	vst v63  }
0x15: {  	_ =	swait.ge [sflag:s13], $0x1400  }
0x16: {  	[sflag:s13] =	ssyncset.done $0x0  }
0x17: {  	[sflag:s13] =	ssyncadd.s32 $0xFFFFEC00  }
0x18: {  	[tilespmem:s14], [sflag:$0x3] =	stream.linear.gather [hbm4b:s8+s4], $0x3100, $0x38;
	[tilespmem:$0xCF00] =	vst v63  }
0x19: {  	_ =	swait.ge [sflag:s13], $0x3100  }
0x1a: {  	[sflag:s13] =	ssyncset.done $0x0  }
0x1b: {  	[sflag:s13] =	ssyncadd.s32 $0xFFFFCF00  }
0x1c: {  	[spmem:s9] =	stream.linear.scatter [tilespmem:s14], [sflag:$0x3], $0x3100, $0x38;
	[tilespmem:$0xCF00] =	vst v63  }
0x1d: {  	_ =	swait.ge [sflag:s13], $0x3100  }
0x1e: {  	[sflag:s13] =	ssyncset.done $0x0  }
0x1f: {  	[sflag:s13] =	ssyncadd.s32 $0xFFFFCF00  }
0x20: {  	[tilespmem:s14], [sflag:$0x3] =	stream.linear.gather [hbm4b:s5+s4], $0x3100, $0x38;
	[tilespmem:$0xCF00] =	vst v63  }
0x21: {  	_ =	swait.ge [sflag:s13], $0x3100  }
0x22: {  	[sflag:s13] =	ssyncset.done $0x0  }
0x23: {  	[sflag:s13] =	ssyncadd.s32 $0xFFFFCF00  }
0x24: {  	[spmem:s10] =	stream.linear.scatter [tilespmem:s14], [sflag:$0x3], $0x3100, $0x38;
	[tilespmem:$0xCF00] =	vst v63  }
0x25: {  	_ =	swait.ge [sflag:s13], $0x3100  }
0x26: {  	[sflag:s13] =	ssyncset.done $0x0  }
0x27: {  	[sflag:s13] =	ssyncadd.s32 $0xFFFFCF00  }
0x28: {  	s16 =	simm.s32 $0x2800;
	[bflag:$0x0] =	sbarrier.arrive $0xFFFF  }
0x29: {  	[tilespmem:s16], [sflag:$0x1] =	stream.indirect.gather [spmem:s2], $0x1, s4, s15, $0xb8;
	[tilespmem:$0xCF00] =	vst v63  }
0x2a: {  	s18 =	simm.s32 $0x2880  }
0x2b: {  	[tilespmem:s18], [sflag:$0x1] =	stream.indirect.gather [spmem:s2], $0x1, s15, s15, $0xb8;
	[tilespmem:$0xCF00] =	vst v63  }
0x2c: {  	s19 =	simm.s32 $0x100;
	s18 =	simm.s32 $0x2900  }
0x2d: {  	[tilespmem:s18], [sflag:$0x1] =	stream.indirect.gather [spmem:s2], $0x1, s19, s15, $0xb8;
	[tilespmem:$0xCF00] =	vst v63  }
0x2e: {  	s20 =	simm.s32 $0x180;
	s21 =	simm.s32 $0x2980  }
0x2f: {  	[tilespmem:s21], [sflag:$0x1] =	stream.indirect.gather [spmem:s2], $0x1, s20, s15, $0xb8;
	[tilespmem:$0xCF00] =	vst v63  }
0x30: {  	s22 =	simm.s32 $0x200;
	s23 =	simm.s32 $0x2A00  }
0x31: {  	[tilespmem:s23], [sflag:$0x1] =	stream.indirect.gather [spmem:s2], $0x1, s22, s15, $0xb8;
	[tilespmem:$0xCF00] =	vst v63  }
0x32: {  	s24 =	simm.s32 $0x280  }
0x33: {  	[tilespmem:s25], [sflag:$0x1] =	stream.indirect.gather [spmem:s2], $0x1, s24, s15, $0xb8;
	[tilespmem:$0xCF00] =	vst v63  }
0x34: {  	_ = 	snop  }
0x35: {  	[tilespmem:s28], [sflag:$0x1] =	stream.indirect.gather [spmem:s2], $0x1, s26, s15, $0xb8;
	[tilespmem:$0xCF00] =	vst v63  }
0x36: {  	_ = 	snop  }
0x37: {  	[tilespmem:s30], [sflag:$0x1] =	stream.indirect.gather [spmem:s2], $0x1, s29, s15, $0xb8;
	[tilespmem:$0xCF00] =	vst v63  }
0x38: {  	p0 =	por $0x0, $0x0;
	s16 =	simm.s32 $0x400;
	_ =	swait.ge [sflag:s31], $0x80  }
0x39: {  	s18 =	simm.s32 $0x2C00;
	s19 =	simm.s32 $0x2800;
	[sflag:s31] =	ssyncset.done $0x0  }
0x3a: {  	s20 =	simm.s32 $0x480;
	s21 =	simm.s32 $0x2C80;
	[sflag:s31] =	ssyncadd.s32 $0xFFFFFF80  }
0x3b: {  	[spmem:s3] =	stream.indirect.scatter.add.f32 [tilespmem:s19], [sflag:$0x2], $0x1, s17, s15, $0xb8;
	[tilespmem:$0xCF00] =	vst v63  }
0x3c: {  	s22 =	simm.s32 @!p0 $0x80;
	s17 =	simm.s32 $0x1;
	s19 =	simm.s32 $0x1480  }
.LBB2_2:
0x3d: {  	[tilespmem:s18], [sflag:$0x1] =	stream.indirect.gather @!p0 [spmem:s2], $0x1, s16, s22, $0xb8;
	[tilespmem:$0xCF00] =	vst v63  }
0x3e: {  	s22 =	smov.u32 s17  }
0x3f: {  	s23 =	smov.u32 s19;
	s16 =	smov.u32 s20;
	s17 =	sadd.s32 $0x1, s17  }
0x40: {  	s18 =	smov.u32 s21;
	p1 =	sne.s32 s17, $0x28  }
.Ltmp0:
0x41: {  	_ =	swait.ge [sflag:s31], $0x80;
	(pc) =	sbr.rel @p1 .LBB2_2-.Ltmp0, $4  }
0x42: {  	s19 =	sadd.s32 $0x80, s19;
	[sflag:s31] =	ssyncset.done $0x0  }
0x43: {  	s24 =	sadd.s32 $0xFFFFFC00, s21;
	p0 =	sgt.u32 s22, $0x1F;
	[sflag:s31] =	ssyncadd.s32 $0xFFFFFF80  }
0x44: {  	[spmem:s3] =	stream.indirect.scatter.add.f32 [tilespmem:s24], [sflag:$0x2], $0x1, s23, s15, $0xb8;
	[tilespmem:$0xCF00] =	vst v63  }
0x45: {  	s20 =	sadd.s32 $0x80, s20;
	s21 =	sadd.s32 $0x80, s21;
	s22 =	simm.s32 @!p0 $0x80  }
0x46: {  	[tilespmem:s18], [sflag:$0x1] =	stream.indirect.gather @!p0 [spmem:s2], $0x1, s16, s22, $0xb8;
	[tilespmem:$0xCF00] =	vst v63  }
0x47: {  	_ =	swait.ge [sflag:s1], $0x80  }
0x48: {  	s16 =	simm.s32 $0x27;
	[sflag:s1] =	ssyncset.done $0x0  }
.LBB2_4:
0x49: {  	p0 =	sne.s32 s16, $0x1;
	s16 =	sadd.s32 $0xFFFFFFFF, s16;
	[sflag:s1] =	ssyncadd.s32 $0xFFFFFF80  }
.Ltmp1:
0x4a: {  	(pc) =	sbr.rel @p0 .LBB2_4-.Ltmp1, $3  }
0x4b: {  	_ =	sdelay $0x1  }
0x4c: {  	_ =	swait.ge [sflag:s1], $0x80  }
0x4d: {  	[sflag:s1] =	ssyncset.done $0x0  }
0x4e: {  	[sflag:s1] =	ssyncadd.s32 $0xFFFFFF80  }
0x4f: {  	[bflag:$0x0] =	sbarrier.arrive $0xFFFF  }
0x50: {  	[tilespmem:s14], [sflag:$0x3] =	stream.linear.gather [spmem:s10], $0x3100, $0x38;
	[tilespmem:$0xCF00] =	vst v63  }
0x51: {  	s0 =	sadd.s32 $0x1, s0;
	_ =	swait.ge [sflag:s13], $0x3100  }
0x52: {  	p0 =	sne.s32 s0, s12;
	[sflag:s13] =	ssyncset.done $0x0  }
.Ltmp2:
0x53: {  	[sflag:s13] =	ssyncadd.s32 $0xFFFFCF00;
	(pc) =	sbr.rel @p0 .LBB2_1-.Ltmp2, $4  }
0x54: {  	[hbm4b:s11+s4] =	stream.linear.scatter [tilespmem:s14], [sflag:$0x3], $0x3100, $0x38;
	[tilespmem:$0xCF00] =	vst v63  }
0x55: {  	_ =	swait.ge [sflag:s13], $0x3100  }
0x56: {  	[sflag:s13] =	ssyncset.done $0x0  }
0x57: {  	[sflag:s13] =	ssyncadd.s32 $0xFFFFCF00  }
0x58: {  	_ =	sfence.sel $0x180000  }
0x59: {  	[bflag:$0x0] =	sbarrier.arrive $0xFFFF  }
0x5a: {  	_ =	strace $0x90000056  }
0x5b: {  	s0 =	stileid.u32;
	[bflag:$0x2] =	sbarrier.arrive $0xFFFF  }
0x5c: {  	p0 =	sne.s32 s0, $0x0;
	s0 =	rddreg [dreg:$0x4]  }
0x5d: {  	s0 =	sadd.s32 @!p0 $0x100000, s0  }
0x5e: {  	[sflag:s0] =	ssyncadd.tile.s32 @!p0 $0x1;
	_ =	shalt  }
.Lfunc_end2:
_tile_overlayer_lowered:
.L_overlay_start_2:
0x5f: {  	(tag) =	ssettag $0x2  }
0x60: {  	s0 =	rddreg [dreg:$0x0];
	s2 =	stileid.u32  }
0x61: {  	s1 =	rddreg [dreg:$0x1];
	p0 =	sne.s32 s2, $0x0  }
0x62: {  	s3 =	rddreg [dreg:$0x2];
	[bflag:$0x3] =	sbarrier.arrive $0xFFFF;
	s2 =	simm.s32 @!p0 $0x1C03  }
0x63: {  	[timem:s3], [sflag:s2] =	dma.local @!p0 [hbm:s0], s1  }
0x64: {  	s0 =	simm.s32 @!p0 $0x3  }
0x65: {  	_ =	swait.ge @!p0 [sflag:s0], s1  }
0x66: {  	s1 =	ssub.s32 @!p0 $0x0, s1;
	[sflag:s0] =	ssyncset.done @!p0 $0x0  }
0x67: {  	[sflag:s0] =	ssyncadd.s32 @!p0 s1  }
0x68: {  	[bflag:$0x3] =	sbarrier.arrive $0xFFFF  }
0x69: {  	_ =	shalt  }

// kernel: kernel.43.cloned.1.call-start
scs
__scs_entry_jumppad:
0x0: {  	(pc) =	sbr.rel $0x88, $3  }
0x1: {  	(tag) =	ssettag $0x0;
	lr =	simm.s32 $0x1  }
0x2: {  	[smem:$0x3F81] =	sst lr;
	_ =	strace $0xD0000000  }
0x3: {  	_ = 	snop  }
0x4: {  	_ = 	snop  }
0x5: {  	_ = 	snop  }
0x6: {  	_ = 	snop  }
0x7: {  	_ = 	snop  }
__scs_overlays_trampoline_lowered:
0x8: {  	[smem:$0x3F90] =	sst s0  }
0x9: {  	[smem:$0x3F91] =	sst s1  }
0xa: {  	[smem:$0x3F92] =	sst s2  }
0xb: {  	[smem:$0x3F93] =	sst s3  }
0xc: {  	[smem:$0x3F94] =	sst s4  }
0xd: {  	[smem:$0x3F95] =	sst s5  }
0xe: {  	[smem:$0x3F96] =	sst s6  }
0xf: {  	[smem:$0x3F97] =	sst s7  }
0x10: {  	[smem:$0x3F98] =	sst s8  }
0x11: {  	[smem:$0x3F99] =	sst s9;
	s0 =	simm.s32 @!p0 $0x0  }
0x12: {  	s1 =	sld [smem:$0x3F7F];
	s0 =	simm.s32 @p0 $0x1  }
0x13: {  	[smem:$0x3F9A] =	sst s0;
	s0 =	simm.s32 @!p1 $0x0  }
0x14: {  	s2 =	sld [smem:$0x3F7E];
	s0 =	simm.s32 @p1 $0x1  }
0x15: {  	[smem:$0x3F9B] =	sst s0;
	s0 =	simm.s32 @!p2 $0x0  }
0x16: {  	s3 =	sld [smem:$0x3FDB];
	s0 =	simm.s32 @p2 $0x1  }
0x17: {  	s4 =	simm.s32 $0x1BF5;
	[smem:$0x3F9D] =	sst s0  }
0x18: {  	s0 =	sld [smem:$0x3F80];
	_ =	swait.ge [sflag:s4], $0x0  }
0x19: {  	s7 =	sld [smem:$0x3F81]  }
0x1a: {  	s8 =	sadd.s32 $0xFFFFE003, lr  }
0x1b: {  	s9 =	sadd.s32 $0xFFFFFEF7, lr;
	s5 =	simm.s32 $0xFFFFFFFF;
	p2 =	slt.u32 s8, $0xFFFFF086  }
0x1c: {  	p1 =	slt.u32 s9, $0xF7A;
	s5 =	simm.s32 @!p2 $0x0  }
0x1d: {  	s5 =	simm.s32 @p1 $0x1;
	p0 =	seq.s32 s7, s2  }
0x1e: {  	s7 =	smul.u32 @!p0 $0xF7A, s2;
	p2 =	seq.s32 @!p0 s5, $0x0  }
0x1f: {  	s9 =	smul.u32 $0xF7A, s1;
	s8 =	simm.s32 @!p0 $0x1BF5;
	p2 =	por !p2, p0  }
0x20: {  	[sflag:s8] =	ssyncset.s32 @!p0 $0xFFFFF086;
	s6 =	sadd.s32 @!p0 s3, s7;
	s7 =	simm.s32 @!p0 $0x108  }
0x21: {  	s3 =	sadd.s32 s3, s9;
	s6 =	sadd.s32 @!p0 $0x88, s6;
	s7 =	simm.s32 @p2 $0x1082  }
0x22: {  	[simem:s7], [sflag:s8] =	dma.local @!p0 [hbm:s6], $0xF7A  }
0x23: {  	s9 =	sor.u32 $0xD0000000, s2;
	s6 =	simm.s32 $0x108;
	_ =	swait.ge @!p0 [sflag:s8], $0x0  }
0x24: {  	s3 =	sadd.s32 $0x88, s3;
	s6 =	simm.s32 @!p1 $0x1082;
	[sflag:s4] =	ssyncset.s32 $0xFFFFF086  }
0x25: {  	[simem:s6], [sflag:s4] =	dma.local [hbm:s3], $0xF7A  }
0x26: {  	[smem:$0x3F81] =	sst s1;
	(tag) =	ssettag s2;
	_ =	strace s9  }
0x27: {  	s1 =	sld [smem:$0x3F91]  }
0x28: {  	s2 =	sld [smem:$0x3F92]  }
0x29: {  	s4 =	sld [smem:$0x3F94]  }
0x2a: {  	p0 =	seq.s32 s5, $0x0;
	s5 =	sld [smem:$0x3F95]  }
0x2b: {  	s6 =	sld [smem:$0x3F96]  }
0x2c: {  	s7 =	sld [smem:$0x3F97]  }
0x2d: {  	s3 =	simm.s32 $0x108;
	s8 =	sld [smem:$0x3F98]  }
0x2e: {  	s3 =	simm.s32 @!p0 $0x1082;
	s9 =	sld [smem:$0x3F99]  }
0x2f: {  	lr =	sadd.s32 s0, s3;
	s0 =	sld [smem:$0x3F90]  }
0x30: {  	s3 =	sld [smem:$0x3F93]  }
0x31: {  	[smem:$0x3F9C] =	sst s10  }
0x32: {  	s10 =	sld [smem:$0x3F9A];
	_ =	sdelay $0x3  }
0x33: {  	p0 =	seq.s32 s10, $0x1;
	s10 =	sld [smem:$0x3F9C];
	_ =	sdelay $0x3  }
0x34: {  	[smem:$0x3F9C] =	sst s10  }
0x35: {  	s10 =	sld [smem:$0x3F9B];
	_ =	sdelay $0x3  }
0x36: {  	p1 =	seq.s32 s10, $0x1;
	s10 =	sld [smem:$0x3F9C];
	_ =	sdelay $0x3  }
0x37: {  	[smem:$0x3F9C] =	sst s10  }
0x38: {  	s10 =	sld [smem:$0x3F9D]  }
0x39: {  	_ = 	snop;
	(pc) =	sbr.ind lr, $3  }
0x3a: {  	_ = 	snop  }
0x3b: {  	_ = 	snop  }
0x3c: {  	p2 =	seq.s32 s10, $0x1;
	s10 =	sld [smem:$0x3F9C]  }
0x3d: {  	_ =	shalt  }
0x3e: {  	_ =	shalt  }
0x3f: {  	_ =	shalt  }
0x40: {  	_ =	shalt  }
0x41: {  	_ =	shalt  }
0x42: {  	_ =	shalt  }
0x43: {  	_ =	shalt  }
0x44: {  	_ =	shalt  }
0x45: {  	_ =	shalt  }
0x46: {  	_ =	shalt  }
0x47: {  	_ =	shalt  }
0x48: {  	_ =	shalt  }
0x49: {  	_ =	shalt  }
0x4a: {  	_ =	shalt  }
0x4b: {  	_ =	shalt  }
0x4c: {  	_ =	shalt  }
0x4d: {  	_ =	shalt  }
0x4e: {  	_ =	shalt  }
0x4f: {  	_ =	shalt  }
0x50: {  	_ =	shalt  }
0x51: {  	_ =	shalt  }
0x52: {  	_ =	shalt  }
0x53: {  	_ =	shalt  }
0x54: {  	_ =	shalt  }
0x55: {  	_ =	shalt  }
0x56: {  	_ =	shalt  }
0x57: {  	_ =	shalt  }
0x58: {  	_ =	shalt  }
0x59: {  	_ =	shalt  }
0x5a: {  	_ =	shalt  }
0x5b: {  	_ =	shalt  }
0x5c: {  	_ =	shalt  }
0x5d: {  	_ =	shalt  }
0x5e: {  	_ =	shalt  }
0x5f: {  	_ =	shalt  }
0x60: {  	_ =	shalt  }
0x61: {  	_ =	shalt  }
0x62: {  	_ =	shalt  }
0x63: {  	_ =	shalt  }
0x64: {  	_ =	shalt  }
0x65: {  	_ =	shalt  }
0x66: {  	_ =	shalt  }
0x67: {  	_ =	shalt  }
0x68: {  	_ =	shalt  }
0x69: {  	_ =	shalt  }
0x6a: {  	_ =	shalt  }
0x6b: {  	_ =	shalt  }
0x6c: {  	_ =	shalt  }
0x6d: {  	_ =	shalt  }
0x6e: {  	_ =	shalt  }
0x6f: {  	_ =	shalt  }
0x70: {  	_ =	shalt  }
0x71: {  	_ =	shalt  }
0x72: {  	_ =	shalt  }
0x73: {  	_ =	shalt  }
0x74: {  	_ =	shalt  }
0x75: {  	_ =	shalt  }
0x76: {  	_ =	shalt  }
0x77: {  	_ =	shalt  }
0x78: {  	_ =	shalt  }
0x79: {  	_ =	shalt  }
0x7a: {  	_ =	shalt  }
0x7b: {  	_ =	shalt  }
0x7c: {  	_ =	shalt  }
0x7d: {  	_ =	shalt  }
0x7e: {  	_ =	shalt  }
0x7f: {  	_ =	shalt  }
0x80: {  	_ =	shalt  }
0x81: {  	_ =	shalt  }
0x82: {  	_ =	shalt  }
0x83: {  	_ =	shalt  }
0x84: {  	_ =	shalt  }
0x85: {  	_ =	shalt  }
0x86: {  	_ =	shalt  }
0x87: {  	_ =	shalt  }
.Lfunc_end0:
.L_simem_size_0:
called_computation.6_lowered:
.L_overlay_start_0:
0x88: {  	s2 =	sld [smem:$0x3FD9]  }
0x89: {  	s3 =	sld [smem:$0x3FFE];
	_ =	sdelay $0x1  }
0x8a: {  	s1 =	srdreg.scid  }
0x8b: {  	s0 =	sand.u32 $0x1, s1  }
0x8c: {  	s14 =	sshll.u32 s0, $0xA;
	s2 =	sadd.s32 s3, s2  }
0x8d: {  	s2 =	sadd.s32 s2, s14  }
0x8e: {  	[smem:$0x3FA8] =	sst s2  }
0x8f: {  	_ = 	snop  }
0x90: {  	s2 =	sld [smem:$0x3FD0];
	_ =	sdelay $0x2  }
0x91: {  	s15 =	simm.s32 $0xA;
	s4 =	simm.s32 $0x10  }
0x92: {  	[smem:s4], [sflag:s15] =	dma.local [hbm:s2], $0x1  }
0x93: {  	_ =	swait.eq [sflag:s15], $0x1  }
0x94: {  	[sflag:s15] =	ssyncset.done $0x0  }
0x95: {  	[sflag:s15] =	ssyncadd.s32 $0xFFFFFFFF  }
0x96: {  	s16 =	sld [smem:$0x10];
	(tm) =	ssettm $0x1  }
0x97: {  	s17 =	sld [smem:$0x3FFB];
	_ =	sdelay $0x3  }
0x98: {  	_ =	strace s17  }
0x99: {  	s3 =	sld [smem:$0x3FFC];
	_ =	sdelay $0x3  }
0x9a: {  	_ =	strace s3  }
0x9b: {  	s3 =	sld [smem:$0x3FFD];
	_ =	sdelay $0x3  }
0x9c: {  	_ =	strace s3  }
0x9d: {  	_ =	strace $0x8FFFFFFF  }
0x9e: {  	s18 =	sld [smem:$0x3FDB];
	_ =	sdelay $0x1  }
0x9f: {  	s19 =	simm.s32 $_scs_section_size  }
0xa0: {  	s5 =	simm.s32 $_size__tile_overlayer_lowered;
	s6 =	simm.s32 $_tile_overlayer_lowered  }
0xa1: {  	s22 =	simm.s32 $0x1BFF;
	s21 =	sshll.u32 s6, $0x1;
	s3 =	sadd.s32 s19, s18  }
0xa2: {  	s7 =	simm.s32 $0x0;
	s20 =	sshll.u32 s5, $0x1;
	s5 =	sadd.s32 s21, s3  }
0xa3: {  	[timem:s7], [sflag:s22] =	dma.local [hbm:s5], s20  }
0xa4: {  	_ =	swait.ge [sflag:s22], s20  }
0xa5: {  	s4 =	ssub.s32 $0x0, s20;
	[sflag:s22] =	ssyncset.done $0x0  }
0xa6: {  	[sflag:s22] =	ssyncadd.s32 s4;
	_ =	sdelay $0x1  }
0xa7: {  	s23 =	simm.s32 $0x1B8B  }
0xa8: {  	_ =	swait.ge [sflag:s23], $0x1  }
0xa9: {  	[sflag:s23] =	ssyncset.done $0x0  }
0xaa: {  	s25 =	simm.s32 $0x1B8E;
	s24 =	sld [smem:$0x3FFE];
	[sflag:s23] =	ssyncadd.s32 $0xFFFFFFFF  }
0xab: {  	s26 =	simm.s32 $execute0_lowered;
	[smem:$0x3FD2] =	sst s25  }
0xac: {  	s5 =	sshll.u32 s26, $0x1;
	_ =	strace $0x80000058;
	[dreg:$0x1] =	wrdreg $0xFFFFFFFF  }
0xad: {  	s28 =	simm.s32 $_size_execute0_lowered;
	s3 =	sadd.s32 s3, s5;
	[dreg:$0x0] =	wrdreg $0x0  }
0xae: {  	s5 =	sshll.u32 s28, $0x1;
	[dreg:$0x2] =	wrdreg s3  }
0xaf: {  	[dreg:$0x3] =	wrdreg s5  }
0xb0: {  	[dreg:$0x4] =	wrdreg $0xC0  }
0xb1: {  	_ =	task [dreg:s7], $0x5FFFF  }
0xb2: {  	[dreg:$0x1] =	wrdreg $0xFFFFFFFF  }
0xb3: {  	[dreg:$0x0] =	wrdreg $0x60  }
0xb4: {  	[dreg:$0x2] =	wrdreg s16  }
0xb5: {  	[dreg:$0x3] =	wrdreg s24  }
0xb6: {  	[dreg:$0x4] =	wrdreg $0x6D000  }
0xb7: {  	[dreg:$0x5] =	wrdreg $0x9E000  }
0xb8: {  	[dreg:$0x6] =	wrdreg $0x9  }
0xb9: {  	_ =	task.clear_ibuf [dreg:s7], $0x7FFFF;
	_ =	strace $0x90000058  }
0xba: {  	s29 =	simm.s32 $0x9;
	_ =	strace $0x8000005A  }
0xbb: {  	_ =	swait.ge [sflag:s29], $0x1  }
0xbc: {  	[sflag:s29] =	ssyncadd.s32 $0xFFFFFFFF  }
0xbd: {  	_ =	strace $0x9000005A  }
0xbe: {  	_ =	sfence  }
0xbf: {  	s30 =	sld [smem:$0x0];
	_ =	sdelay $0x2  }
0xc0: {  	s31 =	sshll.u32 s1, $0xD;
	s1 =	sshrl.u32 s1, $0x2  }
0xc1: {  	s3 =	sand.u32 $0x4000, s31;
	s1 =	sadd.s32 s1, s30  }
0xc2: {  	s0 =	sor.u32 s3, s0;
	s1 =	sshll.u32 s1, $0x11  }
0xc3: {  	s0 =	sor.u32 s1, s0  }
0xc4: {  	s0 =	sadd.s32 $0x8F2B, s0  }
0xc5: {  	[sflag:s0] =	ssyncadd.remote.s32 $0x1  }
0xc6: {  	_ =	sfence.sel $0xFFFF  }
0xc7: {  	[dreg:$0x0] =	wrdreg $0xFFFFFFFF;
	(pc) =	sbr.abs _section_cstart, $3  }
0xc8: {  	[dreg:$0x1] =	wrdreg $0xFFFFFFFF  }
0xc9: {  	_ =	task.clear_ibuf [dreg:s7], $0x2FFFF;
	_ =	strace $0x9FFFFFFF  }
0xca: {  	(tm) =	ssettm $0x7FFFFFFF  }
0xcb: {  	_ =	shalt  }
tec
execute0_lowered:
.L_overlay_start_1:
0x0: {  	(tag) =	ssettag $0x1  }
0x1: {  	s1 =	rddreg [dreg:$0x0]  }
0x2: {  	s0 =	srdreg.scid;
	s6 =	rddreg [dreg:$0x1]  }
0x3: {  	s7 =	stileid.u32;
	s2 =	rddreg [dreg:$0x2];
	s13 =	simm.s32 $0x3  }
0x4: {  	s14 =	simm.s32 $0x3C00;
	s15 =	simm.s32 $0x80;
	s28 =	simm.s32 $0x2B00  }
0x5: {  	s29 =	simm.s32 $0x380;
	s30 =	simm.s32 $0x2B80;
	s0 =	sand.u32 $0x1, s0  }
0x6: {  	s31 =	simm.s32 $0x1;
	s10 =	smul.u32 $0x3100, s7;
	s3 =	sshll.u32 s0, $0x4  }
0x7: {  	s25 =	smul.u32 $0x31000, s0;
	s0 =	ssub.s32 $0x2, s0;
	s4 =	sor.u32 s7, s3  }
0x8: {  	s3 =	rddreg [dreg:$0x3];
	s9 =	sshrl.u32 s0, $0x1;
	s26 =	sshrl.u32 s10, $0x3  }
0x9: {  	s5 =	smul.u32 $0x280, s4;
	s4 =	simm.s32 $0x0;
	s7 =	sadd.s32 s10, s25  }
0xa: {  	s0 =	ssub.s32 s0, s9;
	s9 =	sadd.s32 s10, s2;
	s10 =	sadd.s32 s10, s3  }
0xb: {  	s25 =	simm.s32 $0x2A80;
	[smem:$0x7FF] =	sst s4;
	s7 =	sshrl.u32 s7, $0x3  }
0xc: {  	s12 =	smax.u32 s0, $0x1;
	s0 =	simm.s32 $0x0;
	_ =	strace $0x80000059  }
0xd: {  	s8 =	sadd.s32 s5, s6;
	s5 =	sadd.s32 $0x11000, s6;
	s11 =	sadd.s32 s7, s6  }
0xe: {  	s6 =	sadd.s32 $0x7000, s8;
	s7 =	sadd.s32 $0xC000, s8;
	s8 =	sadd.s32 s1, s26  }
0xf: {  	s11 =	sadd.s32 $0x11800, s11;
	s26 =	simm.s32 $0x300;
	s1 =	simm.s32 $0x2  }
.LBB2_1:
0x10: {  	[tilespmem:s4], [sflag:$0x3] =	stream.linear.gather [hbm4b:s6+s4], $0x1400, $0x38;
	[tilespmem:$0xCF00] =	vst v63  }
0x11: {  	_ =	swait.ge [sflag:s13], $0x1400  }
0x12: {  	[sflag:s13] =	ssyncset.done $0x0  }
0x13: {  	s17 =	simm.s32 $0x1400;
	[sflag:s13] =	ssyncadd.s32 $0xFFFFEC00  }
0x14: {  	[tilespmem:s17], [sflag:$0x3] =	stream.linear.gather [hbm4b:s7+s4], $0x1400, $0x38;
	[tilespmem:$0xCF00] =	vst v63  }
0x15: {  	_ =	swait.ge [sflag:s13], $0x1400  }
0x16: {  	[sflag:s13] =	ssyncset.done $0x0  }
0x17: {  	[sflag:s13] =	ssyncadd.s32 $0xFFFFEC00  }
0x18: {  	[tilespmem:s14], [sflag:$0x3] =	stream.linear.gather [hbm4b:s8+s4], $0x3100, $0x38;
	[tilespmem:$0xCF00] =	vst v63  }
0x19: {  	_ =	swait.ge [sflag:s13], $0x3100  }
0x1a: {  	[sflag:s13] =	ssyncset.done $0x0  }
0x1b: {  	[sflag:s13] =	ssyncadd.s32 $0xFFFFCF00  }
0x1c: {  	[spmem:s9] =	stream.linear.scatter [tilespmem:s14], [sflag:$0x3], $0x3100, $0x38;
	[tilespmem:$0xCF00] =	vst v63  }
0x1d: {  	_ =	swait.ge [sflag:s13], $0x3100  }
0x1e: {  	[sflag:s13] =	ssyncset.done $0x0  }
0x1f: {  	[sflag:s13] =	ssyncadd.s32 $0xFFFFCF00  }
0x20: {  	[tilespmem:s14], [sflag:$0x3] =	stream.linear.gather [hbm4b:s5+s4], $0x3100, $0x38;
	[tilespmem:$0xCF00] =	vst v63  }
0x21: {  	_ =	swait.ge [sflag:s13], $0x3100  }
0x22: {  	[sflag:s13] =	ssyncset.done $0x0  }
0x23: {  	[sflag:s13] =	ssyncadd.s32 $0xFFFFCF00  }
0x24: {  	[spmem:s10] =	stream.linear.scatter [tilespmem:s14], [sflag:$0x3], $0x3100, $0x38;
	[tilespmem:$0xCF00] =	vst v63  }
0x25: {  	_ =	swait.ge [sflag:s13], $0x3100  }
0x26: {  	[sflag:s13] =	ssyncset.done $0x0  }
0x27: {  	[sflag:s13] =	ssyncadd.s32 $0xFFFFCF00  }
0x28: {  	s16 =	simm.s32 $0x2800;
	[bflag:$0x0] =	sbarrier.arrive $0xFFFF  }
0x29: {  	[tilespmem:s16], [sflag:$0x1] =	stream.indirect.gather [spmem:s2], $0x1, s4, s15, $0xb8;
	[tilespmem:$0xCF00] =	vst v63  }
0x2a: {  	s18 =	simm.s32 $0x2880  }
0x2b: {  	[tilespmem:s18], [sflag:$0x1] =	stream.indirect.gather [spmem:s2], $0x1, s15, s15, $0xb8;
	[tilespmem:$0xCF00] =	vst v63  }
0x2c: {  	s19 =	simm.s32 $0x100;
	s18 =	simm.s32 $0x2900  }
0x2d: {  	[tilespmem:s18], [sflag:$0x1] =	stream.indirect.gather [spmem:s2], $0x1, s19, s15, $0xb8;
	[tilespmem:$0xCF00] =	vst v63  }
0x2e: {  	s20 =	simm.s32 $0x180;
	s21 =	simm.s32 $0x2980  }
0x2f: {  	[tilespmem:s21], [sflag:$0x1] =	stream.indirect.gather [spmem:s2], $0x1, s20, s15, $0xb8;
	[tilespmem:$0xCF00] =	vst v63  }
0x30: {  	s22 =	simm.s32 $0x200;
	s23 =	simm.s32 $0x2A00  }
0x31: {  	[tilespmem:s23], [sflag:$0x1] =	stream.indirect.gather [spmem:s2], $0x1, s22, s15, $0xb8;
	[tilespmem:$0xCF00] =	vst v63  }
0x32: {  	s24 =	simm.s32 $0x280  }
0x33: {  	[tilespmem:s25], [sflag:$0x1] =	stream.indirect.gather [spmem:s2], $0x1, s24, s15, $0xb8;
	[tilespmem:$0xCF00] =	vst v63  }
0x34: {  	_ = 	snop  }
0x35: {  	[tilespmem:s28], [sflag:$0x1] =	stream.indirect.gather [spmem:s2], $0x1, s26, s15, $0xb8;
	[tilespmem:$0xCF00] =	vst v63  }
0x36: {  	_ = 	snop  }
0x37: {  	[tilespmem:s30], [sflag:$0x1] =	stream.indirect.gather [spmem:s2], $0x1, s29, s15, $0xb8;
	[tilespmem:$0xCF00] =	vst v63  }
0x38: {  	p0 =	por $0x0, $0x0;
	s16 =	simm.s32 $0x400;
	_ =	swait.ge [sflag:s31], $0x80  }
0x39: {  	s18 =	simm.s32 $0x2C00;
	s19 =	simm.s32 $0x2800;
	[sflag:s31] =	ssyncset.done $0x0  }
0x3a: {  	s20 =	simm.s32 $0x480;
	s21 =	simm.s32 $0x2C80;
	[sflag:s31] =	ssyncadd.s32 $0xFFFFFF80  }
0x3b: {  	[spmem:s3] =	stream.indirect.scatter.add.f32 [tilespmem:s19], [sflag:$0x2], $0x1, s17, s15, $0xb8;
	[tilespmem:$0xCF00] =	vst v63  }
0x3c: {  	s22 =	simm.s32 @!p0 $0x80;
	s17 =	simm.s32 $0x1;
	s19 =	simm.s32 $0x1480  }
.LBB2_2:
0x3d: {  	[tilespmem:s18], [sflag:$0x1] =	stream.indirect.gather @!p0 [spmem:s2], $0x1, s16, s22, $0xb8;
	[tilespmem:$0xCF00] =	vst v63  }
0x3e: {  	s22 =	smov.u32 s17  }
0x3f: {  	s23 =	smov.u32 s19;
	s16 =	smov.u32 s20;
	s17 =	sadd.s32 $0x1, s17  }
0x40: {  	s18 =	smov.u32 s21;
	p1 =	sne.s32 s17, $0x28  }
.Ltmp0:
0x41: {  	_ =	swait.ge [sflag:s31], $0x80;
	(pc) =	sbr.rel @p1 .LBB2_2-.Ltmp0, $4  }
0x42: {  	s19 =	sadd.s32 $0x80, s19;
	[sflag:s31] =	ssyncset.done $0x0  }
0x43: {  	s24 =	sadd.s32 $0xFFFFFC00, s21;
	p0 =	sgt.u32 s22, $0x1F;
	[sflag:s31] =	ssyncadd.s32 $0xFFFFFF80  }
0x44: {  	[spmem:s3] =	stream.indirect.scatter.add.f32 [tilespmem:s24], [sflag:$0x2], $0x1, s23, s15, $0xb8;
	[tilespmem:$0xCF00] =	vst v63  }
0x45: {  	s20 =	sadd.s32 $0x80, s20;
	s21 =	sadd.s32 $0x80, s21;
	s22 =	simm.s32 @!p0 $0x80  }
0x46: {  	[tilespmem:s18], [sflag:$0x1] =	stream.indirect.gather @!p0 [spmem:s2], $0x1, s16, s22, $0xb8;
	[tilespmem:$0xCF00] =	vst v63  }
0x47: {  	_ =	swait.ge [sflag:s1], $0x80  }
0x48: {  	s16 =	simm.s32 $0x27;
	[sflag:s1] =	ssyncset.done $0x0  }
.LBB2_4:
0x49: {  	p0 =	sne.s32 s16, $0x1;
	s16 =	sadd.s32 $0xFFFFFFFF, s16;
	[sflag:s1] =	ssyncadd.s32 $0xFFFFFF80  }
.Ltmp1:
0x4a: {  	(pc) =	sbr.rel @p0 .LBB2_4-.Ltmp1, $3  }
0x4b: {  	_ =	sdelay $0x1  }
0x4c: {  	_ =	swait.ge [sflag:s1], $0x80  }
0x4d: {  	[sflag:s1] =	ssyncset.done $0x0  }
0x4e: {  	[sflag:s1] =	ssyncadd.s32 $0xFFFFFF80  }
0x4f: {  	[bflag:$0x0] =	sbarrier.arrive $0xFFFF  }
0x50: {  	[tilespmem:s14], [sflag:$0x3] =	stream.linear.gather [spmem:s10], $0x3100, $0x38;
	[tilespmem:$0xCF00] =	vst v63  }
0x51: {  	s0 =	sadd.s32 $0x1, s0;
	_ =	swait.ge [sflag:s13], $0x3100  }
0x52: {  	p0 =	sne.s32 s0, s12;
	[sflag:s13] =	ssyncset.done $0x0  }
.Ltmp2:
0x53: {  	[sflag:s13] =	ssyncadd.s32 $0xFFFFCF00;
	(pc) =	sbr.rel @p0 .LBB2_1-.Ltmp2, $4  }
0x54: {  	[hbm4b:s11+s4] =	stream.linear.scatter [tilespmem:s14], [sflag:$0x3], $0x3100, $0x38;
	[tilespmem:$0xCF00] =	vst v63  }
0x55: {  	_ =	swait.ge [sflag:s13], $0x3100  }
0x56: {  	[sflag:s13] =	ssyncset.done $0x0  }
0x57: {  	[sflag:s13] =	ssyncadd.s32 $0xFFFFCF00  }
0x58: {  	_ =	sfence.sel $0x180000  }
0x59: {  	[bflag:$0x0] =	sbarrier.arrive $0xFFFF  }
0x5a: {  	_ =	strace $0x90000059  }
0x5b: {  	s0 =	stileid.u32;
	[bflag:$0x2] =	sbarrier.arrive $0xFFFF  }
0x5c: {  	p0 =	sne.s32 s0, $0x0;
	s0 =	rddreg [dreg:$0x4]  }
0x5d: {  	s0 =	sadd.s32 @!p0 $0x100000, s0  }
0x5e: {  	[sflag:s0] =	ssyncadd.tile.s32 @!p0 $0x1;
	_ =	shalt  }
.Lfunc_end2:
_tile_overlayer_lowered:
.L_overlay_start_2:
0x5f: {  	(tag) =	ssettag $0x2  }
0x60: {  	s0 =	rddreg [dreg:$0x0];
	s2 =	stileid.u32  }
0x61: {  	s1 =	rddreg [dreg:$0x1];
	p0 =	sne.s32 s2, $0x0  }
0x62: {  	s3 =	rddreg [dreg:$0x2];
	[bflag:$0x3] =	sbarrier.arrive $0xFFFF;
	s2 =	simm.s32 @!p0 $0x1C03  }
0x63: {  	[timem:s3], [sflag:s2] =	dma.local @!p0 [hbm:s0], s1  }
0x64: {  	s0 =	simm.s32 @!p0 $0x3  }
0x65: {  	_ =	swait.ge @!p0 [sflag:s0], s1  }
0x66: {  	s1 =	ssub.s32 @!p0 $0x0, s1;
	[sflag:s0] =	ssyncset.done @!p0 $0x0  }
0x67: {  	[sflag:s0] =	ssyncadd.s32 @!p0 s1  }
0x68: {  	[bflag:$0x3] =	sbarrier.arrive $0xFFFF  }
0x69: {  	_ =	shalt  }

// kernel: kernel.46.cloned.1.call-start
scs
__scs_entry_jumppad:
0x0: {  	(pc) =	sbr.rel $0x88, $3  }
0x1: {  	(tag) =	ssettag $0x0;
	lr =	simm.s32 $0x1  }
0x2: {  	[smem:$0x3F81] =	sst lr;
	_ =	strace $0xD0000000  }
0x3: {  	_ = 	snop  }
0x4: {  	_ = 	snop  }
0x5: {  	_ = 	snop  }
0x6: {  	_ = 	snop  }
0x7: {  	_ = 	snop  }
__scs_overlays_trampoline_lowered:
0x8: {  	[smem:$0x3F90] =	sst s0  }
0x9: {  	[smem:$0x3F91] =	sst s1  }
0xa: {  	[smem:$0x3F92] =	sst s2  }
0xb: {  	[smem:$0x3F93] =	sst s3  }
0xc: {  	[smem:$0x3F94] =	sst s4  }
0xd: {  	[smem:$0x3F95] =	sst s5  }
0xe: {  	[smem:$0x3F96] =	sst s6  }
0xf: {  	[smem:$0x3F97] =	sst s7  }
0x10: {  	[smem:$0x3F98] =	sst s8  }
0x11: {  	[smem:$0x3F99] =	sst s9;
	s0 =	simm.s32 @!p0 $0x0  }
0x12: {  	s1 =	sld [smem:$0x3F7F];
	s0 =	simm.s32 @p0 $0x1  }
0x13: {  	[smem:$0x3F9A] =	sst s0;
	s0 =	simm.s32 @!p1 $0x0  }
0x14: {  	s2 =	sld [smem:$0x3F7E];
	s0 =	simm.s32 @p1 $0x1  }
0x15: {  	[smem:$0x3F9B] =	sst s0;
	s0 =	simm.s32 @!p2 $0x0  }
0x16: {  	s3 =	sld [smem:$0x3FDB];
	s0 =	simm.s32 @p2 $0x1  }
0x17: {  	s4 =	simm.s32 $0x1BF5;
	[smem:$0x3F9D] =	sst s0  }
0x18: {  	s0 =	sld [smem:$0x3F80];
	_ =	swait.ge [sflag:s4], $0x0  }
0x19: {  	s7 =	sld [smem:$0x3F81]  }
0x1a: {  	s8 =	sadd.s32 $0xFFFFE003, lr  }
0x1b: {  	s9 =	sadd.s32 $0xFFFFFEF7, lr;
	s5 =	simm.s32 $0xFFFFFFFF;
	p2 =	slt.u32 s8, $0xFFFFF086  }
0x1c: {  	p1 =	slt.u32 s9, $0xF7A;
	s5 =	simm.s32 @!p2 $0x0  }
0x1d: {  	s5 =	simm.s32 @p1 $0x1;
	p0 =	seq.s32 s7, s2  }
0x1e: {  	s7 =	smul.u32 @!p0 $0xF7A, s2;
	p2 =	seq.s32 @!p0 s5, $0x0  }
0x1f: {  	s9 =	smul.u32 $0xF7A, s1;
	s8 =	simm.s32 @!p0 $0x1BF5;
	p2 =	por !p2, p0  }
0x20: {  	[sflag:s8] =	ssyncset.s32 @!p0 $0xFFFFF086;
	s6 =	sadd.s32 @!p0 s3, s7;
	s7 =	simm.s32 @!p0 $0x108  }
0x21: {  	s3 =	sadd.s32 s3, s9;
	s6 =	sadd.s32 @!p0 $0x88, s6;
	s7 =	simm.s32 @p2 $0x1082  }
0x22: {  	[simem:s7], [sflag:s8] =	dma.local @!p0 [hbm:s6], $0xF7A  }
0x23: {  	s9 =	sor.u32 $0xD0000000, s2;
	s6 =	simm.s32 $0x108;
	_ =	swait.ge @!p0 [sflag:s8], $0x0  }
0x24: {  	s3 =	sadd.s32 $0x88, s3;
	s6 =	simm.s32 @!p1 $0x1082;
	[sflag:s4] =	ssyncset.s32 $0xFFFFF086  }
0x25: {  	[simem:s6], [sflag:s4] =	dma.local [hbm:s3], $0xF7A  }
0x26: {  	[smem:$0x3F81] =	sst s1;
	(tag) =	ssettag s2;
	_ =	strace s9  }
0x27: {  	s1 =	sld [smem:$0x3F91]  }
0x28: {  	s2 =	sld [smem:$0x3F92]  }
0x29: {  	s4 =	sld [smem:$0x3F94]  }
0x2a: {  	p0 =	seq.s32 s5, $0x0;
	s5 =	sld [smem:$0x3F95]  }
0x2b: {  	s6 =	sld [smem:$0x3F96]  }
0x2c: {  	s7 =	sld [smem:$0x3F97]  }
0x2d: {  	s3 =	simm.s32 $0x108;
	s8 =	sld [smem:$0x3F98]  }
0x2e: {  	s3 =	simm.s32 @!p0 $0x1082;
	s9 =	sld [smem:$0x3F99]  }
0x2f: {  	lr =	sadd.s32 s0, s3;
	s0 =	sld [smem:$0x3F90]  }
0x30: {  	s3 =	sld [smem:$0x3F93]  }
0x31: {  	[smem:$0x3F9C] =	sst s10  }
0x32: {  	s10 =	sld [smem:$0x3F9A];
	_ =	sdelay $0x3  }
0x33: {  	p0 =	seq.s32 s10, $0x1;
	s10 =	sld [smem:$0x3F9C];
	_ =	sdelay $0x3  }
0x34: {  	[smem:$0x3F9C] =	sst s10  }
0x35: {  	s10 =	sld [smem:$0x3F9B];
	_ =	sdelay $0x3  }
0x36: {  	p1 =	seq.s32 s10, $0x1;
	s10 =	sld [smem:$0x3F9C];
	_ =	sdelay $0x3  }
0x37: {  	[smem:$0x3F9C] =	sst s10  }
0x38: {  	s10 =	sld [smem:$0x3F9D]  }
0x39: {  	_ = 	snop;
	(pc) =	sbr.ind lr, $3  }
0x3a: {  	_ = 	snop  }
0x3b: {  	_ = 	snop  }
0x3c: {  	p2 =	seq.s32 s10, $0x1;
	s10 =	sld [smem:$0x3F9C]  }
0x3d: {  	_ =	shalt  }
0x3e: {  	_ =	shalt  }
0x3f: {  	_ =	shalt  }
0x40: {  	_ =	shalt  }
0x41: {  	_ =	shalt  }
0x42: {  	_ =	shalt  }
0x43: {  	_ =	shalt  }
0x44: {  	_ =	shalt  }
0x45: {  	_ =	shalt  }
0x46: {  	_ =	shalt  }
0x47: {  	_ =	shalt  }
0x48: {  	_ =	shalt  }
0x49: {  	_ =	shalt  }
0x4a: {  	_ =	shalt  }
0x4b: {  	_ =	shalt  }
0x4c: {  	_ =	shalt  }
0x4d: {  	_ =	shalt  }
0x4e: {  	_ =	shalt  }
0x4f: {  	_ =	shalt  }
0x50: {  	_ =	shalt  }
0x51: {  	_ =	shalt  }
0x52: {  	_ =	shalt  }
0x53: {  	_ =	shalt  }
0x54: {  	_ =	shalt  }
0x55: {  	_ =	shalt  }
0x56: {  	_ =	shalt  }
0x57: {  	_ =	shalt  }
0x58: {  	_ =	shalt  }
0x59: {  	_ =	shalt  }
0x5a: {  	_ =	shalt  }
0x5b: {  	_ =	shalt  }
0x5c: {  	_ =	shalt  }
0x5d: {  	_ =	shalt  }
0x5e: {  	_ =	shalt  }
0x5f: {  	_ =	shalt  }
0x60: {  	_ =	shalt  }
0x61: {  	_ =	shalt  }
0x62: {  	_ =	shalt  }
0x63: {  	_ =	shalt  }
0x64: {  	_ =	shalt  }
0x65: {  	_ =	shalt  }
0x66: {  	_ =	shalt  }
0x67: {  	_ =	shalt  }
0x68: {  	_ =	shalt  }
0x69: {  	_ =	shalt  }
0x6a: {  	_ =	shalt  }
0x6b: {  	_ =	shalt  }
0x6c: {  	_ =	shalt  }
0x6d: {  	_ =	shalt  }
0x6e: {  	_ =	shalt  }
0x6f: {  	_ =	shalt  }
0x70: {  	_ =	shalt  }
0x71: {  	_ =	shalt  }
0x72: {  	_ =	shalt  }
0x73: {  	_ =	shalt  }
0x74: {  	_ =	shalt  }
0x75: {  	_ =	shalt  }
0x76: {  	_ =	shalt  }
0x77: {  	_ =	shalt  }
0x78: {  	_ =	shalt  }
0x79: {  	_ =	shalt  }
0x7a: {  	_ =	shalt  }
0x7b: {  	_ =	shalt  }
0x7c: {  	_ =	shalt  }
0x7d: {  	_ =	shalt  }
0x7e: {  	_ =	shalt  }
0x7f: {  	_ =	shalt  }
0x80: {  	_ =	shalt  }
0x81: {  	_ =	shalt  }
0x82: {  	_ =	shalt  }
0x83: {  	_ =	shalt  }
0x84: {  	_ =	shalt  }
0x85: {  	_ =	shalt  }
0x86: {  	_ =	shalt  }
0x87: {  	_ =	shalt  }
.Lfunc_end0:
.L_simem_size_0:
called_computation.7_lowered:
.L_overlay_start_0:
0x88: {  	s2 =	sld [smem:$0x3FD9]  }
0x89: {  	s3 =	sld [smem:$0x3FFE];
	_ =	sdelay $0x1  }
0x8a: {  	s1 =	srdreg.scid  }
0x8b: {  	s0 =	sand.u32 $0x1, s1  }
0x8c: {  	s14 =	sshll.u32 s0, $0xA;
	s2 =	sadd.s32 s3, s2  }
0x8d: {  	s2 =	sadd.s32 s2, s14  }
0x8e: {  	[smem:$0x3FA8] =	sst s2  }
0x8f: {  	_ = 	snop  }
0x90: {  	s2 =	sld [smem:$0x3FD0];
	_ =	sdelay $0x2  }
0x91: {  	s15 =	simm.s32 $0xA;
	s4 =	simm.s32 $0x10  }
0x92: {  	[smem:s4], [sflag:s15] =	dma.local [hbm:s2], $0x1  }
0x93: {  	_ =	swait.eq [sflag:s15], $0x1  }
0x94: {  	[sflag:s15] =	ssyncset.done $0x0  }
0x95: {  	[sflag:s15] =	ssyncadd.s32 $0xFFFFFFFF  }
0x96: {  	s16 =	sld [smem:$0x10];
	(tm) =	ssettm $0x1  }
0x97: {  	s17 =	sld [smem:$0x3FFB];
	_ =	sdelay $0x3  }
0x98: {  	_ =	strace s17  }
0x99: {  	s3 =	sld [smem:$0x3FFC];
	_ =	sdelay $0x3  }
0x9a: {  	_ =	strace s3  }
0x9b: {  	s3 =	sld [smem:$0x3FFD];
	_ =	sdelay $0x3  }
0x9c: {  	_ =	strace s3  }
0x9d: {  	_ =	strace $0x8FFFFFFF  }
0x9e: {  	s18 =	sld [smem:$0x3FDB];
	_ =	sdelay $0x1  }
0x9f: {  	s19 =	simm.s32 $_scs_section_size  }
0xa0: {  	s5 =	simm.s32 $_size__tile_overlayer_lowered;
	s6 =	simm.s32 $_tile_overlayer_lowered  }
0xa1: {  	s22 =	simm.s32 $0x1BFF;
	s21 =	sshll.u32 s6, $0x1;
	s3 =	sadd.s32 s19, s18  }
0xa2: {  	s7 =	simm.s32 $0x0;
	s20 =	sshll.u32 s5, $0x1;
	s5 =	sadd.s32 s21, s3  }
0xa3: {  	[timem:s7], [sflag:s22] =	dma.local [hbm:s5], s20  }
0xa4: {  	_ =	swait.ge [sflag:s22], s20  }
0xa5: {  	s4 =	ssub.s32 $0x0, s20;
	[sflag:s22] =	ssyncset.done $0x0  }
0xa6: {  	[sflag:s22] =	ssyncadd.s32 s4;
	_ =	sdelay $0x1  }
0xa7: {  	s23 =	simm.s32 $0x1B8B  }
0xa8: {  	_ =	swait.ge [sflag:s23], $0x1  }
0xa9: {  	[sflag:s23] =	ssyncset.done $0x0  }
0xaa: {  	s25 =	simm.s32 $0x1B8E;
	s24 =	sld [smem:$0x3FFE];
	[sflag:s23] =	ssyncadd.s32 $0xFFFFFFFF  }
0xab: {  	s26 =	simm.s32 $execute0_lowered;
	[smem:$0x3FD2] =	sst s25  }
0xac: {  	s5 =	sshll.u32 s26, $0x1;
	_ =	strace $0x8000005B;
	[dreg:$0x1] =	wrdreg $0xFFFFFFFF  }
0xad: {  	s28 =	simm.s32 $_size_execute0_lowered;
	s3 =	sadd.s32 s3, s5;
	[dreg:$0x0] =	wrdreg $0x0  }
0xae: {  	s5 =	sshll.u32 s28, $0x1;
	[dreg:$0x2] =	wrdreg s3  }
0xaf: {  	[dreg:$0x3] =	wrdreg s5  }
0xb0: {  	[dreg:$0x4] =	wrdreg $0xC0  }
0xb1: {  	_ =	task [dreg:s7], $0x5FFFF  }
0xb2: {  	[dreg:$0x1] =	wrdreg $0xFFFFFFFF  }
0xb3: {  	[dreg:$0x0] =	wrdreg $0x60  }
0xb4: {  	[dreg:$0x2] =	wrdreg s16  }
0xb5: {  	[dreg:$0x3] =	wrdreg s24  }
0xb6: {  	[dreg:$0x4] =	wrdreg $0x6D000  }
0xb7: {  	[dreg:$0x5] =	wrdreg $0x9E000  }
0xb8: {  	[dreg:$0x6] =	wrdreg $0x9  }
0xb9: {  	_ =	task.clear_ibuf [dreg:s7], $0x7FFFF;
	_ =	strace $0x9000005B  }
0xba: {  	s29 =	simm.s32 $0x9;
	_ =	strace $0x8000005D  }
0xbb: {  	_ =	swait.ge [sflag:s29], $0x1  }
0xbc: {  	[sflag:s29] =	ssyncadd.s32 $0xFFFFFFFF  }
0xbd: {  	_ =	strace $0x9000005D  }
0xbe: {  	_ =	sfence  }
0xbf: {  	s30 =	sld [smem:$0x0];
	_ =	sdelay $0x2  }
0xc0: {  	s31 =	sshll.u32 s1, $0xD;
	s1 =	sshrl.u32 s1, $0x2  }
0xc1: {  	s3 =	sand.u32 $0x4000, s31;
	s1 =	sadd.s32 s1, s30  }
0xc2: {  	s0 =	sor.u32 s3, s0;
	s1 =	sshll.u32 s1, $0x11  }
0xc3: {  	s0 =	sor.u32 s1, s0  }
0xc4: {  	s0 =	sadd.s32 $0x8F2B, s0  }
0xc5: {  	[sflag:s0] =	ssyncadd.remote.s32 $0x1  }
0xc6: {  	_ =	sfence.sel $0xFFFF  }
0xc7: {  	[dreg:$0x0] =	wrdreg $0xFFFFFFFF;
	(pc) =	sbr.abs _section_cstart, $3  }
0xc8: {  	[dreg:$0x1] =	wrdreg $0xFFFFFFFF  }
0xc9: {  	_ =	task.clear_ibuf [dreg:s7], $0x2FFFF;
	_ =	strace $0x9FFFFFFF  }
0xca: {  	(tm) =	ssettm $0x7FFFFFFF  }
0xcb: {  	_ =	shalt  }
tec
execute0_lowered:
.L_overlay_start_1:
0x0: {  	(tag) =	ssettag $0x1  }
0x1: {  	s1 =	rddreg [dreg:$0x0]  }
0x2: {  	s0 =	srdreg.scid;
	s6 =	rddreg [dreg:$0x1]  }
0x3: {  	s7 =	stileid.u32;
	s2 =	rddreg [dreg:$0x2];
	s13 =	simm.s32 $0x3  }
0x4: {  	s14 =	simm.s32 $0x3C00;
	s15 =	simm.s32 $0x80;
	s28 =	simm.s32 $0x2B00  }
0x5: {  	s29 =	simm.s32 $0x380;
	s30 =	simm.s32 $0x2B80;
	s0 =	sand.u32 $0x1, s0  }
0x6: {  	s31 =	simm.s32 $0x1;
	s10 =	smul.u32 $0x3100, s7;
	s3 =	sshll.u32 s0, $0x4  }
0x7: {  	s25 =	smul.u32 $0x31000, s0;
	s0 =	ssub.s32 $0x2, s0;
	s4 =	sor.u32 s7, s3  }
0x8: {  	s3 =	rddreg [dreg:$0x3];
	s9 =	sshrl.u32 s0, $0x1;
	s26 =	sshrl.u32 s10, $0x3  }
0x9: {  	s5 =	smul.u32 $0x280, s4;
	s4 =	simm.s32 $0x0;
	s7 =	sadd.s32 s10, s25  }
0xa: {  	s0 =	ssub.s32 s0, s9;
	s9 =	sadd.s32 s10, s2;
	s10 =	sadd.s32 s10, s3  }
0xb: {  	s25 =	simm.s32 $0x2A80;
	[smem:$0x7FF] =	sst s4;
	s7 =	sshrl.u32 s7, $0x3  }
0xc: {  	s12 =	smax.u32 s0, $0x1;
	s0 =	simm.s32 $0x0;
	_ =	strace $0x8000005C  }
0xd: {  	s8 =	sadd.s32 s5, s6;
	s5 =	sadd.s32 $0x11000, s6;
	s11 =	sadd.s32 s7, s6  }
0xe: {  	s6 =	sadd.s32 $0x7000, s8;
	s7 =	sadd.s32 $0xC000, s8;
	s8 =	sadd.s32 s1, s26  }
0xf: {  	s11 =	sadd.s32 $0x11800, s11;
	s26 =	simm.s32 $0x300;
	s1 =	simm.s32 $0x2  }
.LBB2_1:
0x10: {  	[tilespmem:s4], [sflag:$0x3] =	stream.linear.gather [hbm4b:s6+s4], $0x1400, $0x38;
	[tilespmem:$0xCF00] =	vst v63  }
0x11: {  	_ =	swait.ge [sflag:s13], $0x1400  }
0x12: {  	[sflag:s13] =	ssyncset.done $0x0  }
0x13: {  	s17 =	simm.s32 $0x1400;
	[sflag:s13] =	ssyncadd.s32 $0xFFFFEC00  }
0x14: {  	[tilespmem:s17], [sflag:$0x3] =	stream.linear.gather [hbm4b:s7+s4], $0x1400, $0x38;
	[tilespmem:$0xCF00] =	vst v63  }
0x15: {  	_ =	swait.ge [sflag:s13], $0x1400  }
0x16: {  	[sflag:s13] =	ssyncset.done $0x0  }
0x17: {  	[sflag:s13] =	ssyncadd.s32 $0xFFFFEC00  }
0x18: {  	[tilespmem:s14], [sflag:$0x3] =	stream.linear.gather [hbm4b:s8+s4], $0x3100, $0x38;
	[tilespmem:$0xCF00] =	vst v63  }
0x19: {  	_ =	swait.ge [sflag:s13], $0x3100  }
0x1a: {  	[sflag:s13] =	ssyncset.done $0x0  }
0x1b: {  	[sflag:s13] =	ssyncadd.s32 $0xFFFFCF00  }
0x1c: {  	[spmem:s9] =	stream.linear.scatter [tilespmem:s14], [sflag:$0x3], $0x3100, $0x38;
	[tilespmem:$0xCF00] =	vst v63  }
0x1d: {  	_ =	swait.ge [sflag:s13], $0x3100  }
0x1e: {  	[sflag:s13] =	ssyncset.done $0x0  }
0x1f: {  	[sflag:s13] =	ssyncadd.s32 $0xFFFFCF00  }
0x20: {  	[tilespmem:s14], [sflag:$0x3] =	stream.linear.gather [hbm4b:s5+s4], $0x3100, $0x38;
	[tilespmem:$0xCF00] =	vst v63  }
0x21: {  	_ =	swait.ge [sflag:s13], $0x3100  }
0x22: {  	[sflag:s13] =	ssyncset.done $0x0  }
0x23: {  	[sflag:s13] =	ssyncadd.s32 $0xFFFFCF00  }
0x24: {  	[spmem:s10] =	stream.linear.scatter [tilespmem:s14], [sflag:$0x3], $0x3100, $0x38;
	[tilespmem:$0xCF00] =	vst v63  }
0x25: {  	_ =	swait.ge [sflag:s13], $0x3100  }
0x26: {  	[sflag:s13] =	ssyncset.done $0x0  }
0x27: {  	[sflag:s13] =	ssyncadd.s32 $0xFFFFCF00  }
0x28: {  	s16 =	simm.s32 $0x2800;
	[bflag:$0x0] =	sbarrier.arrive $0xFFFF  }
0x29: {  	[tilespmem:s16], [sflag:$0x1] =	stream.indirect.gather [spmem:s2], $0x1, s4, s15, $0xb8;
	[tilespmem:$0xCF00] =	vst v63  }
0x2a: {  	s18 =	simm.s32 $0x2880  }
0x2b: {  	[tilespmem:s18], [sflag:$0x1] =	stream.indirect.gather [spmem:s2], $0x1, s15, s15, $0xb8;
	[tilespmem:$0xCF00] =	vst v63  }
0x2c: {  	s19 =	simm.s32 $0x100;
	s18 =	simm.s32 $0x2900  }
0x2d: {  	[tilespmem:s18], [sflag:$0x1] =	stream.indirect.gather [spmem:s2], $0x1, s19, s15, $0xb8;
	[tilespmem:$0xCF00] =	vst v63  }
0x2e: {  	s20 =	simm.s32 $0x180;
	s21 =	simm.s32 $0x2980  }
0x2f: {  	[tilespmem:s21], [sflag:$0x1] =	stream.indirect.gather [spmem:s2], $0x1, s20, s15, $0xb8;
	[tilespmem:$0xCF00] =	vst v63  }
0x30: {  	s22 =	simm.s32 $0x200;
	s23 =	simm.s32 $0x2A00  }
0x31: {  	[tilespmem:s23], [sflag:$0x1] =	stream.indirect.gather [spmem:s2], $0x1, s22, s15, $0xb8;
	[tilespmem:$0xCF00] =	vst v63  }
0x32: {  	s24 =	simm.s32 $0x280  }
0x33: {  	[tilespmem:s25], [sflag:$0x1] =	stream.indirect.gather [spmem:s2], $0x1, s24, s15, $0xb8;
	[tilespmem:$0xCF00] =	vst v63  }
0x34: {  	_ = 	snop  }
0x35: {  	[tilespmem:s28], [sflag:$0x1] =	stream.indirect.gather [spmem:s2], $0x1, s26, s15, $0xb8;
	[tilespmem:$0xCF00] =	vst v63  }
0x36: {  	_ = 	snop  }
0x37: {  	[tilespmem:s30], [sflag:$0x1] =	stream.indirect.gather [spmem:s2], $0x1, s29, s15, $0xb8;
	[tilespmem:$0xCF00] =	vst v63  }
0x38: {  	p0 =	por $0x0, $0x0;
	s16 =	simm.s32 $0x400;
	_ =	swait.ge [sflag:s31], $0x80  }
0x39: {  	s18 =	simm.s32 $0x2C00;
	s19 =	simm.s32 $0x2800;
	[sflag:s31] =	ssyncset.done $0x0  }
0x3a: {  	s20 =	simm.s32 $0x480;
	s21 =	simm.s32 $0x2C80;
	[sflag:s31] =	ssyncadd.s32 $0xFFFFFF80  }
0x3b: {  	[spmem:s3] =	stream.indirect.scatter.add.f32 [tilespmem:s19], [sflag:$0x2], $0x1, s17, s15, $0xb8;
	[tilespmem:$0xCF00] =	vst v63  }
0x3c: {  	s22 =	simm.s32 @!p0 $0x80;
	s17 =	simm.s32 $0x1;
	s19 =	simm.s32 $0x1480  }
.LBB2_2:
0x3d: {  	[tilespmem:s18], [sflag:$0x1] =	stream.indirect.gather @!p0 [spmem:s2], $0x1, s16, s22, $0xb8;
	[tilespmem:$0xCF00] =	vst v63  }
0x3e: {  	s22 =	smov.u32 s17  }
0x3f: {  	s23 =	smov.u32 s19;
	s16 =	smov.u32 s20;
	s17 =	sadd.s32 $0x1, s17  }
0x40: {  	s18 =	smov.u32 s21;
	p1 =	sne.s32 s17, $0x28  }
.Ltmp0:
0x41: {  	_ =	swait.ge [sflag:s31], $0x80;
	(pc) =	sbr.rel @p1 .LBB2_2-.Ltmp0, $4  }
0x42: {  	s19 =	sadd.s32 $0x80, s19;
	[sflag:s31] =	ssyncset.done $0x0  }
0x43: {  	s24 =	sadd.s32 $0xFFFFFC00, s21;
	p0 =	sgt.u32 s22, $0x1F;
	[sflag:s31] =	ssyncadd.s32 $0xFFFFFF80  }
0x44: {  	[spmem:s3] =	stream.indirect.scatter.add.f32 [tilespmem:s24], [sflag:$0x2], $0x1, s23, s15, $0xb8;
	[tilespmem:$0xCF00] =	vst v63  }
0x45: {  	s20 =	sadd.s32 $0x80, s20;
	s21 =	sadd.s32 $0x80, s21;
	s22 =	simm.s32 @!p0 $0x80  }
0x46: {  	[tilespmem:s18], [sflag:$0x1] =	stream.indirect.gather @!p0 [spmem:s2], $0x1, s16, s22, $0xb8;
	[tilespmem:$0xCF00] =	vst v63  }
0x47: {  	_ =	swait.ge [sflag:s1], $0x80  }
0x48: {  	s16 =	simm.s32 $0x27;
	[sflag:s1] =	ssyncset.done $0x0  }
.LBB2_4:
0x49: {  	p0 =	sne.s32 s16, $0x1;
	s16 =	sadd.s32 $0xFFFFFFFF, s16;
	[sflag:s1] =	ssyncadd.s32 $0xFFFFFF80  }
.Ltmp1:
0x4a: {  	(pc) =	sbr.rel @p0 .LBB2_4-.Ltmp1, $3  }
0x4b: {  	_ =	sdelay $0x1  }
0x4c: {  	_ =	swait.ge [sflag:s1], $0x80  }
0x4d: {  	[sflag:s1] =	ssyncset.done $0x0  }
0x4e: {  	[sflag:s1] =	ssyncadd.s32 $0xFFFFFF80  }
0x4f: {  	[bflag:$0x0] =	sbarrier.arrive $0xFFFF  }
0x50: {  	[tilespmem:s14], [sflag:$0x3] =	stream.linear.gather [spmem:s10], $0x3100, $0x38;
	[tilespmem:$0xCF00] =	vst v63  }
0x51: {  	s0 =	sadd.s32 $0x1, s0;
	_ =	swait.ge [sflag:s13], $0x3100  }
0x52: {  	p0 =	sne.s32 s0, s12;
	[sflag:s13] =	ssyncset.done $0x0  }
.Ltmp2:
0x53: {  	[sflag:s13] =	ssyncadd.s32 $0xFFFFCF00;
	(pc) =	sbr.rel @p0 .LBB2_1-.Ltmp2, $4  }
0x54: {  	[hbm4b:s11+s4] =	stream.linear.scatter [tilespmem:s14], [sflag:$0x3], $0x3100, $0x38;
	[tilespmem:$0xCF00] =	vst v63  }
0x55: {  	_ =	swait.ge [sflag:s13], $0x3100  }
0x56: {  	[sflag:s13] =	ssyncset.done $0x0  }
0x57: {  	[sflag:s13] =	ssyncadd.s32 $0xFFFFCF00  }
0x58: {  	_ =	sfence.sel $0x180000  }
0x59: {  	[bflag:$0x0] =	sbarrier.arrive $0xFFFF  }
0x5a: {  	_ =	strace $0x9000005C  }
0x5b: {  	s0 =	stileid.u32;
	[bflag:$0x2] =	sbarrier.arrive $0xFFFF  }
0x5c: {  	p0 =	sne.s32 s0, $0x0;
	s0 =	rddreg [dreg:$0x4]  }
0x5d: {  	s0 =	sadd.s32 @!p0 $0x100000, s0  }
0x5e: {  	[sflag:s0] =	ssyncadd.tile.s32 @!p0 $0x1;
	_ =	shalt  }
.Lfunc_end2:
_tile_overlayer_lowered:
.L_overlay_start_2:
0x5f: {  	(tag) =	ssettag $0x2  }
0x60: {  	s0 =	rddreg [dreg:$0x0];
	s2 =	stileid.u32  }
0x61: {  	s1 =	rddreg [dreg:$0x1];
	p0 =	sne.s32 s2, $0x0  }
0x62: {  	s3 =	rddreg [dreg:$0x2];
	[bflag:$0x3] =	sbarrier.arrive $0xFFFF;
	s2 =	simm.s32 @!p0 $0x1C03  }
0x63: {  	[timem:s3], [sflag:s2] =	dma.local @!p0 [hbm:s0], s1  }
0x64: {  	s0 =	simm.s32 @!p0 $0x3  }
0x65: {  	_ =	swait.ge @!p0 [sflag:s0], s1  }
0x66: {  	s1 =	ssub.s32 @!p0 $0x0, s1;
	[sflag:s0] =	ssyncset.done @!p0 $0x0  }
0x67: {  	[sflag:s0] =	ssyncadd.s32 @!p0 s1  }
0x68: {  	[bflag:$0x3] =	sbarrier.arrive $0xFFFF  }
0x69: {  	_ =	shalt  }

// kernel: kernel.49.cloned.1.call-start
scs
__scs_entry_jumppad:
0x0: {  	(pc) =	sbr.rel $0x88, $3  }
0x1: {  	(tag) =	ssettag $0x0;
	lr =	simm.s32 $0x1  }
0x2: {  	[smem:$0x3F81] =	sst lr;
	_ =	strace $0xD0000000  }
0x3: {  	_ = 	snop  }
0x4: {  	_ = 	snop  }
0x5: {  	_ = 	snop  }
0x6: {  	_ = 	snop  }
0x7: {  	_ = 	snop  }
__scs_overlays_trampoline_lowered:
0x8: {  	[smem:$0x3F90] =	sst s0  }
0x9: {  	[smem:$0x3F91] =	sst s1  }
0xa: {  	[smem:$0x3F92] =	sst s2  }
0xb: {  	[smem:$0x3F93] =	sst s3  }
0xc: {  	[smem:$0x3F94] =	sst s4  }
0xd: {  	[smem:$0x3F95] =	sst s5  }
0xe: {  	[smem:$0x3F96] =	sst s6  }
0xf: {  	[smem:$0x3F97] =	sst s7  }
0x10: {  	[smem:$0x3F98] =	sst s8  }
0x11: {  	[smem:$0x3F99] =	sst s9;
	s0 =	simm.s32 @!p0 $0x0  }
0x12: {  	s1 =	sld [smem:$0x3F7F];
	s0 =	simm.s32 @p0 $0x1  }
0x13: {  	[smem:$0x3F9A] =	sst s0;
	s0 =	simm.s32 @!p1 $0x0  }
0x14: {  	s2 =	sld [smem:$0x3F7E];
	s0 =	simm.s32 @p1 $0x1  }
0x15: {  	[smem:$0x3F9B] =	sst s0;
	s0 =	simm.s32 @!p2 $0x0  }
0x16: {  	s3 =	sld [smem:$0x3FDB];
	s0 =	simm.s32 @p2 $0x1  }
0x17: {  	s4 =	simm.s32 $0x1BF5;
	[smem:$0x3F9D] =	sst s0  }
0x18: {  	s0 =	sld [smem:$0x3F80];
	_ =	swait.ge [sflag:s4], $0x0  }
0x19: {  	s7 =	sld [smem:$0x3F81]  }
0x1a: {  	s8 =	sadd.s32 $0xFFFFE003, lr  }
0x1b: {  	s9 =	sadd.s32 $0xFFFFFEF7, lr;
	s5 =	simm.s32 $0xFFFFFFFF;
	p2 =	slt.u32 s8, $0xFFFFF086  }
0x1c: {  	p1 =	slt.u32 s9, $0xF7A;
	s5 =	simm.s32 @!p2 $0x0  }
0x1d: {  	s5 =	simm.s32 @p1 $0x1;
	p0 =	seq.s32 s7, s2  }
0x1e: {  	s7 =	smul.u32 @!p0 $0xF7A, s2;
	p2 =	seq.s32 @!p0 s5, $0x0  }
0x1f: {  	s9 =	smul.u32 $0xF7A, s1;
	s8 =	simm.s32 @!p0 $0x1BF5;
	p2 =	por !p2, p0  }
0x20: {  	[sflag:s8] =	ssyncset.s32 @!p0 $0xFFFFF086;
	s6 =	sadd.s32 @!p0 s3, s7;
	s7 =	simm.s32 @!p0 $0x108  }
0x21: {  	s3 =	sadd.s32 s3, s9;
	s6 =	sadd.s32 @!p0 $0x88, s6;
	s7 =	simm.s32 @p2 $0x1082  }
0x22: {  	[simem:s7], [sflag:s8] =	dma.local @!p0 [hbm:s6], $0xF7A  }
0x23: {  	s9 =	sor.u32 $0xD0000000, s2;
	s6 =	simm.s32 $0x108;
	_ =	swait.ge @!p0 [sflag:s8], $0x0  }
0x24: {  	s3 =	sadd.s32 $0x88, s3;
	s6 =	simm.s32 @!p1 $0x1082;
	[sflag:s4] =	ssyncset.s32 $0xFFFFF086  }
0x25: {  	[simem:s6], [sflag:s4] =	dma.local [hbm:s3], $0xF7A  }
0x26: {  	[smem:$0x3F81] =	sst s1;
	(tag) =	ssettag s2;
	_ =	strace s9  }
0x27: {  	s1 =	sld [smem:$0x3F91]  }
0x28: {  	s2 =	sld [smem:$0x3F92]  }
0x29: {  	s4 =	sld [smem:$0x3F94]  }
0x2a: {  	p0 =	seq.s32 s5, $0x0;
	s5 =	sld [smem:$0x3F95]  }
0x2b: {  	s6 =	sld [smem:$0x3F96]  }
0x2c: {  	s7 =	sld [smem:$0x3F97]  }
0x2d: {  	s3 =	simm.s32 $0x108;
	s8 =	sld [smem:$0x3F98]  }
0x2e: {  	s3 =	simm.s32 @!p0 $0x1082;
	s9 =	sld [smem:$0x3F99]  }
0x2f: {  	lr =	sadd.s32 s0, s3;
	s0 =	sld [smem:$0x3F90]  }
0x30: {  	s3 =	sld [smem:$0x3F93]  }
0x31: {  	[smem:$0x3F9C] =	sst s10  }
0x32: {  	s10 =	sld [smem:$0x3F9A];
	_ =	sdelay $0x3  }
0x33: {  	p0 =	seq.s32 s10, $0x1;
	s10 =	sld [smem:$0x3F9C];
	_ =	sdelay $0x3  }
0x34: {  	[smem:$0x3F9C] =	sst s10  }
0x35: {  	s10 =	sld [smem:$0x3F9B];
	_ =	sdelay $0x3  }
0x36: {  	p1 =	seq.s32 s10, $0x1;
	s10 =	sld [smem:$0x3F9C];
	_ =	sdelay $0x3  }
0x37: {  	[smem:$0x3F9C] =	sst s10  }
0x38: {  	s10 =	sld [smem:$0x3F9D]  }
0x39: {  	_ = 	snop;
	(pc) =	sbr.ind lr, $3  }
0x3a: {  	_ = 	snop  }
0x3b: {  	_ = 	snop  }
0x3c: {  	p2 =	seq.s32 s10, $0x1;
	s10 =	sld [smem:$0x3F9C]  }
0x3d: {  	_ =	shalt  }
0x3e: {  	_ =	shalt  }
0x3f: {  	_ =	shalt  }
0x40: {  	_ =	shalt  }
0x41: {  	_ =	shalt  }
0x42: {  	_ =	shalt  }
0x43: {  	_ =	shalt  }
0x44: {  	_ =	shalt  }
0x45: {  	_ =	shalt  }
0x46: {  	_ =	shalt  }
0x47: {  	_ =	shalt  }
0x48: {  	_ =	shalt  }
0x49: {  	_ =	shalt  }
0x4a: {  	_ =	shalt  }
0x4b: {  	_ =	shalt  }
0x4c: {  	_ =	shalt  }
0x4d: {  	_ =	shalt  }
0x4e: {  	_ =	shalt  }
0x4f: {  	_ =	shalt  }
0x50: {  	_ =	shalt  }
0x51: {  	_ =	shalt  }
0x52: {  	_ =	shalt  }
0x53: {  	_ =	shalt  }
0x54: {  	_ =	shalt  }
0x55: {  	_ =	shalt  }
0x56: {  	_ =	shalt  }
0x57: {  	_ =	shalt  }
0x58: {  	_ =	shalt  }
0x59: {  	_ =	shalt  }
0x5a: {  	_ =	shalt  }
0x5b: {  	_ =	shalt  }
0x5c: {  	_ =	shalt  }
0x5d: {  	_ =	shalt  }
0x5e: {  	_ =	shalt  }
0x5f: {  	_ =	shalt  }
0x60: {  	_ =	shalt  }
0x61: {  	_ =	shalt  }
0x62: {  	_ =	shalt  }
0x63: {  	_ =	shalt  }
0x64: {  	_ =	shalt  }
0x65: {  	_ =	shalt  }
0x66: {  	_ =	shalt  }
0x67: {  	_ =	shalt  }
0x68: {  	_ =	shalt  }
0x69: {  	_ =	shalt  }
0x6a: {  	_ =	shalt  }
0x6b: {  	_ =	shalt  }
0x6c: {  	_ =	shalt  }
0x6d: {  	_ =	shalt  }
0x6e: {  	_ =	shalt  }
0x6f: {  	_ =	shalt  }
0x70: {  	_ =	shalt  }
0x71: {  	_ =	shalt  }
0x72: {  	_ =	shalt  }
0x73: {  	_ =	shalt  }
0x74: {  	_ =	shalt  }
0x75: {  	_ =	shalt  }
0x76: {  	_ =	shalt  }
0x77: {  	_ =	shalt  }
0x78: {  	_ =	shalt  }
0x79: {  	_ =	shalt  }
0x7a: {  	_ =	shalt  }
0x7b: {  	_ =	shalt  }
0x7c: {  	_ =	shalt  }
0x7d: {  	_ =	shalt  }
0x7e: {  	_ =	shalt  }
0x7f: {  	_ =	shalt  }
0x80: {  	_ =	shalt  }
0x81: {  	_ =	shalt  }
0x82: {  	_ =	shalt  }
0x83: {  	_ =	shalt  }
0x84: {  	_ =	shalt  }
0x85: {  	_ =	shalt  }
0x86: {  	_ =	shalt  }
0x87: {  	_ =	shalt  }
.Lfunc_end0:
.L_simem_size_0:
called_computation.8_lowered:
.L_overlay_start_0:
0x88: {  	s2 =	sld [smem:$0x3FD9]  }
0x89: {  	s3 =	sld [smem:$0x3FFE];
	_ =	sdelay $0x1  }
0x8a: {  	s1 =	srdreg.scid  }
0x8b: {  	s0 =	sand.u32 $0x1, s1  }
0x8c: {  	s14 =	sshll.u32 s0, $0xA;
	s2 =	sadd.s32 s3, s2  }
0x8d: {  	s2 =	sadd.s32 s2, s14  }
0x8e: {  	[smem:$0x3FA8] =	sst s2  }
0x8f: {  	_ = 	snop  }
0x90: {  	s2 =	sld [smem:$0x3FD0];
	_ =	sdelay $0x2  }
0x91: {  	s15 =	simm.s32 $0xA;
	s4 =	simm.s32 $0x10  }
0x92: {  	[smem:s4], [sflag:s15] =	dma.local [hbm:s2], $0x1  }
0x93: {  	_ =	swait.eq [sflag:s15], $0x1  }
0x94: {  	[sflag:s15] =	ssyncset.done $0x0  }
0x95: {  	[sflag:s15] =	ssyncadd.s32 $0xFFFFFFFF  }
0x96: {  	s16 =	sld [smem:$0x10];
	(tm) =	ssettm $0x1  }
0x97: {  	s17 =	sld [smem:$0x3FFB];
	_ =	sdelay $0x3  }
0x98: {  	_ =	strace s17  }
0x99: {  	s3 =	sld [smem:$0x3FFC];
	_ =	sdelay $0x3  }
0x9a: {  	_ =	strace s3  }
0x9b: {  	s3 =	sld [smem:$0x3FFD];
	_ =	sdelay $0x3  }
0x9c: {  	_ =	strace s3  }
0x9d: {  	_ =	strace $0x8FFFFFFF  }
0x9e: {  	s18 =	sld [smem:$0x3FDB];
	_ =	sdelay $0x1  }
0x9f: {  	s19 =	simm.s32 $_scs_section_size  }
0xa0: {  	s5 =	simm.s32 $_size__tile_overlayer_lowered;
	s6 =	simm.s32 $_tile_overlayer_lowered  }
0xa1: {  	s22 =	simm.s32 $0x1BFF;
	s21 =	sshll.u32 s6, $0x1;
	s3 =	sadd.s32 s19, s18  }
0xa2: {  	s7 =	simm.s32 $0x0;
	s20 =	sshll.u32 s5, $0x1;
	s5 =	sadd.s32 s21, s3  }
0xa3: {  	[timem:s7], [sflag:s22] =	dma.local [hbm:s5], s20  }
0xa4: {  	_ =	swait.ge [sflag:s22], s20  }
0xa5: {  	s4 =	ssub.s32 $0x0, s20;
	[sflag:s22] =	ssyncset.done $0x0  }
0xa6: {  	[sflag:s22] =	ssyncadd.s32 s4;
	_ =	sdelay $0x1  }
0xa7: {  	s23 =	simm.s32 $0x1B8B  }
0xa8: {  	_ =	swait.ge [sflag:s23], $0x1  }
0xa9: {  	[sflag:s23] =	ssyncset.done $0x0  }
0xaa: {  	s25 =	simm.s32 $0x1B8E;
	s24 =	sld [smem:$0x3FFE];
	[sflag:s23] =	ssyncadd.s32 $0xFFFFFFFF  }
0xab: {  	s26 =	simm.s32 $execute0_lowered;
	[smem:$0x3FD2] =	sst s25  }
0xac: {  	s5 =	sshll.u32 s26, $0x1;
	_ =	strace $0x8000005E;
	[dreg:$0x1] =	wrdreg $0xFFFFFFFF  }
0xad: {  	s28 =	simm.s32 $_size_execute0_lowered;
	s3 =	sadd.s32 s3, s5;
	[dreg:$0x0] =	wrdreg $0x0  }
0xae: {  	s5 =	sshll.u32 s28, $0x1;
	[dreg:$0x2] =	wrdreg s3  }
0xaf: {  	[dreg:$0x3] =	wrdreg s5  }
0xb0: {  	[dreg:$0x4] =	wrdreg $0xC0  }
0xb1: {  	_ =	task [dreg:s7], $0x5FFFF  }
0xb2: {  	[dreg:$0x1] =	wrdreg $0xFFFFFFFF  }
0xb3: {  	[dreg:$0x0] =	wrdreg $0x60  }
0xb4: {  	[dreg:$0x2] =	wrdreg s16  }
0xb5: {  	[dreg:$0x3] =	wrdreg s24  }
0xb6: {  	[dreg:$0x4] =	wrdreg $0x6D000  }
0xb7: {  	[dreg:$0x5] =	wrdreg $0x9E000  }
0xb8: {  	[dreg:$0x6] =	wrdreg $0x9  }
0xb9: {  	_ =	task.clear_ibuf [dreg:s7], $0x7FFFF;
	_ =	strace $0x9000005E  }
0xba: {  	s29 =	simm.s32 $0x9;
	_ =	strace $0x80000060  }
0xbb: {  	_ =	swait.ge [sflag:s29], $0x1  }
0xbc: {  	[sflag:s29] =	ssyncadd.s32 $0xFFFFFFFF  }
0xbd: {  	_ =	strace $0x90000060  }
0xbe: {  	_ =	sfence  }
0xbf: {  	s30 =	sld [smem:$0x0];
	_ =	sdelay $0x2  }
0xc0: {  	s31 =	sshll.u32 s1, $0xD;
	s1 =	sshrl.u32 s1, $0x2  }
0xc1: {  	s3 =	sand.u32 $0x4000, s31;
	s1 =	sadd.s32 s1, s30  }
0xc2: {  	s0 =	sor.u32 s3, s0;
	s1 =	sshll.u32 s1, $0x11  }
0xc3: {  	s0 =	sor.u32 s1, s0  }
0xc4: {  	s0 =	sadd.s32 $0x8F2B, s0  }
0xc5: {  	[sflag:s0] =	ssyncadd.remote.s32 $0x1  }
0xc6: {  	_ =	sfence.sel $0xFFFF  }
0xc7: {  	[dreg:$0x0] =	wrdreg $0xFFFFFFFF;
	(pc) =	sbr.abs _section_cstart, $3  }
0xc8: {  	[dreg:$0x1] =	wrdreg $0xFFFFFFFF  }
0xc9: {  	_ =	task.clear_ibuf [dreg:s7], $0x2FFFF;
	_ =	strace $0x9FFFFFFF  }
0xca: {  	(tm) =	ssettm $0x7FFFFFFF  }
0xcb: {  	_ =	shalt  }
tec
execute0_lowered:
.L_overlay_start_1:
0x0: {  	(tag) =	ssettag $0x1  }
0x1: {  	s1 =	rddreg [dreg:$0x0]  }
0x2: {  	s0 =	srdreg.scid;
	s6 =	rddreg [dreg:$0x1]  }
0x3: {  	s7 =	stileid.u32;
	s2 =	rddreg [dreg:$0x2];
	s13 =	simm.s32 $0x3  }
0x4: {  	s14 =	simm.s32 $0x3C00;
	s15 =	simm.s32 $0x80;
	s28 =	simm.s32 $0x2B00  }
0x5: {  	s29 =	simm.s32 $0x380;
	s30 =	simm.s32 $0x2B80;
	s0 =	sand.u32 $0x1, s0  }
0x6: {  	s31 =	simm.s32 $0x1;
	s10 =	smul.u32 $0x3100, s7;
	s3 =	sshll.u32 s0, $0x4  }
0x7: {  	s25 =	smul.u32 $0x31000, s0;
	s0 =	ssub.s32 $0x2, s0;
	s4 =	sor.u32 s7, s3  }
0x8: {  	s3 =	rddreg [dreg:$0x3];
	s9 =	sshrl.u32 s0, $0x1;
	s26 =	sshrl.u32 s10, $0x3  }
0x9: {  	s5 =	smul.u32 $0x280, s4;
	s4 =	simm.s32 $0x0;
	s7 =	sadd.s32 s10, s25  }
0xa: {  	s0 =	ssub.s32 s0, s9;
	s9 =	sadd.s32 s10, s2;
	s10 =	sadd.s32 s10, s3  }
0xb: {  	s25 =	simm.s32 $0x2A80;
	[smem:$0x7FF] =	sst s4;
	s7 =	sshrl.u32 s7, $0x3  }
0xc: {  	s12 =	smax.u32 s0, $0x1;
	s0 =	simm.s32 $0x0;
	_ =	strace $0x8000005F  }
0xd: {  	s8 =	sadd.s32 s5, s6;
	s5 =	sadd.s32 $0x11000, s6;
	s11 =	sadd.s32 s7, s6  }
0xe: {  	s6 =	sadd.s32 $0x7000, s8;
	s7 =	sadd.s32 $0xC000, s8;
	s8 =	sadd.s32 s1, s26  }
0xf: {  	s11 =	sadd.s32 $0x11800, s11;
	s26 =	simm.s32 $0x300;
	s1 =	simm.s32 $0x2  }
.LBB2_1:
0x10: {  	[tilespmem:s4], [sflag:$0x3] =	stream.linear.gather [hbm4b:s6+s4], $0x1400, $0x38;
	[tilespmem:$0xCF00] =	vst v63  }
0x11: {  	_ =	swait.ge [sflag:s13], $0x1400  }
0x12: {  	[sflag:s13] =	ssyncset.done $0x0  }
0x13: {  	s17 =	simm.s32 $0x1400;
	[sflag:s13] =	ssyncadd.s32 $0xFFFFEC00  }
0x14: {  	[tilespmem:s17], [sflag:$0x3] =	stream.linear.gather [hbm4b:s7+s4], $0x1400, $0x38;
	[tilespmem:$0xCF00] =	vst v63  }
0x15: {  	_ =	swait.ge [sflag:s13], $0x1400  }
0x16: {  	[sflag:s13] =	ssyncset.done $0x0  }
0x17: {  	[sflag:s13] =	ssyncadd.s32 $0xFFFFEC00  }
0x18: {  	[tilespmem:s14], [sflag:$0x3] =	stream.linear.gather [hbm4b:s8+s4], $0x3100, $0x38;
	[tilespmem:$0xCF00] =	vst v63  }
0x19: {  	_ =	swait.ge [sflag:s13], $0x3100  }
0x1a: {  	[sflag:s13] =	ssyncset.done $0x0  }
0x1b: {  	[sflag:s13] =	ssyncadd.s32 $0xFFFFCF00  }
0x1c: {  	[spmem:s9] =	stream.linear.scatter [tilespmem:s14], [sflag:$0x3], $0x3100, $0x38;
	[tilespmem:$0xCF00] =	vst v63  }
0x1d: {  	_ =	swait.ge [sflag:s13], $0x3100  }
0x1e: {  	[sflag:s13] =	ssyncset.done $0x0  }
0x1f: {  	[sflag:s13] =	ssyncadd.s32 $0xFFFFCF00  }
0x20: {  	[tilespmem:s14], [sflag:$0x3] =	stream.linear.gather [hbm4b:s5+s4], $0x3100, $0x38;
	[tilespmem:$0xCF00] =	vst v63  }
0x21: {  	_ =	swait.ge [sflag:s13], $0x3100  }
0x22: {  	[sflag:s13] =	ssyncset.done $0x0  }
0x23: {  	[sflag:s13] =	ssyncadd.s32 $0xFFFFCF00  }
0x24: {  	[spmem:s10] =	stream.linear.scatter [tilespmem:s14], [sflag:$0x3], $0x3100, $0x38;
	[tilespmem:$0xCF00] =	vst v63  }
0x25: {  	_ =	swait.ge [sflag:s13], $0x3100  }
0x26: {  	[sflag:s13] =	ssyncset.done $0x0  }
0x27: {  	[sflag:s13] =	ssyncadd.s32 $0xFFFFCF00  }
0x28: {  	s16 =	simm.s32 $0x2800;
	[bflag:$0x0] =	sbarrier.arrive $0xFFFF  }
0x29: {  	[tilespmem:s16], [sflag:$0x1] =	stream.indirect.gather [spmem:s2], $0x1, s4, s15, $0xb8;
	[tilespmem:$0xCF00] =	vst v63  }
0x2a: {  	s18 =	simm.s32 $0x2880  }
0x2b: {  	[tilespmem:s18], [sflag:$0x1] =	stream.indirect.gather [spmem:s2], $0x1, s15, s15, $0xb8;
	[tilespmem:$0xCF00] =	vst v63  }
0x2c: {  	s19 =	simm.s32 $0x100;
	s18 =	simm.s32 $0x2900  }
0x2d: {  	[tilespmem:s18], [sflag:$0x1] =	stream.indirect.gather [spmem:s2], $0x1, s19, s15, $0xb8;
	[tilespmem:$0xCF00] =	vst v63  }
0x2e: {  	s20 =	simm.s32 $0x180;
	s21 =	simm.s32 $0x2980  }
0x2f: {  	[tilespmem:s21], [sflag:$0x1] =	stream.indirect.gather [spmem:s2], $0x1, s20, s15, $0xb8;
	[tilespmem:$0xCF00] =	vst v63  }
0x30: {  	s22 =	simm.s32 $0x200;
	s23 =	simm.s32 $0x2A00  }
0x31: {  	[tilespmem:s23], [sflag:$0x1] =	stream.indirect.gather [spmem:s2], $0x1, s22, s15, $0xb8;
	[tilespmem:$0xCF00] =	vst v63  }
0x32: {  	s24 =	simm.s32 $0x280  }
0x33: {  	[tilespmem:s25], [sflag:$0x1] =	stream.indirect.gather [spmem:s2], $0x1, s24, s15, $0xb8;
	[tilespmem:$0xCF00] =	vst v63  }
0x34: {  	_ = 	snop  }
0x35: {  	[tilespmem:s28], [sflag:$0x1] =	stream.indirect.gather [spmem:s2], $0x1, s26, s15, $0xb8;
	[tilespmem:$0xCF00] =	vst v63  }
0x36: {  	_ = 	snop  }
0x37: {  	[tilespmem:s30], [sflag:$0x1] =	stream.indirect.gather [spmem:s2], $0x1, s29, s15, $0xb8;
	[tilespmem:$0xCF00] =	vst v63  }
0x38: {  	p0 =	por $0x0, $0x0;
	s16 =	simm.s32 $0x400;
	_ =	swait.ge [sflag:s31], $0x80  }
0x39: {  	s18 =	simm.s32 $0x2C00;
	s19 =	simm.s32 $0x2800;
	[sflag:s31] =	ssyncset.done $0x0  }
0x3a: {  	s20 =	simm.s32 $0x480;
	s21 =	simm.s32 $0x2C80;
	[sflag:s31] =	ssyncadd.s32 $0xFFFFFF80  }
0x3b: {  	[spmem:s3] =	stream.indirect.scatter.add.f32 [tilespmem:s19], [sflag:$0x2], $0x1, s17, s15, $0xb8;
	[tilespmem:$0xCF00] =	vst v63  }
0x3c: {  	s22 =	simm.s32 @!p0 $0x80;
	s17 =	simm.s32 $0x1;
	s19 =	simm.s32 $0x1480  }
.LBB2_2:
0x3d: {  	[tilespmem:s18], [sflag:$0x1] =	stream.indirect.gather @!p0 [spmem:s2], $0x1, s16, s22, $0xb8;
	[tilespmem:$0xCF00] =	vst v63  }
0x3e: {  	s22 =	smov.u32 s17  }
0x3f: {  	s23 =	smov.u32 s19;
	s16 =	smov.u32 s20;
	s17 =	sadd.s32 $0x1, s17  }
0x40: {  	s18 =	smov.u32 s21;
	p1 =	sne.s32 s17, $0x28  }
.Ltmp0:
0x41: {  	_ =	swait.ge [sflag:s31], $0x80;
	(pc) =	sbr.rel @p1 .LBB2_2-.Ltmp0, $4  }
0x42: {  	s19 =	sadd.s32 $0x80, s19;
	[sflag:s31] =	ssyncset.done $0x0  }
0x43: {  	s24 =	sadd.s32 $0xFFFFFC00, s21;
	p0 =	sgt.u32 s22, $0x1F;
	[sflag:s31] =	ssyncadd.s32 $0xFFFFFF80  }
0x44: {  	[spmem:s3] =	stream.indirect.scatter.add.f32 [tilespmem:s24], [sflag:$0x2], $0x1, s23, s15, $0xb8;
	[tilespmem:$0xCF00] =	vst v63  }
0x45: {  	s20 =	sadd.s32 $0x80, s20;
	s21 =	sadd.s32 $0x80, s21;
	s22 =	simm.s32 @!p0 $0x80  }
0x46: {  	[tilespmem:s18], [sflag:$0x1] =	stream.indirect.gather @!p0 [spmem:s2], $0x1, s16, s22, $0xb8;
	[tilespmem:$0xCF00] =	vst v63  }
0x47: {  	_ =	swait.ge [sflag:s1], $0x80  }
0x48: {  	s16 =	simm.s32 $0x27;
	[sflag:s1] =	ssyncset.done $0x0  }
.LBB2_4:
0x49: {  	p0 =	sne.s32 s16, $0x1;
	s16 =	sadd.s32 $0xFFFFFFFF, s16;
	[sflag:s1] =	ssyncadd.s32 $0xFFFFFF80  }
.Ltmp1:
0x4a: {  	(pc) =	sbr.rel @p0 .LBB2_4-.Ltmp1, $3  }
0x4b: {  	_ =	sdelay $0x1  }
0x4c: {  	_ =	swait.ge [sflag:s1], $0x80  }
0x4d: {  	[sflag:s1] =	ssyncset.done $0x0  }
0x4e: {  	[sflag:s1] =	ssyncadd.s32 $0xFFFFFF80  }
0x4f: {  	[bflag:$0x0] =	sbarrier.arrive $0xFFFF  }
0x50: {  	[tilespmem:s14], [sflag:$0x3] =	stream.linear.gather [spmem:s10], $0x3100, $0x38;
	[tilespmem:$0xCF00] =	vst v63  }
0x51: {  	s0 =	sadd.s32 $0x1, s0;
	_ =	swait.ge [sflag:s13], $0x3100  }
0x52: {  	p0 =	sne.s32 s0, s12;
	[sflag:s13] =	ssyncset.done $0x0  }
.Ltmp2:
0x53: {  	[sflag:s13] =	ssyncadd.s32 $0xFFFFCF00;
	(pc) =	sbr.rel @p0 .LBB2_1-.Ltmp2, $4  }
0x54: {  	[hbm4b:s11+s4] =	stream.linear.scatter [tilespmem:s14], [sflag:$0x3], $0x3100, $0x38;
	[tilespmem:$0xCF00] =	vst v63  }
0x55: {  	_ =	swait.ge [sflag:s13], $0x3100  }
0x56: {  	[sflag:s13] =	ssyncset.done $0x0  }
0x57: {  	[sflag:s13] =	ssyncadd.s32 $0xFFFFCF00  }
0x58: {  	_ =	sfence.sel $0x180000  }
0x59: {  	[bflag:$0x0] =	sbarrier.arrive $0xFFFF  }
0x5a: {  	_ =	strace $0x9000005F  }
0x5b: {  	s0 =	stileid.u32;
	[bflag:$0x2] =	sbarrier.arrive $0xFFFF  }
0x5c: {  	p0 =	sne.s32 s0, $0x0;
	s0 =	rddreg [dreg:$0x4]  }
0x5d: {  	s0 =	sadd.s32 @!p0 $0x100000, s0  }
0x5e: {  	[sflag:s0] =	ssyncadd.tile.s32 @!p0 $0x1;
	_ =	shalt  }
.Lfunc_end2:
_tile_overlayer_lowered:
.L_overlay_start_2:
0x5f: {  	(tag) =	ssettag $0x2  }
0x60: {  	s0 =	rddreg [dreg:$0x0];
	s2 =	stileid.u32  }
0x61: {  	s1 =	rddreg [dreg:$0x1];
	p0 =	sne.s32 s2, $0x0  }
0x62: {  	s3 =	rddreg [dreg:$0x2];
	[bflag:$0x3] =	sbarrier.arrive $0xFFFF;
	s2 =	simm.s32 @!p0 $0x1C03  }
0x63: {  	[timem:s3], [sflag:s2] =	dma.local @!p0 [hbm:s0], s1  }
0x64: {  	s0 =	simm.s32 @!p0 $0x3  }
0x65: {  	_ =	swait.ge @!p0 [sflag:s0], s1  }
0x66: {  	s1 =	ssub.s32 @!p0 $0x0, s1;
	[sflag:s0] =	ssyncset.done @!p0 $0x0  }
0x67: {  	[sflag:s0] =	ssyncadd.s32 @!p0 s1  }
0x68: {  	[bflag:$0x3] =	sbarrier.arrive $0xFFFF  }
0x69: {  	_ =	shalt  }

// kernel: kernel.52.cloned.1.call-start
scs
__scs_entry_jumppad:
0x0: {  	(pc) =	sbr.rel $0x88, $3  }
0x1: {  	(tag) =	ssettag $0x0;
	lr =	simm.s32 $0x1  }
0x2: {  	[smem:$0x3F81] =	sst lr;
	_ =	strace $0xD0000000  }
0x3: {  	_ = 	snop  }
0x4: {  	_ = 	snop  }
0x5: {  	_ = 	snop  }
0x6: {  	_ = 	snop  }
0x7: {  	_ = 	snop  }
__scs_overlays_trampoline_lowered:
0x8: {  	[smem:$0x3F90] =	sst s0  }
0x9: {  	[smem:$0x3F91] =	sst s1  }
0xa: {  	[smem:$0x3F92] =	sst s2  }
0xb: {  	[smem:$0x3F93] =	sst s3  }
0xc: {  	[smem:$0x3F94] =	sst s4  }
0xd: {  	[smem:$0x3F95] =	sst s5  }
0xe: {  	[smem:$0x3F96] =	sst s6  }
0xf: {  	[smem:$0x3F97] =	sst s7  }
0x10: {  	[smem:$0x3F98] =	sst s8  }
0x11: {  	[smem:$0x3F99] =	sst s9;
	s0 =	simm.s32 @!p0 $0x0  }
0x12: {  	s1 =	sld [smem:$0x3F7F];
	s0 =	simm.s32 @p0 $0x1  }
0x13: {  	[smem:$0x3F9A] =	sst s0;
	s0 =	simm.s32 @!p1 $0x0  }
0x14: {  	s2 =	sld [smem:$0x3F7E];
	s0 =	simm.s32 @p1 $0x1  }
0x15: {  	[smem:$0x3F9B] =	sst s0;
	s0 =	simm.s32 @!p2 $0x0  }
0x16: {  	s3 =	sld [smem:$0x3FDB];
	s0 =	simm.s32 @p2 $0x1  }
0x17: {  	s4 =	simm.s32 $0x1BF5;
	[smem:$0x3F9D] =	sst s0  }
0x18: {  	s0 =	sld [smem:$0x3F80];
	_ =	swait.ge [sflag:s4], $0x0  }
0x19: {  	s7 =	sld [smem:$0x3F81]  }
0x1a: {  	s8 =	sadd.s32 $0xFFFFE003, lr  }
0x1b: {  	s9 =	sadd.s32 $0xFFFFFEF7, lr;
	s5 =	simm.s32 $0xFFFFFFFF;
	p2 =	slt.u32 s8, $0xFFFFF086  }
0x1c: {  	p1 =	slt.u32 s9, $0xF7A;
	s5 =	simm.s32 @!p2 $0x0  }
0x1d: {  	s5 =	simm.s32 @p1 $0x1;
	p0 =	seq.s32 s7, s2  }
0x1e: {  	s7 =	smul.u32 @!p0 $0xF7A, s2;
	p2 =	seq.s32 @!p0 s5, $0x0  }
0x1f: {  	s9 =	smul.u32 $0xF7A, s1;
	s8 =	simm.s32 @!p0 $0x1BF5;
	p2 =	por !p2, p0  }
0x20: {  	[sflag:s8] =	ssyncset.s32 @!p0 $0xFFFFF086;
	s6 =	sadd.s32 @!p0 s3, s7;
	s7 =	simm.s32 @!p0 $0x108  }
0x21: {  	s3 =	sadd.s32 s3, s9;
	s6 =	sadd.s32 @!p0 $0x88, s6;
	s7 =	simm.s32 @p2 $0x1082  }
0x22: {  	[simem:s7], [sflag:s8] =	dma.local @!p0 [hbm:s6], $0xF7A  }
0x23: {  	s9 =	sor.u32 $0xD0000000, s2;
	s6 =	simm.s32 $0x108;
	_ =	swait.ge @!p0 [sflag:s8], $0x0  }
0x24: {  	s3 =	sadd.s32 $0x88, s3;
	s6 =	simm.s32 @!p1 $0x1082;
	[sflag:s4] =	ssyncset.s32 $0xFFFFF086  }
0x25: {  	[simem:s6], [sflag:s4] =	dma.local [hbm:s3], $0xF7A  }
0x26: {  	[smem:$0x3F81] =	sst s1;
	(tag) =	ssettag s2;
	_ =	strace s9  }
0x27: {  	s1 =	sld [smem:$0x3F91]  }
0x28: {  	s2 =	sld [smem:$0x3F92]  }
0x29: {  	s4 =	sld [smem:$0x3F94]  }
0x2a: {  	p0 =	seq.s32 s5, $0x0;
	s5 =	sld [smem:$0x3F95]  }
0x2b: {  	s6 =	sld [smem:$0x3F96]  }
0x2c: {  	s7 =	sld [smem:$0x3F97]  }
0x2d: {  	s3 =	simm.s32 $0x108;
	s8 =	sld [smem:$0x3F98]  }
0x2e: {  	s3 =	simm.s32 @!p0 $0x1082;
	s9 =	sld [smem:$0x3F99]  }
0x2f: {  	lr =	sadd.s32 s0, s3;
	s0 =	sld [smem:$0x3F90]  }
0x30: {  	s3 =	sld [smem:$0x3F93]  }
0x31: {  	[smem:$0x3F9C] =	sst s10  }
0x32: {  	s10 =	sld [smem:$0x3F9A];
	_ =	sdelay $0x3  }
0x33: {  	p0 =	seq.s32 s10, $0x1;
	s10 =	sld [smem:$0x3F9C];
	_ =	sdelay $0x3  }
0x34: {  	[smem:$0x3F9C] =	sst s10  }
0x35: {  	s10 =	sld [smem:$0x3F9B];
	_ =	sdelay $0x3  }
0x36: {  	p1 =	seq.s32 s10, $0x1;
	s10 =	sld [smem:$0x3F9C];
	_ =	sdelay $0x3  }
0x37: {  	[smem:$0x3F9C] =	sst s10  }
0x38: {  	s10 =	sld [smem:$0x3F9D]  }
0x39: {  	_ = 	snop;
	(pc) =	sbr.ind lr, $3  }
0x3a: {  	_ = 	snop  }
0x3b: {  	_ = 	snop  }
0x3c: {  	p2 =	seq.s32 s10, $0x1;
	s10 =	sld [smem:$0x3F9C]  }
0x3d: {  	_ =	shalt  }
0x3e: {  	_ =	shalt  }
0x3f: {  	_ =	shalt  }
0x40: {  	_ =	shalt  }
0x41: {  	_ =	shalt  }
0x42: {  	_ =	shalt  }
0x43: {  	_ =	shalt  }
0x44: {  	_ =	shalt  }
0x45: {  	_ =	shalt  }
0x46: {  	_ =	shalt  }
0x47: {  	_ =	shalt  }
0x48: {  	_ =	shalt  }
0x49: {  	_ =	shalt  }
0x4a: {  	_ =	shalt  }
0x4b: {  	_ =	shalt  }
0x4c: {  	_ =	shalt  }
0x4d: {  	_ =	shalt  }
0x4e: {  	_ =	shalt  }
0x4f: {  	_ =	shalt  }
0x50: {  	_ =	shalt  }
0x51: {  	_ =	shalt  }
0x52: {  	_ =	shalt  }
0x53: {  	_ =	shalt  }
0x54: {  	_ =	shalt  }
0x55: {  	_ =	shalt  }
0x56: {  	_ =	shalt  }
0x57: {  	_ =	shalt  }
0x58: {  	_ =	shalt  }
0x59: {  	_ =	shalt  }
0x5a: {  	_ =	shalt  }
0x5b: {  	_ =	shalt  }
0x5c: {  	_ =	shalt  }
0x5d: {  	_ =	shalt  }
0x5e: {  	_ =	shalt  }
0x5f: {  	_ =	shalt  }
0x60: {  	_ =	shalt  }
0x61: {  	_ =	shalt  }
0x62: {  	_ =	shalt  }
0x63: {  	_ =	shalt  }
0x64: {  	_ =	shalt  }
0x65: {  	_ =	shalt  }
0x66: {  	_ =	shalt  }
0x67: {  	_ =	shalt  }
0x68: {  	_ =	shalt  }
0x69: {  	_ =	shalt  }
0x6a: {  	_ =	shalt  }
0x6b: {  	_ =	shalt  }
0x6c: {  	_ =	shalt  }
0x6d: {  	_ =	shalt  }
0x6e: {  	_ =	shalt  }
0x6f: {  	_ =	shalt  }
0x70: {  	_ =	shalt  }
0x71: {  	_ =	shalt  }
0x72: {  	_ =	shalt  }
0x73: {  	_ =	shalt  }
0x74: {  	_ =	shalt  }
0x75: {  	_ =	shalt  }
0x76: {  	_ =	shalt  }
0x77: {  	_ =	shalt  }
0x78: {  	_ =	shalt  }
0x79: {  	_ =	shalt  }
0x7a: {  	_ =	shalt  }
0x7b: {  	_ =	shalt  }
0x7c: {  	_ =	shalt  }
0x7d: {  	_ =	shalt  }
0x7e: {  	_ =	shalt  }
0x7f: {  	_ =	shalt  }
0x80: {  	_ =	shalt  }
0x81: {  	_ =	shalt  }
0x82: {  	_ =	shalt  }
0x83: {  	_ =	shalt  }
0x84: {  	_ =	shalt  }
0x85: {  	_ =	shalt  }
0x86: {  	_ =	shalt  }
0x87: {  	_ =	shalt  }
.Lfunc_end0:
.L_simem_size_0:
called_computation.9_lowered:
.L_overlay_start_0:
0x88: {  	s2 =	sld [smem:$0x3FD9]  }
0x89: {  	s3 =	sld [smem:$0x3FFE];
	_ =	sdelay $0x1  }
0x8a: {  	s1 =	srdreg.scid  }
0x8b: {  	s0 =	sand.u32 $0x1, s1  }
0x8c: {  	s14 =	sshll.u32 s0, $0xA;
	s2 =	sadd.s32 s3, s2  }
0x8d: {  	s2 =	sadd.s32 s2, s14  }
0x8e: {  	[smem:$0x3FA8] =	sst s2  }
0x8f: {  	_ = 	snop  }
0x90: {  	s2 =	sld [smem:$0x3FD0];
	_ =	sdelay $0x2  }
0x91: {  	s15 =	simm.s32 $0xA;
	s4 =	simm.s32 $0x10  }
0x92: {  	[smem:s4], [sflag:s15] =	dma.local [hbm:s2], $0x1  }
0x93: {  	_ =	swait.eq [sflag:s15], $0x1  }
0x94: {  	[sflag:s15] =	ssyncset.done $0x0  }
0x95: {  	[sflag:s15] =	ssyncadd.s32 $0xFFFFFFFF  }
0x96: {  	s16 =	sld [smem:$0x10];
	(tm) =	ssettm $0x1  }
0x97: {  	s17 =	sld [smem:$0x3FFB];
	_ =	sdelay $0x3  }
0x98: {  	_ =	strace s17  }
0x99: {  	s3 =	sld [smem:$0x3FFC];
	_ =	sdelay $0x3  }
0x9a: {  	_ =	strace s3  }
0x9b: {  	s3 =	sld [smem:$0x3FFD];
	_ =	sdelay $0x3  }
0x9c: {  	_ =	strace s3  }
0x9d: {  	_ =	strace $0x8FFFFFFF  }
0x9e: {  	s18 =	sld [smem:$0x3FDB];
	_ =	sdelay $0x1  }
0x9f: {  	s19 =	simm.s32 $_scs_section_size  }
0xa0: {  	s5 =	simm.s32 $_size__tile_overlayer_lowered;
	s6 =	simm.s32 $_tile_overlayer_lowered  }
0xa1: {  	s22 =	simm.s32 $0x1BFF;
	s21 =	sshll.u32 s6, $0x1;
	s3 =	sadd.s32 s19, s18  }
0xa2: {  	s7 =	simm.s32 $0x0;
	s20 =	sshll.u32 s5, $0x1;
	s5 =	sadd.s32 s21, s3  }
0xa3: {  	[timem:s7], [sflag:s22] =	dma.local [hbm:s5], s20  }
0xa4: {  	_ =	swait.ge [sflag:s22], s20  }
0xa5: {  	s4 =	ssub.s32 $0x0, s20;
	[sflag:s22] =	ssyncset.done $0x0  }
0xa6: {  	[sflag:s22] =	ssyncadd.s32 s4;
	_ =	sdelay $0x1  }
0xa7: {  	s23 =	simm.s32 $0x1B8B  }
0xa8: {  	_ =	swait.ge [sflag:s23], $0x1  }
0xa9: {  	[sflag:s23] =	ssyncset.done $0x0  }
0xaa: {  	s25 =	simm.s32 $0x1B8E;
	s24 =	sld [smem:$0x3FFE];
	[sflag:s23] =	ssyncadd.s32 $0xFFFFFFFF  }
0xab: {  	s26 =	simm.s32 $execute0_lowered;
	[smem:$0x3FD2] =	sst s25  }
0xac: {  	s5 =	sshll.u32 s26, $0x1;
	_ =	strace $0x80000061;
	[dreg:$0x1] =	wrdreg $0xFFFFFFFF  }
0xad: {  	s28 =	simm.s32 $_size_execute0_lowered;
	s3 =	sadd.s32 s3, s5;
	[dreg:$0x0] =	wrdreg $0x0  }
0xae: {  	s5 =	sshll.u32 s28, $0x1;
	[dreg:$0x2] =	wrdreg s3  }
0xaf: {  	[dreg:$0x3] =	wrdreg s5  }
0xb0: {  	[dreg:$0x4] =	wrdreg $0xC0  }
0xb1: {  	_ =	task [dreg:s7], $0x5FFFF  }
0xb2: {  	[dreg:$0x1] =	wrdreg $0xFFFFFFFF  }
0xb3: {  	[dreg:$0x0] =	wrdreg $0x60  }
0xb4: {  	[dreg:$0x2] =	wrdreg s16  }
0xb5: {  	[dreg:$0x3] =	wrdreg s24  }
0xb6: {  	[dreg:$0x4] =	wrdreg $0x6D000  }
0xb7: {  	[dreg:$0x5] =	wrdreg $0x9E000  }
0xb8: {  	[dreg:$0x6] =	wrdreg $0x9  }
0xb9: {  	_ =	task.clear_ibuf [dreg:s7], $0x7FFFF;
	_ =	strace $0x90000061  }
0xba: {  	s29 =	simm.s32 $0x9;
	_ =	strace $0x80000063  }
0xbb: {  	_ =	swait.ge [sflag:s29], $0x1  }
0xbc: {  	[sflag:s29] =	ssyncadd.s32 $0xFFFFFFFF  }
0xbd: {  	_ =	strace $0x90000063  }
0xbe: {  	_ =	sfence  }
0xbf: {  	s30 =	sld [smem:$0x0];
	_ =	sdelay $0x2  }
0xc0: {  	s31 =	sshll.u32 s1, $0xD;
	s1 =	sshrl.u32 s1, $0x2  }
0xc1: {  	s3 =	sand.u32 $0x4000, s31;
	s1 =	sadd.s32 s1, s30  }
0xc2: {  	s0 =	sor.u32 s3, s0;
	s1 =	sshll.u32 s1, $0x11  }
0xc3: {  	s0 =	sor.u32 s1, s0  }
0xc4: {  	s0 =	sadd.s32 $0x8F2B, s0  }
0xc5: {  	[sflag:s0] =	ssyncadd.remote.s32 $0x1  }
0xc6: {  	_ =	sfence.sel $0xFFFF  }
0xc7: {  	[dreg:$0x0] =	wrdreg $0xFFFFFFFF;
	(pc) =	sbr.abs _section_cstart, $3  }
0xc8: {  	[dreg:$0x1] =	wrdreg $0xFFFFFFFF  }
0xc9: {  	_ =	task.clear_ibuf [dreg:s7], $0x2FFFF;
	_ =	strace $0x9FFFFFFF  }
0xca: {  	(tm) =	ssettm $0x7FFFFFFF  }
0xcb: {  	_ =	shalt  }
tec
execute0_lowered:
.L_overlay_start_1:
0x0: {  	(tag) =	ssettag $0x1  }
0x1: {  	s1 =	rddreg [dreg:$0x0]  }
0x2: {  	s0 =	srdreg.scid;
	s6 =	rddreg [dreg:$0x1]  }
0x3: {  	s7 =	stileid.u32;
	s2 =	rddreg [dreg:$0x2];
	s13 =	simm.s32 $0x3  }
0x4: {  	s14 =	simm.s32 $0x3C00;
	s15 =	simm.s32 $0x80;
	s28 =	simm.s32 $0x2B00  }
0x5: {  	s29 =	simm.s32 $0x380;
	s30 =	simm.s32 $0x2B80;
	s0 =	sand.u32 $0x1, s0  }
0x6: {  	s31 =	simm.s32 $0x1;
	s10 =	smul.u32 $0x3100, s7;
	s3 =	sshll.u32 s0, $0x4  }
0x7: {  	s25 =	smul.u32 $0x31000, s0;
	s0 =	ssub.s32 $0x2, s0;
	s4 =	sor.u32 s7, s3  }
0x8: {  	s3 =	rddreg [dreg:$0x3];
	s9 =	sshrl.u32 s0, $0x1;
	s26 =	sshrl.u32 s10, $0x3  }
0x9: {  	s5 =	smul.u32 $0x280, s4;
	s4 =	simm.s32 $0x0;
	s7 =	sadd.s32 s10, s25  }
0xa: {  	s0 =	ssub.s32 s0, s9;
	s9 =	sadd.s32 s10, s2;
	s10 =	sadd.s32 s10, s3  }
0xb: {  	s25 =	simm.s32 $0x2A80;
	[smem:$0x7FF] =	sst s4;
	s7 =	sshrl.u32 s7, $0x3  }
0xc: {  	s12 =	smax.u32 s0, $0x1;
	s0 =	simm.s32 $0x0;
	_ =	strace $0x80000062  }
0xd: {  	s8 =	sadd.s32 s5, s6;
	s5 =	sadd.s32 $0x11000, s6;
	s11 =	sadd.s32 s7, s6  }
0xe: {  	s6 =	sadd.s32 $0x7000, s8;
	s7 =	sadd.s32 $0xC000, s8;
	s8 =	sadd.s32 s1, s26  }
0xf: {  	s11 =	sadd.s32 $0x11800, s11;
	s26 =	simm.s32 $0x300;
	s1 =	simm.s32 $0x2  }
.LBB2_1:
0x10: {  	[tilespmem:s4], [sflag:$0x3] =	stream.linear.gather [hbm4b:s6+s4], $0x1400, $0x38;
	[tilespmem:$0xCF00] =	vst v63  }
0x11: {  	_ =	swait.ge [sflag:s13], $0x1400  }
0x12: {  	[sflag:s13] =	ssyncset.done $0x0  }
0x13: {  	s17 =	simm.s32 $0x1400;
	[sflag:s13] =	ssyncadd.s32 $0xFFFFEC00  }
0x14: {  	[tilespmem:s17], [sflag:$0x3] =	stream.linear.gather [hbm4b:s7+s4], $0x1400, $0x38;
	[tilespmem:$0xCF00] =	vst v63  }
0x15: {  	_ =	swait.ge [sflag:s13], $0x1400  }
0x16: {  	[sflag:s13] =	ssyncset.done $0x0  }
0x17: {  	[sflag:s13] =	ssyncadd.s32 $0xFFFFEC00  }
0x18: {  	[tilespmem:s14], [sflag:$0x3] =	stream.linear.gather [hbm4b:s8+s4], $0x3100, $0x38;
	[tilespmem:$0xCF00] =	vst v63  }
0x19: {  	_ =	swait.ge [sflag:s13], $0x3100  }
0x1a: {  	[sflag:s13] =	ssyncset.done $0x0  }
0x1b: {  	[sflag:s13] =	ssyncadd.s32 $0xFFFFCF00  }
0x1c: {  	[spmem:s9] =	stream.linear.scatter [tilespmem:s14], [sflag:$0x3], $0x3100, $0x38;
	[tilespmem:$0xCF00] =	vst v63  }
0x1d: {  	_ =	swait.ge [sflag:s13], $0x3100  }
0x1e: {  	[sflag:s13] =	ssyncset.done $0x0  }
0x1f: {  	[sflag:s13] =	ssyncadd.s32 $0xFFFFCF00  }
0x20: {  	[tilespmem:s14], [sflag:$0x3] =	stream.linear.gather [hbm4b:s5+s4], $0x3100, $0x38;
	[tilespmem:$0xCF00] =	vst v63  }
0x21: {  	_ =	swait.ge [sflag:s13], $0x3100  }
0x22: {  	[sflag:s13] =	ssyncset.done $0x0  }
0x23: {  	[sflag:s13] =	ssyncadd.s32 $0xFFFFCF00  }
0x24: {  	[spmem:s10] =	stream.linear.scatter [tilespmem:s14], [sflag:$0x3], $0x3100, $0x38;
	[tilespmem:$0xCF00] =	vst v63  }
0x25: {  	_ =	swait.ge [sflag:s13], $0x3100  }
0x26: {  	[sflag:s13] =	ssyncset.done $0x0  }
0x27: {  	[sflag:s13] =	ssyncadd.s32 $0xFFFFCF00  }
0x28: {  	s16 =	simm.s32 $0x2800;
	[bflag:$0x0] =	sbarrier.arrive $0xFFFF  }
0x29: {  	[tilespmem:s16], [sflag:$0x1] =	stream.indirect.gather [spmem:s2], $0x1, s4, s15, $0xb8;
	[tilespmem:$0xCF00] =	vst v63  }
0x2a: {  	s18 =	simm.s32 $0x2880  }
0x2b: {  	[tilespmem:s18], [sflag:$0x1] =	stream.indirect.gather [spmem:s2], $0x1, s15, s15, $0xb8;
	[tilespmem:$0xCF00] =	vst v63  }
0x2c: {  	s19 =	simm.s32 $0x100;
	s18 =	simm.s32 $0x2900  }
0x2d: {  	[tilespmem:s18], [sflag:$0x1] =	stream.indirect.gather [spmem:s2], $0x1, s19, s15, $0xb8;
	[tilespmem:$0xCF00] =	vst v63  }
0x2e: {  	s20 =	simm.s32 $0x180;
	s21 =	simm.s32 $0x2980  }
0x2f: {  	[tilespmem:s21], [sflag:$0x1] =	stream.indirect.gather [spmem:s2], $0x1, s20, s15, $0xb8;
	[tilespmem:$0xCF00] =	vst v63  }
0x30: {  	s22 =	simm.s32 $0x200;
	s23 =	simm.s32 $0x2A00  }
0x31: {  	[tilespmem:s23], [sflag:$0x1] =	stream.indirect.gather [spmem:s2], $0x1, s22, s15, $0xb8;
	[tilespmem:$0xCF00] =	vst v63  }
0x32: {  	s24 =	simm.s32 $0x280  }
0x33: {  	[tilespmem:s25], [sflag:$0x1] =	stream.indirect.gather [spmem:s2], $0x1, s24, s15, $0xb8;
	[tilespmem:$0xCF00] =	vst v63  }
0x34: {  	_ = 	snop  }
0x35: {  	[tilespmem:s28], [sflag:$0x1] =	stream.indirect.gather [spmem:s2], $0x1, s26, s15, $0xb8;
	[tilespmem:$0xCF00] =	vst v63  }
0x36: {  	_ = 	snop  }
0x37: {  	[tilespmem:s30], [sflag:$0x1] =	stream.indirect.gather [spmem:s2], $0x1, s29, s15, $0xb8;
	[tilespmem:$0xCF00] =	vst v63  }
0x38: {  	p0 =	por $0x0, $0x0;
	s16 =	simm.s32 $0x400;
	_ =	swait.ge [sflag:s31], $0x80  }
0x39: {  	s18 =	simm.s32 $0x2C00;
	s19 =	simm.s32 $0x2800;
	[sflag:s31] =	ssyncset.done $0x0  }
0x3a: {  	s20 =	simm.s32 $0x480;
	s21 =	simm.s32 $0x2C80;
	[sflag:s31] =	ssyncadd.s32 $0xFFFFFF80  }
0x3b: {  	[spmem:s3] =	stream.indirect.scatter.add.f32 [tilespmem:s19], [sflag:$0x2], $0x1, s17, s15, $0xb8;
	[tilespmem:$0xCF00] =	vst v63  }
0x3c: {  	s22 =	simm.s32 @!p0 $0x80;
	s17 =	simm.s32 $0x1;
	s19 =	simm.s32 $0x1480  }
.LBB2_2:
0x3d: {  	[tilespmem:s18], [sflag:$0x1] =	stream.indirect.gather @!p0 [spmem:s2], $0x1, s16, s22, $0xb8;
	[tilespmem:$0xCF00] =	vst v63  }
0x3e: {  	s22 =	smov.u32 s17  }
0x3f: {  	s23 =	smov.u32 s19;
	s16 =	smov.u32 s20;
	s17 =	sadd.s32 $0x1, s17  }
0x40: {  	s18 =	smov.u32 s21;
	p1 =	sne.s32 s17, $0x28  }
.Ltmp0:
0x41: {  	_ =	swait.ge [sflag:s31], $0x80;
	(pc) =	sbr.rel @p1 .LBB2_2-.Ltmp0, $4  }
0x42: {  	s19 =	sadd.s32 $0x80, s19;
	[sflag:s31] =	ssyncset.done $0x0  }
0x43: {  	s24 =	sadd.s32 $0xFFFFFC00, s21;
	p0 =	sgt.u32 s22, $0x1F;
	[sflag:s31] =	ssyncadd.s32 $0xFFFFFF80  }
0x44: {  	[spmem:s3] =	stream.indirect.scatter.add.f32 [tilespmem:s24], [sflag:$0x2], $0x1, s23, s15, $0xb8;
	[tilespmem:$0xCF00] =	vst v63  }
0x45: {  	s20 =	sadd.s32 $0x80, s20;
	s21 =	sadd.s32 $0x80, s21;
	s22 =	simm.s32 @!p0 $0x80  }
0x46: {  	[tilespmem:s18], [sflag:$0x1] =	stream.indirect.gather @!p0 [spmem:s2], $0x1, s16, s22, $0xb8;
	[tilespmem:$0xCF00] =	vst v63  }
0x47: {  	_ =	swait.ge [sflag:s1], $0x80  }
0x48: {  	s16 =	simm.s32 $0x27;
	[sflag:s1] =	ssyncset.done $0x0  }
.LBB2_4:
0x49: {  	p0 =	sne.s32 s16, $0x1;
	s16 =	sadd.s32 $0xFFFFFFFF, s16;
	[sflag:s1] =	ssyncadd.s32 $0xFFFFFF80  }
.Ltmp1:
0x4a: {  	(pc) =	sbr.rel @p0 .LBB2_4-.Ltmp1, $3  }
0x4b: {  	_ =	sdelay $0x1  }
0x4c: {  	_ =	swait.ge [sflag:s1], $0x80  }
0x4d: {  	[sflag:s1] =	ssyncset.done $0x0  }
0x4e: {  	[sflag:s1] =	ssyncadd.s32 $0xFFFFFF80  }
0x4f: {  	[bflag:$0x0] =	sbarrier.arrive $0xFFFF  }
0x50: {  	[tilespmem:s14], [sflag:$0x3] =	stream.linear.gather [spmem:s10], $0x3100, $0x38;
	[tilespmem:$0xCF00] =	vst v63  }
0x51: {  	s0 =	sadd.s32 $0x1, s0;
	_ =	swait.ge [sflag:s13], $0x3100  }
0x52: {  	p0 =	sne.s32 s0, s12;
	[sflag:s13] =	ssyncset.done $0x0  }
.Ltmp2:
0x53: {  	[sflag:s13] =	ssyncadd.s32 $0xFFFFCF00;
	(pc) =	sbr.rel @p0 .LBB2_1-.Ltmp2, $4  }
0x54: {  	[hbm4b:s11+s4] =	stream.linear.scatter [tilespmem:s14], [sflag:$0x3], $0x3100, $0x38;
	[tilespmem:$0xCF00] =	vst v63  }
0x55: {  	_ =	swait.ge [sflag:s13], $0x3100  }
0x56: {  	[sflag:s13] =	ssyncset.done $0x0  }
0x57: {  	[sflag:s13] =	ssyncadd.s32 $0xFFFFCF00  }
0x58: {  	_ =	sfence.sel $0x180000  }
0x59: {  	[bflag:$0x0] =	sbarrier.arrive $0xFFFF  }
0x5a: {  	_ =	strace $0x90000062  }
0x5b: {  	s0 =	stileid.u32;
	[bflag:$0x2] =	sbarrier.arrive $0xFFFF  }
0x5c: {  	p0 =	sne.s32 s0, $0x0;
	s0 =	rddreg [dreg:$0x4]  }
0x5d: {  	s0 =	sadd.s32 @!p0 $0x100000, s0  }
0x5e: {  	[sflag:s0] =	ssyncadd.tile.s32 @!p0 $0x1;
	_ =	shalt  }
.Lfunc_end2:
_tile_overlayer_lowered:
.L_overlay_start_2:
0x5f: {  	(tag) =	ssettag $0x2  }
0x60: {  	s0 =	rddreg [dreg:$0x0];
	s2 =	stileid.u32  }
0x61: {  	s1 =	rddreg [dreg:$0x1];
	p0 =	sne.s32 s2, $0x0  }
0x62: {  	s3 =	rddreg [dreg:$0x2];
	[bflag:$0x3] =	sbarrier.arrive $0xFFFF;
	s2 =	simm.s32 @!p0 $0x1C03  }
0x63: {  	[timem:s3], [sflag:s2] =	dma.local @!p0 [hbm:s0], s1  }
0x64: {  	s0 =	simm.s32 @!p0 $0x3  }
0x65: {  	_ =	swait.ge @!p0 [sflag:s0], s1  }
0x66: {  	s1 =	ssub.s32 @!p0 $0x0, s1;
	[sflag:s0] =	ssyncset.done @!p0 $0x0  }
0x67: {  	[sflag:s0] =	ssyncadd.s32 @!p0 s1  }
0x68: {  	[bflag:$0x3] =	sbarrier.arrive $0xFFFF  }
0x69: {  	_ =	shalt  }

// kernel: kernel.55.cloned.1.call-start
scs
__scs_entry_jumppad:
0x0: {  	(pc) =	sbr.rel $0x88, $3  }
0x1: {  	(tag) =	ssettag $0x0;
	lr =	simm.s32 $0x1  }
0x2: {  	[smem:$0x3F81] =	sst lr;
	_ =	strace $0xD0000000  }
0x3: {  	_ = 	snop  }
0x4: {  	_ = 	snop  }
0x5: {  	_ = 	snop  }
0x6: {  	_ = 	snop  }
0x7: {  	_ = 	snop  }
__scs_overlays_trampoline_lowered:
0x8: {  	[smem:$0x3F90] =	sst s0  }
0x9: {  	[smem:$0x3F91] =	sst s1  }
0xa: {  	[smem:$0x3F92] =	sst s2  }
0xb: {  	[smem:$0x3F93] =	sst s3  }
0xc: {  	[smem:$0x3F94] =	sst s4  }
0xd: {  	[smem:$0x3F95] =	sst s5  }
0xe: {  	[smem:$0x3F96] =	sst s6  }
0xf: {  	[smem:$0x3F97] =	sst s7  }
0x10: {  	[smem:$0x3F98] =	sst s8  }
0x11: {  	[smem:$0x3F99] =	sst s9;
	s0 =	simm.s32 @!p0 $0x0  }
0x12: {  	s1 =	sld [smem:$0x3F7F];
	s0 =	simm.s32 @p0 $0x1  }
0x13: {  	[smem:$0x3F9A] =	sst s0;
	s0 =	simm.s32 @!p1 $0x0  }
0x14: {  	s2 =	sld [smem:$0x3F7E];
	s0 =	simm.s32 @p1 $0x1  }
0x15: {  	[smem:$0x3F9B] =	sst s0;
	s0 =	simm.s32 @!p2 $0x0  }
0x16: {  	s3 =	sld [smem:$0x3FDB];
	s0 =	simm.s32 @p2 $0x1  }
0x17: {  	s4 =	simm.s32 $0x1BF5;
	[smem:$0x3F9D] =	sst s0  }
0x18: {  	s0 =	sld [smem:$0x3F80];
	_ =	swait.ge [sflag:s4], $0x0  }
0x19: {  	s7 =	sld [smem:$0x3F81]  }
0x1a: {  	s8 =	sadd.s32 $0xFFFFE003, lr  }
0x1b: {  	s9 =	sadd.s32 $0xFFFFFEF7, lr;
	s5 =	simm.s32 $0xFFFFFFFF;
	p2 =	slt.u32 s8, $0xFFFFF086  }
0x1c: {  	p1 =	slt.u32 s9, $0xF7A;
	s5 =	simm.s32 @!p2 $0x0  }
0x1d: {  	s5 =	simm.s32 @p1 $0x1;
	p0 =	seq.s32 s7, s2  }
0x1e: {  	s7 =	smul.u32 @!p0 $0xF7A, s2;
	p2 =	seq.s32 @!p0 s5, $0x0  }
0x1f: {  	s9 =	smul.u32 $0xF7A, s1;
	s8 =	simm.s32 @!p0 $0x1BF5;
	p2 =	por !p2, p0  }
0x20: {  	[sflag:s8] =	ssyncset.s32 @!p0 $0xFFFFF086;
	s6 =	sadd.s32 @!p0 s3, s7;
	s7 =	simm.s32 @!p0 $0x108  }
0x21: {  	s3 =	sadd.s32 s3, s9;
	s6 =	sadd.s32 @!p0 $0x88, s6;
	s7 =	simm.s32 @p2 $0x1082  }
0x22: {  	[simem:s7], [sflag:s8] =	dma.local @!p0 [hbm:s6], $0xF7A  }
0x23: {  	s9 =	sor.u32 $0xD0000000, s2;
	s6 =	simm.s32 $0x108;
	_ =	swait.ge @!p0 [sflag:s8], $0x0  }
0x24: {  	s3 =	sadd.s32 $0x88, s3;
	s6 =	simm.s32 @!p1 $0x1082;
	[sflag:s4] =	ssyncset.s32 $0xFFFFF086  }
0x25: {  	[simem:s6], [sflag:s4] =	dma.local [hbm:s3], $0xF7A  }
0x26: {  	[smem:$0x3F81] =	sst s1;
	(tag) =	ssettag s2;
	_ =	strace s9  }
0x27: {  	s1 =	sld [smem:$0x3F91]  }
0x28: {  	s2 =	sld [smem:$0x3F92]  }
0x29: {  	s4 =	sld [smem:$0x3F94]  }
0x2a: {  	p0 =	seq.s32 s5, $0x0;
	s5 =	sld [smem:$0x3F95]  }
0x2b: {  	s6 =	sld [smem:$0x3F96]  }
0x2c: {  	s7 =	sld [smem:$0x3F97]  }
0x2d: {  	s3 =	simm.s32 $0x108;
	s8 =	sld [smem:$0x3F98]  }
0x2e: {  	s3 =	simm.s32 @!p0 $0x1082;
	s9 =	sld [smem:$0x3F99]  }
0x2f: {  	lr =	sadd.s32 s0, s3;
	s0 =	sld [smem:$0x3F90]  }
0x30: {  	s3 =	sld [smem:$0x3F93]  }
0x31: {  	[smem:$0x3F9C] =	sst s10  }
0x32: {  	s10 =	sld [smem:$0x3F9A];
	_ =	sdelay $0x3  }
0x33: {  	p0 =	seq.s32 s10, $0x1;
	s10 =	sld [smem:$0x3F9C];
	_ =	sdelay $0x3  }
0x34: {  	[smem:$0x3F9C] =	sst s10  }
0x35: {  	s10 =	sld [smem:$0x3F9B];
	_ =	sdelay $0x3  }
0x36: {  	p1 =	seq.s32 s10, $0x1;
	s10 =	sld [smem:$0x3F9C];
	_ =	sdelay $0x3  }
0x37: {  	[smem:$0x3F9C] =	sst s10  }
0x38: {  	s10 =	sld [smem:$0x3F9D]  }
0x39: {  	_ = 	snop;
	(pc) =	sbr.ind lr, $3  }
0x3a: {  	_ = 	snop  }
0x3b: {  	_ = 	snop  }
0x3c: {  	p2 =	seq.s32 s10, $0x1;
	s10 =	sld [smem:$0x3F9C]  }
0x3d: {  	_ =	shalt  }
0x3e: {  	_ =	shalt  }
0x3f: {  	_ =	shalt  }
0x40: {  	_ =	shalt  }
0x41: {  	_ =	shalt  }
0x42: {  	_ =	shalt  }
0x43: {  	_ =	shalt  }
0x44: {  	_ =	shalt  }
0x45: {  	_ =	shalt  }
0x46: {  	_ =	shalt  }
0x47: {  	_ =	shalt  }
0x48: {  	_ =	shalt  }
0x49: {  	_ =	shalt  }
0x4a: {  	_ =	shalt  }
0x4b: {  	_ =	shalt  }
0x4c: {  	_ =	shalt  }
0x4d: {  	_ =	shalt  }
0x4e: {  	_ =	shalt  }
0x4f: {  	_ =	shalt  }
0x50: {  	_ =	shalt  }
0x51: {  	_ =	shalt  }
0x52: {  	_ =	shalt  }
0x53: {  	_ =	shalt  }
0x54: {  	_ =	shalt  }
0x55: {  	_ =	shalt  }
0x56: {  	_ =	shalt  }
0x57: {  	_ =	shalt  }
0x58: {  	_ =	shalt  }
0x59: {  	_ =	shalt  }
0x5a: {  	_ =	shalt  }
0x5b: {  	_ =	shalt  }
0x5c: {  	_ =	shalt  }
0x5d: {  	_ =	shalt  }
0x5e: {  	_ =	shalt  }
0x5f: {  	_ =	shalt  }
0x60: {  	_ =	shalt  }
0x61: {  	_ =	shalt  }
0x62: {  	_ =	shalt  }
0x63: {  	_ =	shalt  }
0x64: {  	_ =	shalt  }
0x65: {  	_ =	shalt  }
0x66: {  	_ =	shalt  }
0x67: {  	_ =	shalt  }
0x68: {  	_ =	shalt  }
0x69: {  	_ =	shalt  }
0x6a: {  	_ =	shalt  }
0x6b: {  	_ =	shalt  }
0x6c: {  	_ =	shalt  }
0x6d: {  	_ =	shalt  }
0x6e: {  	_ =	shalt  }
0x6f: {  	_ =	shalt  }
0x70: {  	_ =	shalt  }
0x71: {  	_ =	shalt  }
0x72: {  	_ =	shalt  }
0x73: {  	_ =	shalt  }
0x74: {  	_ =	shalt  }
0x75: {  	_ =	shalt  }
0x76: {  	_ =	shalt  }
0x77: {  	_ =	shalt  }
0x78: {  	_ =	shalt  }
0x79: {  	_ =	shalt  }
0x7a: {  	_ =	shalt  }
0x7b: {  	_ =	shalt  }
0x7c: {  	_ =	shalt  }
0x7d: {  	_ =	shalt  }
0x7e: {  	_ =	shalt  }
0x7f: {  	_ =	shalt  }
0x80: {  	_ =	shalt  }
0x81: {  	_ =	shalt  }
0x82: {  	_ =	shalt  }
0x83: {  	_ =	shalt  }
0x84: {  	_ =	shalt  }
0x85: {  	_ =	shalt  }
0x86: {  	_ =	shalt  }
0x87: {  	_ =	shalt  }
.Lfunc_end0:
.L_simem_size_0:
called_computation.10_lowered:
.L_overlay_start_0:
0x88: {  	s2 =	sld [smem:$0x3FD9]  }
0x89: {  	s3 =	sld [smem:$0x3FFE];
	_ =	sdelay $0x1  }
0x8a: {  	s1 =	srdreg.scid  }
0x8b: {  	s0 =	sand.u32 $0x1, s1  }
0x8c: {  	s14 =	sshll.u32 s0, $0xA;
	s2 =	sadd.s32 s3, s2  }
0x8d: {  	s2 =	sadd.s32 s2, s14  }
0x8e: {  	[smem:$0x3FA8] =	sst s2  }
0x8f: {  	_ = 	snop  }
0x90: {  	s2 =	sld [smem:$0x3FD0];
	_ =	sdelay $0x2  }
0x91: {  	s15 =	simm.s32 $0xA;
	s4 =	simm.s32 $0x10  }
0x92: {  	[smem:s4], [sflag:s15] =	dma.local [hbm:s2], $0x1  }
0x93: {  	_ =	swait.eq [sflag:s15], $0x1  }
0x94: {  	[sflag:s15] =	ssyncset.done $0x0  }
0x95: {  	[sflag:s15] =	ssyncadd.s32 $0xFFFFFFFF  }
0x96: {  	s16 =	sld [smem:$0x10];
	(tm) =	ssettm $0x1  }
0x97: {  	s17 =	sld [smem:$0x3FFB];
	_ =	sdelay $0x3  }
0x98: {  	_ =	strace s17  }
0x99: {  	s3 =	sld [smem:$0x3FFC];
	_ =	sdelay $0x3  }
0x9a: {  	_ =	strace s3  }
0x9b: {  	s3 =	sld [smem:$0x3FFD];
	_ =	sdelay $0x3  }
0x9c: {  	_ =	strace s3  }
0x9d: {  	_ =	strace $0x8FFFFFFF  }
0x9e: {  	s18 =	sld [smem:$0x3FDB];
	_ =	sdelay $0x1  }
0x9f: {  	s19 =	simm.s32 $_scs_section_size  }
0xa0: {  	s5 =	simm.s32 $_size__tile_overlayer_lowered;
	s6 =	simm.s32 $_tile_overlayer_lowered  }
0xa1: {  	s22 =	simm.s32 $0x1BFF;
	s21 =	sshll.u32 s6, $0x1;
	s3 =	sadd.s32 s19, s18  }
0xa2: {  	s7 =	simm.s32 $0x0;
	s20 =	sshll.u32 s5, $0x1;
	s5 =	sadd.s32 s21, s3  }
0xa3: {  	[timem:s7], [sflag:s22] =	dma.local [hbm:s5], s20  }
0xa4: {  	_ =	swait.ge [sflag:s22], s20  }
0xa5: {  	s4 =	ssub.s32 $0x0, s20;
	[sflag:s22] =	ssyncset.done $0x0  }
0xa6: {  	[sflag:s22] =	ssyncadd.s32 s4;
	_ =	sdelay $0x1  }
0xa7: {  	s23 =	simm.s32 $0x1B8B  }
0xa8: {  	_ =	swait.ge [sflag:s23], $0x1  }
0xa9: {  	[sflag:s23] =	ssyncset.done $0x0  }
0xaa: {  	s25 =	simm.s32 $0x1B8E;
	s24 =	sld [smem:$0x3FFE];
	[sflag:s23] =	ssyncadd.s32 $0xFFFFFFFF  }
0xab: {  	s26 =	simm.s32 $execute0_lowered;
	[smem:$0x3FD2] =	sst s25  }
0xac: {  	s5 =	sshll.u32 s26, $0x1;
	_ =	strace $0x80000064;
	[dreg:$0x1] =	wrdreg $0xFFFFFFFF  }
0xad: {  	s28 =	simm.s32 $_size_execute0_lowered;
	s3 =	sadd.s32 s3, s5;
	[dreg:$0x0] =	wrdreg $0x0  }
0xae: {  	s5 =	sshll.u32 s28, $0x1;
	[dreg:$0x2] =	wrdreg s3  }
0xaf: {  	[dreg:$0x3] =	wrdreg s5  }
0xb0: {  	[dreg:$0x4] =	wrdreg $0xC0  }
0xb1: {  	_ =	task [dreg:s7], $0x5FFFF  }
0xb2: {  	[dreg:$0x1] =	wrdreg $0xFFFFFFFF  }
0xb3: {  	[dreg:$0x0] =	wrdreg $0x60  }
0xb4: {  	[dreg:$0x2] =	wrdreg s16  }
0xb5: {  	[dreg:$0x3] =	wrdreg s24  }
0xb6: {  	[dreg:$0x4] =	wrdreg $0x6D000  }
0xb7: {  	[dreg:$0x5] =	wrdreg $0x9E000  }
0xb8: {  	[dreg:$0x6] =	wrdreg $0x9  }
0xb9: {  	_ =	task.clear_ibuf [dreg:s7], $0x7FFFF;
	_ =	strace $0x90000064  }
0xba: {  	s29 =	simm.s32 $0x9;
	_ =	strace $0x80000066  }
0xbb: {  	_ =	swait.ge [sflag:s29], $0x1  }
0xbc: {  	[sflag:s29] =	ssyncadd.s32 $0xFFFFFFFF  }
0xbd: {  	_ =	strace $0x90000066  }
0xbe: {  	_ =	sfence  }
0xbf: {  	s30 =	sld [smem:$0x0];
	_ =	sdelay $0x2  }
0xc0: {  	s31 =	sshll.u32 s1, $0xD;
	s1 =	sshrl.u32 s1, $0x2  }
0xc1: {  	s3 =	sand.u32 $0x4000, s31;
	s1 =	sadd.s32 s1, s30  }
0xc2: {  	s0 =	sor.u32 s3, s0;
	s1 =	sshll.u32 s1, $0x11  }
0xc3: {  	s0 =	sor.u32 s1, s0  }
0xc4: {  	s0 =	sadd.s32 $0x8F2B, s0  }
0xc5: {  	[sflag:s0] =	ssyncadd.remote.s32 $0x1  }
0xc6: {  	_ =	sfence.sel $0xFFFF  }
0xc7: {  	[dreg:$0x0] =	wrdreg $0xFFFFFFFF;
	(pc) =	sbr.abs _section_cstart, $3  }
0xc8: {  	[dreg:$0x1] =	wrdreg $0xFFFFFFFF  }
0xc9: {  	_ =	task.clear_ibuf [dreg:s7], $0x2FFFF;
	_ =	strace $0x9FFFFFFF  }
0xca: {  	(tm) =	ssettm $0x7FFFFFFF  }
0xcb: {  	_ =	shalt  }
tec
execute0_lowered:
.L_overlay_start_1:
0x0: {  	(tag) =	ssettag $0x1  }
0x1: {  	s1 =	rddreg [dreg:$0x0]  }
0x2: {  	s0 =	srdreg.scid;
	s6 =	rddreg [dreg:$0x1]  }
0x3: {  	s7 =	stileid.u32;
	s2 =	rddreg [dreg:$0x2];
	s13 =	simm.s32 $0x3  }
0x4: {  	s14 =	simm.s32 $0x3C00;
	s15 =	simm.s32 $0x80;
	s28 =	simm.s32 $0x2B00  }
0x5: {  	s29 =	simm.s32 $0x380;
	s30 =	simm.s32 $0x2B80;
	s0 =	sand.u32 $0x1, s0  }
0x6: {  	s31 =	simm.s32 $0x1;
	s10 =	smul.u32 $0x3100, s7;
	s3 =	sshll.u32 s0, $0x4  }
0x7: {  	s25 =	smul.u32 $0x31000, s0;
	s0 =	ssub.s32 $0x2, s0;
	s4 =	sor.u32 s7, s3  }
0x8: {  	s3 =	rddreg [dreg:$0x3];
	s9 =	sshrl.u32 s0, $0x1;
	s26 =	sshrl.u32 s10, $0x3  }
0x9: {  	s5 =	smul.u32 $0x280, s4;
	s4 =	simm.s32 $0x0;
	s7 =	sadd.s32 s10, s25  }
0xa: {  	s0 =	ssub.s32 s0, s9;
	s9 =	sadd.s32 s10, s2;
	s10 =	sadd.s32 s10, s3  }
0xb: {  	s25 =	simm.s32 $0x2A80;
	[smem:$0x7FF] =	sst s4;
	s7 =	sshrl.u32 s7, $0x3  }
0xc: {  	s12 =	smax.u32 s0, $0x1;
	s0 =	simm.s32 $0x0;
	_ =	strace $0x80000065  }
0xd: {  	s8 =	sadd.s32 s5, s6;
	s5 =	sadd.s32 $0x11000, s6;
	s11 =	sadd.s32 s7, s6  }
0xe: {  	s6 =	sadd.s32 $0x7000, s8;
	s7 =	sadd.s32 $0xC000, s8;
	s8 =	sadd.s32 s1, s26  }
0xf: {  	s11 =	sadd.s32 $0x11800, s11;
	s26 =	simm.s32 $0x300;
	s1 =	simm.s32 $0x2  }
.LBB2_1:
0x10: {  	[tilespmem:s4], [sflag:$0x3] =	stream.linear.gather [hbm4b:s6+s4], $0x1400, $0x38;
	[tilespmem:$0xCF00] =	vst v63  }
0x11: {  	_ =	swait.ge [sflag:s13], $0x1400  }
0x12: {  	[sflag:s13] =	ssyncset.done $0x0  }
0x13: {  	s17 =	simm.s32 $0x1400;
	[sflag:s13] =	ssyncadd.s32 $0xFFFFEC00  }
0x14: {  	[tilespmem:s17], [sflag:$0x3] =	stream.linear.gather [hbm4b:s7+s4], $0x1400, $0x38;
	[tilespmem:$0xCF00] =	vst v63  }
0x15: {  	_ =	swait.ge [sflag:s13], $0x1400  }
0x16: {  	[sflag:s13] =	ssyncset.done $0x0  }
0x17: {  	[sflag:s13] =	ssyncadd.s32 $0xFFFFEC00  }
0x18: {  	[tilespmem:s14], [sflag:$0x3] =	stream.linear.gather [hbm4b:s8+s4], $0x3100, $0x38;
	[tilespmem:$0xCF00] =	vst v63  }
0x19: {  	_ =	swait.ge [sflag:s13], $0x3100  }
0x1a: {  	[sflag:s13] =	ssyncset.done $0x0  }
0x1b: {  	[sflag:s13] =	ssyncadd.s32 $0xFFFFCF00  }
0x1c: {  	[spmem:s9] =	stream.linear.scatter [tilespmem:s14], [sflag:$0x3], $0x3100, $0x38;
	[tilespmem:$0xCF00] =	vst v63  }
0x1d: {  	_ =	swait.ge [sflag:s13], $0x3100  }
0x1e: {  	[sflag:s13] =	ssyncset.done $0x0  }
0x1f: {  	[sflag:s13] =	ssyncadd.s32 $0xFFFFCF00  }
0x20: {  	[tilespmem:s14], [sflag:$0x3] =	stream.linear.gather [hbm4b:s5+s4], $0x3100, $0x38;
	[tilespmem:$0xCF00] =	vst v63  }
0x21: {  	_ =	swait.ge [sflag:s13], $0x3100  }
0x22: {  	[sflag:s13] =	ssyncset.done $0x0  }
0x23: {  	[sflag:s13] =	ssyncadd.s32 $0xFFFFCF00  }
0x24: {  	[spmem:s10] =	stream.linear.scatter [tilespmem:s14], [sflag:$0x3], $0x3100, $0x38;
	[tilespmem:$0xCF00] =	vst v63  }
0x25: {  	_ =	swait.ge [sflag:s13], $0x3100  }
0x26: {  	[sflag:s13] =	ssyncset.done $0x0  }
0x27: {  	[sflag:s13] =	ssyncadd.s32 $0xFFFFCF00  }
0x28: {  	s16 =	simm.s32 $0x2800;
	[bflag:$0x0] =	sbarrier.arrive $0xFFFF  }
0x29: {  	[tilespmem:s16], [sflag:$0x1] =	stream.indirect.gather [spmem:s2], $0x1, s4, s15, $0xb8;
	[tilespmem:$0xCF00] =	vst v63  }
0x2a: {  	s18 =	simm.s32 $0x2880  }
0x2b: {  	[tilespmem:s18], [sflag:$0x1] =	stream.indirect.gather [spmem:s2], $0x1, s15, s15, $0xb8;
	[tilespmem:$0xCF00] =	vst v63  }
0x2c: {  	s19 =	simm.s32 $0x100;
	s18 =	simm.s32 $0x2900  }
0x2d: {  	[tilespmem:s18], [sflag:$0x1] =	stream.indirect.gather [spmem:s2], $0x1, s19, s15, $0xb8;
	[tilespmem:$0xCF00] =	vst v63  }
0x2e: {  	s20 =	simm.s32 $0x180;
	s21 =	simm.s32 $0x2980  }
0x2f: {  	[tilespmem:s21], [sflag:$0x1] =	stream.indirect.gather [spmem:s2], $0x1, s20, s15, $0xb8;
	[tilespmem:$0xCF00] =	vst v63  }
0x30: {  	s22 =	simm.s32 $0x200;
	s23 =	simm.s32 $0x2A00  }
0x31: {  	[tilespmem:s23], [sflag:$0x1] =	stream.indirect.gather [spmem:s2], $0x1, s22, s15, $0xb8;
	[tilespmem:$0xCF00] =	vst v63  }
0x32: {  	s24 =	simm.s32 $0x280  }
0x33: {  	[tilespmem:s25], [sflag:$0x1] =	stream.indirect.gather [spmem:s2], $0x1, s24, s15, $0xb8;
	[tilespmem:$0xCF00] =	vst v63  }
0x34: {  	_ = 	snop  }
0x35: {  	[tilespmem:s28], [sflag:$0x1] =	stream.indirect.gather [spmem:s2], $0x1, s26, s15, $0xb8;
	[tilespmem:$0xCF00] =	vst v63  }
0x36: {  	_ = 	snop  }
0x37: {  	[tilespmem:s30], [sflag:$0x1] =	stream.indirect.gather [spmem:s2], $0x1, s29, s15, $0xb8;
	[tilespmem:$0xCF00] =	vst v63  }
0x38: {  	p0 =	por $0x0, $0x0;
	s16 =	simm.s32 $0x400;
	_ =	swait.ge [sflag:s31], $0x80  }
0x39: {  	s18 =	simm.s32 $0x2C00;
	s19 =	simm.s32 $0x2800;
	[sflag:s31] =	ssyncset.done $0x0  }
0x3a: {  	s20 =	simm.s32 $0x480;
	s21 =	simm.s32 $0x2C80;
	[sflag:s31] =	ssyncadd.s32 $0xFFFFFF80  }
0x3b: {  	[spmem:s3] =	stream.indirect.scatter.add.f32 [tilespmem:s19], [sflag:$0x2], $0x1, s17, s15, $0xb8;
	[tilespmem:$0xCF00] =	vst v63  }
0x3c: {  	s22 =	simm.s32 @!p0 $0x80;
	s17 =	simm.s32 $0x1;
	s19 =	simm.s32 $0x1480  }
.LBB2_2:
0x3d: {  	[tilespmem:s18], [sflag:$0x1] =	stream.indirect.gather @!p0 [spmem:s2], $0x1, s16, s22, $0xb8;
	[tilespmem:$0xCF00] =	vst v63  }
0x3e: {  	s22 =	smov.u32 s17  }
0x3f: {  	s23 =	smov.u32 s19;
	s16 =	smov.u32 s20;
	s17 =	sadd.s32 $0x1, s17  }
0x40: {  	s18 =	smov.u32 s21;
	p1 =	sne.s32 s17, $0x28  }
.Ltmp0:
0x41: {  	_ =	swait.ge [sflag:s31], $0x80;
	(pc) =	sbr.rel @p1 .LBB2_2-.Ltmp0, $4  }
0x42: {  	s19 =	sadd.s32 $0x80, s19;
	[sflag:s31] =	ssyncset.done $0x0  }
0x43: {  	s24 =	sadd.s32 $0xFFFFFC00, s21;
	p0 =	sgt.u32 s22, $0x1F;
	[sflag:s31] =	ssyncadd.s32 $0xFFFFFF80  }
0x44: {  	[spmem:s3] =	stream.indirect.scatter.add.f32 [tilespmem:s24], [sflag:$0x2], $0x1, s23, s15, $0xb8;
	[tilespmem:$0xCF00] =	vst v63  }
0x45: {  	s20 =	sadd.s32 $0x80, s20;
	s21 =	sadd.s32 $0x80, s21;
	s22 =	simm.s32 @!p0 $0x80  }
0x46: {  	[tilespmem:s18], [sflag:$0x1] =	stream.indirect.gather @!p0 [spmem:s2], $0x1, s16, s22, $0xb8;
	[tilespmem:$0xCF00] =	vst v63  }
0x47: {  	_ =	swait.ge [sflag:s1], $0x80  }
0x48: {  	s16 =	simm.s32 $0x27;
	[sflag:s1] =	ssyncset.done $0x0  }
.LBB2_4:
0x49: {  	p0 =	sne.s32 s16, $0x1;
	s16 =	sadd.s32 $0xFFFFFFFF, s16;
	[sflag:s1] =	ssyncadd.s32 $0xFFFFFF80  }
.Ltmp1:
0x4a: {  	(pc) =	sbr.rel @p0 .LBB2_4-.Ltmp1, $3  }
0x4b: {  	_ =	sdelay $0x1  }
0x4c: {  	_ =	swait.ge [sflag:s1], $0x80  }
0x4d: {  	[sflag:s1] =	ssyncset.done $0x0  }
0x4e: {  	[sflag:s1] =	ssyncadd.s32 $0xFFFFFF80  }
0x4f: {  	[bflag:$0x0] =	sbarrier.arrive $0xFFFF  }
0x50: {  	[tilespmem:s14], [sflag:$0x3] =	stream.linear.gather [spmem:s10], $0x3100, $0x38;
	[tilespmem:$0xCF00] =	vst v63  }
0x51: {  	s0 =	sadd.s32 $0x1, s0;
	_ =	swait.ge [sflag:s13], $0x3100  }
0x52: {  	p0 =	sne.s32 s0, s12;
	[sflag:s13] =	ssyncset.done $0x0  }
.Ltmp2:
0x53: {  	[sflag:s13] =	ssyncadd.s32 $0xFFFFCF00;
	(pc) =	sbr.rel @p0 .LBB2_1-.Ltmp2, $4  }
0x54: {  	[hbm4b:s11+s4] =	stream.linear.scatter [tilespmem:s14], [sflag:$0x3], $0x3100, $0x38;
	[tilespmem:$0xCF00] =	vst v63  }
0x55: {  	_ =	swait.ge [sflag:s13], $0x3100  }
0x56: {  	[sflag:s13] =	ssyncset.done $0x0  }
0x57: {  	[sflag:s13] =	ssyncadd.s32 $0xFFFFCF00  }
0x58: {  	_ =	sfence.sel $0x180000  }
0x59: {  	[bflag:$0x0] =	sbarrier.arrive $0xFFFF  }
0x5a: {  	_ =	strace $0x90000065  }
0x5b: {  	s0 =	stileid.u32;
	[bflag:$0x2] =	sbarrier.arrive $0xFFFF  }
0x5c: {  	p0 =	sne.s32 s0, $0x0;
	s0 =	rddreg [dreg:$0x4]  }
0x5d: {  	s0 =	sadd.s32 @!p0 $0x100000, s0  }
0x5e: {  	[sflag:s0] =	ssyncadd.tile.s32 @!p0 $0x1;
	_ =	shalt  }
.Lfunc_end2:
_tile_overlayer_lowered:
.L_overlay_start_2:
0x5f: {  	(tag) =	ssettag $0x2  }
0x60: {  	s0 =	rddreg [dreg:$0x0];
	s2 =	stileid.u32  }
0x61: {  	s1 =	rddreg [dreg:$0x1];
	p0 =	sne.s32 s2, $0x0  }
0x62: {  	s3 =	rddreg [dreg:$0x2];
	[bflag:$0x3] =	sbarrier.arrive $0xFFFF;
	s2 =	simm.s32 @!p0 $0x1C03  }
0x63: {  	[timem:s3], [sflag:s2] =	dma.local @!p0 [hbm:s0], s1  }
0x64: {  	s0 =	simm.s32 @!p0 $0x3  }
0x65: {  	_ =	swait.ge @!p0 [sflag:s0], s1  }
0x66: {  	s1 =	ssub.s32 @!p0 $0x0, s1;
	[sflag:s0] =	ssyncset.done @!p0 $0x0  }
0x67: {  	[sflag:s0] =	ssyncadd.s32 @!p0 s1  }
0x68: {  	[bflag:$0x3] =	sbarrier.arrive $0xFFFF  }
0x69: {  	_ =	shalt  }

</sc_bundles>
